<compile_context>
chip_gen: v7x
topology: tpu7x:2x2x1
jax: 0.10.2.dev20260603
libtpu: 0.0.44.dev20260713+nightly
codegen_flags: <defaults>
</compile_context>

<pallas_src>
import functools

import jax
import jax.numpy as jnp
from jax import lax
from jax.experimental import pallas as pl
from jax.experimental.pallas import tpu as pltpu
from jax.experimental.pallas import tpu_sc as plsc

_B, _S, _D = 4, 8192, 768
_N = _B * _S

_NW = 32
_TPW = _N // _NW
_CHUNK = 64
_NCH = _TPW // _CHUNK
_CSZ = _CHUNK * _D


def _sc_body(x_hbm, w_hbm, gb_hbm, hard_hbm, cnt_hbm,
             xb0, xb1, wrv, gbv, hv, cv, sem0, sem1):
    cid = lax.axis_index("c")
    sid = lax.axis_index("s")
    wid = sid * 2 + cid
    base = wid * _TPW

    pltpu.sync_copy(w_hbm, wrv)
    pltpu.sync_copy(gb_hbm.at[pl.ds(base, _TPW)], gbv)

    def chunk_slice(c):
        return x_hbm.at[pl.ds((base + c * _CHUNK) * _D, _CSZ)]

    def compute(xb, c, cnt):
        nb = _CHUNK // 16
        lane = lax.iota(jnp.int32, 16)
        rots = [(lane + k) & 15 for k in range(16)]
        idxs0 = [(tb * 16 + lax.iota(jnp.int32, 16)) * _D for tb in range(nb)]
        zero = jnp.zeros((16,), jnp.float32)

        def jbody(jj, accs):
            ae = list(accs[:nb])
            ao = list(accs[nb:])
            wb = jj * 16
            ibs = [idxs0[bi] + wb for bi in range(nb)]
            for k in range(0, 16, 2):
                we = plsc.load_gather(wrv, [wb + rots[k]])
                wo = plsc.load_gather(wrv, [wb + rots[k + 1]])
                for bi in range(nb):
                    xe = plsc.load_gather(xb, [ibs[bi] + rots[k]])
                    xo = plsc.load_gather(xb, [ibs[bi] + rots[k + 1]])
                    ue = plsc.bitcast(xe, jnp.int32)
                    uo = plsc.bitcast(xo, jnp.int32)
                    re_ = plsc.bitcast((ue + 0x8000) & -65536, jnp.float32)
                    ro_ = plsc.bitcast((uo + 0x8000) & -65536, jnp.float32)
                    ae[bi] = ae[bi] + re_ * we
                    ao[bi] = ao[bi] + ro_ * wo
            return tuple(ae) + tuple(ao)

        accs = lax.fori_loop(0, _D // 16, jbody, (zero,) * (2 * nb))
        for bi in range(nb):
            pos = c * _CHUNK + bi * 16
            xg = accs[bi] + accs[nb + bi] + gbv[pl.ds(pos, 16)]
            hard = jnp.where(xg >= 0.0, 1.0, 0.0).astype(jnp.float32)
            hv[pl.ds(pos, 16)] = hard
            cnt = cnt + hard
        return cnt

    pltpu.async_copy(chunk_slice(0), xb0, sem0)

    def sbody(s, cnt):
        c0 = s * 2
        pltpu.async_copy(chunk_slice(c0 + 1), xb1, sem1)
        pltpu.make_async_copy(chunk_slice(c0), xb0, sem0).wait()
        cnt = compute(xb0, c0, cnt)

        @pl.when(s < _NCH // 2 - 1)
        def _next():
            pltpu.async_copy(chunk_slice(c0 + 2), xb0, sem0)

        pltpu.make_async_copy(chunk_slice(c0 + 1), xb1, sem1).wait()
        cnt = compute(xb1, c0 + 1, cnt)
        return cnt

    cnt = lax.fori_loop(0, _NCH // 2, sbody, jnp.zeros((16,), jnp.float32))

    cv[...] = cnt
    pltpu.sync_copy(hv, hard_hbm.at[pl.ds(base, _TPW)])
    pltpu.sync_copy(cv, cnt_hbm.at[wid])


_sc_call = pl.kernel(
    _sc_body,
    out_type=[
        jax.ShapeDtypeStruct((_N,), jnp.float32),
        jax.ShapeDtypeStruct((_NW, 16), jnp.float32),
    ],
    mesh=plsc.VectorSubcoreMesh(
        core_axis_name="c", subcore_axis_name="s",
        num_cores=2, num_subcores=16,
    ),
    compiler_params=pltpu.CompilerParams(needs_layout_passes=False),
    scratch_types=[
        pltpu.VMEM((_CSZ,), jnp.float32),
        pltpu.VMEM((_CSZ,), jnp.float32),
        pltpu.VMEM((_D,), jnp.float32),
        pltpu.VMEM((_TPW,), jnp.float32),
        pltpu.VMEM((_TPW,), jnp.float32),
        pltpu.VMEM((16,), jnp.float32),
        pltpu.SemaphoreType.DMA,
        pltpu.SemaphoreType.DMA,
    ],
)


def _noise_plus_bias(b):
    eps = 1e-08
    nk1, nk2 = jax.random.split(jax.random.key(1))
    u1 = jax.random.uniform(nk1, (_N,), dtype=jnp.float32)
    u2 = jax.random.uniform(nk2, (_N,), dtype=jnp.float32)
    g1 = -jnp.log(-jnp.log(u1 + eps) + eps)
    g2 = -jnp.log(-jnp.log(u2 + eps) + eps)
    return g1 - g2 + b[0]


@jax.jit
def kernel(x, W, b):
    x1 = x.reshape(_N * _D)
    wi = jax.lax.bitcast_convert_type(W.reshape(_D), jnp.int32)
    wi = (wi + 0x7FFF + ((wi >> 16) & 1)) & -65536
    wr = jax.lax.bitcast_convert_type(wi, jnp.float32)
    gb = _noise_plus_bias(b)
    hard, cnt = _sc_call(x1, wr, gb)
    maskloss = (jnp.sum(cnt) / _N).astype(jnp.float32)
    return hard.reshape(_B, _S, 1), maskloss

# --- scband reference (transcript-rebuilt; emitter-appended) ---
"""Pipeline reference for scband-adaptive-mask-43258910605744 (READ-ONLY COPY).

The authoritative reference and input builder live on the scoring server;
editing this copy changes nothing except your own understanding.
"""

import jax, jax.numpy as jnp
import numpy as np

B, S, D = 4, 8192, 768


def setup_inputs(seed: int = 0) -> dict:
    key = jax.random.key(seed)
    k1, k2 = jax.random.split(key, 2)
    x = jax.random.normal(k1, (B, S, D), dtype=jnp.float32)
    # nn.Linear(dim, 1): weight [1, D], bias [1]; store W as [D, 1] for x @ W
    W = jax.random.normal(k2, (D, 1), dtype=jnp.float32) * (1.0 / np.sqrt(D))
    b = jnp.zeros((1,), dtype=jnp.float32)
    return {"x": x, "W": W, "b": b}


def reference(x, W, b):
    # Module in training mode (default for freshly constructed nn.Module):
    # returns (hard_mask, maskloss) with Gumbel straight-through estimator.
    eps = 1e-08
    gumbel_temp = 2.0 / 3.0
    soft_lin = x @ W + b  # [B, S, 1]
    # gumbel_noise=True: rand_like noise (deterministic key here)
    nk1, nk2 = jax.random.split(jax.random.key(1))
    U1 = jax.random.uniform(nk1, soft_lin.shape, dtype=jnp.float32)
    U2 = jax.random.uniform(nk2, soft_lin.shape, dtype=jnp.float32)
    g1 = -jnp.log(-jnp.log(U1 + eps) + eps)
    g2 = -jnp.log(-jnp.log(U2 + eps) + eps)
    xg = soft_lin + g1 - g2
    soft = jax.nn.sigmoid(xg / gumbel_temp)
    # hard = ((soft >= 0.5).float() - soft).detach() + soft
    hard = jax.lax.stop_gradient((soft >= 0.5).astype(jnp.float32) - soft) + soft
    maskloss = (hard.sum() / hard.size).astype(jnp.float32)
    return (hard, maskloss)

if __name__ == "__main__":
    import jax
    _d = setup_inputs()
    print(jax.jit(kernel)(*tuple(_d.values())))

</pallas_src>

<mosaic_0001>
#map = affine_map<(d0, d1) -> (0)>
#map1 = affine_map<(d0, d1) -> (0, 0)>
module attributes {stable_mosaic.version = 14 : i64} {
  func.func @_sc_body(%arg0: i32, %arg1: i32, %arg2: memref<25165824xf32, #tpu.memory_space<hbm>>, %arg3: memref<768xf32, #tpu.memory_space<hbm>>, %arg4: memref<32768xf32, #tpu.memory_space<hbm>>, %arg5: memref<32768xf32, #tpu.memory_space<hbm>>, %arg6: memref<32x16xf32, #tpu.memory_space<hbm>>, %arg7: memref<49152xf32, #tpu.memory_space<vmem>>, %arg8: memref<49152xf32, #tpu.memory_space<vmem>>, %arg9: memref<768xf32, #tpu.memory_space<vmem>>, %arg10: memref<1024xf32, #tpu.memory_space<vmem>>, %arg11: memref<1024xf32, #tpu.memory_space<vmem>>, %arg12: memref<16xf32, #tpu.memory_space<vmem>>, %arg13: memref<!tpu.dma_semaphore, #tpu.memory_space<semaphore_mem>>, %arg14: memref<!tpu.dma_semaphore, #tpu.memory_space<semaphore_mem>>) attributes {dimension_semantics = [#tpu.dimension_semantics<core_parallel>, #tpu.dimension_semantics<subcore_parallel>], iteration_bounds = array<i64: 2, 16>, scalar_prefetch = 0 : i64, scratch_operands = 8 : i64, tpu.core_type = #tpu.core_type<sc_vector_subcore>, window_params = [{transform_indices = #map}, {transform_indices = #map}, {transform_indices = #map}, {transform_indices = #map}, {transform_indices = #map1}]} {
    %mul3A = arith.constant 2 : i32
    %mul3A_0 = arith.muli %arg1, %mul3A : i32
    %add3A = arith.addi %mul3A_0, %arg0 : i32
    %mul3A_1 = arith.constant 1024 : i32
    %mul3A_2 = arith.muli %add3A, %mul3A_1 : i32
    "tpu.region"() ({
      %run_scoped3A = tpu.sem_alloc : memref<!tpu.dma_semaphore, #tpu.memory_space<semaphore_mem>>
      tpu.enqueue_dma source(%arg3 : memref<768xf32, #tpu.memory_space<hbm>>) target(%arg9 : memref<768xf32, #tpu.memory_space<vmem>>) target_semaphore(%run_scoped3A : memref<!tpu.dma_semaphore, #tpu.memory_space<semaphore_mem>>)
      tpu.wait_dma2 semaphore(%run_scoped3A : memref<!tpu.dma_semaphore, #tpu.memory_space<semaphore_mem>>) src(%arg3 : memref<768xf32, #tpu.memory_space<hbm>>) dst(%arg9 : memref<768xf32, #tpu.memory_space<vmem>>)
      tpu.yield
    }) : () -> ()
    "tpu.region"() ({
      %run_scoped3A = tpu.sem_alloc : memref<!tpu.dma_semaphore, #tpu.memory_space<semaphore_mem>>
      %dma_start3A_15 = tpu.memref_slice %arg4[%mul3A_2] : memref<32768xf32, #tpu.memory_space<hbm>> -> memref<1024xf32, #tpu.memory_space<hbm>>
      %dma_start3A_16 = tpu.memref_slice %arg4[%mul3A_2] : memref<32768xf32, #tpu.memory_space<hbm>> -> memref<1024xf32, #tpu.memory_space<hbm>>
      tpu.enqueue_dma source(%dma_start3A_16 : memref<1024xf32, #tpu.memory_space<hbm>>) target(%arg10 : memref<1024xf32, #tpu.memory_space<vmem>>) target_semaphore(%run_scoped3A : memref<!tpu.dma_semaphore, #tpu.memory_space<semaphore_mem>>)
      %dma_wait3A = tpu.memref_slice %arg4[%mul3A_2] : memref<32768xf32, #tpu.memory_space<hbm>> -> memref<1024xf32, #tpu.memory_space<hbm>>
      %dma_wait3A_17 = tpu.memref_slice %arg4[%mul3A_2] : memref<32768xf32, #tpu.memory_space<hbm>> -> memref<1024xf32, #tpu.memory_space<hbm>>
      tpu.wait_dma2 semaphore(%run_scoped3A : memref<!tpu.dma_semaphore, #tpu.memory_space<semaphore_mem>>) src(%dma_wait3A_17 : memref<1024xf32, #tpu.memory_space<hbm>>) dst(%arg10 : memref<1024xf32, #tpu.memory_space<vmem>>)
      tpu.yield
    }) : () -> ()
    %add3A_3 = arith.constant 0 : i32
    %add3A_4 = arith.addi %mul3A_2, %add3A_3 : i32
    %mul3A_5 = arith.constant 768 : i32
    %mul3A_6 = arith.muli %add3A_4, %mul3A_5 : i32
    %dma_start3A = tpu.memref_slice %arg2[%mul3A_6] : memref<25165824xf32, #tpu.memory_space<hbm>> -> memref<49152xf32, #tpu.memory_space<hbm>>
    %dma_start3A_7 = tpu.memref_slice %arg2[%mul3A_6] : memref<25165824xf32, #tpu.memory_space<hbm>> -> memref<49152xf32, #tpu.memory_space<hbm>>
    tpu.enqueue_dma source(%dma_start3A_7 : memref<49152xf32, #tpu.memory_space<hbm>>) target(%arg7 : memref<49152xf32, #tpu.memory_space<vmem>>) target_semaphore(%arg13 : memref<!tpu.dma_semaphore, #tpu.memory_space<semaphore_mem>>)
    %broadcast_in_dim3A = arith.constant 0.000000e+00 : f32
    %broadcast_in_dim3A_8 = vector.broadcast %broadcast_in_dim3A : f32 to vector<16xf32>
    %scan3A = arith.constant 0 : i32
    %scan3A_9 = arith.constant 8 : i32
    %scan3A_10 = arith.addi %scan3A, %scan3A_9 : i32
    %scan3A_11 = arith.constant 1 : i32
    %scan3A_12 = scf.for %scan3A_15 = %scan3A to %scan3A_10 step %scan3A_11 iter_args(%scan3A_16 = %broadcast_in_dim3A_8) -> (vector<16xf32>)  : i32 {
      %mul3A_17 = arith.constant 2 : i32
      %mul3A_18 = arith.muli %scan3A_15, %mul3A_17 : i32
      %add3A_19 = arith.constant 1 : i32
      %add3A_20 = arith.addi %mul3A_18, %add3A_19 : i32
      %mul3A_21 = arith.constant 64 : i32
      %mul3A_22 = arith.muli %add3A_20, %mul3A_21 : i32
      %add3A_23 = arith.addi %mul3A_2, %mul3A_22 : i32
      %mul3A_24 = arith.constant 768 : i32
      %mul3A_25 = arith.muli %add3A_23, %mul3A_24 : i32
      %dma_start3A_26 = tpu.memref_slice %arg2[%mul3A_25] : memref<25165824xf32, #tpu.memory_space<hbm>> -> memref<49152xf32, #tpu.memory_space<hbm>>
      %dma_start3A_27 = tpu.memref_slice %arg2[%mul3A_25] : memref<25165824xf32, #tpu.memory_space<hbm>> -> memref<49152xf32, #tpu.memory_space<hbm>>
      tpu.enqueue_dma source(%dma_start3A_27 : memref<49152xf32, #tpu.memory_space<hbm>>) target(%arg8 : memref<49152xf32, #tpu.memory_space<vmem>>) target_semaphore(%arg14 : memref<!tpu.dma_semaphore, #tpu.memory_space<semaphore_mem>>)
      %mul3A_28 = arith.constant 64 : i32
      %mul3A_29 = arith.muli %mul3A_18, %mul3A_28 : i32
      %add3A_30 = arith.addi %mul3A_2, %mul3A_29 : i32
      %mul3A_31 = arith.constant 768 : i32
      %mul3A_32 = arith.muli %add3A_30, %mul3A_31 : i32
      %dma_wait3A = tpu.memref_slice %arg2[%mul3A_32] : memref<25165824xf32, #tpu.memory_space<hbm>> -> memref<49152xf32, #tpu.memory_space<hbm>>
      %dma_wait3A_33 = tpu.memref_slice %arg2[%mul3A_32] : memref<25165824xf32, #tpu.memory_space<hbm>> -> memref<49152xf32, #tpu.memory_space<hbm>>
      tpu.wait_dma2 semaphore(%arg13 : memref<!tpu.dma_semaphore, #tpu.memory_space<semaphore_mem>>) src(%dma_wait3A_33 : memref<49152xf32, #tpu.memory_space<hbm>>) dst(%arg7 : memref<49152xf32, #tpu.memory_space<vmem>>)
      %iota3A = tpu.iota {dimensions = array<i32: 0>} : vector<16xi32>
      %add3A_34 = arith.constant 0 : i32
      %add3A_35 = vector.broadcast %add3A_34 : i32 to vector<16xi32>
      %add3A_36 = arith.addi %iota3A, %add3A_35 : vector<16xi32>
      %and3A = arith.constant 15 : i32
      %and3A_37 = vector.broadcast %and3A : i32 to vector<16xi32>
      %and3A_38 = arith.andi %add3A_36, %and3A_37 : vector<16xi32>
      %add3A_39 = arith.constant 1 : i32
      %add3A_40 = vector.broadcast %add3A_39 : i32 to vector<16xi32>
      %add3A_41 = arith.addi %iota3A, %add3A_40 : vector<16xi32>
      %and3A_42 = arith.constant 15 : i32
      %and3A_43 = vector.broadcast %and3A_42 : i32 to vector<16xi32>
      %and3A_44 = arith.andi %add3A_41, %and3A_43 : vector<16xi32>
      %add3A_45 = arith.constant 2 : i32
      %add3A_46 = vector.broadcast %add3A_45 : i32 to vector<16xi32>
      %add3A_47 = arith.addi %iota3A, %add3A_46 : vector<16xi32>
      %and3A_48 = arith.constant 15 : i32
      %and3A_49 = vector.broadcast %and3A_48 : i32 to vector<16xi32>
      %and3A_50 = arith.andi %add3A_47, %and3A_49 : vector<16xi32>
      %add3A_51 = arith.constant 3 : i32
      %add3A_52 = vector.broadcast %add3A_51 : i32 to vector<16xi32>
      %add3A_53 = arith.addi %iota3A, %add3A_52 : vector<16xi32>
      %and3A_54 = arith.constant 15 : i32
      %and3A_55 = vector.broadcast %and3A_54 : i32 to vector<16xi32>
      %and3A_56 = arith.andi %add3A_53, %and3A_55 : vector<16xi32>
      %add3A_57 = arith.constant 4 : i32
      %add3A_58 = vector.broadcast %add3A_57 : i32 to vector<16xi32>
      %add3A_59 = arith.addi %iota3A, %add3A_58 : vector<16xi32>
      %and3A_60 = arith.constant 15 : i32
      %and3A_61 = vector.broadcast %and3A_60 : i32 to vector<16xi32>
      %and3A_62 = arith.andi %add3A_59, %and3A_61 : vector<16xi32>
      %add3A_63 = arith.constant 5 : i32
      %add3A_64 = vector.broadcast %add3A_63 : i32 to vector<16xi32>
      %add3A_65 = arith.addi %iota3A, %add3A_64 : vector<16xi32>
      %and3A_66 = arith.constant 15 : i32
      %and3A_67 = vector.broadcast %and3A_66 : i32 to vector<16xi32>
      %and3A_68 = arith.andi %add3A_65, %and3A_67 : vector<16xi32>
      %add3A_69 = arith.constant 6 : i32
      %add3A_70 = vector.broadcast %add3A_69 : i32 to vector<16xi32>
      %add3A_71 = arith.addi %iota3A, %add3A_70 : vector<16xi32>
      %and3A_72 = arith.constant 15 : i32
      %and3A_73 = vector.broadcast %and3A_72 : i32 to vector<16xi32>
      %and3A_74 = arith.andi %add3A_71, %and3A_73 : vector<16xi32>
      %add3A_75 = arith.constant 7 : i32
      %add3A_76 = vector.broadcast %add3A_75 : i32 to vector<16xi32>
      %add3A_77 = arith.addi %iota3A, %add3A_76 : vector<16xi32>
      %and3A_78 = arith.constant 15 : i32
      %and3A_79 = vector.broadcast %and3A_78 : i32 to vector<16xi32>
      %and3A_80 = arith.andi %add3A_77, %and3A_79 : vector<16xi32>
      %add3A_81 = arith.constant 8 : i32
      %add3A_82 = vector.broadcast %add3A_81 : i32 to vector<16xi32>
      %add3A_83 = arith.addi %iota3A, %add3A_82 : vector<16xi32>
      %and3A_84 = arith.constant 15 : i32
      %and3A_85 = vector.broadcast %and3A_84 : i32 to vector<16xi32>
      %and3A_86 = arith.andi %add3A_83, %and3A_85 : vector<16xi32>
      %add3A_87 = arith.constant 9 : i32
      %add3A_88 = vector.broadcast %add3A_87 : i32 to vector<16xi32>
      %add3A_89 = arith.addi %iota3A, %add3A_88 : vector<16xi32>
      %and3A_90 = arith.constant 15 : i32
      %and3A_91 = vector.broadcast %and3A_90 : i32 to vector<16xi32>
      %and3A_92 = arith.andi %add3A_89, %and3A_91 : vector<16xi32>
      %add3A_93 = arith.constant 10 : i32
      %add3A_94 = vector.broadcast %add3A_93 : i32 to vector<16xi32>
      %add3A_95 = arith.addi %iota3A, %add3A_94 : vector<16xi32>
      %and3A_96 = arith.constant 15 : i32
      %and3A_97 = vector.broadcast %and3A_96 : i32 to vector<16xi32>
      %and3A_98 = arith.andi %add3A_95, %and3A_97 : vector<16xi32>
      %add3A_99 = arith.constant 11 : i32
      %add3A_100 = vector.broadcast %add3A_99 : i32 to vector<16xi32>
      %add3A_101 = arith.addi %iota3A, %add3A_100 : vector<16xi32>
      %and3A_102 = arith.constant 15 : i32
      %and3A_103 = vector.broadcast %and3A_102 : i32 to vector<16xi32>
      %and3A_104 = arith.andi %add3A_101, %and3A_103 : vector<16xi32>
      %add3A_105 = arith.constant 12 : i32
      %add3A_106 = vector.broadcast %add3A_105 : i32 to vector<16xi32>
      %add3A_107 = arith.addi %iota3A, %add3A_106 : vector<16xi32>
      %and3A_108 = arith.constant 15 : i32
      %and3A_109 = vector.broadcast %and3A_108 : i32 to vector<16xi32>
      %and3A_110 = arith.andi %add3A_107, %and3A_109 : vector<16xi32>
      %add3A_111 = arith.constant 13 : i32
      %add3A_112 = vector.broadcast %add3A_111 : i32 to vector<16xi32>
      %add3A_113 = arith.addi %iota3A, %add3A_112 : vector<16xi32>
      %and3A_114 = arith.constant 15 : i32
      %and3A_115 = vector.broadcast %and3A_114 : i32 to vector<16xi32>
      %and3A_116 = arith.andi %add3A_113, %and3A_115 : vector<16xi32>
      %add3A_117 = arith.constant 14 : i32
      %add3A_118 = vector.broadcast %add3A_117 : i32 to vector<16xi32>
      %add3A_119 = arith.addi %iota3A, %add3A_118 : vector<16xi32>
      %and3A_120 = arith.constant 15 : i32
      %and3A_121 = vector.broadcast %and3A_120 : i32 to vector<16xi32>
      %and3A_122 = arith.andi %add3A_119, %and3A_121 : vector<16xi32>
      %add3A_123 = arith.constant 15 : i32
      %add3A_124 = vector.broadcast %add3A_123 : i32 to vector<16xi32>
      %add3A_125 = arith.addi %iota3A, %add3A_124 : vector<16xi32>
      %and3A_126 = arith.constant 15 : i32
      %and3A_127 = vector.broadcast %and3A_126 : i32 to vector<16xi32>
      %and3A_128 = arith.andi %add3A_125, %and3A_127 : vector<16xi32>
      %iota3A_129 = tpu.iota {dimensions = array<i32: 0>} : vector<16xi32>
      %add3A_130 = arith.constant 0 : i32
      %add3A_131 = vector.broadcast %add3A_130 : i32 to vector<16xi32>
      %add3A_132 = arith.addi %add3A_131, %iota3A_129 : vector<16xi32>
      %mul3A_133 = arith.constant 768 : i32
      %mul3A_134 = vector.broadcast %mul3A_133 : i32 to vector<16xi32>
      %mul3A_135 = arith.muli %add3A_132, %mul3A_134 : vector<16xi32>
      %iota3A_136 = tpu.iota {dimensions = array<i32: 0>} : vector<16xi32>
      %add3A_137 = arith.constant 16 : i32
      %add3A_138 = vector.broadcast %add3A_137 : i32 to vector<16xi32>
      %add3A_139 = arith.addi %add3A_138, %iota3A_136 : vector<16xi32>
      %mul3A_140 = arith.constant 768 : i32
      %mul3A_141 = vector.broadcast %mul3A_140 : i32 to vector<16xi32>
      %mul3A_142 = arith.muli %add3A_139, %mul3A_141 : vector<16xi32>
      %iota3A_143 = tpu.iota {dimensions = array<i32: 0>} : vector<16xi32>
      %add3A_144 = arith.constant 32 : i32
      %add3A_145 = vector.broadcast %add3A_144 : i32 to vector<16xi32>
      %add3A_146 = arith.addi %add3A_145, %iota3A_143 : vector<16xi32>
      %mul3A_147 = arith.constant 768 : i32
      %mul3A_148 = vector.broadcast %mul3A_147 : i32 to vector<16xi32>
      %mul3A_149 = arith.muli %add3A_146, %mul3A_148 : vector<16xi32>
      %iota3A_150 = tpu.iota {dimensions = array<i32: 0>} : vector<16xi32>
      %add3A_151 = arith.constant 48 : i32
      %add3A_152 = vector.broadcast %add3A_151 : i32 to vector<16xi32>
      %add3A_153 = arith.addi %add3A_152, %iota3A_150 : vector<16xi32>
      %mul3A_154 = arith.constant 768 : i32
      %mul3A_155 = vector.broadcast %mul3A_154 : i32 to vector<16xi32>
      %mul3A_156 = arith.muli %add3A_153, %mul3A_155 : vector<16xi32>
      %broadcast_in_dim3A_157 = arith.constant 0.000000e+00 : f32
      %broadcast_in_dim3A_158 = vector.broadcast %broadcast_in_dim3A_157 : f32 to vector<16xf32>
      %scan3A_159 = arith.constant 0 : i32
      %scan3A_160 = arith.constant 48 : i32
      %scan3A_161 = arith.addi %scan3A_159, %scan3A_160 : i32
      %scan3A_162 = arith.constant 1 : i32
      %scan3A_163:8 = scf.for %scan3A_459 = %scan3A_159 to %scan3A_161 step %scan3A_162 iter_args(%scan3A_460 = %broadcast_in_dim3A_158, %scan3A_461 = %broadcast_in_dim3A_158, %scan3A_462 = %broadcast_in_dim3A_158, %scan3A_463 = %broadcast_in_dim3A_158, %scan3A_464 = %broadcast_in_dim3A_158, %scan3A_465 = %broadcast_in_dim3A_158, %scan3A_466 = %broadcast_in_dim3A_158, %scan3A_467 = %broadcast_in_dim3A_158) -> (vector<16xf32>, vector<16xf32>, vector<16xf32>, vector<16xf32>, vector<16xf32>, vector<16xf32>, vector<16xf32>, vector<16xf32>)  : i32 {
        %mul3A_468 = arith.constant 16 : i32
        %mul3A_469 = arith.muli %scan3A_459, %mul3A_468 : i32
        %add3A_470 = vector.broadcast %mul3A_469 : i32 to vector<16xi32>
        %add3A_471 = arith.addi %mul3A_135, %add3A_470 : vector<16xi32>
        %add3A_472 = vector.broadcast %mul3A_469 : i32 to vector<16xi32>
        %add3A_473 = arith.addi %mul3A_142, %add3A_472 : vector<16xi32>
        %add3A_474 = vector.broadcast %mul3A_469 : i32 to vector<16xi32>
        %add3A_475 = arith.addi %mul3A_149, %add3A_474 : vector<16xi32>
        %add3A_476 = vector.broadcast %mul3A_469 : i32 to vector<16xi32>
        %add3A_477 = arith.addi %mul3A_156, %add3A_476 : vector<16xi32>
        %add3A_478 = vector.broadcast %mul3A_469 : i32 to vector<16xi32>
        %add3A_479 = arith.addi %add3A_478, %and3A_38 : vector<16xi32>
        %gather3A = tpu.vector_load_idx %arg9[%add3A_479] : memref<768xf32, #tpu.memory_space<vmem>>[vector<16xi32>], vector<16xf32>,
        %add3A_480 = vector.broadcast %mul3A_469 : i32 to vector<16xi32>
        %add3A_481 = arith.addi %add3A_480, %and3A_44 : vector<16xi32>
        %gather3A_482 = tpu.vector_load_idx %arg9[%add3A_481] : memref<768xf32, #tpu.memory_space<vmem>>[vector<16xi32>], vector<16xf32>,
        %add3A_483 = arith.addi %add3A_471, %and3A_38 : vector<16xi32>
        %gather3A_484 = tpu.vector_load_idx %arg7[%add3A_483] : memref<49152xf32, #tpu.memory_space<vmem>>[vector<16xi32>], vector<16xf32>,
        %add3A_485 = arith.addi %add3A_471, %and3A_44 : vector<16xi32>
        %gather3A_486 = tpu.vector_load_idx %arg7[%add3A_485] : memref<49152xf32, #tpu.memory_space<vmem>>[vector<16xi32>], vector<16xf32>,
        %bitcast3A = vector.bitcast %gather3A_484 : vector<16xf32> to vector<16xi32>
        %bitcast3A_487 = vector.bitcast %gather3A_486 : vector<16xf32> to vector<16xi32>
        %add3A_488 = arith.constant 32768 : i32
        %add3A_489 = vector.broadcast %add3A_488 : i32 to vector<16xi32>
        %add3A_490 = arith.addi %bitcast3A, %add3A_489 : vector<16xi32>
        %and3A_491 = arith.constant -65536 : i32
        %and3A_492 = vector.broadcast %and3A_491 : i32 to vector<16xi32>
        %and3A_493 = arith.andi %add3A_490, %and3A_492 : vector<16xi32>
        %bitcast3A_494 = vector.bitcast %and3A_493 : vector<16xi32> to vector<16xf32>
        %add3A_495 = arith.constant 32768 : i32
        %add3A_496 = vector.broadcast %add3A_495 : i32 to vector<16xi32>
        %add3A_497 = arith.addi %bitcast3A_487, %add3A_496 : vector<16xi32>
        %and3A_498 = arith.constant -65536 : i32
        %and3A_499 = vector.broadcast %and3A_498 : i32 to vector<16xi32>
        %and3A_500 = arith.andi %add3A_497, %and3A_499 : vector<16xi32>
        %bitcast3A_501 = vector.bitcast %and3A_500 : vector<16xi32> to vector<16xf32>
        %mul3A_502 = arith.mulf %bitcast3A_494, %gather3A : vector<16xf32>
        %add3A_503 = arith.addf %scan3A_460, %mul3A_502 : vector<16xf32>
        %mul3A_504 = arith.mulf %bitcast3A_501, %gather3A_482 : vector<16xf32>
        %add3A_505 = arith.addf %scan3A_464, %mul3A_504 : vector<16xf32>
        %add3A_506 = arith.addi %add3A_473, %and3A_38 : vector<16xi32>
        %gather3A_507 = tpu.vector_load_idx %arg7[%add3A_506] : memref<49152xf32, #tpu.memory_space<vmem>>[vector<16xi32>], vector<16xf32>,
        %add3A_508 = arith.addi %add3A_473, %and3A_44 : vector<16xi32>
        %gather3A_509 = tpu.vector_load_idx %arg7[%add3A_508] : memref<49152xf32, #tpu.memory_space<vmem>>[vector<16xi32>], vector<16xf32>,
        %bitcast3A_510 = vector.bitcast %gather3A_507 : vector<16xf32> to vector<16xi32>
        %bitcast3A_511 = vector.bitcast %gather3A_509 : vector<16xf32> to vector<16xi32>
        %add3A_512 = arith.constant 32768 : i32
        %add3A_513 = vector.broadcast %add3A_512 : i32 to vector<16xi32>
        %add3A_514 = arith.addi %bitcast3A_510, %add3A_513 : vector<16xi32>
        %and3A_515 = arith.constant -65536 : i32
        %and3A_516 = vector.broadcast %and3A_515 : i32 to vector<16xi32>
        %and3A_517 = arith.andi %add3A_514, %and3A_516 : vector<16xi32>
        %bitcast3A_518 = vector.bitcast %and3A_517 : vector<16xi32> to vector<16xf32>
        %add3A_519 = arith.constant 32768 : i32
        %add3A_520 = vector.broadcast %add3A_519 : i32 to vector<16xi32>
        %add3A_521 = arith.addi %bitcast3A_511, %add3A_520 : vector<16xi32>
        %and3A_522 = arith.constant -65536 : i32
        %and3A_523 = vector.broadcast %and3A_522 : i32 to vector<16xi32>
        %and3A_524 = arith.andi %add3A_521, %and3A_523 : vector<16xi32>
        %bitcast3A_525 = vector.bitcast %and3A_524 : vector<16xi32> to vector<16xf32>
        %mul3A_526 = arith.mulf %bitcast3A_518, %gather3A : vector<16xf32>
        %add3A_527 = arith.addf %scan3A_461, %mul3A_526 : vector<16xf32>
        %mul3A_528 = arith.mulf %bitcast3A_525, %gather3A_482 : vector<16xf32>
        %add3A_529 = arith.addf %scan3A_465, %mul3A_528 : vector<16xf32>
        %add3A_530 = arith.addi %add3A_475, %and3A_38 : vector<16xi32>
        %gather3A_531 = tpu.vector_load_idx %arg7[%add3A_530] : memref<49152xf32, #tpu.memory_space<vmem>>[vector<16xi32>], vector<16xf32>,
        %add3A_532 = arith.addi %add3A_475, %and3A_44 : vector<16xi32>
        %gather3A_533 = tpu.vector_load_idx %arg7[%add3A_532] : memref<49152xf32, #tpu.memory_space<vmem>>[vector<16xi32>], vector<16xf32>,
        %bitcast3A_534 = vector.bitcast %gather3A_531 : vector<16xf32> to vector<16xi32>
        %bitcast3A_535 = vector.bitcast %gather3A_533 : vector<16xf32> to vector<16xi32>
        %add3A_536 = arith.constant 32768 : i32
        %add3A_537 = vector.broadcast %add3A_536 : i32 to vector<16xi32>
        %add3A_538 = arith.addi %bitcast3A_534, %add3A_537 : vector<16xi32>
        %and3A_539 = arith.constant -65536 : i32
        %and3A_540 = vector.broadcast %and3A_539 : i32 to vector<16xi32>
        %and3A_541 = arith.andi %add3A_538, %and3A_540 : vector<16xi32>
        %bitcast3A_542 = vector.bitcast %and3A_541 : vector<16xi32> to vector<16xf32>
        %add3A_543 = arith.constant 32768 : i32
        %add3A_544 = vector.broadcast %add3A_543 : i32 to vector<16xi32>
        %add3A_545 = arith.addi %bitcast3A_535, %add3A_544 : vector<16xi32>
        %and3A_546 = arith.constant -65536 : i32
        %and3A_547 = vector.broadcast %and3A_546 : i32 to vector<16xi32>
        %and3A_548 = arith.andi %add3A_545, %and3A_547 : vector<16xi32>
        %bitcast3A_549 = vector.bitcast %and3A_548 : vector<16xi32> to vector<16xf32>
        %mul3A_550 = arith.mulf %bitcast3A_542, %gather3A : vector<16xf32>
        %add3A_551 = arith.addf %scan3A_462, %mul3A_550 : vector<16xf32>
        %mul3A_552 = arith.mulf %bitcast3A_549, %gather3A_482 : vector<16xf32>
        %add3A_553 = arith.addf %scan3A_466, %mul3A_552 : vector<16xf32>
        %add3A_554 = arith.addi %add3A_477, %and3A_38 : vector<16xi32>
        %gather3A_555 = tpu.vector_load_idx %arg7[%add3A_554] : memref<49152xf32, #tpu.memory_space<vmem>>[vector<16xi32>], vector<16xf32>,
        %add3A_556 = arith.addi %add3A_477, %and3A_44 : vector<16xi32>
        %gather3A_557 = tpu.vector_load_idx %arg7[%add3A_556] : memref<49152xf32, #tpu.memory_space<vmem>>[vector<16xi32>], vector<16xf32>,
        %bitcast3A_558 = vector.bitcast %gather3A_555 : vector<16xf32> to vector<16xi32>
        %bitcast3A_559 = vector.bitcast %gather3A_557 : vector<16xf32> to vector<16xi32>
        %add3A_560 = arith.constant 32768 : i32
        %add3A_561 = vector.broadcast %add3A_560 : i32 to vector<16xi32>
        %add3A_562 = arith.addi %bitcast3A_558, %add3A_561 : vector<16xi32>
        %and3A_563 = arith.constant -65536 : i32
        %and3A_564 = vector.broadcast %and3A_563 : i32 to vector<16xi32>
        %and3A_565 = arith.andi %add3A_562, %and3A_564 : vector<16xi32>
        %bitcast3A_566 = vector.bitcast %and3A_565 : vector<16xi32> to vector<16xf32>
        %add3A_567 = arith.constant 32768 : i32
        %add3A_568 = vector.broadcast %add3A_567 : i32 to vector<16xi32>
        %add3A_569 = arith.addi %bitcast3A_559, %add3A_568 : vector<16xi32>
        %and3A_570 = arith.constant -65536 : i32
        %and3A_571 = vector.broadcast %and3A_570 : i32 to vector<16xi32>
        %and3A_572 = arith.andi %add3A_569, %and3A_571 : vector<16xi32>
        %bitcast3A_573 = vector.bitcast %and3A_572 : vector<16xi32> to vector<16xf32>
        %mul3A_574 = arith.mulf %bitcast3A_566, %gather3A : vector<16xf32>
        %add3A_575 = arith.addf %scan3A_463, %mul3A_574 : vector<16xf32>
        %mul3A_576 = arith.mulf %bitcast3A_573, %gather3A_482 : vector<16xf32>
        %add3A_577 = arith.addf %scan3A_467, %mul3A_576 : vector<16xf32>
        %add3A_578 = vector.broadcast %mul3A_469 : i32 to vector<16xi32>
        %add3A_579 = arith.addi %add3A_578, %and3A_50 : vector<16xi32>
        %gather3A_580 = tpu.vector_load_idx %arg9[%add3A_579] : memref<768xf32, #tpu.memory_space<vmem>>[vector<16xi32>], vector<16xf32>,
        %add3A_581 = vector.broadcast %mul3A_469 : i32 to vector<16xi32>
        %add3A_582 = arith.addi %add3A_581, %and3A_56 : vector<16xi32>
        %gather3A_583 = tpu.vector_load_idx %arg9[%add3A_582] : memref<768xf32, #tpu.memory_space<vmem>>[vector<16xi32>], vector<16xf32>,
        %add3A_584 = arith.addi %add3A_471, %and3A_50 : vector<16xi32>
        %gather3A_585 = tpu.vector_load_idx %arg7[%add3A_584] : memref<49152xf32, #tpu.memory_space<vmem>>[vector<16xi32>], vector<16xf32>,
        %add3A_586 = arith.addi %add3A_471, %and3A_56 : vector<16xi32>
        %gather3A_587 = tpu.vector_load_idx %arg7[%add3A_586] : memref<49152xf32, #tpu.memory_space<vmem>>[vector<16xi32>], vector<16xf32>,
        %bitcast3A_588 = vector.bitcast %gather3A_585 : vector<16xf32> to vector<16xi32>
        %bitcast3A_589 = vector.bitcast %gather3A_587 : vector<16xf32> to vector<16xi32>
        %add3A_590 = arith.constant 32768 : i32
        %add3A_591 = vector.broadcast %add3A_590 : i32 to vector<16xi32>
        %add3A_592 = arith.addi %bitcast3A_588, %add3A_591 : vector<16xi32>
        %and3A_593 = arith.constant -65536 : i32
        %and3A_594 = vector.broadcast %and3A_593 : i32 to vector<16xi32>
        %and3A_595 = arith.andi %add3A_592, %and3A_594 : vector<16xi32>
        %bitcast3A_596 = vector.bitcast %and3A_595 : vector<16xi32> to vector<16xf32>
        %add3A_597 = arith.constant 32768 : i32
        %add3A_598 = vector.broadcast %add3A_597 : i32 to vector<16xi32>
        %add3A_599 = arith.addi %bitcast3A_589, %add3A_598 : vector<16xi32>
        %and3A_600 = arith.constant -65536 : i32
        %and3A_601 = vector.broadcast %and3A_600 : i32 to vector<16xi32>
        %and3A_602 = arith.andi %add3A_599, %and3A_601 : vector<16xi32>
        %bitcast3A_603 = vector.bitcast %and3A_602 : vector<16xi32> to vector<16xf32>
        %mul3A_604 = arith.mulf %bitcast3A_596, %gather3A_580 : vector<16xf32>
        %add3A_605 = arith.addf %add3A_503, %mul3A_604 : vector<16xf32>
        %mul3A_606 = arith.mulf %bitcast3A_603, %gather3A_583 : vector<16xf32>
        %add3A_607 = arith.addf %add3A_505, %mul3A_606 : vector<16xf32>
        %add3A_608 = arith.addi %add3A_473, %and3A_50 : vector<16xi32>
        %gather3A_609 = tpu.vector_load_idx %arg7[%add3A_608] : memref<49152xf32, #tpu.memory_space<vmem>>[vector<16xi32>], vector<16xf32>,
        %add3A_610 = arith.addi %add3A_473, %and3A_56 : vector<16xi32>
        %gather3A_611 = tpu.vector_load_idx %arg7[%add3A_610] : memref<49152xf32, #tpu.memory_space<vmem>>[vector<16xi32>], vector<16xf32>,
        %bitcast3A_612 = vector.bitcast %gather3A_609 : vector<16xf32> to vector<16xi32>
        %bitcast3A_613 = vector.bitcast %gather3A_611 : vector<16xf32> to vector<16xi32>
        %add3A_614 = arith.constant 32768 : i32
        %add3A_615 = vector.broadcast %add3A_614 : i32 to vector<16xi32>
        %add3A_616 = arith.addi %bitcast3A_612, %add3A_615 : vector<16xi32>
        %and3A_617 = arith.constant -65536 : i32
        %and3A_618 = vector.broadcast %and3A_617 : i32 to vector<16xi32>
        %and3A_619 = arith.andi %add3A_616, %and3A_618 : vector<16xi32>
        %bitcast3A_620 = vector.bitcast %and3A_619 : vector<16xi32> to vector<16xf32>
        %add3A_621 = arith.constant 32768 : i32
        %add3A_622 = vector.broadcast %add3A_621 : i32 to vector<16xi32>
        %add3A_623 = arith.addi %bitcast3A_613, %add3A_622 : vector<16xi32>
        %and3A_624 = arith.constant -65536 : i32
        %and3A_625 = vector.broadcast %and3A_624 : i32 to vector<16xi32>
        %and3A_626 = arith.andi %add3A_623, %and3A_625 : vector<16xi32>
        %bitcast3A_627 = vector.bitcast %and3A_626 : vector<16xi32> to vector<16xf32>
        %mul3A_628 = arith.mulf %bitcast3A_620, %gather3A_580 : vector<16xf32>
        %add3A_629 = arith.addf %add3A_527, %mul3A_628 : vector<16xf32>
        %mul3A_630 = arith.mulf %bitcast3A_627, %gather3A_583 : vector<16xf32>
        %add3A_631 = arith.addf %add3A_529, %mul3A_630 : vector<16xf32>
        %add3A_632 = arith.addi %add3A_475, %and3A_50 : vector<16xi32>
        %gather3A_633 = tpu.vector_load_idx %arg7[%add3A_632] : memref<49152xf32, #tpu.memory_space<vmem>>[vector<16xi32>], vector<16xf32>,
        %add3A_634 = arith.addi %add3A_475, %and3A_56 : vector<16xi32>
        %gather3A_635 = tpu.vector_load_idx %arg7[%add3A_634] : memref<49152xf32, #tpu.memory_space<vmem>>[vector<16xi32>], vector<16xf32>,
        %bitcast3A_636 = vector.bitcast %gather3A_633 : vector<16xf32> to vector<16xi32>
        %bitcast3A_637 = vector.bitcast %gather3A_635 : vector<16xf32> to vector<16xi32>
        %add3A_638 = arith.constant 32768 : i32
        %add3A_639 = vector.broadcast %add3A_638 : i32 to vector<16xi32>
        %add3A_640 = arith.addi %bitcast3A_636, %add3A_639 : vector<16xi32>
        %and3A_641 = arith.constant -65536 : i32
        %and3A_642 = vector.broadcast %and3A_641 : i32 to vector<16xi32>
        %and3A_643 = arith.andi %add3A_640, %and3A_642 : vector<16xi32>
        %bitcast3A_644 = vector.bitcast %and3A_643 : vector<16xi32> to vector<16xf32>
        %add3A_645 = arith.constant 32768 : i32
        %add3A_646 = vector.broadcast %add3A_645 : i32 to vector<16xi32>
        %add3A_647 = arith.addi %bitcast3A_637, %add3A_646 : vector<16xi32>
        %and3A_648 = arith.constant -65536 : i32
        %and3A_649 = vector.broadcast %and3A_648 : i32 to vector<16xi32>
        %and3A_650 = arith.andi %add3A_647, %and3A_649 : vector<16xi32>
        %bitcast3A_651 = vector.bitcast %and3A_650 : vector<16xi32> to vector<16xf32>
        %mul3A_652 = arith.mulf %bitcast3A_644, %gather3A_580 : vector<16xf32>
        %add3A_653 = arith.addf %add3A_551, %mul3A_652 : vector<16xf32>
        %mul3A_654 = arith.mulf %bitcast3A_651, %gather3A_583 : vector<16xf32>
        %add3A_655 = arith.addf %add3A_553, %mul3A_654 : vector<16xf32>
        %add3A_656 = arith.addi %add3A_477, %and3A_50 : vector<16xi32>
        %gather3A_657 = tpu.vector_load_idx %arg7[%add3A_656] : memref<49152xf32, #tpu.memory_space<vmem>>[vector<16xi32>], vector<16xf32>,
        %add3A_658 = arith.addi %add3A_477, %and3A_56 : vector<16xi32>
        %gather3A_659 = tpu.vector_load_idx %arg7[%add3A_658] : memref<49152xf32, #tpu.memory_space<vmem>>[vector<16xi32>], vector<16xf32>,
        %bitcast3A_660 = vector.bitcast %gather3A_657 : vector<16xf32> to vector<16xi32>
        %bitcast3A_661 = vector.bitcast %gather3A_659 : vector<16xf32> to vector<16xi32>
        %add3A_662 = arith.constant 32768 : i32
        %add3A_663 = vector.broadcast %add3A_662 : i32 to vector<16xi32>
        %add3A_664 = arith.addi %bitcast3A_660, %add3A_663 : vector<16xi32>
        %and3A_665 = arith.constant -65536 : i32
        %and3A_666 = vector.broadcast %and3A_665 : i32 to vector<16xi32>
        %and3A_667 = arith.andi %add3A_664, %and3A_666 : vector<16xi32>
        %bitcast3A_668 = vector.bitcast %and3A_667 : vector<16xi32> to vector<16xf32>
        %add3A_669 = arith.constant 32768 : i32
        %add3A_670 = vector.broadcast %add3A_669 : i32 to vector<16xi32>
        %add3A_671 = arith.addi %bitcast3A_661, %add3A_670 : vector<16xi32>
        %and3A_672 = arith.constant -65536 : i32
        %and3A_673 = vector.broadcast %and3A_672 : i32 to vector<16xi32>
        %and3A_674 = arith.andi %add3A_671, %and3A_673 : vector<16xi32>
        %bitcast3A_675 = vector.bitcast %and3A_674 : vector<16xi32> to vector<16xf32>
        %mul3A_676 = arith.mulf %bitcast3A_668, %gather3A_580 : vector<16xf32>
        %add3A_677 = arith.addf %add3A_575, %mul3A_676 : vector<16xf32>
        %mul3A_678 = arith.mulf %bitcast3A_675, %gather3A_583 : vector<16xf32>
        %add3A_679 = arith.addf %add3A_577, %mul3A_678 : vector<16xf32>
        %add3A_680 = vector.broadcast %mul3A_469 : i32 to vector<16xi32>
        %add3A_681 = arith.addi %add3A_680, %and3A_62 : vector<16xi32>
        %gather3A_682 = tpu.vector_load_idx %arg9[%add3A_681] : memref<768xf32, #tpu.memory_space<vmem>>[vector<16xi32>], vector<16xf32>,
        %add3A_683 = vector.broadcast %mul3A_469 : i32 to vector<16xi32>
        %add3A_684 = arith.addi %add3A_683, %and3A_68 : vector<16xi32>
        %gather3A_685 = tpu.vector_load_idx %arg9[%add3A_684] : memref<768xf32, #tpu.memory_space<vmem>>[vector<16xi32>], vector<16xf32>,
        %add3A_686 = arith.addi %add3A_471, %and3A_62 : vector<16xi32>
        %gather3A_687 = tpu.vector_load_idx %arg7[%add3A_686] : memref<49152xf32, #tpu.memory_space<vmem>>[vector<16xi32>], vector<16xf32>,
        %add3A_688 = arith.addi %add3A_471, %and3A_68 : vector<16xi32>
        %gather3A_689 = tpu.vector_load_idx %arg7[%add3A_688] : memref<49152xf32, #tpu.memory_space<vmem>>[vector<16xi32>], vector<16xf32>,
        %bitcast3A_690 = vector.bitcast %gather3A_687 : vector<16xf32> to vector<16xi32>
        %bitcast3A_691 = vector.bitcast %gather3A_689 : vector<16xf32> to vector<16xi32>
        %add3A_692 = arith.constant 32768 : i32
        %add3A_693 = vector.broadcast %add3A_692 : i32 to vector<16xi32>
        %add3A_694 = arith.addi %bitcast3A_690, %add3A_693 : vector<16xi32>
        %and3A_695 = arith.constant -65536 : i32
        %and3A_696 = vector.broadcast %and3A_695 : i32 to vector<16xi32>
        %and3A_697 = arith.andi %add3A_694, %and3A_696 : vector<16xi32>
        %bitcast3A_698 = vector.bitcast %and3A_697 : vector<16xi32> to vector<16xf32>
        %add3A_699 = arith.constant 32768 : i32
        %add3A_700 = vector.broadcast %add3A_699 : i32 to vector<16xi32>
        %add3A_701 = arith.addi %bitcast3A_691, %add3A_700 : vector<16xi32>
        %and3A_702 = arith.constant -65536 : i32
        %and3A_703 = vector.broadcast %and3A_702 : i32 to vector<16xi32>
        %and3A_704 = arith.andi %add3A_701, %and3A_703 : vector<16xi32>
        %bitcast3A_705 = vector.bitcast %and3A_704 : vector<16xi32> to vector<16xf32>
        %mul3A_706 = arith.mulf %bitcast3A_698, %gather3A_682 : vector<16xf32>
        %add3A_707 = arith.addf %add3A_605, %mul3A_706 : vector<16xf32>
        %mul3A_708 = arith.mulf %bitcast3A_705, %gather3A_685 : vector<16xf32>
        %add3A_709 = arith.addf %add3A_607, %mul3A_708 : vector<16xf32>
        %add3A_710 = arith.addi %add3A_473, %and3A_62 : vector<16xi32>
        %gather3A_711 = tpu.vector_load_idx %arg7[%add3A_710] : memref<49152xf32, #tpu.memory_space<vmem>>[vector<16xi32>], vector<16xf32>,
        %add3A_712 = arith.addi %add3A_473, %and3A_68 : vector<16xi32>
        %gather3A_713 = tpu.vector_load_idx %arg7[%add3A_712] : memref<49152xf32, #tpu.memory_space<vmem>>[vector<16xi32>], vector<16xf32>,
        %bitcast3A_714 = vector.bitcast %gather3A_711 : vector<16xf32> to vector<16xi32>
        %bitcast3A_715 = vector.bitcast %gather3A_713 : vector<16xf32> to vector<16xi32>
        %add3A_716 = arith.constant 32768 : i32
        %add3A_717 = vector.broadcast %add3A_716 : i32 to vector<16xi32>
        %add3A_718 = arith.addi %bitcast3A_714, %add3A_717 : vector<16xi32>
        %and3A_719 = arith.constant -65536 : i32
        %and3A_720 = vector.broadcast %and3A_719 : i32 to vector<16xi32>
        %and3A_721 = arith.andi %add3A_718, %and3A_720 : vector<16xi32>
        %bitcast3A_722 = vector.bitcast %and3A_721 : vector<16xi32> to vector<16xf32>
        %add3A_723 = arith.constant 32768 : i32
        %add3A_724 = vector.broadcast %add3A_723 : i32 to vector<16xi32>
        %add3A_725 = arith.addi %bitcast3A_715, %add3A_724 : vector<16xi32>
        %and3A_726 = arith.constant -65536 : i32
        %and3A_727 = vector.broadcast %and3A_726 : i32 to vector<16xi32>
        %and3A_728 = arith.andi %add3A_725, %and3A_727 : vector<16xi32>
        %bitcast3A_729 = vector.bitcast %and3A_728 : vector<16xi32> to vector<16xf32>
        %mul3A_730 = arith.mulf %bitcast3A_722, %gather3A_682 : vector<16xf32>
        %add3A_731 = arith.addf %add3A_629, %mul3A_730 : vector<16xf32>
        %mul3A_732 = arith.mulf %bitcast3A_729, %gather3A_685 : vector<16xf32>
        %add3A_733 = arith.addf %add3A_631, %mul3A_732 : vector<16xf32>
        %add3A_734 = arith.addi %add3A_475, %and3A_62 : vector<16xi32>
        %gather3A_735 = tpu.vector_load_idx %arg7[%add3A_734] : memref<49152xf32, #tpu.memory_space<vmem>>[vector<16xi32>], vector<16xf32>,
        %add3A_736 = arith.addi %add3A_475, %and3A_68 : vector<16xi32>
        %gather3A_737 = tpu.vector_load_idx %arg7[%add3A_736] : memref<49152xf32, #tpu.memory_space<vmem>>[vector<16xi32>], vector<16xf32>,
        %bitcast3A_738 = vector.bitcast %gather3A_735 : vector<16xf32> to vector<16xi32>
        %bitcast3A_739 = vector.bitcast %gather3A_737 : vector<16xf32> to vector<16xi32>
        %add3A_740 = arith.constant 32768 : i32
        %add3A_741 = vector.broadcast %add3A_740 : i32 to vector<16xi32>
        %add3A_742 = arith.addi %bitcast3A_738, %add3A_741 : vector<16xi32>
        %and3A_743 = arith.constant -65536 : i32
        %and3A_744 = vector.broadcast %and3A_743 : i32 to vector<16xi32>
        %and3A_745 = arith.andi %add3A_742, %and3A_744 : vector<16xi32>
        %bitcast3A_746 = vector.bitcast %and3A_745 : vector<16xi32> to vector<16xf32>
        %add3A_747 = arith.constant 32768 : i32
        %add3A_748 = vector.broadcast %add3A_747 : i32 to vector<16xi32>
        %add3A_749 = arith.addi %bitcast3A_739, %add3A_748 : vector<16xi32>
        %and3A_750 = arith.constant -65536 : i32
        %and3A_751 = vector.broadcast %and3A_750 : i32 to vector<16xi32>
        %and3A_752 = arith.andi %add3A_749, %and3A_751 : vector<16xi32>
        %bitcast3A_753 = vector.bitcast %and3A_752 : vector<16xi32> to vector<16xf32>
        %mul3A_754 = arith.mulf %bitcast3A_746, %gather3A_682 : vector<16xf32>
        %add3A_755 = arith.addf %add3A_653, %mul3A_754 : vector<16xf32>
        %mul3A_756 = arith.mulf %bitcast3A_753, %gather3A_685 : vector<16xf32>
        %add3A_757 = arith.addf %add3A_655, %mul3A_756 : vector<16xf32>
        %add3A_758 = arith.addi %add3A_477, %and3A_62 : vector<16xi32>
        %gather3A_759 = tpu.vector_load_idx %arg7[%add3A_758] : memref<49152xf32, #tpu.memory_space<vmem>>[vector<16xi32>], vector<16xf32>,
        %add3A_760 = arith.addi %add3A_477, %and3A_68 : vector<16xi32>
        %gather3A_761 = tpu.vector_load_idx %arg7[%add3A_760] : memref<49152xf32, #tpu.memory_space<vmem>>[vector<16xi32>], vector<16xf32>,
        %bitcast3A_762 = vector.bitcast %gather3A_759 : vector<16xf32> to vector<16xi32>
        %bitcast3A_763 = vector.bitcast %gather3A_761 : vector<16xf32> to vector<16xi32>
        %add3A_764 = arith.constant 32768 : i32
        %add3A_765 = vector.broadcast %add3A_764 : i32 to vector<16xi32>
        %add3A_766 = arith.addi %bitcast3A_762, %add3A_765 : vector<16xi32>
        %and3A_767 = arith.constant -65536 : i32
        %and3A_768 = vector.broadcast %and3A_767 : i32 to vector<16xi32>
        %and3A_769 = arith.andi %add3A_766, %and3A_768 : vector<16xi32>
        %bitcast3A_770 = vector.bitcast %and3A_769 : vector<16xi32> to vector<16xf32>
        %add3A_771 = arith.constant 32768 : i32
        %add3A_772 = vector.broadcast %add3A_771 : i32 to vector<16xi32>
        %add3A_773 = arith.addi %bitcast3A_763, %add3A_772 : vector<16xi32>
        %and3A_774 = arith.constant -65536 : i32
        %and3A_775 = vector.broadcast %and3A_774 : i32 to vector<16xi32>
        %and3A_776 = arith.andi %add3A_773, %and3A_775 : vector<16xi32>
        %bitcast3A_777 = vector.bitcast %and3A_776 : vector<16xi32> to vector<16xf32>
        %mul3A_778 = arith.mulf %bitcast3A_770, %gather3A_682 : vector<16xf32>
        %add3A_779 = arith.addf %add3A_677, %mul3A_778 : vector<16xf32>
        %mul3A_780 = arith.mulf %bitcast3A_777, %gather3A_685 : vector<16xf32>
        %add3A_781 = arith.addf %add3A_679, %mul3A_780 : vector<16xf32>
        %add3A_782 = vector.broadcast %mul3A_469 : i32 to vector<16xi32>
        %add3A_783 = arith.addi %add3A_782, %and3A_74 : vector<16xi32>
        %gather3A_784 = tpu.vector_load_idx %arg9[%add3A_783] : memref<768xf32, #tpu.memory_space<vmem>>[vector<16xi32>], vector<16xf32>,
        %add3A_785 = vector.broadcast %mul3A_469 : i32 to vector<16xi32>
        %add3A_786 = arith.addi %add3A_785, %and3A_80 : vector<16xi32>
        %gather3A_787 = tpu.vector_load_idx %arg9[%add3A_786] : memref<768xf32, #tpu.memory_space<vmem>>[vector<16xi32>], vector<16xf32>,
        %add3A_788 = arith.addi %add3A_471, %and3A_74 : vector<16xi32>
        %gather3A_789 = tpu.vector_load_idx %arg7[%add3A_788] : memref<49152xf32, #tpu.memory_space<vmem>>[vector<16xi32>], vector<16xf32>,
        %add3A_790 = arith.addi %add3A_471, %and3A_80 : vector<16xi32>
        %gather3A_791 = tpu.vector_load_idx %arg7[%add3A_790] : memref<49152xf32, #tpu.memory_space<vmem>>[vector<16xi32>], vector<16xf32>,
        %bitcast3A_792 = vector.bitcast %gather3A_789 : vector<16xf32> to vector<16xi32>
        %bitcast3A_793 = vector.bitcast %gather3A_791 : vector<16xf32> to vector<16xi32>
        %add3A_794 = arith.constant 32768 : i32
        %add3A_795 = vector.broadcast %add3A_794 : i32 to vector<16xi32>
        %add3A_796 = arith.addi %bitcast3A_792, %add3A_795 : vector<16xi32>
        %and3A_797 = arith.constant -65536 : i32
        %and3A_798 = vector.broadcast %and3A_797 : i32 to vector<16xi32>
        %and3A_799 = arith.andi %add3A_796, %and3A_798 : vector<16xi32>
        %bitcast3A_800 = vector.bitcast %and3A_799 : vector<16xi32> to vector<16xf32>
        %add3A_801 = arith.constant 32768 : i32
        %add3A_802 = vector.broadcast %add3A_801 : i32 to vector<16xi32>
        %add3A_803 = arith.addi %bitcast3A_793, %add3A_802 : vector<16xi32>
        %and3A_804 = arith.constant -65536 : i32
        %and3A_805 = vector.broadcast %and3A_804 : i32 to vector<16xi32>
        %and3A_806 = arith.andi %add3A_803, %and3A_805 : vector<16xi32>
        %bitcast3A_807 = vector.bitcast %and3A_806 : vector<16xi32> to vector<16xf32>
        %mul3A_808 = arith.mulf %bitcast3A_800, %gather3A_784 : vector<16xf32>
        %add3A_809 = arith.addf %add3A_707, %mul3A_808 : vector<16xf32>
        %mul3A_810 = arith.mulf %bitcast3A_807, %gather3A_787 : vector<16xf32>
        %add3A_811 = arith.addf %add3A_709, %mul3A_810 : vector<16xf32>
        %add3A_812 = arith.addi %add3A_473, %and3A_74 : vector<16xi32>
        %gather3A_813 = tpu.vector_load_idx %arg7[%add3A_812] : memref<49152xf32, #tpu.memory_space<vmem>>[vector<16xi32>], vector<16xf32>,
        %add3A_814 = arith.addi %add3A_473, %and3A_80 : vector<16xi32>
        %gather3A_815 = tpu.vector_load_idx %arg7[%add3A_814] : memref<49152xf32, #tpu.memory_space<vmem>>[vector<16xi32>], vector<16xf32>,
        %bitcast3A_816 = vector.bitcast %gather3A_813 : vector<16xf32> to vector<16xi32>
        %bitcast3A_817 = vector.bitcast %gather3A_815 : vector<16xf32> to vector<16xi32>
        %add3A_818 = arith.constant 32768 : i32
        %add3A_819 = vector.broadcast %add3A_818 : i32 to vector<16xi32>
        %add3A_820 = arith.addi %bitcast3A_816, %add3A_819 : vector<16xi32>
        %and3A_821 = arith.constant -65536 : i32
        %and3A_822 = vector.broadcast %and3A_821 : i32 to vector<16xi32>
        %and3A_823 = arith.andi %add3A_820, %and3A_822 : vector<16xi32>
        %bitcast3A_824 = vector.bitcast %and3A_823 : vector<16xi32> to vector<16xf32>
        %add3A_825 = arith.constant 32768 : i32
        %add3A_826 = vector.broadcast %add3A_825 : i32 to vector<16xi32>
        %add3A_827 = arith.addi %bitcast3A_817, %add3A_826 : vector<16xi32>
        %and3A_828 = arith.constant -65536 : i32
        %and3A_829 = vector.broadcast %and3A_828 : i32 to vector<16xi32>
        %and3A_830 = arith.andi %add3A_827, %and3A_829 : vector<16xi32>
        %bitcast3A_831 = vector.bitcast %and3A_830 : vector<16xi32> to vector<16xf32>
        %mul3A_832 = arith.mulf %bitcast3A_824, %gather3A_784 : vector<16xf32>
        %add3A_833 = arith.addf %add3A_731, %mul3A_832 : vector<16xf32>
        %mul3A_834 = arith.mulf %bitcast3A_831, %gather3A_787 : vector<16xf32>
        %add3A_835 = arith.addf %add3A_733, %mul3A_834 : vector<16xf32>
        %add3A_836 = arith.addi %add3A_475, %and3A_74 : vector<16xi32>
        %gather3A_837 = tpu.vector_load_idx %arg7[%add3A_836] : memref<49152xf32, #tpu.memory_space<vmem>>[vector<16xi32>], vector<16xf32>,
        %add3A_838 = arith.addi %add3A_475, %and3A_80 : vector<16xi32>
        %gather3A_839 = tpu.vector_load_idx %arg7[%add3A_838] : memref<49152xf32, #tpu.memory_space<vmem>>[vector<16xi32>], vector<16xf32>,
        %bitcast3A_840 = vector.bitcast %gather3A_837 : vector<16xf32> to vector<16xi32>
        %bitcast3A_841 = vector.bitcast %gather3A_839 : vector<16xf32> to vector<16xi32>
        %add3A_842 = arith.constant 32768 : i32
        %add3A_843 = vector.broadcast %add3A_842 : i32 to vector<16xi32>
        %add3A_844 = arith.addi %bitcast3A_840, %add3A_843 : vector<16xi32>
        %and3A_845 = arith.constant -65536 : i32
        %and3A_846 = vector.broadcast %and3A_845 : i32 to vector<16xi32>
        %and3A_847 = arith.andi %add3A_844, %and3A_846 : vector<16xi32>
        %bitcast3A_848 = vector.bitcast %and3A_847 : vector<16xi32> to vector<16xf32>
        %add3A_849 = arith.constant 32768 : i32
        %add3A_850 = vector.broadcast %add3A_849 : i32 to vector<16xi32>
        %add3A_851 = arith.addi %bitcast3A_841, %add3A_850 : vector<16xi32>
        %and3A_852 = arith.constant -65536 : i32
        %and3A_853 = vector.broadcast %and3A_852 : i32 to vector<16xi32>
        %and3A_854 = arith.andi %add3A_851, %and3A_853 : vector<16xi32>
        %bitcast3A_855 = vector.bitcast %and3A_854 : vector<16xi32> to vector<16xf32>
        %mul3A_856 = arith.mulf %bitcast3A_848, %gather3A_784 : vector<16xf32>
        %add3A_857 = arith.addf %add3A_755, %mul3A_856 : vector<16xf32>
        %mul3A_858 = arith.mulf %bitcast3A_855, %gather3A_787 : vector<16xf32>
        %add3A_859 = arith.addf %add3A_757, %mul3A_858 : vector<16xf32>
        %add3A_860 = arith.addi %add3A_477, %and3A_74 : vector<16xi32>
        %gather3A_861 = tpu.vector_load_idx %arg7[%add3A_860] : memref<49152xf32, #tpu.memory_space<vmem>>[vector<16xi32>], vector<16xf32>,
        %add3A_862 = arith.addi %add3A_477, %and3A_80 : vector<16xi32>
        %gather3A_863 = tpu.vector_load_idx %arg7[%add3A_862] : memref<49152xf32, #tpu.memory_space<vmem>>[vector<16xi32>], vector<16xf32>,
        %bitcast3A_864 = vector.bitcast %gather3A_861 : vector<16xf32> to vector<16xi32>
        %bitcast3A_865 = vector.bitcast %gather3A_863 : vector<16xf32> to vector<16xi32>
        %add3A_866 = arith.constant 32768 : i32
        %add3A_867 = vector.broadcast %add3A_866 : i32 to vector<16xi32>
        %add3A_868 = arith.addi %bitcast3A_864, %add3A_867 : vector<16xi32>
        %and3A_869 = arith.constant -65536 : i32
        %and3A_870 = vector.broadcast %and3A_869 : i32 to vector<16xi32>
        %and3A_871 = arith.andi %add3A_868, %and3A_870 : vector<16xi32>
        %bitcast3A_872 = vector.bitcast %and3A_871 : vector<16xi32> to vector<16xf32>
        %add3A_873 = arith.constant 32768 : i32
        %add3A_874 = vector.broadcast %add3A_873 : i32 to vector<16xi32>
        %add3A_875 = arith.addi %bitcast3A_865, %add3A_874 : vector<16xi32>
        %and3A_876 = arith.constant -65536 : i32
        %and3A_877 = vector.broadcast %and3A_876 : i32 to vector<16xi32>
        %and3A_878 = arith.andi %add3A_875, %and3A_877 : vector<16xi32>
        %bitcast3A_879 = vector.bitcast %and3A_878 : vector<16xi32> to vector<16xf32>
        %mul3A_880 = arith.mulf %bitcast3A_872, %gather3A_784 : vector<16xf32>
        %add3A_881 = arith.addf %add3A_779, %mul3A_880 : vector<16xf32>
        %mul3A_882 = arith.mulf %bitcast3A_879, %gather3A_787 : vector<16xf32>
        %add3A_883 = arith.addf %add3A_781, %mul3A_882 : vector<16xf32>
        %add3A_884 = vector.broadcast %mul3A_469 : i32 to vector<16xi32>
        %add3A_885 = arith.addi %add3A_884, %and3A_86 : vector<16xi32>
        %gather3A_886 = tpu.vector_load_idx %arg9[%add3A_885] : memref<768xf32, #tpu.memory_space<vmem>>[vector<16xi32>], vector<16xf32>,
        %add3A_887 = vector.broadcast %mul3A_469 : i32 to vector<16xi32>
        %add3A_888 = arith.addi %add3A_887, %and3A_92 : vector<16xi32>
        %gather3A_889 = tpu.vector_load_idx %arg9[%add3A_888] : memref<768xf32, #tpu.memory_space<vmem>>[vector<16xi32>], vector<16xf32>,
        %add3A_890 = arith.addi %add3A_471, %and3A_86 : vector<16xi32>
        %gather3A_891 = tpu.vector_load_idx %arg7[%add3A_890] : memref<49152xf32, #tpu.memory_space<vmem>>[vector<16xi32>], vector<16xf32>,
        %add3A_892 = arith.addi %add3A_471, %and3A_92 : vector<16xi32>
        %gather3A_893 = tpu.vector_load_idx %arg7[%add3A_892] : memref<49152xf32, #tpu.memory_space<vmem>>[vector<16xi32>], vector<16xf32>,
        %bitcast3A_894 = vector.bitcast %gather3A_891 : vector<16xf32> to vector<16xi32>
        %bitcast3A_895 = vector.bitcast %gather3A_893 : vector<16xf32> to vector<16xi32>
        %add3A_896 = arith.constant 32768 : i32
        %add3A_897 = vector.broadcast %add3A_896 : i32 to vector<16xi32>
        %add3A_898 = arith.addi %bitcast3A_894, %add3A_897 : vector<16xi32>
        %and3A_899 = arith.constant -65536 : i32
        %and3A_900 = vector.broadcast %and3A_899 : i32 to vector<16xi32>
        %and3A_901 = arith.andi %add3A_898, %and3A_900 : vector<16xi32>
        %bitcast3A_902 = vector.bitcast %and3A_901 : vector<16xi32> to vector<16xf32>
        %add3A_903 = arith.constant 32768 : i32
        %add3A_904 = vector.broadcast %add3A_903 : i32 to vector<16xi32>
        %add3A_905 = arith.addi %bitcast3A_895, %add3A_904 : vector<16xi32>
        %and3A_906 = arith.constant -65536 : i32
        %and3A_907 = vector.broadcast %and3A_906 : i32 to vector<16xi32>
        %and3A_908 = arith.andi %add3A_905, %and3A_907 : vector<16xi32>
        %bitcast3A_909 = vector.bitcast %and3A_908 : vector<16xi32> to vector<16xf32>
        %mul3A_910 = arith.mulf %bitcast3A_902, %gather3A_886 : vector<16xf32>
        %add3A_911 = arith.addf %add3A_809, %mul3A_910 : vector<16xf32>
        %mul3A_912 = arith.mulf %bitcast3A_909, %gather3A_889 : vector<16xf32>
        %add3A_913 = arith.addf %add3A_811, %mul3A_912 : vector<16xf32>
        %add3A_914 = arith.addi %add3A_473, %and3A_86 : vector<16xi32>
        %gather3A_915 = tpu.vector_load_idx %arg7[%add3A_914] : memref<49152xf32, #tpu.memory_space<vmem>>[vector<16xi32>], vector<16xf32>,
        %add3A_916 = arith.addi %add3A_473, %and3A_92 : vector<16xi32>
        %gather3A_917 = tpu.vector_load_idx %arg7[%add3A_916] : memref<49152xf32, #tpu.memory_space<vmem>>[vector<16xi32>], vector<16xf32>,
        %bitcast3A_918 = vector.bitcast %gather3A_915 : vector<16xf32> to vector<16xi32>
        %bitcast3A_919 = vector.bitcast %gather3A_917 : vector<16xf32> to vector<16xi32>
        %add3A_920 = arith.constant 32768 : i32
        %add3A_921 = vector.broadcast %add3A_920 : i32 to vector<16xi32>
        %add3A_922 = arith.addi %bitcast3A_918, %add3A_921 : vector<16xi32>
        %and3A_923 = arith.constant -65536 : i32
        %and3A_924 = vector.broadcast %and3A_923 : i32 to vector<16xi32>
        %and3A_925 = arith.andi %add3A_922, %and3A_924 : vector<16xi32>
        %bitcast3A_926 = vector.bitcast %and3A_925 : vector<16xi32> to vector<16xf32>
        %add3A_927 = arith.constant 32768 : i32
        %add3A_928 = vector.broadcast %add3A_927 : i32 to vector<16xi32>
        %add3A_929 = arith.addi %bitcast3A_919, %add3A_928 : vector<16xi32>
        %and3A_930 = arith.constant -65536 : i32
        %and3A_931 = vector.broadcast %and3A_930 : i32 to vector<16xi32>
        %and3A_932 = arith.andi %add3A_929, %and3A_931 : vector<16xi32>
        %bitcast3A_933 = vector.bitcast %and3A_932 : vector<16xi32> to vector<16xf32>
        %mul3A_934 = arith.mulf %bitcast3A_926, %gather3A_886 : vector<16xf32>
        %add3A_935 = arith.addf %add3A_833, %mul3A_934 : vector<16xf32>
        %mul3A_936 = arith.mulf %bitcast3A_933, %gather3A_889 : vector<16xf32>
        %add3A_937 = arith.addf %add3A_835, %mul3A_936 : vector<16xf32>
        %add3A_938 = arith.addi %add3A_475, %and3A_86 : vector<16xi32>
        %gather3A_939 = tpu.vector_load_idx %arg7[%add3A_938] : memref<49152xf32, #tpu.memory_space<vmem>>[vector<16xi32>], vector<16xf32>,
        %add3A_940 = arith.addi %add3A_475, %and3A_92 : vector<16xi32>
        %gather3A_941 = tpu.vector_load_idx %arg7[%add3A_940] : memref<49152xf32, #tpu.memory_space<vmem>>[vector<16xi32>], vector<16xf32>,
        %bitcast3A_942 = vector.bitcast %gather3A_939 : vector<16xf32> to vector<16xi32>
        %bitcast3A_943 = vector.bitcast %gather3A_941 : vector<16xf32> to vector<16xi32>
        %add3A_944 = arith.constant 32768 : i32
        %add3A_945 = vector.broadcast %add3A_944 : i32 to vector<16xi32>
        %add3A_946 = arith.addi %bitcast3A_942, %add3A_945 : vector<16xi32>
        %and3A_947 = arith.constant -65536 : i32
        %and3A_948 = vector.broadcast %and3A_947 : i32 to vector<16xi32>
        %and3A_949 = arith.andi %add3A_946, %and3A_948 : vector<16xi32>
        %bitcast3A_950 = vector.bitcast %and3A_949 : vector<16xi32> to vector<16xf32>
        %add3A_951 = arith.constant 32768 : i32
        %add3A_952 = vector.broadcast %add3A_951 : i32 to vector<16xi32>
        %add3A_953 = arith.addi %bitcast3A_943, %add3A_952 : vector<16xi32>
        %and3A_954 = arith.constant -65536 : i32
        %and3A_955 = vector.broadcast %and3A_954 : i32 to vector<16xi32>
        %and3A_956 = arith.andi %add3A_953, %and3A_955 : vector<16xi32>
        %bitcast3A_957 = vector.bitcast %and3A_956 : vector<16xi32> to vector<16xf32>
        %mul3A_958 = arith.mulf %bitcast3A_950, %gather3A_886 : vector<16xf32>
        %add3A_959 = arith.addf %add3A_857, %mul3A_958 : vector<16xf32>
        %mul3A_960 = arith.mulf %bitcast3A_957, %gather3A_889 : vector<16xf32>
        %add3A_961 = arith.addf %add3A_859, %mul3A_960 : vector<16xf32>
        %add3A_962 = arith.addi %add3A_477, %and3A_86 : vector<16xi32>
        %gather3A_963 = tpu.vector_load_idx %arg7[%add3A_962] : memref<49152xf32, #tpu.memory_space<vmem>>[vector<16xi32>], vector<16xf32>,
        %add3A_964 = arith.addi %add3A_477, %and3A_92 : vector<16xi32>
        %gather3A_965 = tpu.vector_load_idx %arg7[%add3A_964] : memref<49152xf32, #tpu.memory_space<vmem>>[vector<16xi32>], vector<16xf32>,
        %bitcast3A_966 = vector.bitcast %gather3A_963 : vector<16xf32> to vector<16xi32>
        %bitcast3A_967 = vector.bitcast %gather3A_965 : vector<16xf32> to vector<16xi32>
        %add3A_968 = arith.constant 32768 : i32
        %add3A_969 = vector.broadcast %add3A_968 : i32 to vector<16xi32>
        %add3A_970 = arith.addi %bitcast3A_966, %add3A_969 : vector<16xi32>
        %and3A_971 = arith.constant -65536 : i32
        %and3A_972 = vector.broadcast %and3A_971 : i32 to vector<16xi32>
        %and3A_973 = arith.andi %add3A_970, %and3A_972 : vector<16xi32>
        %bitcast3A_974 = vector.bitcast %and3A_973 : vector<16xi32> to vector<16xf32>
        %add3A_975 = arith.constant 32768 : i32
        %add3A_976 = vector.broadcast %add3A_975 : i32 to vector<16xi32>
        %add3A_977 = arith.addi %bitcast3A_967, %add3A_976 : vector<16xi32>
        %and3A_978 = arith.constant -65536 : i32
        %and3A_979 = vector.broadcast %and3A_978 : i32 to vector<16xi32>
        %and3A_980 = arith.andi %add3A_977, %and3A_979 : vector<16xi32>
        %bitcast3A_981 = vector.bitcast %and3A_980 : vector<16xi32> to vector<16xf32>
        %mul3A_982 = arith.mulf %bitcast3A_974, %gather3A_886 : vector<16xf32>
        %add3A_983 = arith.addf %add3A_881, %mul3A_982 : vector<16xf32>
        %mul3A_984 = arith.mulf %bitcast3A_981, %gather3A_889 : vector<16xf32>
        %add3A_985 = arith.addf %add3A_883, %mul3A_984 : vector<16xf32>
        %add3A_986 = vector.broadcast %mul3A_469 : i32 to vector<16xi32>
        %add3A_987 = arith.addi %add3A_986, %and3A_98 : vector<16xi32>
        %gather3A_988 = tpu.vector_load_idx %arg9[%add3A_987] : memref<768xf32, #tpu.memory_space<vmem>>[vector<16xi32>], vector<16xf32>,
        %add3A_989 = vector.broadcast %mul3A_469 : i32 to vector<16xi32>
        %add3A_990 = arith.addi %add3A_989, %and3A_104 : vector<16xi32>
        %gather3A_991 = tpu.vector_load_idx %arg9[%add3A_990] : memref<768xf32, #tpu.memory_space<vmem>>[vector<16xi32>], vector<16xf32>,
        %add3A_992 = arith.addi %add3A_471, %and3A_98 : vector<16xi32>
        %gather3A_993 = tpu.vector_load_idx %arg7[%add3A_992] : memref<49152xf32, #tpu.memory_space<vmem>>[vector<16xi32>], vector<16xf32>,
        %add3A_994 = arith.addi %add3A_471, %and3A_104 : vector<16xi32>
        %gather3A_995 = tpu.vector_load_idx %arg7[%add3A_994] : memref<49152xf32, #tpu.memory_space<vmem>>[vector<16xi32>], vector<16xf32>,
        %bitcast3A_996 = vector.bitcast %gather3A_993 : vector<16xf32> to vector<16xi32>
        %bitcast3A_997 = vector.bitcast %gather3A_995 : vector<16xf32> to vector<16xi32>
        %add3A_998 = arith.constant 32768 : i32
        %add3A_999 = vector.broadcast %add3A_998 : i32 to vector<16xi32>
        %add3A_1000 = arith.addi %bitcast3A_996, %add3A_999 : vector<16xi32>
        %and3A_1001 = arith.constant -65536 : i32
        %and3A_1002 = vector.broadcast %and3A_1001 : i32 to vector<16xi32>
        %and3A_1003 = arith.andi %add3A_1000, %and3A_1002 : vector<16xi32>
        %bitcast3A_1004 = vector.bitcast %and3A_1003 : vector<16xi32> to vector<16xf32>
        %add3A_1005 = arith.constant 32768 : i32
        %add3A_1006 = vector.broadcast %add3A_1005 : i32 to vector<16xi32>
        %add3A_1007 = arith.addi %bitcast3A_997, %add3A_1006 : vector<16xi32>
        %and3A_1008 = arith.constant -65536 : i32
        %and3A_1009 = vector.broadcast %and3A_1008 : i32 to vector<16xi32>
        %and3A_1010 = arith.andi %add3A_1007, %and3A_1009 : vector<16xi32>
        %bitcast3A_1011 = vector.bitcast %and3A_1010 : vector<16xi32> to vector<16xf32>
        %mul3A_1012 = arith.mulf %bitcast3A_1004, %gather3A_988 : vector<16xf32>
        %add3A_1013 = arith.addf %add3A_911, %mul3A_1012 : vector<16xf32>
        %mul3A_1014 = arith.mulf %bitcast3A_1011, %gather3A_991 : vector<16xf32>
        %add3A_1015 = arith.addf %add3A_913, %mul3A_1014 : vector<16xf32>
        %add3A_1016 = arith.addi %add3A_473, %and3A_98 : vector<16xi32>
        %gather3A_1017 = tpu.vector_load_idx %arg7[%add3A_1016] : memref<49152xf32, #tpu.memory_space<vmem>>[vector<16xi32>], vector<16xf32>,
        %add3A_1018 = arith.addi %add3A_473, %and3A_104 : vector<16xi32>
        %gather3A_1019 = tpu.vector_load_idx %arg7[%add3A_1018] : memref<49152xf32, #tpu.memory_space<vmem>>[vector<16xi32>], vector<16xf32>,
        %bitcast3A_1020 = vector.bitcast %gather3A_1017 : vector<16xf32> to vector<16xi32>
        %bitcast3A_1021 = vector.bitcast %gather3A_1019 : vector<16xf32> to vector<16xi32>
        %add3A_1022 = arith.constant 32768 : i32
        %add3A_1023 = vector.broadcast %add3A_1022 : i32 to vector<16xi32>
        %add3A_1024 = arith.addi %bitcast3A_1020, %add3A_1023 : vector<16xi32>
        %and3A_1025 = arith.constant -65536 : i32
        %and3A_1026 = vector.broadcast %and3A_1025 : i32 to vector<16xi32>
        %and3A_1027 = arith.andi %add3A_1024, %and3A_1026 : vector<16xi32>
        %bitcast3A_1028 = vector.bitcast %and3A_1027 : vector<16xi32> to vector<16xf32>
        %add3A_1029 = arith.constant 32768 : i32
        %add3A_1030 = vector.broadcast %add3A_1029 : i32 to vector<16xi32>
        %add3A_1031 = arith.addi %bitcast3A_1021, %add3A_1030 : vector<16xi32>
        %and3A_1032 = arith.constant -65536 : i32
        %and3A_1033 = vector.broadcast %and3A_1032 : i32 to vector<16xi32>
        %and3A_1034 = arith.andi %add3A_1031, %and3A_1033 : vector<16xi32>
        %bitcast3A_1035 = vector.bitcast %and3A_1034 : vector<16xi32> to vector<16xf32>
        %mul3A_1036 = arith.mulf %bitcast3A_1028, %gather3A_988 : vector<16xf32>
        %add3A_1037 = arith.addf %add3A_935, %mul3A_1036 : vector<16xf32>
        %mul3A_1038 = arith.mulf %bitcast3A_1035, %gather3A_991 : vector<16xf32>
        %add3A_1039 = arith.addf %add3A_937, %mul3A_1038 : vector<16xf32>
        %add3A_1040 = arith.addi %add3A_475, %and3A_98 : vector<16xi32>
        %gather3A_1041 = tpu.vector_load_idx %arg7[%add3A_1040] : memref<49152xf32, #tpu.memory_space<vmem>>[vector<16xi32>], vector<16xf32>,
        %add3A_1042 = arith.addi %add3A_475, %and3A_104 : vector<16xi32>
        %gather3A_1043 = tpu.vector_load_idx %arg7[%add3A_1042] : memref<49152xf32, #tpu.memory_space<vmem>>[vector<16xi32>], vector<16xf32>,
        %bitcast3A_1044 = vector.bitcast %gather3A_1041 : vector<16xf32> to vector<16xi32>
        %bitcast3A_1045 = vector.bitcast %gather3A_1043 : vector<16xf32> to vector<16xi32>
        %add3A_1046 = arith.constant 32768 : i32
        %add3A_1047 = vector.broadcast %add3A_1046 : i32 to vector<16xi32>
        %add3A_1048 = arith.addi %bitcast3A_1044, %add3A_1047 : vector<16xi32>
        %and3A_1049 = arith.constant -65536 : i32
        %and3A_1050 = vector.broadcast %and3A_1049 : i32 to vector<16xi32>
        %and3A_1051 = arith.andi %add3A_1048, %and3A_1050 : vector<16xi32>
        %bitcast3A_1052 = vector.bitcast %and3A_1051 : vector<16xi32> to vector<16xf32>
        %add3A_1053 = arith.constant 32768 : i32
        %add3A_1054 = vector.broadcast %add3A_1053 : i32 to vector<16xi32>
        %add3A_1055 = arith.addi %bitcast3A_1045, %add3A_1054 : vector<16xi32>
        %and3A_1056 = arith.constant -65536 : i32
        %and3A_1057 = vector.broadcast %and3A_1056 : i32 to vector<16xi32>
        %and3A_1058 = arith.andi %add3A_1055, %and3A_1057 : vector<16xi32>
        %bitcast3A_1059 = vector.bitcast %and3A_1058 : vector<16xi32> to vector<16xf32>
        %mul3A_1060 = arith.mulf %bitcast3A_1052, %gather3A_988 : vector<16xf32>
        %add3A_1061 = arith.addf %add3A_959, %mul3A_1060 : vector<16xf32>
        %mul3A_1062 = arith.mulf %bitcast3A_1059, %gather3A_991 : vector<16xf32>
        %add3A_1063 = arith.addf %add3A_961, %mul3A_1062 : vector<16xf32>
        %add3A_1064 = arith.addi %add3A_477, %and3A_98 : vector<16xi32>
        %gather3A_1065 = tpu.vector_load_idx %arg7[%add3A_1064] : memref<49152xf32, #tpu.memory_space<vmem>>[vector<16xi32>], vector<16xf32>,
        %add3A_1066 = arith.addi %add3A_477, %and3A_104 : vector<16xi32>
        %gather3A_1067 = tpu.vector_load_idx %arg7[%add3A_1066] : memref<49152xf32, #tpu.memory_space<vmem>>[vector<16xi32>], vector<16xf32>,
        %bitcast3A_1068 = vector.bitcast %gather3A_1065 : vector<16xf32> to vector<16xi32>
        %bitcast3A_1069 = vector.bitcast %gather3A_1067 : vector<16xf32> to vector<16xi32>
        %add3A_1070 = arith.constant 32768 : i32
        %add3A_1071 = vector.broadcast %add3A_1070 : i32 to vector<16xi32>
        %add3A_1072 = arith.addi %bitcast3A_1068, %add3A_1071 : vector<16xi32>
        %and3A_1073 = arith.constant -65536 : i32
        %and3A_1074 = vector.broadcast %and3A_1073 : i32 to vector<16xi32>
        %and3A_1075 = arith.andi %add3A_1072, %and3A_1074 : vector<16xi32>
        %bitcast3A_1076 = vector.bitcast %and3A_1075 : vector<16xi32> to vector<16xf32>
        %add3A_1077 = arith.constant 32768 : i32
        %add3A_1078 = vector.broadcast %add3A_1077 : i32 to vector<16xi32>
        %add3A_1079 = arith.addi %bitcast3A_1069, %add3A_1078 : vector<16xi32>
        %and3A_1080 = arith.constant -65536 : i32
        %and3A_1081 = vector.broadcast %and3A_1080 : i32 to vector<16xi32>
        %and3A_1082 = arith.andi %add3A_1079, %and3A_1081 : vector<16xi32>
        %bitcast3A_1083 = vector.bitcast %and3A_1082 : vector<16xi32> to vector<16xf32>
        %mul3A_1084 = arith.mulf %bitcast3A_1076, %gather3A_988 : vector<16xf32>
        %add3A_1085 = arith.addf %add3A_983, %mul3A_1084 : vector<16xf32>
        %mul3A_1086 = arith.mulf %bitcast3A_1083, %gather3A_991 : vector<16xf32>
        %add3A_1087 = arith.addf %add3A_985, %mul3A_1086 : vector<16xf32>
        %add3A_1088 = vector.broadcast %mul3A_469 : i32 to vector<16xi32>
        %add3A_1089 = arith.addi %add3A_1088, %and3A_110 : vector<16xi32>
        %gather3A_1090 = tpu.vector_load_idx %arg9[%add3A_1089] : memref<768xf32, #tpu.memory_space<vmem>>[vector<16xi32>], vector<16xf32>,
        %add3A_1091 = vector.broadcast %mul3A_469 : i32 to vector<16xi32>
        %add3A_1092 = arith.addi %add3A_1091, %and3A_116 : vector<16xi32>
        %gather3A_1093 = tpu.vector_load_idx %arg9[%add3A_1092] : memref<768xf32, #tpu.memory_space<vmem>>[vector<16xi32>], vector<16xf32>,
        %add3A_1094 = arith.addi %add3A_471, %and3A_110 : vector<16xi32>
        %gather3A_1095 = tpu.vector_load_idx %arg7[%add3A_1094] : memref<49152xf32, #tpu.memory_space<vmem>>[vector<16xi32>], vector<16xf32>,
        %add3A_1096 = arith.addi %add3A_471, %and3A_116 : vector<16xi32>
        %gather3A_1097 = tpu.vector_load_idx %arg7[%add3A_1096] : memref<49152xf32, #tpu.memory_space<vmem>>[vector<16xi32>], vector<16xf32>,
        %bitcast3A_1098 = vector.bitcast %gather3A_1095 : vector<16xf32> to vector<16xi32>
        %bitcast3A_1099 = vector.bitcast %gather3A_1097 : vector<16xf32> to vector<16xi32>
        %add3A_1100 = arith.constant 32768 : i32
        %add3A_1101 = vector.broadcast %add3A_1100 : i32 to vector<16xi32>
        %add3A_1102 = arith.addi %bitcast3A_1098, %add3A_1101 : vector<16xi32>
        %and3A_1103 = arith.constant -65536 : i32
        %and3A_1104 = vector.broadcast %and3A_1103 : i32 to vector<16xi32>
        %and3A_1105 = arith.andi %add3A_1102, %and3A_1104 : vector<16xi32>
        %bitcast3A_1106 = vector.bitcast %and3A_1105 : vector<16xi32> to vector<16xf32>
        %add3A_1107 = arith.constant 32768 : i32
        %add3A_1108 = vector.broadcast %add3A_1107 : i32 to vector<16xi32>
        %add3A_1109 = arith.addi %bitcast3A_1099, %add3A_1108 : vector<16xi32>
        %and3A_1110 = arith.constant -65536 : i32
        %and3A_1111 = vector.broadcast %and3A_1110 : i32 to vector<16xi32>
        %and3A_1112 = arith.andi %add3A_1109, %and3A_1111 : vector<16xi32>
        %bitcast3A_1113 = vector.bitcast %and3A_1112 : vector<16xi32> to vector<16xf32>
        %mul3A_1114 = arith.mulf %bitcast3A_1106, %gather3A_1090 : vector<16xf32>
        %add3A_1115 = arith.addf %add3A_1013, %mul3A_1114 : vector<16xf32>
        %mul3A_1116 = arith.mulf %bitcast3A_1113, %gather3A_1093 : vector<16xf32>
        %add3A_1117 = arith.addf %add3A_1015, %mul3A_1116 : vector<16xf32>
        %add3A_1118 = arith.addi %add3A_473, %and3A_110 : vector<16xi32>
        %gather3A_1119 = tpu.vector_load_idx %arg7[%add3A_1118] : memref<49152xf32, #tpu.memory_space<vmem>>[vector<16xi32>], vector<16xf32>,
        %add3A_1120 = arith.addi %add3A_473, %and3A_116 : vector<16xi32>
        %gather3A_1121 = tpu.vector_load_idx %arg7[%add3A_1120] : memref<49152xf32, #tpu.memory_space<vmem>>[vector<16xi32>], vector<16xf32>,
        %bitcast3A_1122 = vector.bitcast %gather3A_1119 : vector<16xf32> to vector<16xi32>
        %bitcast3A_1123 = vector.bitcast %gather3A_1121 : vector<16xf32> to vector<16xi32>
        %add3A_1124 = arith.constant 32768 : i32
        %add3A_1125 = vector.broadcast %add3A_1124 : i32 to vector<16xi32>
        %add3A_1126 = arith.addi %bitcast3A_1122, %add3A_1125 : vector<16xi32>
        %and3A_1127 = arith.constant -65536 : i32
        %and3A_1128 = vector.broadcast %and3A_1127 : i32 to vector<16xi32>
        %and3A_1129 = arith.andi %add3A_1126, %and3A_1128 : vector<16xi32>
        %bitcast3A_1130 = vector.bitcast %and3A_1129 : vector<16xi32> to vector<16xf32>
        %add3A_1131 = arith.constant 32768 : i32
        %add3A_1132 = vector.broadcast %add3A_1131 : i32 to vector<16xi32>
        %add3A_1133 = arith.addi %bitcast3A_1123, %add3A_1132 : vector<16xi32>
        %and3A_1134 = arith.constant -65536 : i32
        %and3A_1135 = vector.broadcast %and3A_1134 : i32 to vector<16xi32>
        %and3A_1136 = arith.andi %add3A_1133, %and3A_1135 : vector<16xi32>
        %bitcast3A_1137 = vector.bitcast %and3A_1136 : vector<16xi32> to vector<16xf32>
        %mul3A_1138 = arith.mulf %bitcast3A_1130, %gather3A_1090 : vector<16xf32>
        %add3A_1139 = arith.addf %add3A_1037, %mul3A_1138 : vector<16xf32>
        %mul3A_1140 = arith.mulf %bitcast3A_1137, %gather3A_1093 : vector<16xf32>
        %add3A_1141 = arith.addf %add3A_1039, %mul3A_1140 : vector<16xf32>
        %add3A_1142 = arith.addi %add3A_475, %and3A_110 : vector<16xi32>
        %gather3A_1143 = tpu.vector_load_idx %arg7[%add3A_1142] : memref<49152xf32, #tpu.memory_space<vmem>>[vector<16xi32>], vector<16xf32>,
        %add3A_1144 = arith.addi %add3A_475, %and3A_116 : vector<16xi32>
        %gather3A_1145 = tpu.vector_load_idx %arg7[%add3A_1144] : memref<49152xf32, #tpu.memory_space<vmem>>[vector<16xi32>], vector<16xf32>,
        %bitcast3A_1146 = vector.bitcast %gather3A_1143 : vector<16xf32> to vector<16xi32>
        %bitcast3A_1147 = vector.bitcast %gather3A_1145 : vector<16xf32> to vector<16xi32>
        %add3A_1148 = arith.constant 32768 : i32
        %add3A_1149 = vector.broadcast %add3A_1148 : i32 to vector<16xi32>
        %add3A_1150 = arith.addi %bitcast3A_1146, %add3A_1149 : vector<16xi32>
        %and3A_1151 = arith.constant -65536 : i32
        %and3A_1152 = vector.broadcast %and3A_1151 : i32 to vector<16xi32>
        %and3A_1153 = arith.andi %add3A_1150, %and3A_1152 : vector<16xi32>
        %bitcast3A_1154 = vector.bitcast %and3A_1153 : vector<16xi32> to vector<16xf32>
        %add3A_1155 = arith.constant 32768 : i32
        %add3A_1156 = vector.broadcast %add3A_1155 : i32 to vector<16xi32>
        %add3A_1157 = arith.addi %bitcast3A_1147, %add3A_1156 : vector<16xi32>
        %and3A_1158 = arith.constant -65536 : i32
        %and3A_1159 = vector.broadcast %and3A_1158 : i32 to vector<16xi32>
        %and3A_1160 = arith.andi %add3A_1157, %and3A_1159 : vector<16xi32>
        %bitcast3A_1161 = vector.bitcast %and3A_1160 : vector<16xi32> to vector<16xf32>
        %mul3A_1162 = arith.mulf %bitcast3A_1154, %gather3A_1090 : vector<16xf32>
        %add3A_1163 = arith.addf %add3A_1061, %mul3A_1162 : vector<16xf32>
        %mul3A_1164 = arith.mulf %bitcast3A_1161, %gather3A_1093 : vector<16xf32>
        %add3A_1165 = arith.addf %add3A_1063, %mul3A_1164 : vector<16xf32>
        %add3A_1166 = arith.addi %add3A_477, %and3A_110 : vector<16xi32>
        %gather3A_1167 = tpu.vector_load_idx %arg7[%add3A_1166] : memref<49152xf32, #tpu.memory_space<vmem>>[vector<16xi32>], vector<16xf32>,
        %add3A_1168 = arith.addi %add3A_477, %and3A_116 : vector<16xi32>
        %gather3A_1169 = tpu.vector_load_idx %arg7[%add3A_1168] : memref<49152xf32, #tpu.memory_space<vmem>>[vector<16xi32>], vector<16xf32>,
        %bitcast3A_1170 = vector.bitcast %gather3A_1167 : vector<16xf32> to vector<16xi32>
        %bitcast3A_1171 = vector.bitcast %gather3A_1169 : vector<16xf32> to vector<16xi32>
        %add3A_1172 = arith.constant 32768 : i32
        %add3A_1173 = vector.broadcast %add3A_1172 : i32 to vector<16xi32>
        %add3A_1174 = arith.addi %bitcast3A_1170, %add3A_1173 : vector<16xi32>
        %and3A_1175 = arith.constant -65536 : i32
        %and3A_1176 = vector.broadcast %and3A_1175 : i32 to vector<16xi32>
        %and3A_1177 = arith.andi %add3A_1174, %and3A_1176 : vector<16xi32>
        %bitcast3A_1178 = vector.bitcast %and3A_1177 : vector<16xi32> to vector<16xf32>
        %add3A_1179 = arith.constant 32768 : i32
        %add3A_1180 = vector.broadcast %add3A_1179 : i32 to vector<16xi32>
        %add3A_1181 = arith.addi %bitcast3A_1171, %add3A_1180 : vector<16xi32>
        %and3A_1182 = arith.constant -65536 : i32
        %and3A_1183 = vector.broadcast %and3A_1182 : i32 to vector<16xi32>
        %and3A_1184 = arith.andi %add3A_1181, %and3A_1183 : vector<16xi32>
        %bitcast3A_1185 = vector.bitcast %and3A_1184 : vector<16xi32> to vector<16xf32>
        %mul3A_1186 = arith.mulf %bitcast3A_1178, %gather3A_1090 : vector<16xf32>
        %add3A_1187 = arith.addf %add3A_1085, %mul3A_1186 : vector<16xf32>
        %mul3A_1188 = arith.mulf %bitcast3A_1185, %gather3A_1093 : vector<16xf32>
        %add3A_1189 = arith.addf %add3A_1087, %mul3A_1188 : vector<16xf32>
        %add3A_1190 = vector.broadcast %mul3A_469 : i32 to vector<16xi32>
        %add3A_1191 = arith.addi %add3A_1190, %and3A_122 : vector<16xi32>
        %gather3A_1192 = tpu.vector_load_idx %arg9[%add3A_1191] : memref<768xf32, #tpu.memory_space<vmem>>[vector<16xi32>], vector<16xf32>,
        %add3A_1193 = vector.broadcast %mul3A_469 : i32 to vector<16xi32>
        %add3A_1194 = arith.addi %add3A_1193, %and3A_128 : vector<16xi32>
        %gather3A_1195 = tpu.vector_load_idx %arg9[%add3A_1194] : memref<768xf32, #tpu.memory_space<vmem>>[vector<16xi32>], vector<16xf32>,
        %add3A_1196 = arith.addi %add3A_471, %and3A_122 : vector<16xi32>
        %gather3A_1197 = tpu.vector_load_idx %arg7[%add3A_1196] : memref<49152xf32, #tpu.memory_space<vmem>>[vector<16xi32>], vector<16xf32>,
        %add3A_1198 = arith.addi %add3A_471, %and3A_128 : vector<16xi32>
        %gather3A_1199 = tpu.vector_load_idx %arg7[%add3A_1198] : memref<49152xf32, #tpu.memory_space<vmem>>[vector<16xi32>], vector<16xf32>,
        %bitcast3A_1200 = vector.bitcast %gather3A_1197 : vector<16xf32> to vector<16xi32>
        %bitcast3A_1201 = vector.bitcast %gather3A_1199 : vector<16xf32> to vector<16xi32>
        %add3A_1202 = arith.constant 32768 : i32
        %add3A_1203 = vector.broadcast %add3A_1202 : i32 to vector<16xi32>
        %add3A_1204 = arith.addi %bitcast3A_1200, %add3A_1203 : vector<16xi32>
        %and3A_1205 = arith.constant -65536 : i32
        %and3A_1206 = vector.broadcast %and3A_1205 : i32 to vector<16xi32>
        %and3A_1207 = arith.andi %add3A_1204, %and3A_1206 : vector<16xi32>
        %bitcast3A_1208 = vector.bitcast %and3A_1207 : vector<16xi32> to vector<16xf32>
        %add3A_1209 = arith.constant 32768 : i32
        %add3A_1210 = vector.broadcast %add3A_1209 : i32 to vector<16xi32>
        %add3A_1211 = arith.addi %bitcast3A_1201, %add3A_1210 : vector<16xi32>
        %and3A_1212 = arith.constant -65536 : i32
        %and3A_1213 = vector.broadcast %and3A_1212 : i32 to vector<16xi32>
        %and3A_1214 = arith.andi %add3A_1211, %and3A_1213 : vector<16xi32>
        %bitcast3A_1215 = vector.bitcast %and3A_1214 : vector<16xi32> to vector<16xf32>
        %mul3A_1216 = arith.mulf %bitcast3A_1208, %gather3A_1192 : vector<16xf32>
        %add3A_1217 = arith.addf %add3A_1115, %mul3A_1216 : vector<16xf32>
        %mul3A_1218 = arith.mulf %bitcast3A_1215, %gather3A_1195 : vector<16xf32>
        %add3A_1219 = arith.addf %add3A_1117, %mul3A_1218 : vector<16xf32>
        %add3A_1220 = arith.addi %add3A_473, %and3A_122 : vector<16xi32>
        %gather3A_1221 = tpu.vector_load_idx %arg7[%add3A_1220] : memref<49152xf32, #tpu.memory_space<vmem>>[vector<16xi32>], vector<16xf32>,
        %add3A_1222 = arith.addi %add3A_473, %and3A_128 : vector<16xi32>
        %gather3A_1223 = tpu.vector_load_idx %arg7[%add3A_1222] : memref<49152xf32, #tpu.memory_space<vmem>>[vector<16xi32>], vector<16xf32>,
        %bitcast3A_1224 = vector.bitcast %gather3A_1221 : vector<16xf32> to vector<16xi32>
        %bitcast3A_1225 = vector.bitcast %gather3A_1223 : vector<16xf32> to vector<16xi32>
        %add3A_1226 = arith.constant 32768 : i32
        %add3A_1227 = vector.broadcast %add3A_1226 : i32 to vector<16xi32>
        %add3A_1228 = arith.addi %bitcast3A_1224, %add3A_1227 : vector<16xi32>
        %and3A_1229 = arith.constant -65536 : i32
        %and3A_1230 = vector.broadcast %and3A_1229 : i32 to vector<16xi32>
        %and3A_1231 = arith.andi %add3A_1228, %and3A_1230 : vector<16xi32>
        %bitcast3A_1232 = vector.bitcast %and3A_1231 : vector<16xi32> to vector<16xf32>
        %add3A_1233 = arith.constant 32768 : i32
        %add3A_1234 = vector.broadcast %add3A_1233 : i32 to vector<16xi32>
        %add3A_1235 = arith.addi %bitcast3A_1225, %add3A_1234 : vector<16xi32>
        %and3A_1236 = arith.constant -65536 : i32
        %and3A_1237 = vector.broadcast %and3A_1236 : i32 to vector<16xi32>
        %and3A_1238 = arith.andi %add3A_1235, %and3A_1237 : vector<16xi32>
        %bitcast3A_1239 = vector.bitcast %and3A_1238 : vector<16xi32> to vector<16xf32>
        %mul3A_1240 = arith.mulf %bitcast3A_1232, %gather3A_1192 : vector<16xf32>
        %add3A_1241 = arith.addf %add3A_1139, %mul3A_1240 : vector<16xf32>
        %mul3A_1242 = arith.mulf %bitcast3A_1239, %gather3A_1195 : vector<16xf32>
        %add3A_1243 = arith.addf %add3A_1141, %mul3A_1242 : vector<16xf32>
        %add3A_1244 = arith.addi %add3A_475, %and3A_122 : vector<16xi32>
        %gather3A_1245 = tpu.vector_load_idx %arg7[%add3A_1244] : memref<49152xf32, #tpu.memory_space<vmem>>[vector<16xi32>], vector<16xf32>,
        %add3A_1246 = arith.addi %add3A_475, %and3A_128 : vector<16xi32>
        %gather3A_1247 = tpu.vector_load_idx %arg7[%add3A_1246] : memref<49152xf32, #tpu.memory_space<vmem>>[vector<16xi32>], vector<16xf32>,
        %bitcast3A_1248 = vector.bitcast %gather3A_1245 : vector<16xf32> to vector<16xi32>
        %bitcast3A_1249 = vector.bitcast %gather3A_1247 : vector<16xf32> to vector<16xi32>
        %add3A_1250 = arith.constant 32768 : i32
        %add3A_1251 = vector.broadcast %add3A_1250 : i32 to vector<16xi32>
        %add3A_1252 = arith.addi %bitcast3A_1248, %add3A_1251 : vector<16xi32>
        %and3A_1253 = arith.constant -65536 : i32
        %and3A_1254 = vector.broadcast %and3A_1253 : i32 to vector<16xi32>
        %and3A_1255 = arith.andi %add3A_1252, %and3A_1254 : vector<16xi32>
        %bitcast3A_1256 = vector.bitcast %and3A_1255 : vector<16xi32> to vector<16xf32>
        %add3A_1257 = arith.constant 32768 : i32
        %add3A_1258 = vector.broadcast %add3A_1257 : i32 to vector<16xi32>
        %add3A_1259 = arith.addi %bitcast3A_1249, %add3A_1258 : vector<16xi32>
        %and3A_1260 = arith.constant -65536 : i32
        %and3A_1261 = vector.broadcast %and3A_1260 : i32 to vector<16xi32>
        %and3A_1262 = arith.andi %add3A_1259, %and3A_1261 : vector<16xi32>
        %bitcast3A_1263 = vector.bitcast %and3A_1262 : vector<16xi32> to vector<16xf32>
        %mul3A_1264 = arith.mulf %bitcast3A_1256, %gather3A_1192 : vector<16xf32>
        %add3A_1265 = arith.addf %add3A_1163, %mul3A_1264 : vector<16xf32>
        %mul3A_1266 = arith.mulf %bitcast3A_1263, %gather3A_1195 : vector<16xf32>
        %add3A_1267 = arith.addf %add3A_1165, %mul3A_1266 : vector<16xf32>
        %add3A_1268 = arith.addi %add3A_477, %and3A_122 : vector<16xi32>
        %gather3A_1269 = tpu.vector_load_idx %arg7[%add3A_1268] : memref<49152xf32, #tpu.memory_space<vmem>>[vector<16xi32>], vector<16xf32>,
        %add3A_1270 = arith.addi %add3A_477, %and3A_128 : vector<16xi32>
        %gather3A_1271 = tpu.vector_load_idx %arg7[%add3A_1270] : memref<49152xf32, #tpu.memory_space<vmem>>[vector<16xi32>], vector<16xf32>,
        %bitcast3A_1272 = vector.bitcast %gather3A_1269 : vector<16xf32> to vector<16xi32>
        %bitcast3A_1273 = vector.bitcast %gather3A_1271 : vector<16xf32> to vector<16xi32>
        %add3A_1274 = arith.constant 32768 : i32
        %add3A_1275 = vector.broadcast %add3A_1274 : i32 to vector<16xi32>
        %add3A_1276 = arith.addi %bitcast3A_1272, %add3A_1275 : vector<16xi32>
        %and3A_1277 = arith.constant -65536 : i32
        %and3A_1278 = vector.broadcast %and3A_1277 : i32 to vector<16xi32>
        %and3A_1279 = arith.andi %add3A_1276, %and3A_1278 : vector<16xi32>
        %bitcast3A_1280 = vector.bitcast %and3A_1279 : vector<16xi32> to vector<16xf32>
        %add3A_1281 = arith.constant 32768 : i32
        %add3A_1282 = vector.broadcast %add3A_1281 : i32 to vector<16xi32>
        %add3A_1283 = arith.addi %bitcast3A_1273, %add3A_1282 : vector<16xi32>
        %and3A_1284 = arith.constant -65536 : i32
        %and3A_1285 = vector.broadcast %and3A_1284 : i32 to vector<16xi32>
        %and3A_1286 = arith.andi %add3A_1283, %and3A_1285 : vector<16xi32>
        %bitcast3A_1287 = vector.bitcast %and3A_1286 : vector<16xi32> to vector<16xf32>
        %mul3A_1288 = arith.mulf %bitcast3A_1280, %gather3A_1192 : vector<16xf32>
        %add3A_1289 = arith.addf %add3A_1187, %mul3A_1288 : vector<16xf32>
        %mul3A_1290 = arith.mulf %bitcast3A_1287, %gather3A_1195 : vector<16xf32>
        %add3A_1291 = arith.addf %add3A_1189, %mul3A_1290 : vector<16xf32>
        scf.yield %add3A_1217, %add3A_1241, %add3A_1265, %add3A_1289, %add3A_1219, %add3A_1243, %add3A_1267, %add3A_1291 : vector<16xf32>, vector<16xf32>, vector<16xf32>, vector<16xf32>, vector<16xf32>, vector<16xf32>, vector<16xf32>, vector<16xf32>
      }
      %scan3A_164 = arith.constant 48 : i32
      %mul3A_165 = arith.constant 64 : i32
      %mul3A_166 = arith.muli %mul3A_18, %mul3A_165 : i32
      %add3A_167 = arith.constant 0 : i32
      %add3A_168 = arith.addi %mul3A_166, %add3A_167 : i32
      %add3A_169 = arith.addf %scan3A_163#0, %scan3A_163#4 : vector<16xf32>
      %get3A = arith.index_cast %add3A_168 : i32 to index
      %get3A_170 = tpu.vector_load %arg10[%get3A] {strides = array<i32>} : memref<1024xf32, #tpu.memory_space<vmem>>, vector<16xf32>,
      %add3A_171 = arith.addf %add3A_169, %get3A_170 : vector<16xf32>
      %ge3A = arith.constant 0.000000e+00 : f32
      %ge3A_172 = vector.broadcast %ge3A : f32 to vector<16xf32>
      %ge3A_173 = arith.cmpf oge, %add3A_171, %ge3A_172 : vector<16xf32>
      %jit3A = arith.constant 1.000000e+00 : f32
      %jit3A_174 = arith.constant 0.000000e+00 : f32
      %broadcast_in_dim3A_175 = vector.broadcast %jit3A : f32 to vector<16xf32>
      %broadcast_in_dim3A_176 = vector.broadcast %jit3A_174 : f32 to vector<16xf32>
      %select_n3A = arith.select %ge3A_173, %broadcast_in_dim3A_175, %broadcast_in_dim3A_176 : vector<16xi1>, vector<16xf32>
      %swap3A_177 = arith.index_cast %add3A_168 : i32 to index
      %swap3A_178 = tpu.vector_load %arg11[%swap3A_177] {strides = array<i32>} : memref<1024xf32, #tpu.memory_space<vmem>>, vector<16xf32>,
      tpu.vector_store %arg11[%swap3A_177], %select_n3A {strides = array<i32>} : memref<1024xf32, #tpu.memory_space<vmem>>, vector<16xf32>,
      %add3A_179 = arith.addf %scan3A_16, %select_n3A : vector<16xf32>
      %mul3A_180 = arith.constant 64 : i32
      %mul3A_181 = arith.muli %mul3A_18, %mul3A_180 : i32
      %add3A_182 = arith.constant 16 : i32
      %add3A_183 = arith.addi %mul3A_181, %add3A_182 : i32
      %add3A_184 = arith.addf %scan3A_163#1, %scan3A_163#5 : vector<16xf32>
      %get3A_185 = arith.index_cast %add3A_183 : i32 to index
      %get3A_186 = tpu.vector_load %arg10[%get3A_185] {strides = array<i32>} : memref<1024xf32, #tpu.memory_space<vmem>>, vector<16xf32>,
      %add3A_187 = arith.addf %add3A_184, %get3A_186 : vector<16xf32>
      %ge3A_188 = arith.constant 0.000000e+00 : f32
      %ge3A_189 = vector.broadcast %ge3A_188 : f32 to vector<16xf32>
      %ge3A_190 = arith.cmpf oge, %add3A_187, %ge3A_189 : vector<16xf32>
      %jit3A_191 = arith.constant 1.000000e+00 : f32
      %jit3A_192 = arith.constant 0.000000e+00 : f32
      %broadcast_in_dim3A_193 = vector.broadcast %jit3A_191 : f32 to vector<16xf32>
      %broadcast_in_dim3A_194 = vector.broadcast %jit3A_192 : f32 to vector<16xf32>
      %select_n3A_195 = arith.select %ge3A_190, %broadcast_in_dim3A_193, %broadcast_in_dim3A_194 : vector<16xi1>, vector<16xf32>
      %swap3A_196 = arith.index_cast %add3A_183 : i32 to index
      %swap3A_197 = tpu.vector_load %arg11[%swap3A_196] {strides = array<i32>} : memref<1024xf32, #tpu.memory_space<vmem>>, vector<16xf32>,
      tpu.vector_store %arg11[%swap3A_196], %select_n3A_195 {strides = array<i32>} : memref<1024xf32, #tpu.memory_space<vmem>>, vector<16xf32>,
      %add3A_198 = arith.addf %add3A_179, %select_n3A_195 : vector<16xf32>
      %mul3A_199 = arith.constant 64 : i32
      %mul3A_200 = arith.muli %mul3A_18, %mul3A_199 : i32
      %add3A_201 = arith.constant 32 : i32
      %add3A_202 = arith.addi %mul3A_200, %add3A_201 : i32
      %add3A_203 = arith.addf %scan3A_163#2, %scan3A_163#6 : vector<16xf32>
      %get3A_204 = arith.index_cast %add3A_202 : i32 to index
      %get3A_205 = tpu.vector_load %arg10[%get3A_204] {strides = array<i32>} : memref<1024xf32, #tpu.memory_space<vmem>>, vector<16xf32>,
      %add3A_206 = arith.addf %add3A_203, %get3A_205 : vector<16xf32>
      %ge3A_207 = arith.constant 0.000000e+00 : f32
      %ge3A_208 = vector.broadcast %ge3A_207 : f32 to vector<16xf32>
      %ge3A_209 = arith.cmpf oge, %add3A_206, %ge3A_208 : vector<16xf32>
      %jit3A_210 = arith.constant 1.000000e+00 : f32
      %jit3A_211 = arith.constant 0.000000e+00 : f32
      %broadcast_in_dim3A_212 = vector.broadcast %jit3A_210 : f32 to vector<16xf32>
      %broadcast_in_dim3A_213 = vector.broadcast %jit3A_211 : f32 to vector<16xf32>
      %select_n3A_214 = arith.select %ge3A_209, %broadcast_in_dim3A_212, %broadcast_in_dim3A_213 : vector<16xi1>, vector<16xf32>
      %swap3A_215 = arith.index_cast %add3A_202 : i32 to index
      %swap3A_216 = tpu.vector_load %arg11[%swap3A_215] {strides = array<i32>} : memref<1024xf32, #tpu.memory_space<vmem>>, vector<16xf32>,
      tpu.vector_store %arg11[%swap3A_215], %select_n3A_214 {strides = array<i32>} : memref<1024xf32, #tpu.memory_space<vmem>>, vector<16xf32>,
      %add3A_217 = arith.addf %add3A_198, %select_n3A_214 : vector<16xf32>
      %mul3A_218 = arith.constant 64 : i32
      %mul3A_219 = arith.muli %mul3A_18, %mul3A_218 : i32
      %add3A_220 = arith.constant 48 : i32
      %add3A_221 = arith.addi %mul3A_219, %add3A_220 : i32
      %add3A_222 = arith.addf %scan3A_163#3, %scan3A_163#7 : vector<16xf32>
      %get3A_223 = arith.index_cast %add3A_221 : i32 to index
      %get3A_224 = tpu.vector_load %arg10[%get3A_223] {strides = array<i32>} : memref<1024xf32, #tpu.memory_space<vmem>>, vector<16xf32>,
      %add3A_225 = arith.addf %add3A_222, %get3A_224 : vector<16xf32>
      %ge3A_226 = arith.constant 0.000000e+00 : f32
      %ge3A_227 = vector.broadcast %ge3A_226 : f32 to vector<16xf32>
      %ge3A_228 = arith.cmpf oge, %add3A_225, %ge3A_227 : vector<16xf32>
      %jit3A_229 = arith.constant 1.000000e+00 : f32
      %jit3A_230 = arith.constant 0.000000e+00 : f32
      %broadcast_in_dim3A_231 = vector.broadcast %jit3A_229 : f32 to vector<16xf32>
      %broadcast_in_dim3A_232 = vector.broadcast %jit3A_230 : f32 to vector<16xf32>
      %select_n3A_233 = arith.select %ge3A_228, %broadcast_in_dim3A_231, %broadcast_in_dim3A_232 : vector<16xi1>, vector<16xf32>
      %swap3A_234 = arith.index_cast %add3A_221 : i32 to index
      %swap3A_235 = tpu.vector_load %arg11[%swap3A_234] {strides = array<i32>} : memref<1024xf32, #tpu.memory_space<vmem>>, vector<16xf32>,
      tpu.vector_store %arg11[%swap3A_234], %select_n3A_233 {strides = array<i32>} : memref<1024xf32, #tpu.memory_space<vmem>>, vector<16xf32>,
      %add3A_236 = arith.addf %add3A_217, %select_n3A_233 : vector<16xf32>
      %lt3A = arith.constant 7 : i32
      %lt3A_237 = arith.cmpi slt, %scan3A_15, %lt3A : i32
      %convert_element_type3A = arith.extui %lt3A_237 : i1 to i32
      %cond3A = arith.constant 0 : i32
      %cond3A_238 = arith.cmpi ne, %convert_element_type3A, %cond3A : i32
      scf.if %cond3A_238 {
        %add3A_459 = arith.constant 2 : i32
        %add3A_460 = arith.addi %mul3A_18, %add3A_459 : i32
        %mul3A_461 = arith.constant 64 : i32
        %mul3A_462 = arith.muli %add3A_460, %mul3A_461 : i32
        %add3A_463 = arith.addi %mul3A_2, %mul3A_462 : i32
        %mul3A_464 = arith.constant 768 : i32
        %mul3A_465 = arith.muli %add3A_463, %mul3A_464 : i32
        %dma_start3A_466 = tpu.memref_slice %arg2[%mul3A_465] : memref<25165824xf32, #tpu.memory_space<hbm>> -> memref<49152xf32, #tpu.memory_space<hbm>>
        %dma_start3A_467 = tpu.memref_slice %arg2[%mul3A_465] : memref<25165824xf32, #tpu.memory_space<hbm>> -> memref<49152xf32, #tpu.memory_space<hbm>>
        tpu.enqueue_dma source(%dma_start3A_467 : memref<49152xf32, #tpu.memory_space<hbm>>) target(%arg7 : memref<49152xf32, #tpu.memory_space<vmem>>) target_semaphore(%arg13 : memref<!tpu.dma_semaphore, #tpu.memory_space<semaphore_mem>>)
      } else {
      }
      %add3A_239 = arith.constant 1 : i32
      %add3A_240 = arith.addi %mul3A_18, %add3A_239 : i32
      %mul3A_241 = arith.constant 64 : i32
      %mul3A_242 = arith.muli %add3A_240, %mul3A_241 : i32
      %add3A_243 = arith.addi %mul3A_2, %mul3A_242 : i32
      %mul3A_244 = arith.constant 768 : i32
      %mul3A_245 = arith.muli %add3A_243, %mul3A_244 : i32
      %dma_wait3A_246 = tpu.memref_slice %arg2[%mul3A_245] : memref<25165824xf32, #tpu.memory_space<hbm>> -> memref<49152xf32, #tpu.memory_space<hbm>>
      %dma_wait3A_247 = tpu.memref_slice %arg2[%mul3A_245] : memref<25165824xf32, #tpu.memory_space<hbm>> -> memref<49152xf32, #tpu.memory_space<hbm>>
      tpu.wait_dma2 semaphore(%arg14 : memref<!tpu.dma_semaphore, #tpu.memory_space<semaphore_mem>>) src(%dma_wait3A_247 : memref<49152xf32, #tpu.memory_space<hbm>>) dst(%arg8 : memref<49152xf32, #tpu.memory_space<vmem>>)
      %add3A_248 = arith.constant 1 : i32
      %add3A_249 = arith.addi %mul3A_18, %add3A_248 : i32
      %iota3A_250 = tpu.iota {dimensions = array<i32: 0>} : vector<16xi32>
      %add3A_251 = arith.constant 0 : i32
      %add3A_252 = vector.broadcast %add3A_251 : i32 to vector<16xi32>
      %add3A_253 = arith.addi %iota3A_250, %add3A_252 : vector<16xi32>
      %and3A_254 = arith.constant 15 : i32
      %and3A_255 = vector.broadcast %and3A_254 : i32 to vector<16xi32>
      %and3A_256 = arith.andi %add3A_253, %and3A_255 : vector<16xi32>
      %add3A_257 = arith.constant 1 : i32
      %add3A_258 = vector.broadcast %add3A_257 : i32 to vector<16xi32>
      %add3A_259 = arith.addi %iota3A_250, %add3A_258 : vector<16xi32>
      %and3A_260 = arith.constant 15 : i32
      %and3A_261 = vector.broadcast %and3A_260 : i32 to vector<16xi32>
      %and3A_262 = arith.andi %add3A_259, %and3A_261 : vector<16xi32>
      %add3A_263 = arith.constant 2 : i32
      %add3A_264 = vector.broadcast %add3A_263 : i32 to vector<16xi32>
      %add3A_265 = arith.addi %iota3A_250, %add3A_264 : vector<16xi32>
      %and3A_266 = arith.constant 15 : i32
      %and3A_267 = vector.broadcast %and3A_266 : i32 to vector<16xi32>
      %and3A_268 = arith.andi %add3A_265, %and3A_267 : vector<16xi32>
      %add3A_269 = arith.constant 3 : i32
      %add3A_270 = vector.broadcast %add3A_269 : i32 to vector<16xi32>
      %add3A_271 = arith.addi %iota3A_250, %add3A_270 : vector<16xi32>
      %and3A_272 = arith.constant 15 : i32
      %and3A_273 = vector.broadcast %and3A_272 : i32 to vector<16xi32>
      %and3A_274 = arith.andi %add3A_271, %and3A_273 : vector<16xi32>
      %add3A_275 = arith.constant 4 : i32
      %add3A_276 = vector.broadcast %add3A_275 : i32 to vector<16xi32>
      %add3A_277 = arith.addi %iota3A_250, %add3A_276 : vector<16xi32>
      %and3A_278 = arith.constant 15 : i32
      %and3A_279 = vector.broadcast %and3A_278 : i32 to vector<16xi32>
      %and3A_280 = arith.andi %add3A_277, %and3A_279 : vector<16xi32>
      %add3A_281 = arith.constant 5 : i32
      %add3A_282 = vector.broadcast %add3A_281 : i32 to vector<16xi32>
      %add3A_283 = arith.addi %iota3A_250, %add3A_282 : vector<16xi32>
      %and3A_284 = arith.constant 15 : i32
      %and3A_285 = vector.broadcast %and3A_284 : i32 to vector<16xi32>
      %and3A_286 = arith.andi %add3A_283, %and3A_285 : vector<16xi32>
      %add3A_287 = arith.constant 6 : i32
      %add3A_288 = vector.broadcast %add3A_287 : i32 to vector<16xi32>
      %add3A_289 = arith.addi %iota3A_250, %add3A_288 : vector<16xi32>
      %and3A_290 = arith.constant 15 : i32
      %and3A_291 = vector.broadcast %and3A_290 : i32 to vector<16xi32>
      %and3A_292 = arith.andi %add3A_289, %and3A_291 : vector<16xi32>
      %add3A_293 = arith.constant 7 : i32
      %add3A_294 = vector.broadcast %add3A_293 : i32 to vector<16xi32>
      %add3A_295 = arith.addi %iota3A_250, %add3A_294 : vector<16xi32>
      %and3A_296 = arith.constant 15 : i32
      %and3A_297 = vector.broadcast %and3A_296 : i32 to vector<16xi32>
      %and3A_298 = arith.andi %add3A_295, %and3A_297 : vector<16xi32>
      %add3A_299 = arith.constant 8 : i32
      %add3A_300 = vector.broadcast %add3A_299 : i32 to vector<16xi32>
      %add3A_301 = arith.addi %iota3A_250, %add3A_300 : vector<16xi32>
      %and3A_302 = arith.constant 15 : i32
      %and3A_303 = vector.broadcast %and3A_302 : i32 to vector<16xi32>
      %and3A_304 = arith.andi %add3A_301, %and3A_303 : vector<16xi32>
      %add3A_305 = arith.constant 9 : i32
      %add3A_306 = vector.broadcast %add3A_305 : i32 to vector<16xi32>
      %add3A_307 = arith.addi %iota3A_250, %add3A_306 : vector<16xi32>
      %and3A_308 = arith.constant 15 : i32
      %and3A_309 = vector.broadcast %and3A_308 : i32 to vector<16xi32>
      %and3A_310 = arith.andi %add3A_307, %and3A_309 : vector<16xi32>
      %add3A_311 = arith.constant 10 : i32
      %add3A_312 = vector.broadcast %add3A_311 : i32 to vector<16xi32>
      %add3A_313 = arith.addi %iota3A_250, %add3A_312 : vector<16xi32>
      %and3A_314 = arith.constant 15 : i32
      %and3A_315 = vector.broadcast %and3A_314 : i32 to vector<16xi32>
      %and3A_316 = arith.andi %add3A_313, %and3A_315 : vector<16xi32>
      %add3A_317 = arith.constant 11 : i32
      %add3A_318 = vector.broadcast %add3A_317 : i32 to vector<16xi32>
      %add3A_319 = arith.addi %iota3A_250, %add3A_318 : vector<16xi32>
      %and3A_320 = arith.constant 15 : i32
      %and3A_321 = vector.broadcast %and3A_320 : i32 to vector<16xi32>
      %and3A_322 = arith.andi %add3A_319, %and3A_321 : vector<16xi32>
      %add3A_323 = arith.constant 12 : i32
      %add3A_324 = vector.broadcast %add3A_323 : i32 to vector<16xi32>
      %add3A_325 = arith.addi %iota3A_250, %add3A_324 : vector<16xi32>
      %and3A_326 = arith.constant 15 : i32
      %and3A_327 = vector.broadcast %and3A_326 : i32 to vector<16xi32>
      %and3A_328 = arith.andi %add3A_325, %and3A_327 : vector<16xi32>
      %add3A_329 = arith.constant 13 : i32
      %add3A_330 = vector.broadcast %add3A_329 : i32 to vector<16xi32>
      %add3A_331 = arith.addi %iota3A_250, %add3A_330 : vector<16xi32>
      %and3A_332 = arith.constant 15 : i32
      %and3A_333 = vector.broadcast %and3A_332 : i32 to vector<16xi32>
      %and3A_334 = arith.andi %add3A_331, %and3A_333 : vector<16xi32>
      %add3A_335 = arith.constant 14 : i32
      %add3A_336 = vector.broadcast %add3A_335 : i32 to vector<16xi32>
      %add3A_337 = arith.addi %iota3A_250, %add3A_336 : vector<16xi32>
      %and3A_338 = arith.constant 15 : i32
      %and3A_339 = vector.broadcast %and3A_338 : i32 to vector<16xi32>
      %and3A_340 = arith.andi %add3A_337, %and3A_339 : vector<16xi32>
      %add3A_341 = arith.constant 15 : i32
      %add3A_342 = vector.broadcast %add3A_341 : i32 to vector<16xi32>
      %add3A_343 = arith.addi %iota3A_250, %add3A_342 : vector<16xi32>
      %and3A_344 = arith.constant 15 : i32
      %and3A_345 = vector.broadcast %and3A_344 : i32 to vector<16xi32>
      %and3A_346 = arith.andi %add3A_343, %and3A_345 : vector<16xi32>
      %iota3A_347 = tpu.iota {dimensions = array<i32: 0>} : vector<16xi32>
      %add3A_348 = arith.constant 0 : i32
      %add3A_349 = vector.broadcast %add3A_348 : i32 to vector<16xi32>
      %add3A_350 = arith.addi %add3A_349, %iota3A_347 : vector<16xi32>
      %mul3A_351 = arith.constant 768 : i32
      %mul3A_352 = vector.broadcast %mul3A_351 : i32 to vector<16xi32>
      %mul3A_353 = arith.muli %add3A_350, %mul3A_352 : vector<16xi32>
      %iota3A_354 = tpu.iota {dimensions = array<i32: 0>} : vector<16xi32>
      %add3A_355 = arith.constant 16 : i32
      %add3A_356 = vector.broadcast %add3A_355 : i32 to vector<16xi32>
      %add3A_357 = arith.addi %add3A_356, %iota3A_354 : vector<16xi32>
      %mul3A_358 = arith.constant 768 : i32
      %mul3A_359 = vector.broadcast %mul3A_358 : i32 to vector<16xi32>
      %mul3A_360 = arith.muli %add3A_357, %mul3A_359 : vector<16xi32>
      %iota3A_361 = tpu.iota {dimensions = array<i32: 0>} : vector<16xi32>
      %add3A_362 = arith.constant 32 : i32
      %add3A_363 = vector.broadcast %add3A_362 : i32 to vector<16xi32>
      %add3A_364 = arith.addi %add3A_363, %iota3A_361 : vector<16xi32>
      %mul3A_365 = arith.constant 768 : i32
      %mul3A_366 = vector.broadcast %mul3A_365 : i32 to vector<16xi32>
      %mul3A_367 = arith.muli %add3A_364, %mul3A_366 : vector<16xi32>
      %iota3A_368 = tpu.iota {dimensions = array<i32: 0>} : vector<16xi32>
      %add3A_369 = arith.constant 48 : i32
      %add3A_370 = vector.broadcast %add3A_369 : i32 to vector<16xi32>
      %add3A_371 = arith.addi %add3A_370, %iota3A_368 : vector<16xi32>
      %mul3A_372 = arith.constant 768 : i32
      %mul3A_373 = vector.broadcast %mul3A_372 : i32 to vector<16xi32>
      %mul3A_374 = arith.muli %add3A_371, %mul3A_373 : vector<16xi32>
      %broadcast_in_dim3A_375 = arith.constant 0.000000e+00 : f32
      %broadcast_in_dim3A_376 = vector.broadcast %broadcast_in_dim3A_375 : f32 to vector<16xf32>
      %scan3A_377 = arith.constant 0 : i32
      %scan3A_378 = arith.constant 48 : i32
      %scan3A_379 = arith.addi %scan3A_377, %scan3A_378 : i32
      %scan3A_380 = arith.constant 1 : i32
      %scan3A_381:8 = scf.for %scan3A_459 = %scan3A_377 to %scan3A_379 step %scan3A_380 iter_args(%scan3A_460 = %broadcast_in_dim3A_376, %scan3A_461 = %broadcast_in_dim3A_376, %scan3A_462 = %broadcast_in_dim3A_376, %scan3A_463 = %broadcast_in_dim3A_376, %scan3A_464 = %broadcast_in_dim3A_376, %scan3A_465 = %broadcast_in_dim3A_376, %scan3A_466 = %broadcast_in_dim3A_376, %scan3A_467 = %broadcast_in_dim3A_376) -> (vector<16xf32>, vector<16xf32>, vector<16xf32>, vector<16xf32>, vector<16xf32>, vector<16xf32>, vector<16xf32>, vector<16xf32>)  : i32 {
        %mul3A_468 = arith.constant 16 : i32
        %mul3A_469 = arith.muli %scan3A_459, %mul3A_468 : i32
        %add3A_470 = vector.broadcast %mul3A_469 : i32 to vector<16xi32>
        %add3A_471 = arith.addi %mul3A_353, %add3A_470 : vector<16xi32>
        %add3A_472 = vector.broadcast %mul3A_469 : i32 to vector<16xi32>
        %add3A_473 = arith.addi %mul3A_360, %add3A_472 : vector<16xi32>
        %add3A_474 = vector.broadcast %mul3A_469 : i32 to vector<16xi32>
        %add3A_475 = arith.addi %mul3A_367, %add3A_474 : vector<16xi32>
        %add3A_476 = vector.broadcast %mul3A_469 : i32 to vector<16xi32>
        %add3A_477 = arith.addi %mul3A_374, %add3A_476 : vector<16xi32>
        %add3A_478 = vector.broadcast %mul3A_469 : i32 to vector<16xi32>
        %add3A_479 = arith.addi %add3A_478, %and3A_256 : vector<16xi32>
        %gather3A = tpu.vector_load_idx %arg9[%add3A_479] : memref<768xf32, #tpu.memory_space<vmem>>[vector<16xi32>], vector<16xf32>,
        %add3A_480 = vector.broadcast %mul3A_469 : i32 to vector<16xi32>
        %add3A_481 = arith.addi %add3A_480, %and3A_262 : vector<16xi32>
        %gather3A_482 = tpu.vector_load_idx %arg9[%add3A_481] : memref<768xf32, #tpu.memory_space<vmem>>[vector<16xi32>], vector<16xf32>,
        %add3A_483 = arith.addi %add3A_471, %and3A_256 : vector<16xi32>
        %gather3A_484 = tpu.vector_load_idx %arg8[%add3A_483] : memref<49152xf32, #tpu.memory_space<vmem>>[vector<16xi32>], vector<16xf32>,
        %add3A_485 = arith.addi %add3A_471, %and3A_262 : vector<16xi32>
        %gather3A_486 = tpu.vector_load_idx %arg8[%add3A_485] : memref<49152xf32, #tpu.memory_space<vmem>>[vector<16xi32>], vector<16xf32>,
        %bitcast3A = vector.bitcast %gather3A_484 : vector<16xf32> to vector<16xi32>
        %bitcast3A_487 = vector.bitcast %gather3A_486 : vector<16xf32> to vector<16xi32>
        %add3A_488 = arith.constant 32768 : i32
        %add3A_489 = vector.broadcast %add3A_488 : i32 to vector<16xi32>
        %add3A_490 = arith.addi %bitcast3A, %add3A_489 : vector<16xi32>
        %and3A_491 = arith.constant -65536 : i32
        %and3A_492 = vector.broadcast %and3A_491 : i32 to vector<16xi32>
        %and3A_493 = arith.andi %add3A_490, %and3A_492 : vector<16xi32>
        %bitcast3A_494 = vector.bitcast %and3A_493 : vector<16xi32> to vector<16xf32>
        %add3A_495 = arith.constant 32768 : i32
        %add3A_496 = vector.broadcast %add3A_495 : i32 to vector<16xi32>
        %add3A_497 = arith.addi %bitcast3A_487, %add3A_496 : vector<16xi32>
        %and3A_498 = arith.constant -65536 : i32
        %and3A_499 = vector.broadcast %and3A_498 : i32 to vector<16xi32>
        %and3A_500 = arith.andi %add3A_497, %and3A_499 : vector<16xi32>
        %bitcast3A_501 = vector.bitcast %and3A_500 : vector<16xi32> to vector<16xf32>
        %mul3A_502 = arith.mulf %bitcast3A_494, %gather3A : vector<16xf32>
        %add3A_503 = arith.addf %scan3A_460, %mul3A_502 : vector<16xf32>
        %mul3A_504 = arith.mulf %bitcast3A_501, %gather3A_482 : vector<16xf32>
        %add3A_505 = arith.addf %scan3A_464, %mul3A_504 : vector<16xf32>
        %add3A_506 = arith.addi %add3A_473, %and3A_256 : vector<16xi32>
        %gather3A_507 = tpu.vector_load_idx %arg8[%add3A_506] : memref<49152xf32, #tpu.memory_space<vmem>>[vector<16xi32>], vector<16xf32>,
        %add3A_508 = arith.addi %add3A_473, %and3A_262 : vector<16xi32>
        %gather3A_509 = tpu.vector_load_idx %arg8[%add3A_508] : memref<49152xf32, #tpu.memory_space<vmem>>[vector<16xi32>], vector<16xf32>,
        %bitcast3A_510 = vector.bitcast %gather3A_507 : vector<16xf32> to vector<16xi32>
        %bitcast3A_511 = vector.bitcast %gather3A_509 : vector<16xf32> to vector<16xi32>
        %add3A_512 = arith.constant 32768 : i32
        %add3A_513 = vector.broadcast %add3A_512 : i32 to vector<16xi32>
        %add3A_514 = arith.addi %bitcast3A_510, %add3A_513 : vector<16xi32>
        %and3A_515 = arith.constant -65536 : i32
        %and3A_516 = vector.broadcast %and3A_515 : i32 to vector<16xi32>
        %and3A_517 = arith.andi %add3A_514, %and3A_516 : vector<16xi32>
        %bitcast3A_518 = vector.bitcast %and3A_517 : vector<16xi32> to vector<16xf32>
        %add3A_519 = arith.constant 32768 : i32
        %add3A_520 = vector.broadcast %add3A_519 : i32 to vector<16xi32>
        %add3A_521 = arith.addi %bitcast3A_511, %add3A_520 : vector<16xi32>
        %and3A_522 = arith.constant -65536 : i32
        %and3A_523 = vector.broadcast %and3A_522 : i32 to vector<16xi32>
        %and3A_524 = arith.andi %add3A_521, %and3A_523 : vector<16xi32>
        %bitcast3A_525 = vector.bitcast %and3A_524 : vector<16xi32> to vector<16xf32>
        %mul3A_526 = arith.mulf %bitcast3A_518, %gather3A : vector<16xf32>
        %add3A_527 = arith.addf %scan3A_461, %mul3A_526 : vector<16xf32>
        %mul3A_528 = arith.mulf %bitcast3A_525, %gather3A_482 : vector<16xf32>
        %add3A_529 = arith.addf %scan3A_465, %mul3A_528 : vector<16xf32>
        %add3A_530 = arith.addi %add3A_475, %and3A_256 : vector<16xi32>
        %gather3A_531 = tpu.vector_load_idx %arg8[%add3A_530] : memref<49152xf32, #tpu.memory_space<vmem>>[vector<16xi32>], vector<16xf32>,
        %add3A_532 = arith.addi %add3A_475, %and3A_262 : vector<16xi32>
        %gather3A_533 = tpu.vector_load_idx %arg8[%add3A_532] : memref<49152xf32, #tpu.memory_space<vmem>>[vector<16xi32>], vector<16xf32>,
        %bitcast3A_534 = vector.bitcast %gather3A_531 : vector<16xf32> to vector<16xi32>
        %bitcast3A_535 = vector.bitcast %gather3A_533 : vector<16xf32> to vector<16xi32>
        %add3A_536 = arith.constant 32768 : i32
        %add3A_537 = vector.broadcast %add3A_536 : i32 to vector<16xi32>
        %add3A_538 = arith.addi %bitcast3A_534, %add3A_537 : vector<16xi32>
        %and3A_539 = arith.constant -65536 : i32
        %and3A_540 = vector.broadcast %and3A_539 : i32 to vector<16xi32>
        %and3A_541 = arith.andi %add3A_538, %and3A_540 : vector<16xi32>
        %bitcast3A_542 = vector.bitcast %and3A_541 : vector<16xi32> to vector<16xf32>
        %add3A_543 = arith.constant 32768 : i32
        %add3A_544 = vector.broadcast %add3A_543 : i32 to vector<16xi32>
        %add3A_545 = arith.addi %bitcast3A_535, %add3A_544 : vector<16xi32>
        %and3A_546 = arith.constant -65536 : i32
        %and3A_547 = vector.broadcast %and3A_546 : i32 to vector<16xi32>
        %and3A_548 = arith.andi %add3A_545, %and3A_547 : vector<16xi32>
        %bitcast3A_549 = vector.bitcast %and3A_548 : vector<16xi32> to vector<16xf32>
        %mul3A_550 = arith.mulf %bitcast3A_542, %gather3A : vector<16xf32>
        %add3A_551 = arith.addf %scan3A_462, %mul3A_550 : vector<16xf32>
        %mul3A_552 = arith.mulf %bitcast3A_549, %gather3A_482 : vector<16xf32>
        %add3A_553 = arith.addf %scan3A_466, %mul3A_552 : vector<16xf32>
        %add3A_554 = arith.addi %add3A_477, %and3A_256 : vector<16xi32>
        %gather3A_555 = tpu.vector_load_idx %arg8[%add3A_554] : memref<49152xf32, #tpu.memory_space<vmem>>[vector<16xi32>], vector<16xf32>,
        %add3A_556 = arith.addi %add3A_477, %and3A_262 : vector<16xi32>
        %gather3A_557 = tpu.vector_load_idx %arg8[%add3A_556] : memref<49152xf32, #tpu.memory_space<vmem>>[vector<16xi32>], vector<16xf32>,
        %bitcast3A_558 = vector.bitcast %gather3A_555 : vector<16xf32> to vector<16xi32>
        %bitcast3A_559 = vector.bitcast %gather3A_557 : vector<16xf32> to vector<16xi32>
        %add3A_560 = arith.constant 32768 : i32
        %add3A_561 = vector.broadcast %add3A_560 : i32 to vector<16xi32>
        %add3A_562 = arith.addi %bitcast3A_558, %add3A_561 : vector<16xi32>
        %and3A_563 = arith.constant -65536 : i32
        %and3A_564 = vector.broadcast %and3A_563 : i32 to vector<16xi32>
        %and3A_565 = arith.andi %add3A_562, %and3A_564 : vector<16xi32>
        %bitcast3A_566 = vector.bitcast %and3A_565 : vector<16xi32> to vector<16xf32>
        %add3A_567 = arith.constant 32768 : i32
        %add3A_568 = vector.broadcast %add3A_567 : i32 to vector<16xi32>
        %add3A_569 = arith.addi %bitcast3A_559, %add3A_568 : vector<16xi32>
        %and3A_570 = arith.constant -65536 : i32
        %and3A_571 = vector.broadcast %and3A_570 : i32 to vector<16xi32>
        %and3A_572 = arith.andi %add3A_569, %and3A_571 : vector<16xi32>
        %bitcast3A_573 = vector.bitcast %and3A_572 : vector<16xi32> to vector<16xf32>
        %mul3A_574 = arith.mulf %bitcast3A_566, %gather3A : vector<16xf32>
        %add3A_575 = arith.addf %scan3A_463, %mul3A_574 : vector<16xf32>
        %mul3A_576 = arith.mulf %bitcast3A_573, %gather3A_482 : vector<16xf32>
        %add3A_577 = arith.addf %scan3A_467, %mul3A_576 : vector<16xf32>
        %add3A_578 = vector.broadcast %mul3A_469 : i32 to vector<16xi32>
        %add3A_579 = arith.addi %add3A_578, %and3A_268 : vector<16xi32>
        %gather3A_580 = tpu.vector_load_idx %arg9[%add3A_579] : memref<768xf32, #tpu.memory_space<vmem>>[vector<16xi32>], vector<16xf32>,
        %add3A_581 = vector.broadcast %mul3A_469 : i32 to vector<16xi32>
        %add3A_582 = arith.addi %add3A_581, %and3A_274 : vector<16xi32>
        %gather3A_583 = tpu.vector_load_idx %arg9[%add3A_582] : memref<768xf32, #tpu.memory_space<vmem>>[vector<16xi32>], vector<16xf32>,
        %add3A_584 = arith.addi %add3A_471, %and3A_268 : vector<16xi32>
        %gather3A_585 = tpu.vector_load_idx %arg8[%add3A_584] : memref<49152xf32, #tpu.memory_space<vmem>>[vector<16xi32>], vector<16xf32>,
        %add3A_586 = arith.addi %add3A_471, %and3A_274 : vector<16xi32>
        %gather3A_587 = tpu.vector_load_idx %arg8[%add3A_586] : memref<49152xf32, #tpu.memory_space<vmem>>[vector<16xi32>], vector<16xf32>,
        %bitcast3A_588 = vector.bitcast %gather3A_585 : vector<16xf32> to vector<16xi32>
        %bitcast3A_589 = vector.bitcast %gather3A_587 : vector<16xf32> to vector<16xi32>
        %add3A_590 = arith.constant 32768 : i32
        %add3A_591 = vector.broadcast %add3A_590 : i32 to vector<16xi32>
        %add3A_592 = arith.addi %bitcast3A_588, %add3A_591 : vector<16xi32>
        %and3A_593 = arith.constant -65536 : i32
        %and3A_594 = vector.broadcast %and3A_593 : i32 to vector<16xi32>
        %and3A_595 = arith.andi %add3A_592, %and3A_594 : vector<16xi32>
        %bitcast3A_596 = vector.bitcast %and3A_595 : vector<16xi32> to vector<16xf32>
        %add3A_597 = arith.constant 32768 : i32
        %add3A_598 = vector.broadcast %add3A_597 : i32 to vector<16xi32>
        %add3A_599 = arith.addi %bitcast3A_589, %add3A_598 : vector<16xi32>
        %and3A_600 = arith.constant -65536 : i32
        %and3A_601 = vector.broadcast %and3A_600 : i32 to vector<16xi32>
        %and3A_602 = arith.andi %add3A_599, %and3A_601 : vector<16xi32>
        %bitcast3A_603 = vector.bitcast %and3A_602 : vector<16xi32> to vector<16xf32>
        %mul3A_604 = arith.mulf %bitcast3A_596, %gather3A_580 : vector<16xf32>
        %add3A_605 = arith.addf %add3A_503, %mul3A_604 : vector<16xf32>
        %mul3A_606 = arith.mulf %bitcast3A_603, %gather3A_583 : vector<16xf32>
        %add3A_607 = arith.addf %add3A_505, %mul3A_606 : vector<16xf32>
        %add3A_608 = arith.addi %add3A_473, %and3A_268 : vector<16xi32>
        %gather3A_609 = tpu.vector_load_idx %arg8[%add3A_608] : memref<49152xf32, #tpu.memory_space<vmem>>[vector<16xi32>], vector<16xf32>,
        %add3A_610 = arith.addi %add3A_473, %and3A_274 : vector<16xi32>
        %gather3A_611 = tpu.vector_load_idx %arg8[%add3A_610] : memref<49152xf32, #tpu.memory_space<vmem>>[vector<16xi32>], vector<16xf32>,
        %bitcast3A_612 = vector.bitcast %gather3A_609 : vector<16xf32> to vector<16xi32>
        %bitcast3A_613 = vector.bitcast %gather3A_611 : vector<16xf32> to vector<16xi32>
        %add3A_614 = arith.constant 32768 : i32
        %add3A_615 = vector.broadcast %add3A_614 : i32 to vector<16xi32>
        %add3A_616 = arith.addi %bitcast3A_612, %add3A_615 : vector<16xi32>
        %and3A_617 = arith.constant -65536 : i32
        %and3A_618 = vector.broadcast %and3A_617 : i32 to vector<16xi32>
        %and3A_619 = arith.andi %add3A_616, %and3A_618 : vector<16xi32>
        %bitcast3A_620 = vector.bitcast %and3A_619 : vector<16xi32> to vector<16xf32>
        %add3A_621 = arith.constant 32768 : i32
        %add3A_622 = vector.broadcast %add3A_621 : i32 to vector<16xi32>
        %add3A_623 = arith.addi %bitcast3A_613, %add3A_622 : vector<16xi32>
        %and3A_624 = arith.constant -65536 : i32
        %and3A_625 = vector.broadcast %and3A_624 : i32 to vector<16xi32>
        %and3A_626 = arith.andi %add3A_623, %and3A_625 : vector<16xi32>
        %bitcast3A_627 = vector.bitcast %and3A_626 : vector<16xi32> to vector<16xf32>
        %mul3A_628 = arith.mulf %bitcast3A_620, %gather3A_580 : vector<16xf32>
        %add3A_629 = arith.addf %add3A_527, %mul3A_628 : vector<16xf32>
        %mul3A_630 = arith.mulf %bitcast3A_627, %gather3A_583 : vector<16xf32>
        %add3A_631 = arith.addf %add3A_529, %mul3A_630 : vector<16xf32>
        %add3A_632 = arith.addi %add3A_475, %and3A_268 : vector<16xi32>
        %gather3A_633 = tpu.vector_load_idx %arg8[%add3A_632] : memref<49152xf32, #tpu.memory_space<vmem>>[vector<16xi32>], vector<16xf32>,
        %add3A_634 = arith.addi %add3A_475, %and3A_274 : vector<16xi32>
        %gather3A_635 = tpu.vector_load_idx %arg8[%add3A_634] : memref<49152xf32, #tpu.memory_space<vmem>>[vector<16xi32>], vector<16xf32>,
        %bitcast3A_636 = vector.bitcast %gather3A_633 : vector<16xf32> to vector<16xi32>
        %bitcast3A_637 = vector.bitcast %gather3A_635 : vector<16xf32> to vector<16xi32>
        %add3A_638 = arith.constant 32768 : i32
        %add3A_639 = vector.broadcast %add3A_638 : i32 to vector<16xi32>
        %add3A_640 = arith.addi %bitcast3A_636, %add3A_639 : vector<16xi32>
        %and3A_641 = arith.constant -65536 : i32
        %and3A_642 = vector.broadcast %and3A_641 : i32 to vector<16xi32>
        %and3A_643 = arith.andi %add3A_640, %and3A_642 : vector<16xi32>
        %bitcast3A_644 = vector.bitcast %and3A_643 : vector<16xi32> to vector<16xf32>
        %add3A_645 = arith.constant 32768 : i32
        %add3A_646 = vector.broadcast %add3A_645 : i32 to vector<16xi32>
        %add3A_647 = arith.addi %bitcast3A_637, %add3A_646 : vector<16xi32>
        %and3A_648 = arith.constant -65536 : i32
        %and3A_649 = vector.broadcast %and3A_648 : i32 to vector<16xi32>
        %and3A_650 = arith.andi %add3A_647, %and3A_649 : vector<16xi32>
        %bitcast3A_651 = vector.bitcast %and3A_650 : vector<16xi32> to vector<16xf32>
        %mul3A_652 = arith.mulf %bitcast3A_644, %gather3A_580 : vector<16xf32>
        %add3A_653 = arith.addf %add3A_551, %mul3A_652 : vector<16xf32>
        %mul3A_654 = arith.mulf %bitcast3A_651, %gather3A_583 : vector<16xf32>
        %add3A_655 = arith.addf %add3A_553, %mul3A_654 : vector<16xf32>
        %add3A_656 = arith.addi %add3A_477, %and3A_268 : vector<16xi32>
        %gather3A_657 = tpu.vector_load_idx %arg8[%add3A_656] : memref<49152xf32, #tpu.memory_space<vmem>>[vector<16xi32>], vector<16xf32>,
        %add3A_658 = arith.addi %add3A_477, %and3A_274 : vector<16xi32>
        %gather3A_659 = tpu.vector_load_idx %arg8[%add3A_658] : memref<49152xf32, #tpu.memory_space<vmem>>[vector<16xi32>], vector<16xf32>,
        %bitcast3A_660 = vector.bitcast %gather3A_657 : vector<16xf32> to vector<16xi32>
        %bitcast3A_661 = vector.bitcast %gather3A_659 : vector<16xf32> to vector<16xi32>
        %add3A_662 = arith.constant 32768 : i32
        %add3A_663 = vector.broadcast %add3A_662 : i32 to vector<16xi32>
        %add3A_664 = arith.addi %bitcast3A_660, %add3A_663 : vector<16xi32>
        %and3A_665 = arith.constant -65536 : i32
        %and3A_666 = vector.broadcast %and3A_665 : i32 to vector<16xi32>
        %and3A_667 = arith.andi %add3A_664, %and3A_666 : vector<16xi32>
        %bitcast3A_668 = vector.bitcast %and3A_667 : vector<16xi32> to vector<16xf32>
        %add3A_669 = arith.constant 32768 : i32
        %add3A_670 = vector.broadcast %add3A_669 : i32 to vector<16xi32>
        %add3A_671 = arith.addi %bitcast3A_661, %add3A_670 : vector<16xi32>
        %and3A_672 = arith.constant -65536 : i32
        %and3A_673 = vector.broadcast %and3A_672 : i32 to vector<16xi32>
        %and3A_674 = arith.andi %add3A_671, %and3A_673 : vector<16xi32>
        %bitcast3A_675 = vector.bitcast %and3A_674 : vector<16xi32> to vector<16xf32>
        %mul3A_676 = arith.mulf %bitcast3A_668, %gather3A_580 : vector<16xf32>
        %add3A_677 = arith.addf %add3A_575, %mul3A_676 : vector<16xf32>
        %mul3A_678 = arith.mulf %bitcast3A_675, %gather3A_583 : vector<16xf32>
        %add3A_679 = arith.addf %add3A_577, %mul3A_678 : vector<16xf32>
        %add3A_680 = vector.broadcast %mul3A_469 : i32 to vector<16xi32>
        %add3A_681 = arith.addi %add3A_680, %and3A_280 : vector<16xi32>
        %gather3A_682 = tpu.vector_load_idx %arg9[%add3A_681] : memref<768xf32, #tpu.memory_space<vmem>>[vector<16xi32>], vector<16xf32>,
        %add3A_683 = vector.broadcast %mul3A_469 : i32 to vector<16xi32>
        %add3A_684 = arith.addi %add3A_683, %and3A_286 : vector<16xi32>
        %gather3A_685 = tpu.vector_load_idx %arg9[%add3A_684] : memref<768xf32, #tpu.memory_space<vmem>>[vector<16xi32>], vector<16xf32>,
        %add3A_686 = arith.addi %add3A_471, %and3A_280 : vector<16xi32>
        %gather3A_687 = tpu.vector_load_idx %arg8[%add3A_686] : memref<49152xf32, #tpu.memory_space<vmem>>[vector<16xi32>], vector<16xf32>,
        %add3A_688 = arith.addi %add3A_471, %and3A_286 : vector<16xi32>
        %gather3A_689 = tpu.vector_load_idx %arg8[%add3A_688] : memref<49152xf32, #tpu.memory_space<vmem>>[vector<16xi32>], vector<16xf32>,
        %bitcast3A_690 = vector.bitcast %gather3A_687 : vector<16xf32> to vector<16xi32>
        %bitcast3A_691 = vector.bitcast %gather3A_689 : vector<16xf32> to vector<16xi32>
        %add3A_692 = arith.constant 32768 : i32
        %add3A_693 = vector.broadcast %add3A_692 : i32 to vector<16xi32>
        %add3A_694 = arith.addi %bitcast3A_690, %add3A_693 : vector<16xi32>
        %and3A_695 = arith.constant -65536 : i32
        %and3A_696 = vector.broadcast %and3A_695 : i32 to vector<16xi32>
        %and3A_697 = arith.andi %add3A_694, %and3A_696 : vector<16xi32>
        %bitcast3A_698 = vector.bitcast %and3A_697 : vector<16xi32> to vector<16xf32>
        %add3A_699 = arith.constant 32768 : i32
        %add3A_700 = vector.broadcast %add3A_699 : i32 to vector<16xi32>
        %add3A_701 = arith.addi %bitcast3A_691, %add3A_700 : vector<16xi32>
        %and3A_702 = arith.constant -65536 : i32
        %and3A_703 = vector.broadcast %and3A_702 : i32 to vector<16xi32>
        %and3A_704 = arith.andi %add3A_701, %and3A_703 : vector<16xi32>
        %bitcast3A_705 = vector.bitcast %and3A_704 : vector<16xi32> to vector<16xf32>
        %mul3A_706 = arith.mulf %bitcast3A_698, %gather3A_682 : vector<16xf32>
        %add3A_707 = arith.addf %add3A_605, %mul3A_706 : vector<16xf32>
        %mul3A_708 = arith.mulf %bitcast3A_705, %gather3A_685 : vector<16xf32>
        %add3A_709 = arith.addf %add3A_607, %mul3A_708 : vector<16xf32>
        %add3A_710 = arith.addi %add3A_473, %and3A_280 : vector<16xi32>
        %gather3A_711 = tpu.vector_load_idx %arg8[%add3A_710] : memref<49152xf32, #tpu.memory_space<vmem>>[vector<16xi32>], vector<16xf32>,
        %add3A_712 = arith.addi %add3A_473, %and3A_286 : vector<16xi32>
        %gather3A_713 = tpu.vector_load_idx %arg8[%add3A_712] : memref<49152xf32, #tpu.memory_space<vmem>>[vector<16xi32>], vector<16xf32>,
        %bitcast3A_714 = vector.bitcast %gather3A_711 : vector<16xf32> to vector<16xi32>
        %bitcast3A_715 = vector.bitcast %gather3A_713 : vector<16xf32> to vector<16xi32>
        %add3A_716 = arith.constant 32768 : i32
        %add3A_717 = vector.broadcast %add3A_716 : i32 to vector<16xi32>
        %add3A_718 = arith.addi %bitcast3A_714, %add3A_717 : vector<16xi32>
        %and3A_719 = arith.constant -65536 : i32
        %and3A_720 = vector.broadcast %and3A_719 : i32 to vector<16xi32>
        %and3A_721 = arith.andi %add3A_718, %and3A_720 : vector<16xi32>
        %bitcast3A_722 = vector.bitcast %and3A_721 : vector<16xi32> to vector<16xf32>
        %add3A_723 = arith.constant 32768 : i32
        %add3A_724 = vector.broadcast %add3A_723 : i32 to vector<16xi32>
        %add3A_725 = arith.addi %bitcast3A_715, %add3A_724 : vector<16xi32>
        %and3A_726 = arith.constant -65536 : i32
        %and3A_727 = vector.broadcast %and3A_726 : i32 to vector<16xi32>
        %and3A_728 = arith.andi %add3A_725, %and3A_727 : vector<16xi32>
        %bitcast3A_729 = vector.bitcast %and3A_728 : vector<16xi32> to vector<16xf32>
        %mul3A_730 = arith.mulf %bitcast3A_722, %gather3A_682 : vector<16xf32>
        %add3A_731 = arith.addf %add3A_629, %mul3A_730 : vector<16xf32>
        %mul3A_732 = arith.mulf %bitcast3A_729, %gather3A_685 : vector<16xf32>
        %add3A_733 = arith.addf %add3A_631, %mul3A_732 : vector<16xf32>
        %add3A_734 = arith.addi %add3A_475, %and3A_280 : vector<16xi32>
        %gather3A_735 = tpu.vector_load_idx %arg8[%add3A_734] : memref<49152xf32, #tpu.memory_space<vmem>>[vector<16xi32>], vector<16xf32>,
        %add3A_736 = arith.addi %add3A_475, %and3A_286 : vector<16xi32>
        %gather3A_737 = tpu.vector_load_idx %arg8[%add3A_736] : memref<49152xf32, #tpu.memory_space<vmem>>[vector<16xi32>], vector<16xf32>,
        %bitcast3A_738 = vector.bitcast %gather3A_735 : vector<16xf32> to vector<16xi32>
        %bitcast3A_739 = vector.bitcast %gather3A_737 : vector<16xf32> to vector<16xi32>
        %add3A_740 = arith.constant 32768 : i32
        %add3A_741 = vector.broadcast %add3A_740 : i32 to vector<16xi32>
        %add3A_742 = arith.addi %bitcast3A_738, %add3A_741 : vector<16xi32>
        %and3A_743 = arith.constant -65536 : i32
        %and3A_744 = vector.broadcast %and3A_743 : i32 to vector<16xi32>
        %and3A_745 = arith.andi %add3A_742, %and3A_744 : vector<16xi32>
        %bitcast3A_746 = vector.bitcast %and3A_745 : vector<16xi32> to vector<16xf32>
        %add3A_747 = arith.constant 32768 : i32
        %add3A_748 = vector.broadcast %add3A_747 : i32 to vector<16xi32>
        %add3A_749 = arith.addi %bitcast3A_739, %add3A_748 : vector<16xi32>
        %and3A_750 = arith.constant -65536 : i32
        %and3A_751 = vector.broadcast %and3A_750 : i32 to vector<16xi32>
        %and3A_752 = arith.andi %add3A_749, %and3A_751 : vector<16xi32>
        %bitcast3A_753 = vector.bitcast %and3A_752 : vector<16xi32> to vector<16xf32>
        %mul3A_754 = arith.mulf %bitcast3A_746, %gather3A_682 : vector<16xf32>
        %add3A_755 = arith.addf %add3A_653, %mul3A_754 : vector<16xf32>
        %mul3A_756 = arith.mulf %bitcast3A_753, %gather3A_685 : vector<16xf32>
        %add3A_757 = arith.addf %add3A_655, %mul3A_756 : vector<16xf32>
        %add3A_758 = arith.addi %add3A_477, %and3A_280 : vector<16xi32>
        %gather3A_759 = tpu.vector_load_idx %arg8[%add3A_758] : memref<49152xf32, #tpu.memory_space<vmem>>[vector<16xi32>], vector<16xf32>,
        %add3A_760 = arith.addi %add3A_477, %and3A_286 : vector<16xi32>
        %gather3A_761 = tpu.vector_load_idx %arg8[%add3A_760] : memref<49152xf32, #tpu.memory_space<vmem>>[vector<16xi32>], vector<16xf32>,
        %bitcast3A_762 = vector.bitcast %gather3A_759 : vector<16xf32> to vector<16xi32>
        %bitcast3A_763 = vector.bitcast %gather3A_761 : vector<16xf32> to vector<16xi32>
        %add3A_764 = arith.constant 32768 : i32
        %add3A_765 = vector.broadcast %add3A_764 : i32 to vector<16xi32>
        %add3A_766 = arith.addi %bitcast3A_762, %add3A_765 : vector<16xi32>
        %and3A_767 = arith.constant -65536 : i32
        %and3A_768 = vector.broadcast %and3A_767 : i32 to vector<16xi32>
        %and3A_769 = arith.andi %add3A_766, %and3A_768 : vector<16xi32>
        %bitcast3A_770 = vector.bitcast %and3A_769 : vector<16xi32> to vector<16xf32>
        %add3A_771 = arith.constant 32768 : i32
        %add3A_772 = vector.broadcast %add3A_771 : i32 to vector<16xi32>
        %add3A_773 = arith.addi %bitcast3A_763, %add3A_772 : vector<16xi32>
        %and3A_774 = arith.constant -65536 : i32
        %and3A_775 = vector.broadcast %and3A_774 : i32 to vector<16xi32>
        %and3A_776 = arith.andi %add3A_773, %and3A_775 : vector<16xi32>
        %bitcast3A_777 = vector.bitcast %and3A_776 : vector<16xi32> to vector<16xf32>
        %mul3A_778 = arith.mulf %bitcast3A_770, %gather3A_682 : vector<16xf32>
        %add3A_779 = arith.addf %add3A_677, %mul3A_778 : vector<16xf32>
        %mul3A_780 = arith.mulf %bitcast3A_777, %gather3A_685 : vector<16xf32>
        %add3A_781 = arith.addf %add3A_679, %mul3A_780 : vector<16xf32>
        %add3A_782 = vector.broadcast %mul3A_469 : i32 to vector<16xi32>
        %add3A_783 = arith.addi %add3A_782, %and3A_292 : vector<16xi32>
        %gather3A_784 = tpu.vector_load_idx %arg9[%add3A_783] : memref<768xf32, #tpu.memory_space<vmem>>[vector<16xi32>], vector<16xf32>,
        %add3A_785 = vector.broadcast %mul3A_469 : i32 to vector<16xi32>
        %add3A_786 = arith.addi %add3A_785, %and3A_298 : vector<16xi32>
        %gather3A_787 = tpu.vector_load_idx %arg9[%add3A_786] : memref<768xf32, #tpu.memory_space<vmem>>[vector<16xi32>], vector<16xf32>,
        %add3A_788 = arith.addi %add3A_471, %and3A_292 : vector<16xi32>
        %gather3A_789 = tpu.vector_load_idx %arg8[%add3A_788] : memref<49152xf32, #tpu.memory_space<vmem>>[vector<16xi32>], vector<16xf32>,
        %add3A_790 = arith.addi %add3A_471, %and3A_298 : vector<16xi32>
        %gather3A_791 = tpu.vector_load_idx %arg8[%add3A_790] : memref<49152xf32, #tpu.memory_space<vmem>>[vector<16xi32>], vector<16xf32>,
        %bitcast3A_792 = vector.bitcast %gather3A_789 : vector<16xf32> to vector<16xi32>
        %bitcast3A_793 = vector.bitcast %gather3A_791 : vector<16xf32> to vector<16xi32>
        %add3A_794 = arith.constant 32768 : i32
        %add3A_795 = vector.broadcast %add3A_794 : i32 to vector<16xi32>
        %add3A_796 = arith.addi %bitcast3A_792, %add3A_795 : vector<16xi32>
        %and3A_797 = arith.constant -65536 : i32
        %and3A_798 = vector.broadcast %and3A_797 : i32 to vector<16xi32>
        %and3A_799 = arith.andi %add3A_796, %and3A_798 : vector<16xi32>
        %bitcast3A_800 = vector.bitcast %and3A_799 : vector<16xi32> to vector<16xf32>
        %add3A_801 = arith.constant 32768 : i32
        %add3A_802 = vector.broadcast %add3A_801 : i32 to vector<16xi32>
        %add3A_803 = arith.addi %bitcast3A_793, %add3A_802 : vector<16xi32>
        %and3A_804 = arith.constant -65536 : i32
        %and3A_805 = vector.broadcast %and3A_804 : i32 to vector<16xi32>
        %and3A_806 = arith.andi %add3A_803, %and3A_805 : vector<16xi32>
        %bitcast3A_807 = vector.bitcast %and3A_806 : vector<16xi32> to vector<16xf32>
        %mul3A_808 = arith.mulf %bitcast3A_800, %gather3A_784 : vector<16xf32>
        %add3A_809 = arith.addf %add3A_707, %mul3A_808 : vector<16xf32>
        %mul3A_810 = arith.mulf %bitcast3A_807, %gather3A_787 : vector<16xf32>
        %add3A_811 = arith.addf %add3A_709, %mul3A_810 : vector<16xf32>
        %add3A_812 = arith.addi %add3A_473, %and3A_292 : vector<16xi32>
        %gather3A_813 = tpu.vector_load_idx %arg8[%add3A_812] : memref<49152xf32, #tpu.memory_space<vmem>>[vector<16xi32>], vector<16xf32>,
        %add3A_814 = arith.addi %add3A_473, %and3A_298 : vector<16xi32>
        %gather3A_815 = tpu.vector_load_idx %arg8[%add3A_814] : memref<49152xf32, #tpu.memory_space<vmem>>[vector<16xi32>], vector<16xf32>,
        %bitcast3A_816 = vector.bitcast %gather3A_813 : vector<16xf32> to vector<16xi32>
        %bitcast3A_817 = vector.bitcast %gather3A_815 : vector<16xf32> to vector<16xi32>
        %add3A_818 = arith.constant 32768 : i32
        %add3A_819 = vector.broadcast %add3A_818 : i32 to vector<16xi32>
        %add3A_820 = arith.addi %bitcast3A_816, %add3A_819 : vector<16xi32>
        %and3A_821 = arith.constant -65536 : i32
        %and3A_822 = vector.broadcast %and3A_821 : i32 to vector<16xi32>
        %and3A_823 = arith.andi %add3A_820, %and3A_822 : vector<16xi32>
        %bitcast3A_824 = vector.bitcast %and3A_823 : vector<16xi32> to vector<16xf32>
        %add3A_825 = arith.constant 32768 : i32
        %add3A_826 = vector.broadcast %add3A_825 : i32 to vector<16xi32>
        %add3A_827 = arith.addi %bitcast3A_817, %add3A_826 : vector<16xi32>
        %and3A_828 = arith.constant -65536 : i32
        %and3A_829 = vector.broadcast %and3A_828 : i32 to vector<16xi32>
        %and3A_830 = arith.andi %add3A_827, %and3A_829 : vector<16xi32>
        %bitcast3A_831 = vector.bitcast %and3A_830 : vector<16xi32> to vector<16xf32>
        %mul3A_832 = arith.mulf %bitcast3A_824, %gather3A_784 : vector<16xf32>
        %add3A_833 = arith.addf %add3A_731, %mul3A_832 : vector<16xf32>
        %mul3A_834 = arith.mulf %bitcast3A_831, %gather3A_787 : vector<16xf32>
        %add3A_835 = arith.addf %add3A_733, %mul3A_834 : vector<16xf32>
        %add3A_836 = arith.addi %add3A_475, %and3A_292 : vector<16xi32>
        %gather3A_837 = tpu.vector_load_idx %arg8[%add3A_836] : memref<49152xf32, #tpu.memory_space<vmem>>[vector<16xi32>], vector<16xf32>,
        %add3A_838 = arith.addi %add3A_475, %and3A_298 : vector<16xi32>
        %gather3A_839 = tpu.vector_load_idx %arg8[%add3A_838] : memref<49152xf32, #tpu.memory_space<vmem>>[vector<16xi32>], vector<16xf32>,
        %bitcast3A_840 = vector.bitcast %gather3A_837 : vector<16xf32> to vector<16xi32>
        %bitcast3A_841 = vector.bitcast %gather3A_839 : vector<16xf32> to vector<16xi32>
        %add3A_842 = arith.constant 32768 : i32
        %add3A_843 = vector.broadcast %add3A_842 : i32 to vector<16xi32>
        %add3A_844 = arith.addi %bitcast3A_840, %add3A_843 : vector<16xi32>
        %and3A_845 = arith.constant -65536 : i32
        %and3A_846 = vector.broadcast %and3A_845 : i32 to vector<16xi32>
        %and3A_847 = arith.andi %add3A_844, %and3A_846 : vector<16xi32>
        %bitcast3A_848 = vector.bitcast %and3A_847 : vector<16xi32> to vector<16xf32>
        %add3A_849 = arith.constant 32768 : i32
        %add3A_850 = vector.broadcast %add3A_849 : i32 to vector<16xi32>
        %add3A_851 = arith.addi %bitcast3A_841, %add3A_850 : vector<16xi32>
        %and3A_852 = arith.constant -65536 : i32
        %and3A_853 = vector.broadcast %and3A_852 : i32 to vector<16xi32>
        %and3A_854 = arith.andi %add3A_851, %and3A_853 : vector<16xi32>
        %bitcast3A_855 = vector.bitcast %and3A_854 : vector<16xi32> to vector<16xf32>
        %mul3A_856 = arith.mulf %bitcast3A_848, %gather3A_784 : vector<16xf32>
        %add3A_857 = arith.addf %add3A_755, %mul3A_856 : vector<16xf32>
        %mul3A_858 = arith.mulf %bitcast3A_855, %gather3A_787 : vector<16xf32>
        %add3A_859 = arith.addf %add3A_757, %mul3A_858 : vector<16xf32>
        %add3A_860 = arith.addi %add3A_477, %and3A_292 : vector<16xi32>
        %gather3A_861 = tpu.vector_load_idx %arg8[%add3A_860] : memref<49152xf32, #tpu.memory_space<vmem>>[vector<16xi32>], vector<16xf32>,
        %add3A_862 = arith.addi %add3A_477, %and3A_298 : vector<16xi32>
        %gather3A_863 = tpu.vector_load_idx %arg8[%add3A_862] : memref<49152xf32, #tpu.memory_space<vmem>>[vector<16xi32>], vector<16xf32>,
        %bitcast3A_864 = vector.bitcast %gather3A_861 : vector<16xf32> to vector<16xi32>
        %bitcast3A_865 = vector.bitcast %gather3A_863 : vector<16xf32> to vector<16xi32>
        %add3A_866 = arith.constant 32768 : i32
        %add3A_867 = vector.broadcast %add3A_866 : i32 to vector<16xi32>
        %add3A_868 = arith.addi %bitcast3A_864, %add3A_867 : vector<16xi32>
        %and3A_869 = arith.constant -65536 : i32
        %and3A_870 = vector.broadcast %and3A_869 : i32 to vector<16xi32>
        %and3A_871 = arith.andi %add3A_868, %and3A_870 : vector<16xi32>
        %bitcast3A_872 = vector.bitcast %and3A_871 : vector<16xi32> to vector<16xf32>
        %add3A_873 = arith.constant 32768 : i32
        %add3A_874 = vector.broadcast %add3A_873 : i32 to vector<16xi32>
        %add3A_875 = arith.addi %bitcast3A_865, %add3A_874 : vector<16xi32>
        %and3A_876 = arith.constant -65536 : i32
        %and3A_877 = vector.broadcast %and3A_876 : i32 to vector<16xi32>
        %and3A_878 = arith.andi %add3A_875, %and3A_877 : vector<16xi32>
        %bitcast3A_879 = vector.bitcast %and3A_878 : vector<16xi32> to vector<16xf32>
        %mul3A_880 = arith.mulf %bitcast3A_872, %gather3A_784 : vector<16xf32>
        %add3A_881 = arith.addf %add3A_779, %mul3A_880 : vector<16xf32>
        %mul3A_882 = arith.mulf %bitcast3A_879, %gather3A_787 : vector<16xf32>
        %add3A_883 = arith.addf %add3A_781, %mul3A_882 : vector<16xf32>
        %add3A_884 = vector.broadcast %mul3A_469 : i32 to vector<16xi32>
        %add3A_885 = arith.addi %add3A_884, %and3A_304 : vector<16xi32>
        %gather3A_886 = tpu.vector_load_idx %arg9[%add3A_885] : memref<768xf32, #tpu.memory_space<vmem>>[vector<16xi32>], vector<16xf32>,
        %add3A_887 = vector.broadcast %mul3A_469 : i32 to vector<16xi32>
        %add3A_888 = arith.addi %add3A_887, %and3A_310 : vector<16xi32>
        %gather3A_889 = tpu.vector_load_idx %arg9[%add3A_888] : memref<768xf32, #tpu.memory_space<vmem>>[vector<16xi32>], vector<16xf32>,
        %add3A_890 = arith.addi %add3A_471, %and3A_304 : vector<16xi32>
        %gather3A_891 = tpu.vector_load_idx %arg8[%add3A_890] : memref<49152xf32, #tpu.memory_space<vmem>>[vector<16xi32>], vector<16xf32>,
        %add3A_892 = arith.addi %add3A_471, %and3A_310 : vector<16xi32>
        %gather3A_893 = tpu.vector_load_idx %arg8[%add3A_892] : memref<49152xf32, #tpu.memory_space<vmem>>[vector<16xi32>], vector<16xf32>,
        %bitcast3A_894 = vector.bitcast %gather3A_891 : vector<16xf32> to vector<16xi32>
        %bitcast3A_895 = vector.bitcast %gather3A_893 : vector<16xf32> to vector<16xi32>
        %add3A_896 = arith.constant 32768 : i32
        %add3A_897 = vector.broadcast %add3A_896 : i32 to vector<16xi32>
        %add3A_898 = arith.addi %bitcast3A_894, %add3A_897 : vector<16xi32>
        %and3A_899 = arith.constant -65536 : i32
        %and3A_900 = vector.broadcast %and3A_899 : i32 to vector<16xi32>
        %and3A_901 = arith.andi %add3A_898, %and3A_900 : vector<16xi32>
        %bitcast3A_902 = vector.bitcast %and3A_901 : vector<16xi32> to vector<16xf32>
        %add3A_903 = arith.constant 32768 : i32
        %add3A_904 = vector.broadcast %add3A_903 : i32 to vector<16xi32>
        %add3A_905 = arith.addi %bitcast3A_895, %add3A_904 : vector<16xi32>
        %and3A_906 = arith.constant -65536 : i32
        %and3A_907 = vector.broadcast %and3A_906 : i32 to vector<16xi32>
        %and3A_908 = arith.andi %add3A_905, %and3A_907 : vector<16xi32>
        %bitcast3A_909 = vector.bitcast %and3A_908 : vector<16xi32> to vector<16xf32>
        %mul3A_910 = arith.mulf %bitcast3A_902, %gather3A_886 : vector<16xf32>
        %add3A_911 = arith.addf %add3A_809, %mul3A_910 : vector<16xf32>
        %mul3A_912 = arith.mulf %bitcast3A_909, %gather3A_889 : vector<16xf32>
        %add3A_913 = arith.addf %add3A_811, %mul3A_912 : vector<16xf32>
        %add3A_914 = arith.addi %add3A_473, %and3A_304 : vector<16xi32>
        %gather3A_915 = tpu.vector_load_idx %arg8[%add3A_914] : memref<49152xf32, #tpu.memory_space<vmem>>[vector<16xi32>], vector<16xf32>,
        %add3A_916 = arith.addi %add3A_473, %and3A_310 : vector<16xi32>
        %gather3A_917 = tpu.vector_load_idx %arg8[%add3A_916] : memref<49152xf32, #tpu.memory_space<vmem>>[vector<16xi32>], vector<16xf32>,
        %bitcast3A_918 = vector.bitcast %gather3A_915 : vector<16xf32> to vector<16xi32>
        %bitcast3A_919 = vector.bitcast %gather3A_917 : vector<16xf32> to vector<16xi32>
        %add3A_920 = arith.constant 32768 : i32
        %add3A_921 = vector.broadcast %add3A_920 : i32 to vector<16xi32>
        %add3A_922 = arith.addi %bitcast3A_918, %add3A_921 : vector<16xi32>
        %and3A_923 = arith.constant -65536 : i32
        %and3A_924 = vector.broadcast %and3A_923 : i32 to vector<16xi32>
        %and3A_925 = arith.andi %add3A_922, %and3A_924 : vector<16xi32>
        %bitcast3A_926 = vector.bitcast %and3A_925 : vector<16xi32> to vector<16xf32>
        %add3A_927 = arith.constant 32768 : i32
        %add3A_928 = vector.broadcast %add3A_927 : i32 to vector<16xi32>
        %add3A_929 = arith.addi %bitcast3A_919, %add3A_928 : vector<16xi32>
        %and3A_930 = arith.constant -65536 : i32
        %and3A_931 = vector.broadcast %and3A_930 : i32 to vector<16xi32>
        %and3A_932 = arith.andi %add3A_929, %and3A_931 : vector<16xi32>
        %bitcast3A_933 = vector.bitcast %and3A_932 : vector<16xi32> to vector<16xf32>
        %mul3A_934 = arith.mulf %bitcast3A_926, %gather3A_886 : vector<16xf32>
        %add3A_935 = arith.addf %add3A_833, %mul3A_934 : vector<16xf32>
        %mul3A_936 = arith.mulf %bitcast3A_933, %gather3A_889 : vector<16xf32>
        %add3A_937 = arith.addf %add3A_835, %mul3A_936 : vector<16xf32>
        %add3A_938 = arith.addi %add3A_475, %and3A_304 : vector<16xi32>
        %gather3A_939 = tpu.vector_load_idx %arg8[%add3A_938] : memref<49152xf32, #tpu.memory_space<vmem>>[vector<16xi32>], vector<16xf32>,
        %add3A_940 = arith.addi %add3A_475, %and3A_310 : vector<16xi32>
        %gather3A_941 = tpu.vector_load_idx %arg8[%add3A_940] : memref<49152xf32, #tpu.memory_space<vmem>>[vector<16xi32>], vector<16xf32>,
        %bitcast3A_942 = vector.bitcast %gather3A_939 : vector<16xf32> to vector<16xi32>
        %bitcast3A_943 = vector.bitcast %gather3A_941 : vector<16xf32> to vector<16xi32>
        %add3A_944 = arith.constant 32768 : i32
        %add3A_945 = vector.broadcast %add3A_944 : i32 to vector<16xi32>
        %add3A_946 = arith.addi %bitcast3A_942, %add3A_945 : vector<16xi32>
        %and3A_947 = arith.constant -65536 : i32
        %and3A_948 = vector.broadcast %and3A_947 : i32 to vector<16xi32>
        %and3A_949 = arith.andi %add3A_946, %and3A_948 : vector<16xi32>
        %bitcast3A_950 = vector.bitcast %and3A_949 : vector<16xi32> to vector<16xf32>
        %add3A_951 = arith.constant 32768 : i32
        %add3A_952 = vector.broadcast %add3A_951 : i32 to vector<16xi32>
        %add3A_953 = arith.addi %bitcast3A_943, %add3A_952 : vector<16xi32>
        %and3A_954 = arith.constant -65536 : i32
        %and3A_955 = vector.broadcast %and3A_954 : i32 to vector<16xi32>
        %and3A_956 = arith.andi %add3A_953, %and3A_955 : vector<16xi32>
        %bitcast3A_957 = vector.bitcast %and3A_956 : vector<16xi32> to vector<16xf32>
        %mul3A_958 = arith.mulf %bitcast3A_950, %gather3A_886 : vector<16xf32>
        %add3A_959 = arith.addf %add3A_857, %mul3A_958 : vector<16xf32>
        %mul3A_960 = arith.mulf %bitcast3A_957, %gather3A_889 : vector<16xf32>
        %add3A_961 = arith.addf %add3A_859, %mul3A_960 : vector<16xf32>
        %add3A_962 = arith.addi %add3A_477, %and3A_304 : vector<16xi32>
        %gather3A_963 = tpu.vector_load_idx %arg8[%add3A_962] : memref<49152xf32, #tpu.memory_space<vmem>>[vector<16xi32>], vector<16xf32>,
        %add3A_964 = arith.addi %add3A_477, %and3A_310 : vector<16xi32>
        %gather3A_965 = tpu.vector_load_idx %arg8[%add3A_964] : memref<49152xf32, #tpu.memory_space<vmem>>[vector<16xi32>], vector<16xf32>,
        %bitcast3A_966 = vector.bitcast %gather3A_963 : vector<16xf32> to vector<16xi32>
        %bitcast3A_967 = vector.bitcast %gather3A_965 : vector<16xf32> to vector<16xi32>
        %add3A_968 = arith.constant 32768 : i32
        %add3A_969 = vector.broadcast %add3A_968 : i32 to vector<16xi32>
        %add3A_970 = arith.addi %bitcast3A_966, %add3A_969 : vector<16xi32>
        %and3A_971 = arith.constant -65536 : i32
        %and3A_972 = vector.broadcast %and3A_971 : i32 to vector<16xi32>
        %and3A_973 = arith.andi %add3A_970, %and3A_972 : vector<16xi32>
        %bitcast3A_974 = vector.bitcast %and3A_973 : vector<16xi32> to vector<16xf32>
        %add3A_975 = arith.constant 32768 : i32
        %add3A_976 = vector.broadcast %add3A_975 : i32 to vector<16xi32>
        %add3A_977 = arith.addi %bitcast3A_967, %add3A_976 : vector<16xi32>
        %and3A_978 = arith.constant -65536 : i32
        %and3A_979 = vector.broadcast %and3A_978 : i32 to vector<16xi32>
        %and3A_980 = arith.andi %add3A_977, %and3A_979 : vector<16xi32>
        %bitcast3A_981 = vector.bitcast %and3A_980 : vector<16xi32> to vector<16xf32>
        %mul3A_982 = arith.mulf %bitcast3A_974, %gather3A_886 : vector<16xf32>
        %add3A_983 = arith.addf %add3A_881, %mul3A_982 : vector<16xf32>
        %mul3A_984 = arith.mulf %bitcast3A_981, %gather3A_889 : vector<16xf32>
        %add3A_985 = arith.addf %add3A_883, %mul3A_984 : vector<16xf32>
        %add3A_986 = vector.broadcast %mul3A_469 : i32 to vector<16xi32>
        %add3A_987 = arith.addi %add3A_986, %and3A_316 : vector<16xi32>
        %gather3A_988 = tpu.vector_load_idx %arg9[%add3A_987] : memref<768xf32, #tpu.memory_space<vmem>>[vector<16xi32>], vector<16xf32>,
        %add3A_989 = vector.broadcast %mul3A_469 : i32 to vector<16xi32>
        %add3A_990 = arith.addi %add3A_989, %and3A_322 : vector<16xi32>
        %gather3A_991 = tpu.vector_load_idx %arg9[%add3A_990] : memref<768xf32, #tpu.memory_space<vmem>>[vector<16xi32>], vector<16xf32>,
        %add3A_992 = arith.addi %add3A_471, %and3A_316 : vector<16xi32>
        %gather3A_993 = tpu.vector_load_idx %arg8[%add3A_992] : memref<49152xf32, #tpu.memory_space<vmem>>[vector<16xi32>], vector<16xf32>,
        %add3A_994 = arith.addi %add3A_471, %and3A_322 : vector<16xi32>
        %gather3A_995 = tpu.vector_load_idx %arg8[%add3A_994] : memref<49152xf32, #tpu.memory_space<vmem>>[vector<16xi32>], vector<16xf32>,
        %bitcast3A_996 = vector.bitcast %gather3A_993 : vector<16xf32> to vector<16xi32>
        %bitcast3A_997 = vector.bitcast %gather3A_995 : vector<16xf32> to vector<16xi32>
        %add3A_998 = arith.constant 32768 : i32
        %add3A_999 = vector.broadcast %add3A_998 : i32 to vector<16xi32>
        %add3A_1000 = arith.addi %bitcast3A_996, %add3A_999 : vector<16xi32>
        %and3A_1001 = arith.constant -65536 : i32
        %and3A_1002 = vector.broadcast %and3A_1001 : i32 to vector<16xi32>
        %and3A_1003 = arith.andi %add3A_1000, %and3A_1002 : vector<16xi32>
        %bitcast3A_1004 = vector.bitcast %and3A_1003 : vector<16xi32> to vector<16xf32>
        %add3A_1005 = arith.constant 32768 : i32
        %add3A_1006 = vector.broadcast %add3A_1005 : i32 to vector<16xi32>
        %add3A_1007 = arith.addi %bitcast3A_997, %add3A_1006 : vector<16xi32>
        %and3A_1008 = arith.constant -65536 : i32
        %and3A_1009 = vector.broadcast %and3A_1008 : i32 to vector<16xi32>
        %and3A_1010 = arith.andi %add3A_1007, %and3A_1009 : vector<16xi32>
        %bitcast3A_1011 = vector.bitcast %and3A_1010 : vector<16xi32> to vector<16xf32>
        %mul3A_1012 = arith.mulf %bitcast3A_1004, %gather3A_988 : vector<16xf32>
        %add3A_1013 = arith.addf %add3A_911, %mul3A_1012 : vector<16xf32>
        %mul3A_1014 = arith.mulf %bitcast3A_1011, %gather3A_991 : vector<16xf32>
        %add3A_1015 = arith.addf %add3A_913, %mul3A_1014 : vector<16xf32>
        %add3A_1016 = arith.addi %add3A_473, %and3A_316 : vector<16xi32>
        %gather3A_1017 = tpu.vector_load_idx %arg8[%add3A_1016] : memref<49152xf32, #tpu.memory_space<vmem>>[vector<16xi32>], vector<16xf32>,
        %add3A_1018 = arith.addi %add3A_473, %and3A_322 : vector<16xi32>
        %gather3A_1019 = tpu.vector_load_idx %arg8[%add3A_1018] : memref<49152xf32, #tpu.memory_space<vmem>>[vector<16xi32>], vector<16xf32>,
        %bitcast3A_1020 = vector.bitcast %gather3A_1017 : vector<16xf32> to vector<16xi32>
        %bitcast3A_1021 = vector.bitcast %gather3A_1019 : vector<16xf32> to vector<16xi32>
        %add3A_1022 = arith.constant 32768 : i32
        %add3A_1023 = vector.broadcast %add3A_1022 : i32 to vector<16xi32>
        %add3A_1024 = arith.addi %bitcast3A_1020, %add3A_1023 : vector<16xi32>
        %and3A_1025 = arith.constant -65536 : i32
        %and3A_1026 = vector.broadcast %and3A_1025 : i32 to vector<16xi32>
        %and3A_1027 = arith.andi %add3A_1024, %and3A_1026 : vector<16xi32>
        %bitcast3A_1028 = vector.bitcast %and3A_1027 : vector<16xi32> to vector<16xf32>
        %add3A_1029 = arith.constant 32768 : i32
        %add3A_1030 = vector.broadcast %add3A_1029 : i32 to vector<16xi32>
        %add3A_1031 = arith.addi %bitcast3A_1021, %add3A_1030 : vector<16xi32>
        %and3A_1032 = arith.constant -65536 : i32
        %and3A_1033 = vector.broadcast %and3A_1032 : i32 to vector<16xi32>
        %and3A_1034 = arith.andi %add3A_1031, %and3A_1033 : vector<16xi32>
        %bitcast3A_1035 = vector.bitcast %and3A_1034 : vector<16xi32> to vector<16xf32>
        %mul3A_1036 = arith.mulf %bitcast3A_1028, %gather3A_988 : vector<16xf32>
        %add3A_1037 = arith.addf %add3A_935, %mul3A_1036 : vector<16xf32>
        %mul3A_1038 = arith.mulf %bitcast3A_1035, %gather3A_991 : vector<16xf32>
        %add3A_1039 = arith.addf %add3A_937, %mul3A_1038 : vector<16xf32>
        %add3A_1040 = arith.addi %add3A_475, %and3A_316 : vector<16xi32>
        %gather3A_1041 = tpu.vector_load_idx %arg8[%add3A_1040] : memref<49152xf32, #tpu.memory_space<vmem>>[vector<16xi32>], vector<16xf32>,
        %add3A_1042 = arith.addi %add3A_475, %and3A_322 : vector<16xi32>
        %gather3A_1043 = tpu.vector_load_idx %arg8[%add3A_1042] : memref<49152xf32, #tpu.memory_space<vmem>>[vector<16xi32>], vector<16xf32>,
        %bitcast3A_1044 = vector.bitcast %gather3A_1041 : vector<16xf32> to vector<16xi32>
        %bitcast3A_1045 = vector.bitcast %gather3A_1043 : vector<16xf32> to vector<16xi32>
        %add3A_1046 = arith.constant 32768 : i32
        %add3A_1047 = vector.broadcast %add3A_1046 : i32 to vector<16xi32>
        %add3A_1048 = arith.addi %bitcast3A_1044, %add3A_1047 : vector<16xi32>
        %and3A_1049 = arith.constant -65536 : i32
        %and3A_1050 = vector.broadcast %and3A_1049 : i32 to vector<16xi32>
        %and3A_1051 = arith.andi %add3A_1048, %and3A_1050 : vector<16xi32>
        %bitcast3A_1052 = vector.bitcast %and3A_1051 : vector<16xi32> to vector<16xf32>
        %add3A_1053 = arith.constant 32768 : i32
        %add3A_1054 = vector.broadcast %add3A_1053 : i32 to vector<16xi32>
        %add3A_1055 = arith.addi %bitcast3A_1045, %add3A_1054 : vector<16xi32>
        %and3A_1056 = arith.constant -65536 : i32
        %and3A_1057 = vector.broadcast %and3A_1056 : i32 to vector<16xi32>
        %and3A_1058 = arith.andi %add3A_1055, %and3A_1057 : vector<16xi32>
        %bitcast3A_1059 = vector.bitcast %and3A_1058 : vector<16xi32> to vector<16xf32>
        %mul3A_1060 = arith.mulf %bitcast3A_1052, %gather3A_988 : vector<16xf32>
        %add3A_1061 = arith.addf %add3A_959, %mul3A_1060 : vector<16xf32>
        %mul3A_1062 = arith.mulf %bitcast3A_1059, %gather3A_991 : vector<16xf32>
        %add3A_1063 = arith.addf %add3A_961, %mul3A_1062 : vector<16xf32>
        %add3A_1064 = arith.addi %add3A_477, %and3A_316 : vector<16xi32>
        %gather3A_1065 = tpu.vector_load_idx %arg8[%add3A_1064] : memref<49152xf32, #tpu.memory_space<vmem>>[vector<16xi32>], vector<16xf32>,
        %add3A_1066 = arith.addi %add3A_477, %and3A_322 : vector<16xi32>
        %gather3A_1067 = tpu.vector_load_idx %arg8[%add3A_1066] : memref<49152xf32, #tpu.memory_space<vmem>>[vector<16xi32>], vector<16xf32>,
        %bitcast3A_1068 = vector.bitcast %gather3A_1065 : vector<16xf32> to vector<16xi32>
        %bitcast3A_1069 = vector.bitcast %gather3A_1067 : vector<16xf32> to vector<16xi32>
        %add3A_1070 = arith.constant 32768 : i32
        %add3A_1071 = vector.broadcast %add3A_1070 : i32 to vector<16xi32>
        %add3A_1072 = arith.addi %bitcast3A_1068, %add3A_1071 : vector<16xi32>
        %and3A_1073 = arith.constant -65536 : i32
        %and3A_1074 = vector.broadcast %and3A_1073 : i32 to vector<16xi32>
        %and3A_1075 = arith.andi %add3A_1072, %and3A_1074 : vector<16xi32>
        %bitcast3A_1076 = vector.bitcast %and3A_1075 : vector<16xi32> to vector<16xf32>
        %add3A_1077 = arith.constant 32768 : i32
        %add3A_1078 = vector.broadcast %add3A_1077 : i32 to vector<16xi32>
        %add3A_1079 = arith.addi %bitcast3A_1069, %add3A_1078 : vector<16xi32>
        %and3A_1080 = arith.constant -65536 : i32
        %and3A_1081 = vector.broadcast %and3A_1080 : i32 to vector<16xi32>
        %and3A_1082 = arith.andi %add3A_1079, %and3A_1081 : vector<16xi32>
        %bitcast3A_1083 = vector.bitcast %and3A_1082 : vector<16xi32> to vector<16xf32>
        %mul3A_1084 = arith.mulf %bitcast3A_1076, %gather3A_988 : vector<16xf32>
        %add3A_1085 = arith.addf %add3A_983, %mul3A_1084 : vector<16xf32>
        %mul3A_1086 = arith.mulf %bitcast3A_1083, %gather3A_991 : vector<16xf32>
        %add3A_1087 = arith.addf %add3A_985, %mul3A_1086 : vector<16xf32>
        %add3A_1088 = vector.broadcast %mul3A_469 : i32 to vector<16xi32>
        %add3A_1089 = arith.addi %add3A_1088, %and3A_328 : vector<16xi32>
        %gather3A_1090 = tpu.vector_load_idx %arg9[%add3A_1089] : memref<768xf32, #tpu.memory_space<vmem>>[vector<16xi32>], vector<16xf32>,
        %add3A_1091 = vector.broadcast %mul3A_469 : i32 to vector<16xi32>
        %add3A_1092 = arith.addi %add3A_1091, %and3A_334 : vector<16xi32>
        %gather3A_1093 = tpu.vector_load_idx %arg9[%add3A_1092] : memref<768xf32, #tpu.memory_space<vmem>>[vector<16xi32>], vector<16xf32>,
        %add3A_1094 = arith.addi %add3A_471, %and3A_328 : vector<16xi32>
        %gather3A_1095 = tpu.vector_load_idx %arg8[%add3A_1094] : memref<49152xf32, #tpu.memory_space<vmem>>[vector<16xi32>], vector<16xf32>,
        %add3A_1096 = arith.addi %add3A_471, %and3A_334 : vector<16xi32>
        %gather3A_1097 = tpu.vector_load_idx %arg8[%add3A_1096] : memref<49152xf32, #tpu.memory_space<vmem>>[vector<16xi32>], vector<16xf32>,
        %bitcast3A_1098 = vector.bitcast %gather3A_1095 : vector<16xf32> to vector<16xi32>
        %bitcast3A_1099 = vector.bitcast %gather3A_1097 : vector<16xf32> to vector<16xi32>
        %add3A_1100 = arith.constant 32768 : i32
        %add3A_1101 = vector.broadcast %add3A_1100 : i32 to vector<16xi32>
        %add3A_1102 = arith.addi %bitcast3A_1098, %add3A_1101 : vector<16xi32>
        %and3A_1103 = arith.constant -65536 : i32
        %and3A_1104 = vector.broadcast %and3A_1103 : i32 to vector<16xi32>
        %and3A_1105 = arith.andi %add3A_1102, %and3A_1104 : vector<16xi32>
        %bitcast3A_1106 = vector.bitcast %and3A_1105 : vector<16xi32> to vector<16xf32>
        %add3A_1107 = arith.constant 32768 : i32
        %add3A_1108 = vector.broadcast %add3A_1107 : i32 to vector<16xi32>
        %add3A_1109 = arith.addi %bitcast3A_1099, %add3A_1108 : vector<16xi32>
        %and3A_1110 = arith.constant -65536 : i32
        %and3A_1111 = vector.broadcast %and3A_1110 : i32 to vector<16xi32>
        %and3A_1112 = arith.andi %add3A_1109, %and3A_1111 : vector<16xi32>
        %bitcast3A_1113 = vector.bitcast %and3A_1112 : vector<16xi32> to vector<16xf32>
        %mul3A_1114 = arith.mulf %bitcast3A_1106, %gather3A_1090 : vector<16xf32>
        %add3A_1115 = arith.addf %add3A_1013, %mul3A_1114 : vector<16xf32>
        %mul3A_1116 = arith.mulf %bitcast3A_1113, %gather3A_1093 : vector<16xf32>
        %add3A_1117 = arith.addf %add3A_1015, %mul3A_1116 : vector<16xf32>
        %add3A_1118 = arith.addi %add3A_473, %and3A_328 : vector<16xi32>
        %gather3A_1119 = tpu.vector_load_idx %arg8[%add3A_1118] : memref<49152xf32, #tpu.memory_space<vmem>>[vector<16xi32>], vector<16xf32>,
        %add3A_1120 = arith.addi %add3A_473, %and3A_334 : vector<16xi32>
        %gather3A_1121 = tpu.vector_load_idx %arg8[%add3A_1120] : memref<49152xf32, #tpu.memory_space<vmem>>[vector<16xi32>], vector<16xf32>,
        %bitcast3A_1122 = vector.bitcast %gather3A_1119 : vector<16xf32> to vector<16xi32>
        %bitcast3A_1123 = vector.bitcast %gather3A_1121 : vector<16xf32> to vector<16xi32>
        %add3A_1124 = arith.constant 32768 : i32
        %add3A_1125 = vector.broadcast %add3A_1124 : i32 to vector<16xi32>
        %add3A_1126 = arith.addi %bitcast3A_1122, %add3A_1125 : vector<16xi32>
        %and3A_1127 = arith.constant -65536 : i32
        %and3A_1128 = vector.broadcast %and3A_1127 : i32 to vector<16xi32>
        %and3A_1129 = arith.andi %add3A_1126, %and3A_1128 : vector<16xi32>
        %bitcast3A_1130 = vector.bitcast %and3A_1129 : vector<16xi32> to vector<16xf32>
        %add3A_1131 = arith.constant 32768 : i32
        %add3A_1132 = vector.broadcast %add3A_1131 : i32 to vector<16xi32>
        %add3A_1133 = arith.addi %bitcast3A_1123, %add3A_1132 : vector<16xi32>
        %and3A_1134 = arith.constant -65536 : i32
        %and3A_1135 = vector.broadcast %and3A_1134 : i32 to vector<16xi32>
        %and3A_1136 = arith.andi %add3A_1133, %and3A_1135 : vector<16xi32>
        %bitcast3A_1137 = vector.bitcast %and3A_1136 : vector<16xi32> to vector<16xf32>
        %mul3A_1138 = arith.mulf %bitcast3A_1130, %gather3A_1090 : vector<16xf32>
        %add3A_1139 = arith.addf %add3A_1037, %mul3A_1138 : vector<16xf32>
        %mul3A_1140 = arith.mulf %bitcast3A_1137, %gather3A_1093 : vector<16xf32>
        %add3A_1141 = arith.addf %add3A_1039, %mul3A_1140 : vector<16xf32>
        %add3A_1142 = arith.addi %add3A_475, %and3A_328 : vector<16xi32>
        %gather3A_1143 = tpu.vector_load_idx %arg8[%add3A_1142] : memref<49152xf32, #tpu.memory_space<vmem>>[vector<16xi32>], vector<16xf32>,
        %add3A_1144 = arith.addi %add3A_475, %and3A_334 : vector<16xi32>
        %gather3A_1145 = tpu.vector_load_idx %arg8[%add3A_1144] : memref<49152xf32, #tpu.memory_space<vmem>>[vector<16xi32>], vector<16xf32>,
        %bitcast3A_1146 = vector.bitcast %gather3A_1143 : vector<16xf32> to vector<16xi32>
        %bitcast3A_1147 = vector.bitcast %gather3A_1145 : vector<16xf32> to vector<16xi32>
        %add3A_1148 = arith.constant 32768 : i32
        %add3A_1149 = vector.broadcast %add3A_1148 : i32 to vector<16xi32>
        %add3A_1150 = arith.addi %bitcast3A_1146, %add3A_1149 : vector<16xi32>
        %and3A_1151 = arith.constant -65536 : i32
        %and3A_1152 = vector.broadcast %and3A_1151 : i32 to vector<16xi32>
        %and3A_1153 = arith.andi %add3A_1150, %and3A_1152 : vector<16xi32>
        %bitcast3A_1154 = vector.bitcast %and3A_1153 : vector<16xi32> to vector<16xf32>
        %add3A_1155 = arith.constant 32768 : i32
        %add3A_1156 = vector.broadcast %add3A_1155 : i32 to vector<16xi32>
        %add3A_1157 = arith.addi %bitcast3A_1147, %add3A_1156 : vector<16xi32>
        %and3A_1158 = arith.constant -65536 : i32
        %and3A_1159 = vector.broadcast %and3A_1158 : i32 to vector<16xi32>
        %and3A_1160 = arith.andi %add3A_1157, %and3A_1159 : vector<16xi32>
        %bitcast3A_1161 = vector.bitcast %and3A_1160 : vector<16xi32> to vector<16xf32>
        %mul3A_1162 = arith.mulf %bitcast3A_1154, %gather3A_1090 : vector<16xf32>
        %add3A_1163 = arith.addf %add3A_1061, %mul3A_1162 : vector<16xf32>
        %mul3A_1164 = arith.mulf %bitcast3A_1161, %gather3A_1093 : vector<16xf32>
        %add3A_1165 = arith.addf %add3A_1063, %mul3A_1164 : vector<16xf32>
        %add3A_1166 = arith.addi %add3A_477, %and3A_328 : vector<16xi32>
        %gather3A_1167 = tpu.vector_load_idx %arg8[%add3A_1166] : memref<49152xf32, #tpu.memory_space<vmem>>[vector<16xi32>], vector<16xf32>,
        %add3A_1168 = arith.addi %add3A_477, %and3A_334 : vector<16xi32>
        %gather3A_1169 = tpu.vector_load_idx %arg8[%add3A_1168] : memref<49152xf32, #tpu.memory_space<vmem>>[vector<16xi32>], vector<16xf32>,
        %bitcast3A_1170 = vector.bitcast %gather3A_1167 : vector<16xf32> to vector<16xi32>
        %bitcast3A_1171 = vector.bitcast %gather3A_1169 : vector<16xf32> to vector<16xi32>
        %add3A_1172 = arith.constant 32768 : i32
        %add3A_1173 = vector.broadcast %add3A_1172 : i32 to vector<16xi32>
        %add3A_1174 = arith.addi %bitcast3A_1170, %add3A_1173 : vector<16xi32>
        %and3A_1175 = arith.constant -65536 : i32
        %and3A_1176 = vector.broadcast %and3A_1175 : i32 to vector<16xi32>
        %and3A_1177 = arith.andi %add3A_1174, %and3A_1176 : vector<16xi32>
        %bitcast3A_1178 = vector.bitcast %and3A_1177 : vector<16xi32> to vector<16xf32>
        %add3A_1179 = arith.constant 32768 : i32
        %add3A_1180 = vector.broadcast %add3A_1179 : i32 to vector<16xi32>
        %add3A_1181 = arith.addi %bitcast3A_1171, %add3A_1180 : vector<16xi32>
        %and3A_1182 = arith.constant -65536 : i32
        %and3A_1183 = vector.broadcast %and3A_1182 : i32 to vector<16xi32>
        %and3A_1184 = arith.andi %add3A_1181, %and3A_1183 : vector<16xi32>
        %bitcast3A_1185 = vector.bitcast %and3A_1184 : vector<16xi32> to vector<16xf32>
        %mul3A_1186 = arith.mulf %bitcast3A_1178, %gather3A_1090 : vector<16xf32>
        %add3A_1187 = arith.addf %add3A_1085, %mul3A_1186 : vector<16xf32>
        %mul3A_1188 = arith.mulf %bitcast3A_1185, %gather3A_1093 : vector<16xf32>
        %add3A_1189 = arith.addf %add3A_1087, %mul3A_1188 : vector<16xf32>
        %add3A_1190 = vector.broadcast %mul3A_469 : i32 to vector<16xi32>
        %add3A_1191 = arith.addi %add3A_1190, %and3A_340 : vector<16xi32>
        %gather3A_1192 = tpu.vector_load_idx %arg9[%add3A_1191] : memref<768xf32, #tpu.memory_space<vmem>>[vector<16xi32>], vector<16xf32>,
        %add3A_1193 = vector.broadcast %mul3A_469 : i32 to vector<16xi32>
        %add3A_1194 = arith.addi %add3A_1193, %and3A_346 : vector<16xi32>
        %gather3A_1195 = tpu.vector_load_idx %arg9[%add3A_1194] : memref<768xf32, #tpu.memory_space<vmem>>[vector<16xi32>], vector<16xf32>,
        %add3A_1196 = arith.addi %add3A_471, %and3A_340 : vector<16xi32>
        %gather3A_1197 = tpu.vector_load_idx %arg8[%add3A_1196] : memref<49152xf32, #tpu.memory_space<vmem>>[vector<16xi32>], vector<16xf32>,
        %add3A_1198 = arith.addi %add3A_471, %and3A_346 : vector<16xi32>
        %gather3A_1199 = tpu.vector_load_idx %arg8[%add3A_1198] : memref<49152xf32, #tpu.memory_space<vmem>>[vector<16xi32>], vector<16xf32>,
        %bitcast3A_1200 = vector.bitcast %gather3A_1197 : vector<16xf32> to vector<16xi32>
        %bitcast3A_1201 = vector.bitcast %gather3A_1199 : vector<16xf32> to vector<16xi32>
        %add3A_1202 = arith.constant 32768 : i32
        %add3A_1203 = vector.broadcast %add3A_1202 : i32 to vector<16xi32>
        %add3A_1204 = arith.addi %bitcast3A_1200, %add3A_1203 : vector<16xi32>
        %and3A_1205 = arith.constant -65536 : i32
        %and3A_1206 = vector.broadcast %and3A_1205 : i32 to vector<16xi32>
        %and3A_1207 = arith.andi %add3A_1204, %and3A_1206 : vector<16xi32>
        %bitcast3A_1208 = vector.bitcast %and3A_1207 : vector<16xi32> to vector<16xf32>
        %add3A_1209 = arith.constant 32768 : i32
        %add3A_1210 = vector.broadcast %add3A_1209 : i32 to vector<16xi32>
        %add3A_1211 = arith.addi %bitcast3A_1201, %add3A_1210 : vector<16xi32>
        %and3A_1212 = arith.constant -65536 : i32
        %and3A_1213 = vector.broadcast %and3A_1212 : i32 to vector<16xi32>
        %and3A_1214 = arith.andi %add3A_1211, %and3A_1213 : vector<16xi32>
        %bitcast3A_1215 = vector.bitcast %and3A_1214 : vector<16xi32> to vector<16xf32>
        %mul3A_1216 = arith.mulf %bitcast3A_1208, %gather3A_1192 : vector<16xf32>
        %add3A_1217 = arith.addf %add3A_1115, %mul3A_1216 : vector<16xf32>
        %mul3A_1218 = arith.mulf %bitcast3A_1215, %gather3A_1195 : vector<16xf32>
        %add3A_1219 = arith.addf %add3A_1117, %mul3A_1218 : vector<16xf32>
        %add3A_1220 = arith.addi %add3A_473, %and3A_340 : vector<16xi32>
        %gather3A_1221 = tpu.vector_load_idx %arg8[%add3A_1220] : memref<49152xf32, #tpu.memory_space<vmem>>[vector<16xi32>], vector<16xf32>,
        %add3A_1222 = arith.addi %add3A_473, %and3A_346 : vector<16xi32>
        %gather3A_1223 = tpu.vector_load_idx %arg8[%add3A_1222] : memref<49152xf32, #tpu.memory_space<vmem>>[vector<16xi32>], vector<16xf32>,
        %bitcast3A_1224 = vector.bitcast %gather3A_1221 : vector<16xf32> to vector<16xi32>
        %bitcast3A_1225 = vector.bitcast %gather3A_1223 : vector<16xf32> to vector<16xi32>
        %add3A_1226 = arith.constant 32768 : i32
        %add3A_1227 = vector.broadcast %add3A_1226 : i32 to vector<16xi32>
        %add3A_1228 = arith.addi %bitcast3A_1224, %add3A_1227 : vector<16xi32>
        %and3A_1229 = arith.constant -65536 : i32
        %and3A_1230 = vector.broadcast %and3A_1229 : i32 to vector<16xi32>
        %and3A_1231 = arith.andi %add3A_1228, %and3A_1230 : vector<16xi32>
        %bitcast3A_1232 = vector.bitcast %and3A_1231 : vector<16xi32> to vector<16xf32>
        %add3A_1233 = arith.constant 32768 : i32
        %add3A_1234 = vector.broadcast %add3A_1233 : i32 to vector<16xi32>
        %add3A_1235 = arith.addi %bitcast3A_1225, %add3A_1234 : vector<16xi32>
        %and3A_1236 = arith.constant -65536 : i32
        %and3A_1237 = vector.broadcast %and3A_1236 : i32 to vector<16xi32>
        %and3A_1238 = arith.andi %add3A_1235, %and3A_1237 : vector<16xi32>
        %bitcast3A_1239 = vector.bitcast %and3A_1238 : vector<16xi32> to vector<16xf32>
        %mul3A_1240 = arith.mulf %bitcast3A_1232, %gather3A_1192 : vector<16xf32>
        %add3A_1241 = arith.addf %add3A_1139, %mul3A_1240 : vector<16xf32>
        %mul3A_1242 = arith.mulf %bitcast3A_1239, %gather3A_1195 : vector<16xf32>
        %add3A_1243 = arith.addf %add3A_1141, %mul3A_1242 : vector<16xf32>
        %add3A_1244 = arith.addi %add3A_475, %and3A_340 : vector<16xi32>
        %gather3A_1245 = tpu.vector_load_idx %arg8[%add3A_1244] : memref<49152xf32, #tpu.memory_space<vmem>>[vector<16xi32>], vector<16xf32>,
        %add3A_1246 = arith.addi %add3A_475, %and3A_346 : vector<16xi32>
        %gather3A_1247 = tpu.vector_load_idx %arg8[%add3A_1246] : memref<49152xf32, #tpu.memory_space<vmem>>[vector<16xi32>], vector<16xf32>,
        %bitcast3A_1248 = vector.bitcast %gather3A_1245 : vector<16xf32> to vector<16xi32>
        %bitcast3A_1249 = vector.bitcast %gather3A_1247 : vector<16xf32> to vector<16xi32>
        %add3A_1250 = arith.constant 32768 : i32
        %add3A_1251 = vector.broadcast %add3A_1250 : i32 to vector<16xi32>
        %add3A_1252 = arith.addi %bitcast3A_1248, %add3A_1251 : vector<16xi32>
        %and3A_1253 = arith.constant -65536 : i32
        %and3A_1254 = vector.broadcast %and3A_1253 : i32 to vector<16xi32>
        %and3A_1255 = arith.andi %add3A_1252, %and3A_1254 : vector<16xi32>
        %bitcast3A_1256 = vector.bitcast %and3A_1255 : vector<16xi32> to vector<16xf32>
        %add3A_1257 = arith.constant 32768 : i32
        %add3A_1258 = vector.broadcast %add3A_1257 : i32 to vector<16xi32>
        %add3A_1259 = arith.addi %bitcast3A_1249, %add3A_1258 : vector<16xi32>
        %and3A_1260 = arith.constant -65536 : i32
        %and3A_1261 = vector.broadcast %and3A_1260 : i32 to vector<16xi32>
        %and3A_1262 = arith.andi %add3A_1259, %and3A_1261 : vector<16xi32>
        %bitcast3A_1263 = vector.bitcast %and3A_1262 : vector<16xi32> to vector<16xf32>
        %mul3A_1264 = arith.mulf %bitcast3A_1256, %gather3A_1192 : vector<16xf32>
        %add3A_1265 = arith.addf %add3A_1163, %mul3A_1264 : vector<16xf32>
        %mul3A_1266 = arith.mulf %bitcast3A_1263, %gather3A_1195 : vector<16xf32>
        %add3A_1267 = arith.addf %add3A_1165, %mul3A_1266 : vector<16xf32>
        %add3A_1268 = arith.addi %add3A_477, %and3A_340 : vector<16xi32>
        %gather3A_1269 = tpu.vector_load_idx %arg8[%add3A_1268] : memref<49152xf32, #tpu.memory_space<vmem>>[vector<16xi32>], vector<16xf32>,
        %add3A_1270 = arith.addi %add3A_477, %and3A_346 : vector<16xi32>
        %gather3A_1271 = tpu.vector_load_idx %arg8[%add3A_1270] : memref<49152xf32, #tpu.memory_space<vmem>>[vector<16xi32>], vector<16xf32>,
        %bitcast3A_1272 = vector.bitcast %gather3A_1269 : vector<16xf32> to vector<16xi32>
        %bitcast3A_1273 = vector.bitcast %gather3A_1271 : vector<16xf32> to vector<16xi32>
        %add3A_1274 = arith.constant 32768 : i32
        %add3A_1275 = vector.broadcast %add3A_1274 : i32 to vector<16xi32>
        %add3A_1276 = arith.addi %bitcast3A_1272, %add3A_1275 : vector<16xi32>
        %and3A_1277 = arith.constant -65536 : i32
        %and3A_1278 = vector.broadcast %and3A_1277 : i32 to vector<16xi32>
        %and3A_1279 = arith.andi %add3A_1276, %and3A_1278 : vector<16xi32>
        %bitcast3A_1280 = vector.bitcast %and3A_1279 : vector<16xi32> to vector<16xf32>
        %add3A_1281 = arith.constant 32768 : i32
        %add3A_1282 = vector.broadcast %add3A_1281 : i32 to vector<16xi32>
        %add3A_1283 = arith.addi %bitcast3A_1273, %add3A_1282 : vector<16xi32>
        %and3A_1284 = arith.constant -65536 : i32
        %and3A_1285 = vector.broadcast %and3A_1284 : i32 to vector<16xi32>
        %and3A_1286 = arith.andi %add3A_1283, %and3A_1285 : vector<16xi32>
        %bitcast3A_1287 = vector.bitcast %and3A_1286 : vector<16xi32> to vector<16xf32>
        %mul3A_1288 = arith.mulf %bitcast3A_1280, %gather3A_1192 : vector<16xf32>
        %add3A_1289 = arith.addf %add3A_1187, %mul3A_1288 : vector<16xf32>
        %mul3A_1290 = arith.mulf %bitcast3A_1287, %gather3A_1195 : vector<16xf32>
        %add3A_1291 = arith.addf %add3A_1189, %mul3A_1290 : vector<16xf32>
        scf.yield %add3A_1217, %add3A_1241, %add3A_1265, %add3A_1289, %add3A_1219, %add3A_1243, %add3A_1267, %add3A_1291 : vector<16xf32>, vector<16xf32>, vector<16xf32>, vector<16xf32>, vector<16xf32>, vector<16xf32>, vector<16xf32>, vector<16xf32>
      }
      %scan3A_382 = arith.constant 48 : i32
      %mul3A_383 = arith.constant 64 : i32
      %mul3A_384 = arith.muli %add3A_249, %mul3A_383 : i32
      %add3A_385 = arith.constant 0 : i32
      %add3A_386 = arith.addi %mul3A_384, %add3A_385 : i32
      %add3A_387 = arith.addf %scan3A_381#0, %scan3A_381#4 : vector<16xf32>
      %get3A_388 = arith.index_cast %add3A_386 : i32 to index
      %get3A_389 = tpu.vector_load %arg10[%get3A_388] {strides = array<i32>} : memref<1024xf32, #tpu.memory_space<vmem>>, vector<16xf32>,
      %add3A_390 = arith.addf %add3A_387, %get3A_389 : vector<16xf32>
      %ge3A_391 = arith.constant 0.000000e+00 : f32
      %ge3A_392 = vector.broadcast %ge3A_391 : f32 to vector<16xf32>
      %ge3A_393 = arith.cmpf oge, %add3A_390, %ge3A_392 : vector<16xf32>
      %jit3A_394 = arith.constant 1.000000e+00 : f32
      %jit3A_395 = arith.constant 0.000000e+00 : f32
      %broadcast_in_dim3A_396 = vector.broadcast %jit3A_394 : f32 to vector<16xf32>
      %broadcast_in_dim3A_397 = vector.broadcast %jit3A_395 : f32 to vector<16xf32>
      %select_n3A_398 = arith.select %ge3A_393, %broadcast_in_dim3A_396, %broadcast_in_dim3A_397 : vector<16xi1>, vector<16xf32>
      %swap3A_399 = arith.index_cast %add3A_386 : i32 to index
      %swap3A_400 = tpu.vector_load %arg11[%swap3A_399] {strides = array<i32>} : memref<1024xf32, #tpu.memory_space<vmem>>, vector<16xf32>,
      tpu.vector_store %arg11[%swap3A_399], %select_n3A_398 {strides = array<i32>} : memref<1024xf32, #tpu.memory_space<vmem>>, vector<16xf32>,
      %add3A_401 = arith.addf %add3A_236, %select_n3A_398 : vector<16xf32>
      %mul3A_402 = arith.constant 64 : i32
      %mul3A_403 = arith.muli %add3A_249, %mul3A_402 : i32
      %add3A_404 = arith.constant 16 : i32
      %add3A_405 = arith.addi %mul3A_403, %add3A_404 : i32
      %add3A_406 = arith.addf %scan3A_381#1, %scan3A_381#5 : vector<16xf32>
      %get3A_407 = arith.index_cast %add3A_405 : i32 to index
      %get3A_408 = tpu.vector_load %arg10[%get3A_407] {strides = array<i32>} : memref<1024xf32, #tpu.memory_space<vmem>>, vector<16xf32>,
      %add3A_409 = arith.addf %add3A_406, %get3A_408 : vector<16xf32>
      %ge3A_410 = arith.constant 0.000000e+00 : f32
      %ge3A_411 = vector.broadcast %ge3A_410 : f32 to vector<16xf32>
      %ge3A_412 = arith.cmpf oge, %add3A_409, %ge3A_411 : vector<16xf32>
      %jit3A_413 = arith.constant 1.000000e+00 : f32
      %jit3A_414 = arith.constant 0.000000e+00 : f32
      %broadcast_in_dim3A_415 = vector.broadcast %jit3A_413 : f32 to vector<16xf32>
      %broadcast_in_dim3A_416 = vector.broadcast %jit3A_414 : f32 to vector<16xf32>
      %select_n3A_417 = arith.select %ge3A_412, %broadcast_in_dim3A_415, %broadcast_in_dim3A_416 : vector<16xi1>, vector<16xf32>
      %swap3A_418 = arith.index_cast %add3A_405 : i32 to index
      %swap3A_419 = tpu.vector_load %arg11[%swap3A_418] {strides = array<i32>} : memref<1024xf32, #tpu.memory_space<vmem>>, vector<16xf32>,
      tpu.vector_store %arg11[%swap3A_418], %select_n3A_417 {strides = array<i32>} : memref<1024xf32, #tpu.memory_space<vmem>>, vector<16xf32>,
      %add3A_420 = arith.addf %add3A_401, %select_n3A_417 : vector<16xf32>
      %mul3A_421 = arith.constant 64 : i32
      %mul3A_422 = arith.muli %add3A_249, %mul3A_421 : i32
      %add3A_423 = arith.constant 32 : i32
      %add3A_424 = arith.addi %mul3A_422, %add3A_423 : i32
      %add3A_425 = arith.addf %scan3A_381#2, %scan3A_381#6 : vector<16xf32>
      %get3A_426 = arith.index_cast %add3A_424 : i32 to index
      %get3A_427 = tpu.vector_load %arg10[%get3A_426] {strides = array<i32>} : memref<1024xf32, #tpu.memory_space<vmem>>, vector<16xf32>,
      %add3A_428 = arith.addf %add3A_425, %get3A_427 : vector<16xf32>
      %ge3A_429 = arith.constant 0.000000e+00 : f32
      %ge3A_430 = vector.broadcast %ge3A_429 : f32 to vector<16xf32>
      %ge3A_431 = arith.cmpf oge, %add3A_428, %ge3A_430 : vector<16xf32>
      %jit3A_432 = arith.constant 1.000000e+00 : f32
      %jit3A_433 = arith.constant 0.000000e+00 : f32
      %broadcast_in_dim3A_434 = vector.broadcast %jit3A_432 : f32 to vector<16xf32>
      %broadcast_in_dim3A_435 = vector.broadcast %jit3A_433 : f32 to vector<16xf32>
      %select_n3A_436 = arith.select %ge3A_431, %broadcast_in_dim3A_434, %broadcast_in_dim3A_435 : vector<16xi1>, vector<16xf32>
      %swap3A_437 = arith.index_cast %add3A_424 : i32 to index
      %swap3A_438 = tpu.vector_load %arg11[%swap3A_437] {strides = array<i32>} : memref<1024xf32, #tpu.memory_space<vmem>>, vector<16xf32>,
      tpu.vector_store %arg11[%swap3A_437], %select_n3A_436 {strides = array<i32>} : memref<1024xf32, #tpu.memory_space<vmem>>, vector<16xf32>,
      %add3A_439 = arith.addf %add3A_420, %select_n3A_436 : vector<16xf32>
      %mul3A_440 = arith.constant 64 : i32
      %mul3A_441 = arith.muli %add3A_249, %mul3A_440 : i32
      %add3A_442 = arith.constant 48 : i32
      %add3A_443 = arith.addi %mul3A_441, %add3A_442 : i32
      %add3A_444 = arith.addf %scan3A_381#3, %scan3A_381#7 : vector<16xf32>
      %get3A_445 = arith.index_cast %add3A_443 : i32 to index
      %get3A_446 = tpu.vector_load %arg10[%get3A_445] {strides = array<i32>} : memref<1024xf32, #tpu.memory_space<vmem>>, vector<16xf32>,
      %add3A_447 = arith.addf %add3A_444, %get3A_446 : vector<16xf32>
      %ge3A_448 = arith.constant 0.000000e+00 : f32
      %ge3A_449 = vector.broadcast %ge3A_448 : f32 to vector<16xf32>
      %ge3A_450 = arith.cmpf oge, %add3A_447, %ge3A_449 : vector<16xf32>
      %jit3A_451 = arith.constant 1.000000e+00 : f32
      %jit3A_452 = arith.constant 0.000000e+00 : f32
      %broadcast_in_dim3A_453 = vector.broadcast %jit3A_451 : f32 to vector<16xf32>
      %broadcast_in_dim3A_454 = vector.broadcast %jit3A_452 : f32 to vector<16xf32>
      %select_n3A_455 = arith.select %ge3A_450, %broadcast_in_dim3A_453, %broadcast_in_dim3A_454 : vector<16xi1>, vector<16xf32>
      %swap3A_456 = arith.index_cast %add3A_443 : i32 to index
      %swap3A_457 = tpu.vector_load %arg11[%swap3A_456] {strides = array<i32>} : memref<1024xf32, #tpu.memory_space<vmem>>, vector<16xf32>,
      tpu.vector_store %arg11[%swap3A_456], %select_n3A_455 {strides = array<i32>} : memref<1024xf32, #tpu.memory_space<vmem>>, vector<16xf32>,
      %add3A_458 = arith.addf %add3A_439, %select_n3A_455 : vector<16xf32>
      scf.yield %add3A_458 : vector<16xf32>
    }
    %scan3A_13 = arith.constant 8 : i32
    %swap3A = arith.constant 0 : index
    %swap3A_14 = tpu.vector_load %arg12[%swap3A] {strides = array<i32>} : memref<16xf32, #tpu.memory_space<vmem>>, vector<16xf32>,
    tpu.vector_store %arg12[%swap3A], %scan3A_12 {strides = array<i32>} : memref<16xf32, #tpu.memory_space<vmem>>, vector<16xf32>,
    "tpu.region"() ({
      %run_scoped3A = tpu.sem_alloc : memref<!tpu.dma_semaphore, #tpu.memory_space<semaphore_mem>>
      %dma_start3A_15 = tpu.memref_slice %arg5[%mul3A_2] : memref<32768xf32, #tpu.memory_space<hbm>> -> memref<1024xf32, #tpu.memory_space<hbm>>
      %dma_start3A_16 = tpu.memref_slice %arg5[%mul3A_2] : memref<32768xf32, #tpu.memory_space<hbm>> -> memref<1024xf32, #tpu.memory_space<hbm>>
      tpu.enqueue_dma source(%arg11 : memref<1024xf32, #tpu.memory_space<vmem>>) target(%dma_start3A_16 : memref<1024xf32, #tpu.memory_space<hbm>>) target_semaphore(%run_scoped3A : memref<!tpu.dma_semaphore, #tpu.memory_space<semaphore_mem>>)
      %dma_wait3A = tpu.memref_slice %arg5[%mul3A_2] : memref<32768xf32, #tpu.memory_space<hbm>> -> memref<1024xf32, #tpu.memory_space<hbm>>
      %dma_wait3A_17 = tpu.memref_slice %arg5[%mul3A_2] : memref<32768xf32, #tpu.memory_space<hbm>> -> memref<1024xf32, #tpu.memory_space<hbm>>
      tpu.wait_dma2 semaphore(%run_scoped3A : memref<!tpu.dma_semaphore, #tpu.memory_space<semaphore_mem>>) src(%arg11 : memref<1024xf32, #tpu.memory_space<vmem>>) dst(%dma_wait3A_17 : memref<1024xf32, #tpu.memory_space<hbm>>)
      tpu.yield
    }) : () -> ()
    "tpu.region"() ({
      %run_scoped3A = tpu.sem_alloc : memref<!tpu.dma_semaphore, #tpu.memory_space<semaphore_mem>>
      %dma_start3A_15 = arith.constant 0 : i32
      %dma_start3A_16 = tpu.memref_slice %arg6[%add3A, %dma_start3A_15] : memref<32x16xf32, #tpu.memory_space<hbm>> -> memref<1x16xf32, #tpu.memory_space<hbm>>
      %dma_start3A_17 = tpu.memref_squeeze %dma_start3A_16 : memref<1x16xf32, #tpu.memory_space<hbm>> -> memref<16xf32, #tpu.memory_space<hbm>>
      %dma_start3A_18 = arith.constant 0 : i32
      %dma_start3A_19 = tpu.memref_slice %arg6[%add3A, %dma_start3A_18] : memref<32x16xf32, #tpu.memory_space<hbm>> -> memref<1x16xf32, #tpu.memory_space<hbm>>
      %dma_start3A_20 = tpu.memref_squeeze %dma_start3A_19 : memref<1x16xf32, #tpu.memory_space<hbm>> -> memref<16xf32, #tpu.memory_space<hbm>>
      tpu.enqueue_dma source(%arg12 : memref<16xf32, #tpu.memory_space<vmem>>) target(%dma_start3A_20 : memref<16xf32, #tpu.memory_space<hbm>>) target_semaphore(%run_scoped3A : memref<!tpu.dma_semaphore, #tpu.memory_space<semaphore_mem>>)
      %dma_wait3A = arith.constant 0 : i32
      %dma_wait3A_21 = tpu.memref_slice %arg6[%add3A, %dma_wait3A] : memref<32x16xf32, #tpu.memory_space<hbm>> -> memref<1x16xf32, #tpu.memory_space<hbm>>
      %dma_wait3A_22 = tpu.memref_squeeze %dma_wait3A_21 : memref<1x16xf32, #tpu.memory_space<hbm>> -> memref<16xf32, #tpu.memory_space<hbm>>
      %dma_wait3A_23 = arith.constant 0 : i32
      %dma_wait3A_24 = tpu.memref_slice %arg6[%add3A, %dma_wait3A_23] : memref<32x16xf32, #tpu.memory_space<hbm>> -> memref<1x16xf32, #tpu.memory_space<hbm>>
      %dma_wait3A_25 = tpu.memref_squeeze %dma_wait3A_24 : memref<1x16xf32, #tpu.memory_space<hbm>> -> memref<16xf32, #tpu.memory_space<hbm>>
      tpu.wait_dma2 semaphore(%run_scoped3A : memref<!tpu.dma_semaphore, #tpu.memory_space<semaphore_mem>>) src(%arg12 : memref<16xf32, #tpu.memory_space<vmem>>) dst(%dma_wait3A_25 : memref<16xf32, #tpu.memory_space<hbm>>)
      tpu.yield
    }) : () -> ()
    return
  }
}

</mosaic_0001>

<sc_bundles>
// kernel: kernel.3.cloned.1.call-start
scs
__scs_entry_jumppad:
0x0: {  	(pc) =	sbr.rel $0x88, $3  }
0x1: {  	(tag) =	ssettag $0x0;
	lr =	simm.s32 $0x1  }
0x2: {  	[smem:$0x3F9E] =	sst lr;
	_ =	strace $0xD0000000  }
0x3: {  	_ = 	snop  }
0x4: {  	_ = 	snop  }
0x5: {  	_ = 	snop  }
0x6: {  	_ = 	snop  }
0x7: {  	_ = 	snop  }
__scs_overlays_trampoline_lowered:
0x8: {  	[smem:$0x3FAD] =	sst s0  }
0x9: {  	[smem:$0x3FAE] =	sst s1  }
0xa: {  	[smem:$0x3FAF] =	sst s2  }
0xb: {  	[smem:$0x3FB0] =	sst s3  }
0xc: {  	[smem:$0x3FB1] =	sst s4  }
0xd: {  	[smem:$0x3FB2] =	sst s5  }
0xe: {  	[smem:$0x3FB3] =	sst s6  }
0xf: {  	[smem:$0x3FB4] =	sst s7  }
0x10: {  	[smem:$0x3FB5] =	sst s8  }
0x11: {  	[smem:$0x3FB6] =	sst s9;
	s0 =	simm.s32 @!p0 $0x0  }
0x12: {  	s1 =	sld [smem:$0x3F9C];
	s0 =	simm.s32 @p0 $0x1  }
0x13: {  	[smem:$0x3FB7] =	sst s0;
	s0 =	simm.s32 @!p1 $0x0  }
0x14: {  	s2 =	sld [smem:$0x3F9B];
	s0 =	simm.s32 @p1 $0x1  }
0x15: {  	[smem:$0x3FB8] =	sst s0;
	s0 =	simm.s32 @!p2 $0x0  }
0x16: {  	s3 =	sld [smem:$0x3FDB];
	s0 =	simm.s32 @p2 $0x1  }
0x17: {  	s4 =	simm.s32 $0x1BF5;
	[smem:$0x3FBA] =	sst s0  }
0x18: {  	s0 =	sld [smem:$0x3F9D];
	_ =	swait.ge [sflag:s4], $0x0  }
0x19: {  	s7 =	sld [smem:$0x3F9E]  }
0x1a: {  	s8 =	sadd.s32 $0xFFFFE003, lr  }
0x1b: {  	s9 =	sadd.s32 $0xFFFFFEF7, lr;
	s5 =	simm.s32 $0xFFFFFFFF;
	p2 =	slt.u32 s8, $0xFFFFF086  }
0x1c: {  	p1 =	slt.u32 s9, $0xF7A;
	s5 =	simm.s32 @!p2 $0x0  }
0x1d: {  	s5 =	simm.s32 @p1 $0x1;
	p0 =	seq.s32 s7, s2  }
0x1e: {  	s7 =	smul.u32 @!p0 $0xF7A, s2;
	p2 =	seq.s32 @!p0 s5, $0x0  }
0x1f: {  	s9 =	smul.u32 $0xF7A, s1;
	s8 =	simm.s32 @!p0 $0x1BF5;
	p2 =	por !p2, p0  }
0x20: {  	[sflag:s8] =	ssyncset.s32 @!p0 $0xFFFFF086;
	s6 =	sadd.s32 @!p0 s3, s7;
	s7 =	simm.s32 @!p0 $0x108  }
0x21: {  	s3 =	sadd.s32 s3, s9;
	s6 =	sadd.s32 @!p0 $0x88, s6;
	s7 =	simm.s32 @p2 $0x1082  }
0x22: {  	[simem:s7], [sflag:s8] =	dma.local @!p0 [hbm:s6], $0xF7A  }
0x23: {  	s9 =	sor.u32 $0xD0000000, s2;
	s6 =	simm.s32 $0x108;
	_ =	swait.ge @!p0 [sflag:s8], $0x0  }
0x24: {  	s3 =	sadd.s32 $0x88, s3;
	s6 =	simm.s32 @!p1 $0x1082;
	[sflag:s4] =	ssyncset.s32 $0xFFFFF086  }
0x25: {  	[simem:s6], [sflag:s4] =	dma.local [hbm:s3], $0xF7A  }
0x26: {  	[smem:$0x3F9E] =	sst s1;
	(tag) =	ssettag s2;
	_ =	strace s9  }
0x27: {  	s1 =	sld [smem:$0x3FAE]  }
0x28: {  	s2 =	sld [smem:$0x3FAF]  }
0x29: {  	s4 =	sld [smem:$0x3FB1]  }
0x2a: {  	p0 =	seq.s32 s5, $0x0;
	s5 =	sld [smem:$0x3FB2]  }
0x2b: {  	s6 =	sld [smem:$0x3FB3]  }
0x2c: {  	s7 =	sld [smem:$0x3FB4]  }
0x2d: {  	s3 =	simm.s32 $0x108;
	s8 =	sld [smem:$0x3FB5]  }
0x2e: {  	s3 =	simm.s32 @!p0 $0x1082;
	s9 =	sld [smem:$0x3FB6]  }
0x2f: {  	lr =	sadd.s32 s0, s3;
	s0 =	sld [smem:$0x3FAD]  }
0x30: {  	s3 =	sld [smem:$0x3FB0]  }
0x31: {  	[smem:$0x3FB9] =	sst s10  }
0x32: {  	s10 =	sld [smem:$0x3FB7];
	_ =	sdelay $0x3  }
0x33: {  	p0 =	seq.s32 s10, $0x1;
	s10 =	sld [smem:$0x3FB9];
	_ =	sdelay $0x3  }
0x34: {  	[smem:$0x3FB9] =	sst s10  }
0x35: {  	s10 =	sld [smem:$0x3FB8];
	_ =	sdelay $0x3  }
0x36: {  	p1 =	seq.s32 s10, $0x1;
	s10 =	sld [smem:$0x3FB9];
	_ =	sdelay $0x3  }
0x37: {  	[smem:$0x3FB9] =	sst s10  }
0x38: {  	s10 =	sld [smem:$0x3FBA]  }
0x39: {  	_ = 	snop;
	(pc) =	sbr.ind lr, $3  }
0x3a: {  	_ = 	snop  }
0x3b: {  	_ = 	snop  }
0x3c: {  	p2 =	seq.s32 s10, $0x1;
	s10 =	sld [smem:$0x3FB9]  }
0x3d: {  	_ =	shalt  }
0x3e: {  	_ =	shalt  }
0x3f: {  	_ =	shalt  }
0x40: {  	_ =	shalt  }
0x41: {  	_ =	shalt  }
0x42: {  	_ =	shalt  }
0x43: {  	_ =	shalt  }
0x44: {  	_ =	shalt  }
0x45: {  	_ =	shalt  }
0x46: {  	_ =	shalt  }
0x47: {  	_ =	shalt  }
0x48: {  	_ =	shalt  }
0x49: {  	_ =	shalt  }
0x4a: {  	_ =	shalt  }
0x4b: {  	_ =	shalt  }
0x4c: {  	_ =	shalt  }
0x4d: {  	_ =	shalt  }
0x4e: {  	_ =	shalt  }
0x4f: {  	_ =	shalt  }
0x50: {  	_ =	shalt  }
0x51: {  	_ =	shalt  }
0x52: {  	_ =	shalt  }
0x53: {  	_ =	shalt  }
0x54: {  	_ =	shalt  }
0x55: {  	_ =	shalt  }
0x56: {  	_ =	shalt  }
0x57: {  	_ =	shalt  }
0x58: {  	_ =	shalt  }
0x59: {  	_ =	shalt  }
0x5a: {  	_ =	shalt  }
0x5b: {  	_ =	shalt  }
0x5c: {  	_ =	shalt  }
0x5d: {  	_ =	shalt  }
0x5e: {  	_ =	shalt  }
0x5f: {  	_ =	shalt  }
0x60: {  	_ =	shalt  }
0x61: {  	_ =	shalt  }
0x62: {  	_ =	shalt  }
0x63: {  	_ =	shalt  }
0x64: {  	_ =	shalt  }
0x65: {  	_ =	shalt  }
0x66: {  	_ =	shalt  }
0x67: {  	_ =	shalt  }
0x68: {  	_ =	shalt  }
0x69: {  	_ =	shalt  }
0x6a: {  	_ =	shalt  }
0x6b: {  	_ =	shalt  }
0x6c: {  	_ =	shalt  }
0x6d: {  	_ =	shalt  }
0x6e: {  	_ =	shalt  }
0x6f: {  	_ =	shalt  }
0x70: {  	_ =	shalt  }
0x71: {  	_ =	shalt  }
0x72: {  	_ =	shalt  }
0x73: {  	_ =	shalt  }
0x74: {  	_ =	shalt  }
0x75: {  	_ =	shalt  }
0x76: {  	_ =	shalt  }
0x77: {  	_ =	shalt  }
0x78: {  	_ =	shalt  }
0x79: {  	_ =	shalt  }
0x7a: {  	_ =	shalt  }
0x7b: {  	_ =	shalt  }
0x7c: {  	_ =	shalt  }
0x7d: {  	_ =	shalt  }
0x7e: {  	_ =	shalt  }
0x7f: {  	_ =	shalt  }
0x80: {  	_ =	shalt  }
0x81: {  	_ =	shalt  }
0x82: {  	_ =	shalt  }
0x83: {  	_ =	shalt  }
0x84: {  	_ =	shalt  }
0x85: {  	_ =	shalt  }
0x86: {  	_ =	shalt  }
0x87: {  	_ =	shalt  }
.Lfunc_end0:
.L_simem_size_0:
called_computation_lowered:
.L_overlay_start_0:
0x88: {  	s2 =	sld [smem:$0x3FD9]  }
0x89: {  	s3 =	sld [smem:$0x3FFE];
	_ =	sdelay $0x1  }
0x8a: {  	s1 =	srdreg.scid  }
0x8b: {  	s0 =	sand.u32 $0x1, s1  }
0x8c: {  	s14 =	sshll.u32 s0, $0xA;
	s2 =	sadd.s32 s3, s2  }
0x8d: {  	s2 =	sadd.s32 s2, s14  }
0x8e: {  	[smem:$0x3FC5] =	sst s2  }
0x8f: {  	_ = 	snop  }
0x90: {  	s2 =	sld [smem:$0x3FD0];
	_ =	sdelay $0x2  }
0x91: {  	s15 =	simm.s32 $0xA;
	s4 =	simm.s32 $0x10  }
0x92: {  	[smem:s4], [sflag:s15] =	dma.local [hbm:s2], $0x1  }
0x93: {  	_ =	swait.eq [sflag:s15], $0x1  }
0x94: {  	[sflag:s15] =	ssyncset.done $0x0  }
0x95: {  	[sflag:s15] =	ssyncadd.s32 $0xFFFFFFFF  }
0x96: {  	s16 =	sld [smem:$0x10];
	(tm) =	ssettm $0x1  }
0x97: {  	s17 =	sld [smem:$0x3FFB];
	_ =	sdelay $0x3  }
0x98: {  	_ =	strace s17  }
0x99: {  	s3 =	sld [smem:$0x3FFC];
	_ =	sdelay $0x3  }
0x9a: {  	_ =	strace s3  }
0x9b: {  	s3 =	sld [smem:$0x3FFD];
	_ =	sdelay $0x3  }
0x9c: {  	_ =	strace s3  }
0x9d: {  	_ =	strace $0x8FFFFFFF  }
0x9e: {  	s18 =	sld [smem:$0x3FDB];
	_ =	sdelay $0x1  }
0x9f: {  	s19 =	simm.s32 $_scs_section_size  }
0xa0: {  	s5 =	simm.s32 $_size__tile_overlayer_lowered;
	s6 =	simm.s32 $_tile_overlayer_lowered  }
0xa1: {  	s22 =	simm.s32 $0x1BFF;
	s21 =	sshll.u32 s6, $0x1;
	s3 =	sadd.s32 s19, s18  }
0xa2: {  	s7 =	simm.s32 $0x0;
	s20 =	sshll.u32 s5, $0x1;
	s5 =	sadd.s32 s21, s3  }
0xa3: {  	[timem:s7], [sflag:s22] =	dma.local [hbm:s5], s20  }
0xa4: {  	_ =	swait.ge [sflag:s22], s20  }
0xa5: {  	s4 =	ssub.s32 $0x0, s20;
	[sflag:s22] =	ssyncset.done $0x0  }
0xa6: {  	[sflag:s22] =	ssyncadd.s32 s4;
	_ =	sdelay $0x1  }
0xa7: {  	s23 =	simm.s32 $0x1B8B  }
0xa8: {  	_ =	swait.ge [sflag:s23], $0x1  }
0xa9: {  	[sflag:s23] =	ssyncset.done $0x0  }
0xaa: {  	s25 =	simm.s32 $0x1B8E;
	s24 =	sld [smem:$0x3FFE];
	[sflag:s23] =	ssyncadd.s32 $0xFFFFFFFF  }
0xab: {  	s26 =	simm.s32 $execute0_lowered;
	[smem:$0x3FD2] =	sst s25  }
0xac: {  	s5 =	sshll.u32 s26, $0x1;
	_ =	strace $0x80000046;
	[dreg:$0x1] =	wrdreg $0xFFFFFFFF  }
0xad: {  	s28 =	simm.s32 $_size_execute0_lowered;
	s3 =	sadd.s32 s3, s5;
	[dreg:$0x0] =	wrdreg $0x0  }
0xae: {  	s5 =	sshll.u32 s28, $0x1;
	[dreg:$0x2] =	wrdreg s3  }
0xaf: {  	[dreg:$0x3] =	wrdreg s5  }
0xb0: {  	[dreg:$0x4] =	wrdreg $0xC0  }
0xb1: {  	_ =	task [dreg:s7], $0x5FFFF  }
0xb2: {  	[dreg:$0x1] =	wrdreg $0xFFFFFFFF  }
0xb3: {  	[dreg:$0x0] =	wrdreg $0x60  }
0xb4: {  	[dreg:$0x2] =	wrdreg s24  }
0xb5: {  	[dreg:$0x3] =	wrdreg s16  }
0xb6: {  	[dreg:$0x4] =	wrdreg $0x9  }
0xb7: {  	_ =	task.clear_ibuf [dreg:s7], $0x5FFFF;
	_ =	strace $0x90000046  }
0xb8: {  	s29 =	simm.s32 $0x9;
	_ =	strace $0x80000048  }
0xb9: {  	_ =	swait.ge [sflag:s29], $0x1  }
0xba: {  	[sflag:s29] =	ssyncadd.s32 $0xFFFFFFFF  }
0xbb: {  	_ =	strace $0x90000048  }
0xbc: {  	_ =	sfence  }
0xbd: {  	s30 =	sld [smem:$0x0];
	_ =	sdelay $0x2  }
0xbe: {  	s31 =	sshll.u32 s1, $0xD;
	s1 =	sshrl.u32 s1, $0x2  }
0xbf: {  	s3 =	sand.u32 $0x4000, s31;
	s1 =	sadd.s32 s1, s30  }
0xc0: {  	s0 =	sor.u32 s3, s0;
	s1 =	sshll.u32 s1, $0x11  }
0xc1: {  	s0 =	sor.u32 s1, s0  }
0xc2: {  	s0 =	sadd.s32 $0x8F2B, s0  }
0xc3: {  	[sflag:s0] =	ssyncadd.remote.s32 $0x1  }
0xc4: {  	_ =	sfence.sel $0xFFFF  }
0xc5: {  	[dreg:$0x0] =	wrdreg $0xFFFFFFFF;
	(pc) =	sbr.abs _section_cstart, $3  }
0xc6: {  	[dreg:$0x1] =	wrdreg $0xFFFFFFFF  }
0xc7: {  	_ =	task.clear_ibuf [dreg:s7], $0x2FFFF;
	_ =	strace $0x9FFFFFFF  }
0xc8: {  	(tm) =	ssettm $0x7FFFFFFF  }
0xc9: {  	_ =	shalt  }
tec
execute0_lowered:
.L_overlay_start_1:
0x0: {  	(tag) =	ssettag $0x1  }
0x1: {  	v0 =	vimm.s32 $0x2D00  }
0x2: {  	vm14 =	vcmask $0x300;
	vm13 =	vcmask $0x704;
	vm12 =	vcmask $0xB08  }
0x3: {  	vm11 =	vcmask $0xF0C;
	v1 =	vimm.s32 $0xFEDCBA9;
	vm10 =	vcmask $0x1310  }
0x4: {  	vm9 =	vcmask $0x1714;
	v2 =	vimm.s32 $0x87654321;
	vm8 =	vcmask $0x1B18  }
0x5: {  	vm6 =	vcmask $0x1F1C;
	vm7 =	vcmask $0x2320;
	vm5 =	vcmask $0x2724  }
0x6: {  	vm4 =	vcmask $0x2B28;
	vm3 =	vcmask $0x2F2C;
	vm2 =	vcmask $0x3330  }
0x7: {  	vm1 =	vcmask $0x3734;
	vm0 =	vcmask $0x3B38;
	v4 =	vimm.s32 $0xBD00  }
0x8: {  	v5 =	vimm.s32 $0x2D01;
	v9 =	vimm.s32 $0xBD03;
	v10 =	vimm.s32 $0xBD04  }
0x9: {  	v11 =	vimm.s32 $0x2D05;
	v12 =	vimm.s32 $0x2D06;
	v13 =	vimm.s32 $0x5D05  }
0xa: {  	v14 =	vimm.s32 $0xFEDCBA98;
	v15 =	vimm.s32 $0x5D06;
	v16 =	vimm.s32 $0x76543210  }
0xb: {  	v17 =	vimm.s32 $0x8D05;
	v18 =	vimm.s32 $0x8D06;
	v19 =	vimm.s32 $0xBD05  }
0xc: {  	v20 =	vimm.s32 $0xBD06;
	v34 =	vimm.s32 $0x2D07;
	v35 =	vimm.s32 $0x5D07  }
0xd: {  	v36 =	vimm.s32 $0x5D08;
	v22 =	vimm.s32 $0x8D07;
	v37 =	vimm.s32 $0x8D08  }
0xe: {  	v38 =	vimm.s32 $0xBD07;
	v25 =	vimm.s32 $0xBD08;
	v39 =	vimm.s32 $0x2D09  }
0xf: {  	v40 =	vimm.s32 $0x2D0A;
	v28 =	vimm.s32 $0x5D09;
	v41 =	vimm.s32 $0x5D0A  }
0x10: {  	v42 =	vimm.s32 $0x8D09;
	v30 =	vimm.s32 $0x8D0A;
	v43 =	vimm.s32 $0xBD09  }
0x11: {  	v44 =	vimm.s32 $0xBD0A;
	v45 =	vimm.s32 $0x2D0C;
	v46 =	vimm.s32 $0x5D0B  }
0x12: {  	v47 =	vimm.s32 $0x8D0B;
	v48 =	vimm.s32 $0x8D0C;
	v0 =	vsel vm14, $0x1, v0  }
0x13: {  	v1 =	vunpack.c.l.s4.s8 v1;
	v2 =	vunpack.c.l.s4.s8 v2;
	v4 =	vsel vm14, $0x9001, v4  }
0x14: {  	v9 =	vsel vm14, $0x9004, v9;
	v10 =	vsel vm14, $0x9005, v10;
	v11 =	vsel vm14, $0x6, v11  }
0x15: {  	v12 =	vsel vm14, $0x7, v12;
	v14 =	vunpack.c.l.s4.s8 v14;
	v13 =	vsel vm14, $0x3006, v13  }
0x16: {  	v15 =	vsel vm14, $0x3007, v15;
	v16 =	vunpack.c.l.s4.s8 v16;
	v17 =	vsel vm14, $0x6006, v17  }
0x17: {  	v18 =	vsel vm14, $0x6007, v18;
	v19 =	vsel vm14, $0x9006, v19;
	v20 =	vsel vm14, $0x9007, v20  }
0x18: {  	v21 =	vsel vm14, $0x3008, v35;
	v23 =	vsel vm14, $0x3009, v36;
	v22 =	vsel vm14, $0x6008, v22  }
0x19: {  	v24 =	vsel vm14, $0x6009, v37;
	v26 =	vsel vm14, $0x9008, v38;
	v25 =	vsel vm14, $0x9009, v25  }
0x1a: {  	v27 =	vsel vm14, $0xA, v39;
	v29 =	vsel vm14, $0xB, v40;
	v28 =	vsel vm14, $0x300A, v28  }
0x1b: {  	v36 =	vsel vm14, $0x900A, v43;
	v37 =	vsel vm14, $0x900B, v44;
	v39 =	vsel vm14, $0xD, v45  }
0x1c: {  	v40 =	vsel vm14, $0x300C, v46;
	v43 =	vsel vm14, $0x600D, v48;
	v0 =	vsel vm13, $0x302, v0  }
0x1d: {  	v4 =	vsel vm13, $0x9302, v4;
	v0 =	vsel vm12, $0x603, v0;
	v49 =	vunpack.c.0.s8.s32 v1  }
0x1e: {  	v50 =	vunpack.c.0.s8.s32 v2;
	v4 =	vsel vm12, $0x9603, v4;
	v14 =	vunpack.c.0.s8.s32 v14  }
0x1f: {  	v16 =	vunpack.c.0.s8.s32 v16;
	v0 =	vsel vm11, $0x904, v0;
	v4 =	vsel vm11, $0x9904, v4  }
0x20: {  	v0 =	vsel vm10, $0xC05, v0;
	v4 =	vsel vm10, $0x9C05, v4;
	v14 =	vand.u32 $0xF, v14  }
0x21: {  	v0 =	vsel vm9, $0xF06, v0;
	v4 =	vsel vm9, $0x9F06, v4;
	v14 =	vcombine.low v14, v16  }
0x22: {  	v16 =	vsel vm14, $0x8, v34;
	v34 =	vsel vm14, $0x600B, v30;
	v3 =	vsel vm8, $0x1207, v0  }
0x23: {  	v30 =	vimm.s32 $0x2D0B;
	v4 =	vsel vm8, $0xA207, v4;
	v3 =	vsel vm6, $0x1508, v3  }
0x24: {  	v0 =	vcombine.low v49, v50;
	v51 =	vsel vm7, $0x1809, v3;
	v3 =	vcombine.low v50, v49  }
0x25: {  	v38 =	vsel vm14, $0xC, v30;
	v30 =	vimm.s32 $0x5D0C;
	v2 =	vsel vm5, $0x1B0A, v51  }
0x26: {  	v4 =	vsel vm6, $0xA508, v4;
	[tilespmem:$0x1FB30] =	vst v14;
	v2 =	vsel vm4, $0x1E0B, v2;
	v3 =	vand.u32 $0xF, v3  }
0x27: {  	v14 =	vimm.s32 $0x2D08;
	v2 =	vsel vm3, $0x210C, v2;
	[tilespmem:$0x1FC60] =	vst v3;
	v3 =	vimm.s32 $0x5D00  }
0x28: {  	v2 =	vsel vm2, $0x240D, v2;
	v52 =	vsel vm14, $0x3001, v3;
	v3 =	vimm.s32 $0x8D00  }
0x29: {  	v4 =	vsel vm7, $0xA809, v4;
	v2 =	vsel vm1, $0x270E, v2;
	v3 =	vsel vm14, $0x6001, v3  }
0x2a: {  	v14 =	vsel vm14, $0x9, v14;
	v2 =	vsel vm0, $0x2A0F, v2;
	v3 =	vsel vm13, $0x6302, v3  }
0x2b: {  	v49 =	vimm.s32 $0xBD0C;
	[tilespmem:$0x1FCA0] =	vst v2;
	v2 =	vsel vm13, $0x3302, v52;
	v3 =	vsel vm12, $0x6603, v3  }
0x2c: {  	v50 =	vimm.s32 $0x2D0D;
	v2 =	vsel vm12, $0x3603, v2;
	v3 =	vsel vm11, $0x6904, v3  }
0x2d: {  	v4 =	vsel vm5, $0xAB0A, v4;
	v2 =	vsel vm11, $0x3904, v2;
	v3 =	vsel vm10, $0x6C05, v3  }
0x2e: {  	v45 =	vsel vm14, $0x900D, v49;
	v2 =	vsel vm10, $0x3C05, v2;
	v3 =	vsel vm9, $0x6F06, v3  }
0x2f: {  	v46 =	vsel vm14, $0xE, v50;
	v2 =	vsel vm9, $0x3F06, v2;
	v3 =	vsel vm8, $0x7207, v3  }
0x30: {  	v51 =	vimm.s32 $0x5D0D;
	v2 =	vsel vm8, $0x4207, v2;
	v3 =	vsel vm6, $0x7508, v3  }
0x31: {  	v4 =	vsel vm4, $0xAE0B, v4;
	v2 =	vsel vm6, $0x4508, v2;
	v3 =	vsel vm7, $0x7809, v3  }
0x32: {  	v48 =	vsel vm14, $0x300E, v51;
	v2 =	vsel vm7, $0x4809, v2;
	v3 =	vsel vm5, $0x7B0A, v3  }
0x33: {  	v4 =	vsel vm3, $0xB10C, v4;
	v2 =	vsel vm5, $0x4B0A, v2;
	v3 =	vsel vm4, $0x7E0B, v3  }
0x34: {  	v52 =	vimm.s32 $0x5D0E;
	v2 =	vsel vm4, $0x4E0B, v2;
	v3 =	vsel vm3, $0x810C, v3  }
0x35: {  	v49 =	vsel vm14, $0x300F, v52;
	v2 =	vsel vm3, $0x510C, v2;
	v3 =	vsel vm2, $0x840D, v3  }
0x36: {  	v2 =	vsel vm2, $0x540D, v2;
	v53 =	vsel vm1, $0x870E, v3;
	v3 =	vsel vm2, $0xB40D, v4  }
0x37: {  	v4 =	vimm.s32 $0x98765432;
	v2 =	vsel vm1, $0x570E, v2;
	v54 =	vsel vm1, $0xB70E, v3  }
0x38: {  	v3 =	vimm.s32 $0x10FEDCBA;
	v55 =	vunpack.c.l.s4.s8 v4;
	v4 =	vsel vm14, $0x2, v5  }
0x39: {  	v5 =	vimm.s32 $0xA9876543;
	v2 =	vsel vm0, $0x5A0F, v2;
	v3 =	vunpack.c.l.s4.s8 v3  }
0x3a: {  	v5 =	vunpack.c.l.s4.s8 v5;
	[tilespmem:$0x1FCB0] =	vst v2;
	v2 =	vsel vm0, $0x8A0F, v53;
	v7 =	vunpack.c.0.s8.s32 v55  }
0x3b: {  	v53 =	vimm.s32 $0x8D0E;
	v55 =	vimm.s32 $0xCBA98765;
	[tilespmem:$0x1FCD0] =	vst v2;
	v2 =	vsel vm0, $0xBA0F, v54  }
0x3c: {  	v6 =	vunpack.c.0.s8.s32 v3;
	v3 =	vsel vm13, $0x303, v4;
	v4 =	vimm.s32 $0x2D02  }
0x3d: {  	v5 =	vunpack.c.0.s8.s32 v5;
	v51 =	vsel vm14, $0x600F, v53;
	v54 =	vimm.s32 $0xBD0D  }
0x3e: {  	v1 =	vunpack.c.l.s4.s8 v55;
	v56 =	vsel vm12, $0x604, v3;
	v3 =	vsel vm14, $0x3, v4  }
0x3f: {  	[tilespmem:$0x1FCF0] =	vst v2;
	v4 =	vimm.s32 $0x210FEDCB;
	v52 =	vsel vm14, $0x900E, v54;
	v2 =	vsel vm11, $0x905, v56  }
0x40: {  	v3 =	vsel vm13, $0x304, v3;
	v4 =	vunpack.c.l.s4.s8 v4;
	v2 =	vsel vm10, $0xC06, v2  }
0x41: {  	[tilespmem:$0x1FD10] =	vst v0;
	v0 =	vunpack.c.0.s8.s32 v1;
	v3 =	vsel vm12, $0x605, v3;
	v2 =	vsel vm9, $0xF07, v2  }
0x42: {  	[tilespmem:$0x1FAB0] =	vst v7;
	v3 =	vsel vm11, $0x906, v3;
	v8 =	vunpack.c.0.s8.s32 v4;
	v4 =	vcombine.low v7, v6  }
0x43: {  	[tilespmem:$0x1FAA0] =	vst v6;
	v6 =	vimm.s32 $0x5D04;
	v7 =	vimm.s32 $0x8D03;
	v2 =	vsel vm8, $0x1208, v2  }
0x44: {  	v3 =	vsel vm10, $0xC07, v3;
	v6 =	vsel vm14, $0x3005, v6;
	v7 =	vsel vm14, $0x6004, v7  }
0x45: {  	[tilespmem:$0x1FAD0] =	vst v5;
	v2 =	vsel vm6, $0x1509, v2;
	v3 =	vsel vm9, $0xF08, v3;
	v5 =	vcombine.low v5, v8  }
0x46: {  	[tilespmem:$0x1FAC0] =	vst v8;
	v4 =	vand.u32 $0xF, v4;
	v8 =	vimm.s32 $0x8D04;
	v2 =	vsel vm7, $0x180A, v2  }
0x47: {  	v3 =	vsel vm8, $0x1209, v3;
	v8 =	vsel vm14, $0x6005, v8;
	v2 =	vsel vm5, $0x1B0B, v2  }
0x48: {  	[tilespmem:$0x1FD00] =	vst v4;
	v3 =	vsel vm6, $0x150A, v3;
	v4 =	vand.u32 $0xF, v5;
	v5 =	vimm.s32 $0xBA987654  }
0x49: {  	v2 =	vsel vm4, $0x1E0C, v2;
	v3 =	vsel vm7, $0x180B, v3;
	[tilespmem:$0x1FD20] =	vst v4;
	v4 =	vimm.s32 $0x5D01  }
0x4a: {  	v32 =	vunpack.c.l.s4.s8 v5;
	v2 =	vsel vm3, $0x210D, v2;
	v3 =	vsel vm5, $0x1B0C, v3  }
0x4b: {  	v5 =	vimm.s32 $0x5D03;
	v2 =	vsel vm2, $0x240E, v2;
	v3 =	vsel vm4, $0x1E0D, v3  }
0x4c: {  	v5 =	vsel vm14, $0x3004, v5;
	v2 =	vsel vm1, $0x270F, v2;
	v3 =	vsel vm3, $0x210E, v3  }
0x4d: {  	v2 =	vsel vm0, $0x2A00, v2;
	v57 =	vsel vm2, $0x240F, v3;
	v3 =	vsel vm14, $0x3002, v4  }
0x4e: {  	v4 =	vimm.s32 $0x5D02;
	[tilespmem:$0x1FAE0] =	vst v2;
	v2 =	vsel vm1, $0x2700, v57;
	v3 =	vsel vm13, $0x3303, v3  }
0x4f: {  	v57 =	vsel vm13, $0x3305, v5;
	v5 =	vsel vm13, $0x6307, v17;
	v17 =	vsel vm13, $0x30B, v27  }
0x50: {  	v27 =	vsel vm13, $0x330D, v40;
	v40 =	vsel vm13, $0x630E, v43;
	v43 =	vsel vm13, $0x30F, v46  }
0x51: {  	v46 =	vsel vm13, $0x3300, v49;
	v49 =	vsel vm13, $0x930F, v52;
	v2 =	vsel vm0, $0x2A01, v2  }
0x52: {  	v58 =	vsel vm12, $0x3604, v3;
	v3 =	vsel vm14, $0x3003, v4;
	v4 =	vimm.s32 $0x8D01  }
0x53: {  	v5 =	vsel vm12, $0x6608, v5;
	v17 =	vsel vm12, $0x60C, v17;
	v27 =	vsel vm12, $0x360E, v27  }
0x54: {  	[tilespmem:$0x1FBE0] =	vst v2;
	v2 =	vsel vm11, $0x3905, v58;
	v3 =	vsel vm13, $0x3304, v3;
	v4 =	vsel vm14, $0x6002, v4  }
0x55: {  	v58 =	vsel vm13, $0x6305, v7;
	v7 =	vsel vm13, $0x9307, v19;
	v19 =	vsel vm13, $0x330B, v28  }
0x56: {  	v5 =	vsel vm11, $0x6909, v5;
	v17 =	vsel vm11, $0x90D, v17;
	v27 =	vsel vm11, $0x390F, v27  }
0x57: {  	v2 =	vsel vm10, $0x3C06, v2;
	v3 =	vsel vm12, $0x3605, v3;
	v4 =	vsel vm13, $0x6303, v4  }
0x58: {  	v58 =	vsel vm12, $0x6606, v58;
	v7 =	vsel vm12, $0x9608, v7;
	v19 =	vsel vm12, $0x360C, v19  }
0x59: {  	v5 =	vsel vm10, $0x6C0A, v5;
	v17 =	vsel vm10, $0xC0E, v17;
	v27 =	vsel vm10, $0x3C00, v27  }
0x5a: {  	v2 =	vsel vm9, $0x3F07, v2;
	v3 =	vsel vm11, $0x3906, v3;
	v4 =	vsel vm12, $0x6604, v4  }
0x5b: {  	v7 =	vsel vm11, $0x9909, v7;
	v19 =	vsel vm11, $0x390D, v19;
	v5 =	vsel vm9, $0x6F0B, v5  }
0x5c: {  	v17 =	vsel vm9, $0xF0F, v17;
	v27 =	vsel vm9, $0x3F01, v27;
	v2 =	vsel vm8, $0x4208, v2  }
0x5d: {  	v3 =	vsel vm10, $0x3C07, v3;
	v4 =	vsel vm11, $0x6905, v4;
	v7 =	vsel vm10, $0x9C0A, v7  }
0x5e: {  	v19 =	vsel vm10, $0x3C0E, v19;
	v5 =	vsel vm8, $0x720C, v5;
	v17 =	vsel vm8, $0x1200, v17  }
0x5f: {  	v27 =	vsel vm8, $0x4202, v27;
	v2 =	vsel vm6, $0x4509, v2;
	v3 =	vsel vm9, $0x3F08, v3  }
0x60: {  	v4 =	vsel vm10, $0x6C06, v4;
	v7 =	vsel vm9, $0x9F0B, v7;
	v19 =	vsel vm9, $0x3F0F, v19  }
0x61: {  	v2 =	vsel vm7, $0x480A, v2;
	v3 =	vsel vm8, $0x4209, v3;
	v4 =	vsel vm9, $0x6F07, v4  }
0x62: {  	v7 =	vsel vm8, $0xA20C, v7;
	v2 =	vsel vm5, $0x4B0B, v2;
	v3 =	vsel vm6, $0x450A, v3  }
0x63: {  	v4 =	vsel vm8, $0x7208, v4;
	v2 =	vsel vm4, $0x4E0C, v2;
	v3 =	vsel vm7, $0x480B, v3  }
0x64: {  	v4 =	vsel vm6, $0x7509, v4;
	v2 =	vsel vm3, $0x510D, v2;
	v3 =	vsel vm5, $0x4B0C, v3  }
0x65: {  	v4 =	vsel vm7, $0x780A, v4;
	v2 =	vsel vm2, $0x540E, v2;
	v3 =	vsel vm4, $0x4E0D, v3  }
0x66: {  	v4 =	vsel vm5, $0x7B0B, v4;
	v2 =	vsel vm1, $0x570F, v2;
	v3 =	vsel vm3, $0x510E, v3  }
0x67: {  	v2 =	vsel vm0, $0x5A00, v2;
	v59 =	vsel vm2, $0x540F, v3;
	v3 =	vsel vm4, $0x7E0C, v4  }
0x68: {  	v19 =	vsel vm8, $0x4200, v19;
	[tilespmem:$0x1FAF0] =	vst v2;
	v2 =	vsel vm1, $0x5700, v59;
	v3 =	vsel vm3, $0x810D, v3  }
0x69: {  	v4 =	vimm.s32 $0x8D02;
	v2 =	vsel vm0, $0x5A01, v2;
	v60 =	vsel vm2, $0x840E, v3  }
0x6a: {  	v3 =	vsel vm14, $0x6003, v4;
	v4 =	vimm.s32 $0xBD01;
	[tilespmem:$0x1FB00] =	vst v2;
	v2 =	vsel vm1, $0x870F, v60  }
0x6b: {  	v3 =	vsel vm13, $0x6304, v3;
	v60 =	vunpack.c.0.s8.s32 v32;
	v32 =	vsel vm14, $0x300B, v41  }
0x6c: {  	v41 =	vsel vm14, $0x300D, v30;
	v30 =	vimm.s32 $0xBD0B;
	v2 =	vsel vm0, $0x8A00, v2  }
0x6d: {  	v61 =	vsel vm12, $0x6605, v3;
	v3 =	vsel vm14, $0x9002, v4;
	v4 =	vimm.s32 $0xBD02  }
0x6e: {  	v44 =	vsel vm14, $0x900C, v30;
	v30 =	vimm.s32 $0x2D0E;
	v28 =	vsel vm13, $0x330E, v41  }
0x6f: {  	[tilespmem:$0x1FB10] =	vst v2;
	v2 =	vsel vm11, $0x6906, v61;
	v3 =	vsel vm13, $0x9303, v3;
	v4 =	vsel vm14, $0x9003, v4  }
0x70: {  	v61 =	vsel vm13, $0x6306, v8;
	v8 =	vsel vm13, $0x9308, v20;
	v20 =	vsel vm13, $0x330C, v32  }
0x71: {  	v28 =	vsel vm12, $0x360F, v28;
	v41 =	vsel vm13, $0x930D, v44;
	v32 =	vsel vm12, $0x660F, v40  }
0x72: {  	v2 =	vsel vm10, $0x6C07, v2;
	v3 =	vsel vm12, $0x9604, v3;
	v4 =	vsel vm13, $0x9304, v4  }
0x73: {  	v35 =	vsel vm12, $0x6607, v61;
	v8 =	vsel vm12, $0x9609, v8;
	v20 =	vsel vm12, $0x360D, v20  }
0x74: {  	v28 =	vsel vm11, $0x3900, v28;
	v2 =	vsel vm9, $0x6F08, v2;
	v3 =	vsel vm11, $0x9905, v3  }
0x75: {  	v4 =	vsel vm12, $0x9605, v4;
	v35 =	vsel vm11, $0x6908, v35;
	v8 =	vsel vm11, $0x990A, v8  }
0x76: {  	v20 =	vsel vm11, $0x390E, v20;
	v28 =	vsel vm10, $0x3C01, v28;
	v2 =	vsel vm8, $0x7209, v2  }
0x77: {  	v3 =	vsel vm10, $0x9C06, v3;
	v4 =	vsel vm11, $0x9906, v4;
	v35 =	vsel vm10, $0x6C09, v35  }
0x78: {  	v8 =	vsel vm10, $0x9C0B, v8;
	v20 =	vsel vm10, $0x3C0F, v20;
	v28 =	vsel vm9, $0x3F02, v28  }
0x79: {  	v2 =	vsel vm6, $0x750A, v2;
	v3 =	vsel vm9, $0x9F07, v3;
	v4 =	vsel vm10, $0x9C07, v4  }
0x7a: {  	v35 =	vsel vm9, $0x6F0A, v35;
	v8 =	vsel vm9, $0x9F0C, v8;
	v20 =	vsel vm9, $0x3F00, v20  }
0x7b: {  	v28 =	vsel vm8, $0x4203, v28;
	v2 =	vsel vm7, $0x780B, v2;
	v3 =	vsel vm8, $0xA208, v3  }
0x7c: {  	v4 =	vsel vm9, $0x9F08, v4;
	v35 =	vsel vm8, $0x720B, v35;
	v8 =	vsel vm8, $0xA20D, v8  }
0x7d: {  	v20 =	vsel vm8, $0x4201, v20;
	v2 =	vsel vm5, $0x7B0C, v2;
	v3 =	vsel vm6, $0xA509, v3  }
0x7e: {  	v4 =	vsel vm8, $0xA209, v4;
	v35 =	vsel vm6, $0x750C, v35;
	v2 =	vsel vm4, $0x7E0D, v2  }
0x7f: {  	v3 =	vsel vm7, $0xA80A, v3;
	v4 =	vsel vm6, $0xA50A, v4;
	v35 =	vsel vm7, $0x780D, v35  }
0x80: {  	v2 =	vsel vm3, $0x810E, v2;
	v3 =	vsel vm5, $0xAB0B, v3;
	v4 =	vsel vm7, $0xA80B, v4  }
0x81: {  	v35 =	vsel vm5, $0x7B0E, v35;
	v2 =	vsel vm2, $0x840F, v2;
	v3 =	vsel vm4, $0xAE0C, v3  }
0x82: {  	v4 =	vsel vm5, $0xAB0C, v4;
	v35 =	vsel vm4, $0x7E0F, v35;
	v2 =	vsel vm1, $0x8700, v2  }
0x83: {  	v3 =	vsel vm3, $0xB10D, v3;
	v35 =	vsel vm3, $0x8100, v35;
	v2 =	vsel vm0, $0x8A01, v2  }
0x84: {  	v62 =	vsel vm2, $0xB40E, v3;
	v3 =	vsel vm4, $0xAE0D, v4;
	v4 =	vimm.s32 $0x2D03  }
0x85: {  	v35 =	vsel vm2, $0x8401, v35;
	[tilespmem:$0x1FC80] =	vst v2;
	v2 =	vsel vm1, $0xB70F, v62;
	v3 =	vsel vm3, $0xB10E, v3  }
0x86: {  	v62 =	vsel vm13, $0x9306, v10;
	v10 =	vsel vm13, $0x30A, v14;
	v14 =	vsel vm13, $0x630A, v24  }
0x87: {  	v24 =	vsel vm13, $0x930C, v37;
	v35 =	vsel vm1, $0x8702, v35;
	v2 =	vsel vm0, $0xBA00, v2  }
0x88: {  	v63 =	vsel vm2, $0xB40F, v3;
	v3 =	vsel vm14, $0x4, v4;
	v4 =	vimm.s32 $0x3210FEDC  }
0x89: {  	v10 =	vsel vm12, $0x60B, v10;
	v14 =	vsel vm12, $0x660B, v14;
	v24 =	vsel vm12, $0x960D, v24  }
0x8a: {  	[tilespmem:$0x1FB20] =	vst v2;
	v2 =	vsel vm1, $0xB700, v63;
	v3 =	vsel vm13, $0x305, v3;
	v4 =	vunpack.c.l.s4.s8 v4  }
0x8b: {  	v63 =	vsel vm13, $0x307, v11;
	v11 =	vsel vm13, $0x3309, v21;
	v10 =	vsel vm11, $0x90C, v10  }
0x8c: {  	v14 =	vsel vm11, $0x690C, v14;
	v24 =	vsel vm11, $0x990E, v24;
	v3 =	vsel vm12, $0x606, v3  }
0x8d: {  	v2 =	vsel vm0, $0xBA01, v2;
	v11 =	vsel vm12, $0x360A, v11;
	v10 =	vsel vm10, $0xC0D, v10  }
0x8e: {  	v14 =	vsel vm10, $0x6C0D, v14;
	v24 =	vsel vm10, $0x9C0F, v24;
	v3 =	vsel vm11, $0x907, v3  }
0x8f: {  	v59 =	vunpack.c.0.s8.s32 v4;
	v4 =	vimm.s32 $0x2D04;
	v11 =	vsel vm11, $0x390B, v11  }
0x90: {  	v10 =	vsel vm9, $0xF0E, v10;
	v14 =	vsel vm9, $0x6F0E, v14;
	v24 =	vsel vm9, $0x9F00, v24  }
0x91: {  	v3 =	vsel vm10, $0xC08, v3;
	v11 =	vsel vm10, $0x3C0C, v11;
	v10 =	vsel vm8, $0x120F, v10  }
0x92: {  	v14 =	vsel vm8, $0x720F, v14;
	v33 =	vsel vm9, $0xF09, v3;
	v3 =	vsel vm14, $0x5, v4  }
0x93: {  	[tilespmem:$0x1FC50] =	vst v2;
	v4 =	vimm.s32 $0x43210FED;
	v11 =	vsel vm9, $0x3F0D, v11;
	v2 =	vsel vm8, $0x120A, v33  }
0x94: {  	v3 =	vsel vm13, $0x306, v3;
	v4 =	vunpack.c.l.s4.s8 v4;
	v33 =	vsel vm14, $0x600A, v42  }
0x95: {  	v42 =	vsel vm14, $0x600C, v47;
	v47 =	vsel vm14, $0xF, v30;
	v30 =	vimm.s32 $0x8D0D  }
0x96: {  	v11 =	vsel vm8, $0x420E, v11;
	v2 =	vsel vm6, $0x150B, v2;
	v3 =	vsel vm12, $0x607, v3  }
0x97: {  	v50 =	vsel vm14, $0x600E, v30;
	v30 =	vimm.s32 $0xBD0E;
	v21 =	vsel vm13, $0x630B, v33  }
0x98: {  	v33 =	vsel vm12, $0x960E, v41;
	v44 =	vsel vm13, $0x300, v47;
	v2 =	vsel vm7, $0x180C, v2  }
0x99: {  	v3 =	vsel vm11, $0x908, v3;
	v53 =	vsel vm14, $0x900F, v30;
	v30 =	vunpack.c.0.s8.s32 v4  }
0x9a: {  	v4 =	vsel vm13, $0x3308, v15;
	v15 =	vsel vm13, $0x9309, v26;
	v21 =	vsel vm12, $0x660C, v21  }
0x9b: {  	v26 =	vsel vm13, $0x30E, v39;
	v37 =	vsel vm12, $0x601, v44;
	v47 =	vsel vm13, $0x630F, v50  }
0x9c: {  	v39 =	vsel vm12, $0x3601, v46;
	v3 =	vsel vm10, $0xC09, v3;
	v2 =	vsel vm5, $0x1B0D, v2  }
0x9d: {  	v4 =	vsel vm12, $0x3609, v4;
	v15 =	vsel vm12, $0x960A, v15;
	v26 =	vsel vm12, $0x60F, v26  }
0x9e: {  	v40 =	vsel vm12, $0x6600, v47;
	v50 =	vsel vm13, $0x9300, v53;
	v21 =	vsel vm11, $0x690D, v21  }
0x9f: {  	v3 =	vsel vm9, $0xF0A, v3;
	v2 =	vsel vm4, $0x1E0E, v2;
	v52 =	vcombine.low v0, v30  }
0xa0: {  	v4 =	vsel vm11, $0x390A, v4;
	v15 =	vsel vm11, $0x990B, v15;
	v26 =	vsel vm11, $0x900, v26  }
0xa1: {  	v47 =	vsel vm11, $0x6901, v40;
	v21 =	vsel vm10, $0x6C0E, v21;
	v3 =	vsel vm8, $0x120B, v3  }
0xa2: {  	v54 =	vsel vm3, $0x210F, v2;
	v2 =	vsel vm12, $0x608, v63;
	v4 =	vsel vm10, $0x3C0B, v4  }
0xa3: {  	v15 =	vsel vm10, $0x9C0C, v15;
	v26 =	vsel vm10, $0xC01, v26;
	v21 =	vsel vm9, $0x6F0F, v21  }
0xa4: {  	v56 =	vsel vm6, $0x150C, v3;
	v3 =	vsel vm13, $0x3306, v6;
	v6 =	vsel vm13, $0x6308, v18  }
0xa5: {  	v18 =	vsel vm13, $0x30C, v29;
	v29 =	vsel vm13, $0x630D, v42;
	v42 =	vsel vm13, $0x930E, v45  }
0xa6: {  	v45 =	vsel vm13, $0x330F, v48;
	v48 =	vsel vm13, $0x6300, v51;
	v51 =	vcombine.low v60, v59  }
0xa7: {  	[tilespmem:$0x1FB50] =	vst v60;
	v54 =	vsel vm2, $0x2400, v54;
	v60 =	vand.u32 $0xF, v52;
	v52 =	vsel vm11, $0x6907, v58  }
0xa8: {  	v2 =	vsel vm11, $0x909, v2;
	v58 =	vsel vm11, $0x990F, v33;
	v4 =	vsel vm9, $0x3F0C, v4  }
0xa9: {  	v15 =	vsel vm9, $0x9F0D, v15;
	v26 =	vsel vm9, $0xF02, v26;
	v1 =	vsel vm7, $0x180D, v56  }
0xaa: {  	v56 =	vsel vm12, $0x3606, v57;
	v57 =	vsel vm12, $0x3607, v3;
	v3 =	vsel vm13, $0x9305, v9  }
0xab: {  	v6 =	vsel vm12, $0x6609, v6;
	v9 =	vsel vm13, $0x309, v16;
	v16 =	vsel vm13, $0x930A, v25  }
0xac: {  	v18 =	vsel vm12, $0x60D, v18;
	v25 =	vsel vm13, $0x30D, v38;
	v29 =	vsel vm12, $0x660E, v29  }
0xad: {  	v38 =	vsel vm12, $0x3600, v45;
	v41 =	vsel vm12, $0x6601, v48;
	v44 =	vsel vm1, $0x2701, v54  }
0xae: {  	v46 =	vsel vm10, $0x6C08, v52;
	v2 =	vsel vm10, $0xC0A, v2;
	v52 =	vimm.s32 $0xDCBA9876  }
0xaf: {  	v4 =	vsel vm8, $0x420D, v4;
	v15 =	vsel vm8, $0xA20E, v15;
	v55 =	vsel vm5, $0x1B0E, v1  }
0xb0: {  	v31 =	vsel vm12, $0x9606, v3;
	v3 =	vsel vm13, $0x308, v12;
	v1 =	vsel vm12, $0x9607, v62  }
0xb1: {  	v9 =	vsel vm12, $0x60A, v9;
	v12 =	vsel vm13, $0x330A, v23;
	v16 =	vsel vm12, $0x960B, v16  }
0xb2: {  	v23 =	vsel vm13, $0x930B, v36;
	v25 =	vsel vm12, $0x60E, v25;
	v36 =	vsel vm12, $0x600, v43  }
0xb3: {  	[tilespmem:$0x1FB60] =	vst v30;
	v43 =	vsel vm12, $0x9601, v50;
	v53 =	vand.u32 $0xF, v51;
	v30 =	vsel vm0, $0x2A02, v44  }
0xb4: {  	[tilespmem:$0x1FB70] =	vst v0;
	v0 =	vsel vm11, $0x3907, v56;
	v48 =	vsel vm11, $0x3908, v57;
	v46 =	vsel vm9, $0x6F09, v46  }
0xb5: {  	v6 =	vsel vm11, $0x690A, v6;
	v18 =	vsel vm11, $0x90E, v18;
	v29 =	vsel vm11, $0x690F, v29  }
0xb6: {  	v2 =	vsel vm9, $0xF0B, v2;
	v61 =	vsel vm12, $0x609, v3;
	v3 =	vsel vm13, $0x3307, v13  }
0xb7: {  	v13 =	vsel vm13, $0x6309, v22;
	v12 =	vsel vm12, $0x360B, v12;
	v22 =	vsel vm13, $0x630C, v34  }
0xb8: {  	v23 =	vsel vm12, $0x960C, v23;
	v34 =	vsel vm12, $0x960F, v42;
	v42 =	vsel vm12, $0x9600, v49  }
0xb9: {  	[tilespmem:$0x1FB40] =	vst v59;
	v59 =	vsel vm4, $0x1E0F, v55;
	v45 =	vsel vm10, $0x3C08, v0;
	v51 =	vsel vm10, $0x3C09, v48  }
0xba: {  	v46 =	vsel vm8, $0x720A, v46;
	v31 =	vsel vm11, $0x9907, v31;
	v9 =	vsel vm11, $0x90B, v9  }
0xbb: {  	[tilespmem:$0x1FC40] =	vst v60;
	v16 =	vsel vm11, $0x990C, v16;
	v25 =	vsel vm11, $0x90F, v25;
	v60 =	vsel vm11, $0x901, v36  }
0xbc: {  	v48 =	vsel vm11, $0x6902, v41;
	v6 =	vsel vm10, $0x6C0B, v6;
	v18 =	vsel vm10, $0xC0F, v18  }
0xbd: {  	v29 =	vsel vm10, $0x6C00, v29;
	v2 =	vsel vm8, $0x120C, v2;
	v3 =	vsel vm12, $0x3608, v3  }
0xbe: {  	v13 =	vsel vm12, $0x660A, v13;
	v22 =	vsel vm12, $0x660D, v22;
	v62 =	vsel vm3, $0x2100, v59  }
0xbf: {  	v50 =	vsel vm9, $0x3F09, v45;
	v45 =	vsel vm9, $0x3F0A, v51;
	v46 =	vsel vm6, $0x750B, v46  }
0xc0: {  	v31 =	vsel vm10, $0x9C08, v31;
	v57 =	vsel vm11, $0x90A, v61;
	v12 =	vsel vm11, $0x390C, v12  }
0xc1: {  	v23 =	vsel vm11, $0x990D, v23;
	v59 =	vsel vm11, $0x9900, v34;
	v61 =	vsel vm11, $0x902, v37  }
0xc2: {  	v51 =	vimm.s32 $0x543210FE;
	v9 =	vsel vm10, $0xC0C, v9;
	v16 =	vsel vm10, $0x9C0D, v16  }
0xc3: {  	v25 =	vsel vm10, $0xC00, v25;
	v34 =	vsel vm10, $0xC02, v60;
	v2 =	vsel vm6, $0x150D, v2  }
0xc4: {  	v6 =	vsel vm9, $0x6F0C, v6;
	v18 =	vsel vm9, $0xF00, v18;
	v29 =	vsel vm9, $0x6F01, v29  }
0xc5: {  	v63 =	vsel vm2, $0x2401, v62;
	v45 =	vsel vm8, $0x420B, v45;
	v46 =	vsel vm7, $0x780C, v46  }
0xc6: {  	v31 =	vsel vm9, $0x9F09, v31;
	v62 =	vsel vm0, $0x8A03, v35;
	v3 =	vsel vm11, $0x3909, v3  }
0xc7: {  	v13 =	vsel vm11, $0x690B, v13;
	v22 =	vsel vm11, $0x690E, v22;
	v12 =	vsel vm10, $0x3C0D, v12  }
0xc8: {  	v23 =	vsel vm10, $0x9C0E, v23;
	v33 =	vsel vm10, $0x9C01, v59;
	v35 =	vsel vm10, $0xC03, v61  }
0xc9: {  	v2 =	vsel vm7, $0x180E, v2;
	v9 =	vsel vm9, $0xF0D, v9;
	v16 =	vsel vm9, $0x9F0E, v16  }
0xca: {  	v25 =	vsel vm9, $0xF01, v25;
	v6 =	vsel vm8, $0x720D, v6;
	v18 =	vsel vm8, $0x1201, v18  }
0xcb: {  	v29 =	vsel vm8, $0x7202, v29;
	v59 =	vsel vm6, $0xA50D, v7;
	v44 =	vsel vm1, $0x2702, v63  }
0xcc: {  	v45 =	vsel vm6, $0x450C, v45;
	v46 =	vsel vm5, $0x7B0D, v46;
	v31 =	vsel vm8, $0xA20A, v31  }
0xcd: {  	v3 =	vsel vm10, $0x3C0A, v3;
	v13 =	vsel vm10, $0x6C0C, v13;
	v22 =	vsel vm10, $0x6C0F, v22  }
0xce: {  	v12 =	vsel vm9, $0x3F0E, v12;
	v23 =	vsel vm9, $0x9F0F, v23;
	v2 =	vsel vm5, $0x1B0F, v2  }
0xcf: {  	v9 =	vsel vm8, $0x120E, v9;
	v16 =	vsel vm8, $0xA20F, v16;
	v49 =	vsel vm0, $0x2A03, v44  }
0xd0: {  	v44 =	vsel vm8, $0x420A, v50;
	v45 =	vsel vm7, $0x480D, v45;
	v46 =	vsel vm4, $0x7E0E, v46  }
0xd1: {  	v31 =	vsel vm6, $0xA50B, v31;
	v50 =	vsel vm11, $0x9902, v43;
	v3 =	vsel vm9, $0x3F0B, v3  }
0xd2: {  	v13 =	vsel vm9, $0x6F0D, v13;
	v22 =	vsel vm9, $0x6F00, v22;
	v2 =	vsel vm4, $0x1E00, v2  }
0xd3: {  	v44 =	vsel vm6, $0x450B, v44;
	v45 =	vsel vm5, $0x4B0E, v45;
	v54 =	vsel vm3, $0x810F, v46  }
0xd4: {  	[tilespmem:$0x1FBD0] =	vst v49;
	v31 =	vsel vm7, $0xA80C, v31;
	v46 =	vsel vm11, $0x3902, v39;
	v49 =	vsel vm11, $0x9901, v42  }
0xd5: {  	v42 =	vunpack.c.l.s4.s8 v51;
	v39 =	vsel vm10, $0x6C03, v48;
	v41 =	vsel vm10, $0x9C03, v50  }
0xd6: {  	v3 =	vsel vm8, $0x420C, v3;
	v13 =	vsel vm8, $0x720E, v13;
	v43 =	vsel vm8, $0x7201, v22  }
0xd7: {  	v2 =	vsel vm3, $0x2101, v2;
	v44 =	vsel vm7, $0x480C, v44;
	v45 =	vsel vm4, $0x4E0F, v45  }
0xd8: {  	v55 =	vsel vm2, $0x8400, v54;
	v31 =	vsel vm5, $0xAB0D, v31;
	v37 =	vsel vm10, $0x3C03, v46  }
0xd9: {  	v40 =	vsel vm10, $0x9C02, v49;
	v49 =	vsel vm9, $0x6F04, v39;
	v51 =	vsel vm9, $0x9F04, v41  }
0xda: {  	v46 =	vsel vm8, $0x1202, v25;
	v43 =	vsel vm6, $0x7502, v43;
	v44 =	vsel vm5, $0x4B0D, v44  }
0xdb: {  	v45 =	vsel vm3, $0x5100, v45;
	v31 =	vsel vm4, $0xAE0E, v31;
	v60 =	vsel vm9, $0x3F04, v37  }
0xdc: {  	v50 =	vsel vm9, $0x9F03, v40;
	v40 =	vsel vm8, $0xA205, v51;
	v44 =	vsel vm4, $0x4E0E, v44  }
0xdd: {  	v45 =	vsel vm2, $0x5401, v45;
	v31 =	vsel vm3, $0xB10F, v31;
	v39 =	vsel vm8, $0xA204, v50  }
0xde: {  	[tilespmem:$0x1FB80] =	vst v53;
	v44 =	vsel vm3, $0x510F, v44;
	v53 =	vsel vm1, $0x5702, v45;
	v31 =	vsel vm2, $0xB400, v31  }
0xdf: {  	v45 =	vsel vm11, $0x3901, v38;
	v38 =	vsel vm10, $0x6C02, v47;
	v47 =	vsel vm8, $0x1203, v26  }
0xe0: {  	v44 =	vsel vm2, $0x5400, v44;
	v63 =	vsel vm0, $0x5A03, v53;
	v31 =	vsel vm1, $0xB701, v31  }
0xe1: {  	v36 =	vsel vm10, $0x3C02, v45;
	v53 =	vsel vm9, $0xF04, v35;
	v48 =	vsel vm9, $0x6F03, v38  }
0xe2: {  	v45 =	vsel vm8, $0xA201, v24;
	v38 =	vsel vm8, $0x7205, v49;
	v44 =	vsel vm1, $0x5701, v44  }
0xe3: {  	v56 =	vsel vm0, $0xBA02, v31;
	v31 =	vsel vm11, $0x6900, v32;
	v32 =	vsel vm10, $0x9C00, v58  }
0xe4: {  	v54 =	vsel vm9, $0x3F03, v36;
	v58 =	vsel vm8, $0x420F, v12;
	v36 =	vsel vm8, $0x4205, v60  }
0xe5: {  	[tilespmem:$0x1FB90] =	vst v30;
	v37 =	vsel vm8, $0x7204, v48;
	v60 =	vsel vm6, $0x150F, v9;
	v30 =	vsel vm0, $0x5A02, v44  }
0xe6: {  	v44 =	vsel vm1, $0x8701, v55;
	[tilespmem:$0x1FBC0] =	vst v56;
	v31 =	vsel vm10, $0x6C01, v31;
	v56 =	vunpack.c.0.s8.s32 v42  }
0xe7: {  	v42 =	vsel vm8, $0x7200, v21;
	v35 =	vsel vm8, $0x4204, v54;
	v21 =	vimm.s32 $0xEDCBA987  }
0xe8: {  	v54 =	vsel vm6, $0x450E, v4;
	v4 =	vsel vm7, $0x1800, v60;
	[tilespmem:$0x1FBA0] =	vst v30;
	v30 =	vsel vm0, $0x8A02, v44  }
0xe9: {  	v60 =	vsel vm6, $0x750F, v13;
	[tilespmem:$0x1FBB0] =	vst v30;
	v30 =	vsel vm11, $0x9908, v1;
	v1 =	vsel vm10, $0xC0B, v57  }
0xea: {  	v44 =	vsel vm8, $0xA200, v23;
	v30 =	vsel vm10, $0x9C09, v30;
	v1 =	vsel vm9, $0xF0C, v1  }
0xeb: {  	v21 =	vunpack.c.l.s4.s8 v21;
	v30 =	vsel vm9, $0x9F0A, v30;
	v1 =	vsel vm8, $0x120D, v1  }
0xec: {  	v50 =	vsel vm7, $0x480F, v54;
	v30 =	vsel vm8, $0xA20B, v30;
	v1 =	vsel vm6, $0x150E, v1  }
0xed: {  	v57 =	vsel vm6, $0x750E, v6;
	v30 =	vsel vm6, $0xA50C, v30;
	v1 =	vsel vm7, $0x180F, v1  }
0xee: {  	v12 =	vunpack.c.0.s8.s32 v21;
	v30 =	vsel vm7, $0xA80D, v30;
	v1 =	vsel vm5, $0x1B00, v1  }
0xef: {  	v30 =	vsel vm5, $0xAB0E, v30;
	v48 =	vsel vm4, $0x1E01, v1;
	v1 =	vsel vm6, $0xA50F, v15  }
0xf0: {  	v30 =	vsel vm4, $0xAE0F, v30;
	v25 =	vsel vm7, $0xA800, v1;
	v1 =	vsel vm6, $0x1502, v18  }
0xf1: {  	v30 =	vsel vm3, $0xB100, v30;
	v22 =	vsel vm7, $0x1803, v1;
	v1 =	vsel vm6, $0x7501, v42  }
0xf2: {  	v25 =	vsel vm5, $0xAB01, v25;
	v30 =	vsel vm2, $0xB401, v30;
	v22 =	vsel vm5, $0x1B04, v22  }
0xf3: {  	v25 =	vsel vm4, $0xAE02, v25;
	v30 =	vsel vm1, $0xB702, v30;
	v22 =	vsel vm4, $0x1E05, v22  }
0xf4: {  	v61 =	vsel vm0, $0xBA03, v30;
	v30 =	vunpack.c.l.s4.s8 v52;
	v52 =	vimm.s32 $0x6543210F  }
0xf5: {  	v41 =	vunpack.c.l.s4.s8 v52;
	v52 =	vsel vm7, $0x780F, v57;
	v57 =	vsel vm6, $0x1500, v10  }
0xf6: {  	v55 =	vunpack.c.0.s8.s32 v30;
	v30 =	vsel vm9, $0x6F02, v31;
	v31 =	vsel vm9, $0x9F01, v32  }
0xf7: {  	v32 =	vsel vm9, $0x9F02, v33;
	v33 =	vsel vm9, $0xF03, v34;
	v34 =	vsel vm8, $0x1205, v53  }
0xf8: {  	v53 =	vsel vm6, $0x450D, v3;
	v3 =	vsel vm6, $0x750D, v5;
	v5 =	vsel vm7, $0x1801, v57  }
0xf9: {  	v30 =	vsel vm8, $0x7203, v30;
	v31 =	vsel vm8, $0xA202, v31;
	v32 =	vsel vm8, $0xA203, v32  }
0xfa: {  	v33 =	vsel vm8, $0x1204, v33;
	v0 =	vunpack.c.0.s8.s32 v41;
	v41 =	vsel vm2, $0x2402, v2  }
0xfb: {  	v49 =	vsel vm7, $0x480E, v53;
	v51 =	vsel vm7, $0x780E, v3;
	v3 =	vsel vm6, $0xA50E, v8  }
0xfc: {  	v53 =	vsel vm7, $0xA80E, v59;
	v59 =	vsel vm6, $0x4500, v58;
	v2 =	vsel vm6, $0xA500, v16  }
0xfd: {  	v54 =	vsel vm7, $0xA80F, v3;
	v3 =	vsel vm6, $0x450F, v11;
	v58 =	vsel vm7, $0x4801, v59  }
0xfe: {  	v59 =	vsel vm7, $0x7800, v60;
	v26 =	vsel vm7, $0xA801, v2;
	v2 =	vsel vm6, $0x4501, v19  }
0xff: {  	v19 =	vsel vm7, $0x7802, v1;
	v1 =	vsel vm6, $0xA502, v45;
	v45 =	vsel vm6, $0x4503, v27  }
0x100: {  	v27 =	vcombine.low v55, v56;
	v57 =	vsel vm7, $0x4800, v3;
	v3 =	vsel vm6, $0x7500, v14  }
0x101: {  	v23 =	vsel vm7, $0x4802, v2;
	v16 =	vsel vm7, $0xA803, v1;
	v13 =	vsel vm7, $0x4804, v45  }
0x102: {  	v45 =	vsel vm6, $0x1505, v33;
	v33 =	vsel vm6, $0x4506, v36;
	v19 =	vsel vm5, $0x7B03, v19  }
0x103: {  	v60 =	vsel vm7, $0x7801, v3;
	v3 =	vsel vm6, $0x1501, v17;
	v7 =	vsel vm7, $0x1806, v45  }
0x104: {  	v36 =	vand.u32 $0xF, v27;
	v27 =	vsel vm1, $0x2703, v41;
	v23 =	vsel vm5, $0x4B03, v23  }
0x105: {  	v19 =	vsel vm4, $0x7E04, v19;
	v16 =	vsel vm5, $0xAB04, v16;
	v13 =	vsel vm5, $0x4B05, v13  }
0x106: {  	v24 =	vsel vm7, $0x1802, v3;
	v3 =	vsel vm6, $0x4502, v20;
	v20 =	vsel vm7, $0x7803, v43  }
0x107: {  	v43 =	vsel vm6, $0x1503, v46;
	v23 =	vsel vm4, $0x4E04, v23;
	v16 =	vsel vm4, $0xAE05, v16  }
0x108: {  	v13 =	vsel vm4, $0x4E06, v13;
	v7 =	vsel vm5, $0x1B07, v7;
	v21 =	vsel vm7, $0x4803, v3  }
0x109: {  	v3 =	vsel vm6, $0xA501, v44;
	v17 =	vsel vm7, $0x1804, v43;
	v43 =	vsel vm6, $0x7504, v30  }
0x10a: {  	v44 =	vsel vm6, $0xA503, v31;
	v30 =	vsel vm7, $0x4807, v33;
	v24 =	vsel vm5, $0x1B03, v24  }
0x10b: {  	v7 =	vsel vm4, $0x1E08, v7;
	v18 =	vsel vm7, $0xA802, v3;
	v3 =	vsel vm6, $0x1504, v47  }
0x10c: {  	v47 =	vsel vm6, $0x4504, v28;
	v10 =	vsel vm7, $0x7805, v43;
	v11 =	vsel vm7, $0xA804, v44  }
0x10d: {  	v28 =	vcombine.low v12, v0;
	v24 =	vsel vm4, $0x1E04, v24;
	v15 =	vsel vm7, $0x1805, v3  }
0x10e: {  	v3 =	vsel vm6, $0x7503, v29;
	v14 =	vsel vm7, $0x4805, v47;
	v29 =	vsel vm3, $0x2102, v48  }
0x10f: {  	v47 =	vsel vm7, $0x7804, v3;
	v3 =	vsel vm6, $0xA504, v32;
	v32 =	vsel vm6, $0x1506, v34  }
0x110: {  	v34 =	vsel vm6, $0x7505, v37;
	v37 =	vsel vm0, $0x2A04, v27;
	v27 =	vsel vm2, $0x2403, v29  }
0x111: {  	v29 =	vsel vm5, $0x4B00, v50;
	v9 =	vsel vm7, $0xA805, v3;
	v3 =	vsel vm6, $0x4505, v35  }
0x112: {  	v8 =	vsel vm7, $0x1807, v32;
	v31 =	vsel vm7, $0x7806, v34;
	v35 =	vsel vm6, $0xA505, v39  }
0x113: {  	v32 =	vand.u32 $0xF, v28;
	v27 =	vsel vm1, $0x2704, v27;
	v28 =	vsel vm5, $0x4B0F, v49  }
0x114: {  	v6 =	vsel vm7, $0x4806, v3;
	v3 =	vsel vm6, $0x7506, v38;
	v2 =	vsel vm7, $0xA806, v35  }
0x115: {  	v33 =	vsel vm0, $0x2A05, v27;
	v27 =	vsel vm4, $0x4E00, v28;
	v28 =	vsel vm4, $0x4E01, v29  }
0x116: {  	v29 =	vsel vm5, $0x7B0F, v51;
	v27 =	vsel vm3, $0x5101, v27;
	v28 =	vsel vm3, $0x5102, v28  }
0x117: {  	v29 =	vsel vm4, $0x7E00, v29;
	v27 =	vsel vm2, $0x5402, v27;
	v28 =	vsel vm2, $0x5403, v28  }
0x118: {  	v29 =	vsel vm3, $0x8101, v29;
	v27 =	vsel vm1, $0x5703, v27;
	v28 =	vsel vm1, $0x5704, v28  }
0x119: {  	v38 =	vsel vm0, $0x5A04, v27;
	v34 =	vsel vm0, $0x5A05, v28;
	v27 =	vsel vm2, $0x8402, v29  }
0x11a: {  	v28 =	vsel vm5, $0x7B00, v52;
	v29 =	vsel vm5, $0xAB0F, v53;
	v27 =	vsel vm1, $0x8703, v27  }
0x11b: {  	v41 =	vsel vm0, $0x8A04, v27;
	v27 =	vsel vm4, $0x7E01, v28;
	v28 =	vsel vm4, $0xAE00, v29  }
0x11c: {  	v29 =	vsel vm5, $0xAB00, v54;
	v27 =	vsel vm3, $0x8102, v27;
	v28 =	vsel vm3, $0xB101, v28  }
0x11d: {  	v29 =	vsel vm4, $0xAE01, v29;
	v27 =	vsel vm2, $0x8403, v27;
	v28 =	vsel vm2, $0xB402, v28  }
0x11e: {  	v29 =	vsel vm3, $0xB102, v29;
	v27 =	vsel vm1, $0x8704, v27;
	v28 =	vsel vm1, $0xB703, v28  }
0x11f: {  	v35 =	vsel vm0, $0x8A05, v27;
	v43 =	vsel vm0, $0xBA04, v28;
	v27 =	vsel vm2, $0xB403, v29  }
0x120: {  	v28 =	vsel vm5, $0x1B01, v4;
	v29 =	vsel vm5, $0x1B02, v5;
	v27 =	vsel vm1, $0xB704, v27  }
0x121: {  	[tilespmem:$0x1FC30] =	vst v36;
	v36 =	vsel vm0, $0xBA05, v27;
	v27 =	vsel vm4, $0x1E02, v28;
	v28 =	vsel vm4, $0x1E03, v29  }
0x122: {  	v45 =	vsel vm3, $0x2103, v27;
	v27 =	vsel vm3, $0x2104, v28;
	v28 =	vsel vm5, $0x4B01, v57  }
0x123: {  	[tilespmem:$0x1FC10] =	vst v0;
	v0 =	vsel vm2, $0x2404, v45;
	v27 =	vsel vm2, $0x2405, v27;
	v28 =	vsel vm4, $0x4E02, v28  }
0x124: {  	v0 =	vsel vm1, $0x2705, v0;
	v27 =	vsel vm1, $0x2706, v27;
	v49 =	vsel vm3, $0x5103, v28  }
0x125: {  	[tilespmem:$0x1FC70] =	vst v37;
	v0 =	vsel vm0, $0x2A06, v0;
	v37 =	vsel vm0, $0x2A07, v27;
	v27 =	vsel vm5, $0x4B02, v58  }
0x126: {  	v28 =	vsel vm5, $0x7B01, v59;
	[tilespmem:$0x1FD30] =	vst v0;
	v0 =	vsel vm2, $0x5404, v49;
	v27 =	vsel vm4, $0x4E03, v27  }
0x127: {  	v28 =	vsel vm4, $0x7E02, v28;
	v0 =	vsel vm1, $0x5705, v0;
	v51 =	vsel vm3, $0x5104, v27  }
0x128: {  	v27 =	vsel vm3, $0x8103, v28;
	v28 =	vsel vm5, $0x7B02, v60;
	v0 =	vsel vm0, $0x5A06, v0  }
0x129: {  	v21 =	vsel vm5, $0x4B04, v21;
	v28 =	vsel vm4, $0x7E03, v28;
	[tilespmem:$0x1FD40] =	vst v0;
	v0 =	vsel vm2, $0x5405, v51  }
0x12a: {  	v17 =	vsel vm5, $0x1B05, v17;
	v58 =	vsel vm3, $0x8104, v28;
	v0 =	vsel vm1, $0x5706, v0  }
0x12b: {  	[tilespmem:$0x1FC90] =	vst v38;
	v27 =	vsel vm2, $0x8404, v27;
	v38 =	vsel vm0, $0x5A07, v0;
	v0 =	vsel vm2, $0x8405, v58  }
0x12c: {  	v59 =	vsel vm3, $0xB103, v25;
	v27 =	vsel vm1, $0x8705, v27;
	v0 =	vsel vm1, $0x8706, v0  }
0x12d: {  	v60 =	vsel vm0, $0x8A06, v27;
	v27 =	vsel vm0, $0x8A07, v0;
	v0 =	vsel vm2, $0xB404, v59  }
0x12e: {  	v21 =	vsel vm4, $0x4E05, v21;
	v18 =	vsel vm5, $0xAB03, v18;
	v0 =	vsel vm1, $0xB705, v0  }
0x12f: {  	v17 =	vsel vm4, $0x1E06, v17;
	[tilespmem:$0x1FCC0] =	vst v41;
	v41 =	vsel vm3, $0x2105, v24;
	v0 =	vsel vm0, $0xBA06, v0  }
0x130: {  	v10 =	vsel vm5, $0x7B06, v10;
	v11 =	vsel vm5, $0xAB05, v11;
	[tilespmem:$0x1FD50] =	vst v0;
	v0 =	vsel vm2, $0x2406, v41  }
0x131: {  	v18 =	vsel vm4, $0xAE04, v18;
	[tilespmem:$0x1FCE0] =	vst v43;
	v43 =	vsel vm3, $0x2106, v22;
	v0 =	vsel vm1, $0x2707, v0  }
0x132: {  	v15 =	vsel vm5, $0x1B06, v15;
	v58 =	vsel vm0, $0x2A08, v0;
	v0 =	vsel vm2, $0x2407, v43  }
0x133: {  	v14 =	vsel vm5, $0x4B06, v14;
	v45 =	vsel vm3, $0x5106, v21;
	v0 =	vsel vm1, $0x2708, v0  }
0x134: {  	v22 =	vsel vm3, $0x5105, v23;
	v23 =	vsel vm0, $0x2A09, v0;
	v0 =	vsel vm2, $0x5407, v45  }
0x135: {  	v10 =	vsel vm4, $0x7E07, v10;
	v49 =	vsel vm3, $0x8105, v19;
	v0 =	vsel vm1, $0x5708, v0  }
0x136: {  	v11 =	vsel vm4, $0xAE06, v11;
	v21 =	vsel vm0, $0x5A09, v0;
	v0 =	vsel vm2, $0x8406, v49  }
0x137: {  	v44 =	vld [tilespmem:$0x1FD10];
	v15 =	vsel vm4, $0x1E07, v15;
	v14 =	vsel vm4, $0x4E07, v14;
	v0 =	vsel vm1, $0x8707, v0  }
0x138: {  	[tilespmem:$0x1FC20] =	vst v12;
	v12 =	vsel vm5, $0x7B05, v47;
	v51 =	vsel vm3, $0xB105, v18;
	v0 =	vsel vm0, $0x8A08, v0  }
0x139: {  	v47 =	vsel vm3, $0x8108, v10;
	v10 =	vsel vm3, $0xB107, v11;
	[tilespmem:$0x1FD70] =	vst v0;
	v0 =	vsel vm2, $0xB406, v51  }
0x13a: {  	v12 =	vsel vm4, $0x7E06, v12;
	v10 =	vsel vm2, $0xB408, v10;
	v0 =	vsel vm1, $0xB707, v0  }
0x13b: {  	v9 =	vsel vm5, $0xAB06, v9;
	v59 =	vsel vm3, $0xB106, v16;
	v0 =	vsel vm0, $0xBA08, v0  }
0x13c: {  	v8 =	vsel vm5, $0x1B08, v8;
	v29 =	vand.u32 $0xF, v44;
	[tilespmem:$0x1FD80] =	vst v0;
	v0 =	vsel vm2, $0xB407, v59  }
0x13d: {  	v22 =	vsel vm2, $0x5406, v22;
	v41 =	vsel vm3, $0x2108, v15;
	v0 =	vsel vm1, $0xB708, v0  }
0x13e: {  	v16 =	vsel vm3, $0x2107, v17;
	v17 =	vsel vm0, $0xBA09, v0;
	v0 =	vsel vm2, $0x2409, v41  }
0x13f: {  	v22 =	vsel vm1, $0x5707, v22;
	v43 =	vsel vm3, $0x5107, v13;
	v0 =	vsel vm1, $0x270A, v0  }
0x140: {  	v44 =	vsel vm0, $0x5A08, v22;
	v15 =	vsel vm0, $0x2A0B, v0;
	v0 =	vsel vm2, $0x5408, v43  }
0x141: {  	v1 =	vsel vm7, $0x7807, v3;
	[tilespmem:$0x1FD60] =	vst v44;
	v44 =	vsel vm3, $0x8107, v12;
	v0 =	vsel vm1, $0x5709, v0  }
0x142: {  	v3 =	vsel vm6, $0xA506, v40;
	v45 =	vsel vm0, $0x5A0A, v0;
	v0 =	vsel vm2, $0x8408, v44  }
0x143: {  	v10 =	vsel vm1, $0xB709, v10;
	v9 =	vsel vm4, $0xAE07, v9;
	v0 =	vsel vm1, $0x8709, v0  }
0x144: {  	v42 =	vld [tilespmem:$0x1FBD0];
	[tilespmem:$0x1FC00] =	vst v55;
	v8 =	vsel vm4, $0x1E09, v8;
	v6 =	vsel vm5, $0x4B07, v6;
	v0 =	vsel vm0, $0x8A0A, v0  }
0x145: {  	v55 =	vld [tilespmem:$0x1FCF0];
	v3 =	vsel vm7, $0xA807, v3;
	v6 =	vsel vm4, $0x4E08, v6;
	[tilespmem:$0x1FD90] =	vst v0;
	v0 =	vsel vm2, $0x8409, v47  }
0x146: {  	[tilespmem:$0x1FBF0] =	vst v56;
	v56 =	vld [tilespmem:$0x1FD00];
	v1 =	vsel vm5, $0x7B08, v1;
	v59 =	vsel vm3, $0xB108, v9;
	v0 =	vsel vm1, $0x870A, v0  }
0x147: {  	v46 =	vld [tilespmem:$0x1FBE0];
	v4 =	vsel vm5, $0x4B08, v30;
	v11 =	vsel vm0, $0x8A0B, v0;
	v0 =	vsel vm2, $0xB409, v59  }
0x148: {  	v48 =	vld [tilespmem:$0x1FC60];
	v5 =	vsel vm5, $0x7B07, v31;
	v41 =	vsel vm3, $0x2109, v7;
	v0 =	vsel vm1, $0xB70A, v0  }
0x149: {  	v50 =	vld [tilespmem:$0x1FC80];
	v4 =	vsel vm4, $0x4E09, v4;
	v9 =	vsel vm0, $0xBA0B, v0;
	v0 =	vsel vm2, $0x240A, v41  }
0x14a: {  	v39 =	vld [tilespmem:$0x1FC50];
	v5 =	vsel vm4, $0x7E08, v5;
	v43 =	vsel vm3, $0x5109, v6;
	v0 =	vsel vm1, $0x270B, v0  }
0x14b: {  	v40 =	vld [tilespmem:$0x1FC40];
	v44 =	vsel vm3, $0x510A, v4;
	v4 =	vsel vm3, $0x8109, v5;
	v0 =	vsel vm0, $0x2A0C, v0  }
0x14c: {  	v1 =	vsel vm4, $0x7E09, v1;
	v52 =	vld [tilespmem:$0x1FCA0];
	v4 =	vsel vm2, $0x840A, v4;
	[tilespmem:$0x1FDB0] =	vst v0;
	v0 =	vsel vm2, $0x540A, v43  }
0x14d: {  	s5 =	rddreg [dreg:$0x0];
	v53 =	vld [tilespmem:$0x1FCB0];
	v51 =	vsel vm0, $0xBA0A, v10;
	v4 =	vsel vm1, $0x870B, v4;
	v0 =	vsel vm1, $0x570B, v0  }
0x14e: {  	s9 =	rddreg [dreg:$0x1];
	s2 =	simm.s32 $0x0;
	v54 =	vld [tilespmem:$0x1FCD0];
	[tilespmem:$0x1FDA0] =	vst v51;
	v41 =	vsel vm5, $0xAB08, v3;
	v3 =	vlaneseq.u32;
	v0 =	vsel vm0, $0x5A0C, v0  }
0x14f: {  	[smem:$0x7FF] =	sst s2;
	v57 =	vld [tilespmem:$0x1FD20];
	v7 =	vsel vm3, $0x210A, v8;
	v47 =	vsel vm0, $0x8A0C, v4;
	v3 =	vmul.u32 $0x301, v3;
	[tilespmem:$0x1FDC0] =	vst v0  }
0x150: {  	s0 =	rddreg [dreg:$0x2];
	v51 =	vsel vm3, $0x810A, v1;
	v7 =	vsel vm2, $0x240B, v7;
	v59 =	vsel vm5, $0xAB07, v2;
	_ =	strace $0x80000047;
	[tilespmem:$0x1FDD0] =	vst v47  }
0x151: {  	v7 =	vsel vm1, $0x270C, v7;
	v1 =	vsel vm4, $0xAE08, v59;
	v59 =	vadd.s32 $0x9000, v3;
	[tilespmem:$0x1FE10] =	vst v3  }
0x152: {  	v13 =	vsel vm3, $0x5108, v14;
	v7 =	vsel vm0, $0x2A0D, v7;
	[tilespmem:$0x1FE20] =	vst v59  }
0x153: {  	v20 =	vsel vm5, $0x7B04, v20;
	v13 =	vsel vm2, $0x5409, v13;
	[tilespmem:$0x1FE60] =	vst v7  }
0x154: {  	v20 =	vsel vm4, $0x7E05, v20;
	v13 =	vsel vm1, $0x570A, v13;
	[tilespmem:$0x1FE70] =	vst v9  }
0x155: {  	v19 =	vsel vm3, $0x8106, v20;
	v13 =	vsel vm0, $0x5A0B, v13;
	[tilespmem:$0x1FE80] =	vst v11  }
0x156: {  	v26 =	vsel vm5, $0xAB02, v26;
	v19 =	vsel vm2, $0x8407, v19;
	[tilespmem:$0x1FE90] =	vst v13  }
0x157: {  	v26 =	vsel vm4, $0xAE03, v26;
	v19 =	vsel vm1, $0x8708, v19;
	[tilespmem:$0x1FEA0] =	vst v15  }
0x158: {  	v25 =	vsel vm3, $0xB104, v26;
	v19 =	vsel vm0, $0x8A09, v19;
	[tilespmem:$0x1FEB0] =	vst v17  }
0x159: {  	v25 =	vsel vm2, $0xB405, v25;
	[tilespmem:$0x1FEC0] =	vst v19  }
0x15a: {  	v25 =	vsel vm1, $0xB706, v25;
	[tilespmem:$0x1FED0] =	vst v21  }
0x15b: {  	v25 =	vsel vm0, $0xBA07, v25;
	[tilespmem:$0x1FEE0] =	vst v23  }
0x15c: {  	[tilespmem:$0x1FEF0] =	vst v25  }
0x15d: {  	[tilespmem:$0x1FF00] =	vst v27  }
0x15e: {  	[tilespmem:$0x1FF10] =	vst v29  }
0x15f: {  	[tilespmem:$0x1FF20] =	vst v32  }
0x160: {  	[tilespmem:$0x1FF30] =	vst v33  }
0x161: {  	[tilespmem:$0x1FF40] =	vst v34  }
0x162: {  	[tilespmem:$0x1FF50] =	vst v35  }
0x163: {  	[tilespmem:$0x1FF60] =	vst v36  }
0x164: {  	v16 =	vsel vm2, $0x2408, v16;
	[tilespmem:$0x1FF70] =	vst v37  }
0x165: {  	v16 =	vsel vm1, $0x2709, v16;
	[tilespmem:$0x1FF80] =	vst v38  }
0x166: {  	v49 =	vsel vm0, $0x2A0A, v16;
	[tilespmem:$0x1FF90] =	vst v63  }
0x167: {  	[tilespmem:$0x1FFA0] =	vst v49  }
0x168: {  	s3 =	srdreg.scid;
	[tilespmem:$0x1FFB0] =	vst v62  }
0x169: {  	s1 =	stileid.u32;
	s14 =	simm.s32 $0x18300;
	s15 =	simm.s32 $0xC000;
	v2 =	vsel vm4, $0xAE09, v41;
	[tilespmem:$0x1FFC0] =	vst v61  }
0x16a: {  	s16 =	simm.s32 $0x1;
	s17 =	simm.s32 $0x2;
	s18 =	simm.s32 $0x18700;
	v2 =	vsel vm3, $0xB10A, v2;
	[tilespmem:$0x1FFD0] =	vst v45  }
0x16b: {  	s19 =	simm.s32 $0x18B00;
	s6 =	sand.u32 $0x1, s3;
	s31 =	sshll.u32 s1, $0x1;
	v1 =	vsel vm3, $0xB109, v1;
	v2 =	vsel vm2, $0xB40B, v2;
	[tilespmem:$0x1FFE0] =	vst v58  }
0x16c: {  	s20 =	simm.s32 $0x0;
	s3 =	sadd.s32 $0xE00, s5;
	s7 =	sor.u32 s6, s31;
	v0 =	vsel vm2, $0x540B, v44;
	v44 =	vsel vm1, $0xB70C, v2;
	v47 =	vadd.s32 $0x3000, v3;
	[tilespmem:$0x1FFF0] =	vst v60  }
0x16d: {  	s4 =	sadd.s32 $0xC00, s5;
	s6 =	ssub.s32 $0x2, s6;
	s10 =	sshll.u32 s7, $0x7;
	v1 =	vsel vm2, $0xB40A, v1;
	v0 =	vsel vm1, $0x570C, v0;
	v6 =	vsel vm0, $0xBA0D, v44;
	[tilespmem:$0x1FDF0] =	vst v47  }
0x16e: {  	s11 =	sshll.u32 s7, $0x4;
	s12 =	sshrl.u32 s6, $0x1;
	s13 =	smul.u32 $0x18000, s7;
	v5 =	vsel vm0, $0x5A0D, v0;
	v0 =	vsel vm2, $0x840B, v51;
	v51 =	vadd.s32 $0x6000, v3;
	[tilespmem:$0x1FE50] =	vst v6  }
0x16f: {  	s8 =	sadd.s32 s10, s5;
	s11 =	sadd.s32 s11, s5;
	s12 =	ssub.s32 s6, s12;
	v43 =	vsel vm1, $0xB70B, v1;
	v0 =	vsel vm1, $0x870C, v0;
	[tilespmem:$0x1FE00] =	vst v51  }
0x170: {  	s5 =	sshll.u32 s7, $0xA;
	s9 =	sadd.s32 s9, s10;
	s6 =	sadd.s32 $0x300E00, s8;
	[tilespmem:$0x1FE40] =	vst v5;
	v4 =	vsel vm0, $0x8A0D, v0;
	v0 =	vsel vm0, $0xBA0C, v43  }
0x171: {  	s7 =	sadd.s32 s3, s13;
	s8 =	sor.u32 $0x80, s5;
	s10 =	sadd.s32 $0x600, s11;
	[tilespmem:$0x1FDE0] =	vst v0  }
0x172: {  	s11 =	smax.u32 s12, $0x1;
	s12 =	simm.s32 $0x18000;
	s13 =	simm.s32 $0x3;
	[tilespmem:$0x1FE30] =	vst v4  }
.LBB2_1:
0x173: {  	[tilespmem:s12], [sflag:$0x3] =	stream.linear.gather [hbm4b:s4+s2], $0x300, $0x38;
	[tilespmem:$0x18B80] =	vst v63  }
0x174: {  	_ =	swait.ge [sflag:s13], $0x300  }
0x175: {  	[sflag:s13] =	ssyncset.done $0x0  }
0x176: {  	[sflag:s13] =	ssyncadd.s32 $0xFFFFFD00  }
0x177: {  	[tilespmem:s14], [sflag:$0x3] =	stream.linear.gather [hbm4b:s6+s2], $0x400, $0x38;
	[tilespmem:$0x18B80] =	vst v63  }
0x178: {  	_ =	swait.ge [sflag:s13], $0x400  }
0x179: {  	[sflag:s13] =	ssyncset.done $0x0  }
0x17a: {  	s21 =	simm.s32 $0x0;
	[sflag:s13] =	ssyncadd.s32 $0xFFFFFC00  }
0x17b: {  	v0 =	vimm.f32 $0.0e+00;
	[tilespmem:s2], [sflag:$0x1] =	stream.linear.gather [hbm4b:s7+s2], $0xC000, $0x38;
	[tilespmem:$0x18B80] =	vst v63  }
.LBB2_2:
0x17c: {  	s22 =	sshll.u32 s21, $0x7  }
0x17d: {  	s23 =	sor.u32 $0x40, s22  }
0x17e: {  	s24 =	sadd.s32 s5, s23  }
0x17f: {  	s25 =	smul.u32 $0x60, s24;
	_ =	sdelay $0x1  }
0x180: {  	[tilespmem:$0x1F880] =	vst v0;
	s31 =	simm.s32 $0x0;
	s25 =	sadd.s32 s3, s25  }
0x181: {  	[tilespmem:s15], [sflag:$0x2] =	stream.linear.gather [hbm4b:s25+s31], $0xC000, $0x38;
	[tilespmem:$0x18B80] =	vst v63  }
0x182: {  	v2 =	vadd.s32 s31, v4;
	_ =	swait.ge [sflag:s16], $0xC000  }
0x183: {  	v0 =	vadd.s32 s31, v7;
	v7 =	vadd.s32 s31, v9;
	v28 =	vld [tilespmem:$0x1FB60]  }
0x184: {  	v8 =	vadd.s32 s31, v23;
	v14 =	vadd.s32 s31, v27;
	v27 =	vor.u32 s31, v29;
	v29 =	vld [tilespmem:$0x1FB70]  }
0x185: {  	v9 =	vadd.s32 s31, v21;
	[sflag:s16] =	ssyncset.done $0x0;
	v31 =	vld [tilespmem:$0x1FAC0]  }
0x186: {  	v12 =	vadd.s32 s31, v37;
	v51 =	vld [tilespmem:$0x1FAD0];
	[sflag:s16] =	ssyncadd.s32 $0xFFFF4000  }
0x187: {  	v1 =	vadd.s32 s31, v5;
	v5 =	vadd.s32 s31, v13;
	v13 =	vadd.s32 s31, v38;
	v2 =	vld.idx.msk [tilespmem:v2+s2+$0x0], $0xffff  }
0x188: {  	v7 =	vld.idx.msk [tilespmem:v7+s2+$0x0], $0xffff  }
0x189: {  	v4 =	vadd.s32 s31, v15;
	v15 =	vadd.s32 s31, v25;
	v8 =	vld.idx.msk [tilespmem:v8+s2+$0x0], $0xffff  }
0x18a: {  	v3 =	vadd.s32 s31, v6;
	v16 =	vadd.s32 s31, v33;
	v9 =	vld.idx.msk [tilespmem:v9+s2+$0x0], $0xffff  }
0x18b: {  	v6 =	vadd.s32 s31, v11;
	v11 =	vadd.s32 s31, v17;
	v17 =	vadd.s32 s31, v34;
	v12 =	vld.idx.msk [tilespmem:v12+s2+$0x0], $0xffff  }
0x18c: {  	v18 =	vadd.s32 s31, v35;
	v13 =	vld.idx.msk [tilespmem:v13+s2+$0x0], $0xffff  }
0x18d: {  	v10 =	vadd.s32 s31, v19;
	v19 =	vadd.s32 s31, v36;
	v14 =	vld.idx.msk [tilespmem:v14+s2+$0x0], $0xffff  }
0x18e: {  	v20 =	vadd.s32 s31, v42;
	v15 =	vld.idx.msk [tilespmem:v15+s2+$0x0], $0xffff  }
0x18f: {  	v21 =	vadd.s32 s31, v63;
	v16 =	vld.idx.msk [tilespmem:v16+s2+$0x0], $0xffff  }
0x190: {  	v17 =	vld.idx.msk [tilespmem:v17+s2+$0x0], $0xffff  }
0x191: {  	v22 =	vadd.s32 s31, v62;
	v62 =	vadd.s32 s31, v52;
	v18 =	vld.idx.msk [tilespmem:v18+s2+$0x0], $0xffff;
	v31 =	vcombine.low v31, v51  }
0x192: {  	v19 =	vld.idx.msk [tilespmem:v19+s2+$0x0], $0xffff;
	v28 =	vcombine.low v28, v29  }
0x193: {  	v44 =	vadd.s32 s31, v54;
	v20 =	vld.idx.msk [tilespmem:v20+s2+$0x0], $0xffff;
	v31 =	vand.u32 $0xF, v31  }
0x194: {  	v34 =	vor.u32 s31, v40;
	v21 =	vld.idx.msk [tilespmem:v21+s2+$0x0], $0xffff;
	v51 =	vand.u32 $0xF, v28;
	v9 =	vadd.s32 $0x8000, v9;
	[tilespmem:$0x1F8A0] =	vst v31  }
0x195: {  	v28 =	vor.u32 s31, v31;
	[tilespmem:$0x1F8B0] =	vst v51;
	v31 =	vor.u32 s31, v51;
	v51 =	vand.u32 $0xFFFF0000, v9;
	v9 =	vld [tilespmem:$0x1FDB0]  }
0x196: {  	v36 =	vld.idx.msk [tilespmem:v62+s2+$0x0], $0xffff;
	v2 =	vadd.s32 $0x8000, v2  }
0x197: {  	v23 =	vadd.s32 s31, v61;
	v40 =	vand.u32 $0xFFFF0000, v2;
	v2 =	vld.idx.msk [tilespmem:v27+s12+$0x0], $0xffff  }
0x198: {  	v63 =	vadd.s32 s31, v53;
	v38 =	vld.idx.msk [tilespmem:v44+s2+$0x0], $0xffff;
	v8 =	vadd.s32 $0x8000, v8  }
0x199: {  	v44 =	vadd.s32 s31, v49;
	v62 =	vand.u32 $0xFFFF0000, v8;
	v8 =	vld.idx.msk [tilespmem:v34+s12+$0x0], $0xffff  }
0x19a: {  	v12 =	vadd.s32 $0x8000, v12;
	v34 =	vadd.s32 s31, v9;
	v9 =	vld [tilespmem:$0x1FDC0]  }
0x19b: {  	v22 =	vld.idx.msk [tilespmem:v22+s2+$0x0], $0xffff;
	v12 =	vand.u32 $0xFFFF0000, v12  }
0x19c: {  	v30 =	vor.u32 s31, v32;
	v23 =	vld.idx.msk [tilespmem:v23+s2+$0x0], $0xffff;
	v13 =	vadd.s32 $0x8000, v13;
	v12 =	vmul.f32 v12, v2  }
0x19d: {  	v32 =	vor.u32 s31, v57;
	v61 =	vadd.s32 s31, v39;
	v37 =	vld.idx.msk [tilespmem:v63+s2+$0x0], $0xffff;
	v13 =	vand.u32 $0xFFFF0000, v13  }
0x19e: {  	v14 =	vadd.s32 $0x8000, v14;
	v15 =	vadd.s32 $0x8000, v15;
	[tilespmem:$0x1F8C0] =	vst v12;
	v12 =	vmul.f32 v13, v2;
	v13 =	vld.idx.msk [tilespmem:v44+s2+$0x0], $0xffff  }
0x19f: {  	v14 =	vand.u32 $0xFFFF0000, v14;
	v15 =	vand.u32 $0xFFFF0000, v15;
	v41 =	vadd.s32 s31, v9;
	v9 =	vld [tilespmem:$0x1FDD0]  }
0x1a0: {  	v7 =	vadd.s32 $0x8000, v7;
	v14 =	vmul.f32 v14, v2;
	v44 =	vmul.f32 v15, v2;
	v2 =	vld [tilespmem:$0x1FD70]  }
0x1a1: {  	v29 =	vadd.s32 s31, v50;
	v16 =	vadd.s32 $0x8000, v16;
	v63 =	vand.u32 $0xFFFF0000, v7;
	v7 =	vld.idx.msk [tilespmem:v30+s12+$0x0], $0xffff  }
0x1a2: {  	v25 =	vld [tilespmem:$0x1FC10];
	v17 =	vadd.s32 $0x8000, v17;
	v18 =	vadd.s32 $0x8000, v18;
	v20 =	vadd.s32 $0x8000, v20  }
0x1a3: {  	v33 =	vld.idx.msk [tilespmem:v61+s2+$0x0], $0xffff;
	v21 =	vadd.s32 $0x8000, v21;
	v19 =	vadd.s32 $0x8000, v19;
	v22 =	vadd.s32 $0x8000, v22  }
0x1a4: {  	v23 =	vadd.s32 $0x8000, v23;
	v16 =	vand.u32 $0xFFFF0000, v16;
	v61 =	vadd.s32 s31, v9;
	v9 =	vld [tilespmem:$0x1FDE0]  }
0x1a5: {  	v26 =	vld [tilespmem:$0x1FC20];
	v17 =	vand.u32 $0xFFFF0000, v17;
	v18 =	vand.u32 $0xFFFF0000, v18;
	v2 =	vadd.s32 s31, v2  }
0x1a6: {  	v59 =	vld [tilespmem:$0x1FB00];
	v19 =	vand.u32 $0xFFFF0000, v19;
	v21 =	vand.u32 $0xFFFF0000, v21;
	v15 =	vmul.f32 v16, v7  }
0x1a7: {  	v32 =	vld.idx.msk [tilespmem:v32+s12+$0x0], $0xffff;
	v20 =	vand.u32 $0xFFFF0000, v20;
	v22 =	vand.u32 $0xFFFF0000, v22;
	v21 =	vmul.f32 v21, v8  }
0x1a8: {  	v23 =	vand.u32 $0xFFFF0000, v23;
	v29 =	vld.idx.msk [tilespmem:v29+s2+$0x0], $0xffff;
	v22 =	vmul.f32 v22, v8;
	[tilespmem:$0x1F8F0] =	vst v15;
	v15 =	vmul.f32 v17, v7  }
0x1a9: {  	v17 =	vmul.f32 v18, v7;
	v7 =	vmul.f32 v19, v7;
	v43 =	vadd.s32 s31, v9;
	v9 =	vld [tilespmem:$0x1FD90]  }
0x1aa: {  	v24 =	vadd.s32 s31, v46;
	v19 =	vmul.f32 v20, v8;
	v8 =	vmul.f32 v23, v8;
	v23 =	vld.idx.msk [tilespmem:v2+s2+$0x0], $0xffff  }
0x1ab: {  	v2 =	vld [tilespmem:$0x1FD50]  }
0x1ac: {  	v47 =	vadd.s32 s31, v55  }
0x1ad: {  	v25 =	vcombine.low v25, v26;
	v26 =	vadd.s32 s31, v59;
	v33 =	vadd.s32 $0x8000, v33  }
0x1ae: {  	v49 =	vand.u32 $0xFFFF0000, v33;
	v29 =	vadd.s32 $0x8000, v29;
	v33 =	vadd.s32 s31, v9;
	v9 =	vld [tilespmem:$0x1FDA0]  }
0x1af: {  	v24 =	vld.idx.msk [tilespmem:v24+s2+$0x0], $0xffff;
	v29 =	vand.u32 $0xFFFF0000, v29  }
0x1b0: {  	v30 =	vld.idx.msk [tilespmem:v43+s2+$0x0], $0xffff;
	v43 =	vadd.s32 s31, v2;
	v2 =	vmul.f32 v29, v32  }
0x1b1: {  	v39 =	vld.idx.msk [tilespmem:v47+s2+$0x0], $0xffff  }
0x1b2: {  	v35 =	vor.u32 s31, v48;
	v26 =	vld.idx.msk [tilespmem:v26+s2+$0x0], $0xffff;
	[tilespmem:$0x1F970] =	vst v2;
	v2 =	vmul.f32 v49, v32  }
0x1b3: {  	v47 =	vadd.s32 s31, v9;
	v9 =	vld.idx.msk [tilespmem:v61+s2+$0x0], $0xffff;
	v61 =	vadd.s32 s31, v58  }
0x1b4: {  	[tilespmem:$0x1F980] =	vst v2;
	v2 =	vld [tilespmem:$0x1FC70];
	_ =	sdelay $0x1  }
0x1b5: {  	[tilespmem:$0x1F8D0] =	vst v12;
	v12 =	vld [tilespmem:$0x1FD60]  }
0x1b6: {  	v35 =	vld.idx.msk [tilespmem:v35+s12+$0x0], $0xffff;
	v24 =	vadd.s32 $0x8000, v24;
	v26 =	vadd.s32 $0x8000, v26  }
0x1b7: {  	v24 =	vand.u32 $0xFFFF0000, v24;
	v26 =	vand.u32 $0xFFFF0000, v26;
	[tilespmem:$0x1F930] =	vst v19;
	v19 =	vld.idx.msk [tilespmem:v61+s2+$0x0], $0xffff  }
0x1b8: {  	v24 =	vmul.f32 v24, v32;
	v61 =	vmul.f32 v26, v32;
	v32 =	vadd.s32 s31, v2;
	v2 =	vld [tilespmem:$0x1FC90];
	_ =	sdelay $0x1  }
0x1b9: {  	v12 =	vadd.s32 s31, v12  }
0x1ba: {  	v38 =	vadd.s32 $0x8000, v38  }
0x1bb: {  	v38 =	vand.u32 $0xFFFF0000, v38  }
0x1bc: {  	v39 =	vadd.s32 $0x8000, v39;
	v42 =	vadd.s32 s31, v2;
	v2 =	vmul.f32 v38, v35  }
0x1bd: {  	v39 =	vand.u32 $0xFFFF0000, v39  }
0x1be: {  	v27 =	vld.idx.msk [tilespmem:v12+s2+$0x0], $0xffff;
	v12 =	vlaneseq.u32;
	[tilespmem:$0x1F990] =	vst v2;
	v2 =	vmul.f32 v39, v35  }
0x1bf: {  	v12 =	vor.u32 s31, v12  }
0x1c0: {  	[tilespmem:$0x1F9A0] =	vst v2;
	v2 =	vld [tilespmem:$0x1FCC0]  }
0x1c1: {  	v25 =	vand.u32 $0xF, v25  }
0x1c2: {  	v3 =	vld.idx.msk [tilespmem:v3+s2+$0x0], $0xffff;
	[tilespmem:$0x1F890] =	vst v25;
	v25 =	vor.u32 s31, v25  }
0x1c3: {  	v5 =	vld.idx.msk [tilespmem:v5+s2+$0x0], $0xffff  }
0x1c4: {  	[tilespmem:$0x1F960] =	vst v8;
	v8 =	vld.idx.msk [tilespmem:v12+s12+$0x0], $0xffff  }
0x1c5: {  	v12 =	vadd.s32 s31, v2;
	v2 =	vld [tilespmem:$0x1FCE0]  }
0x1c6: {  	v6 =	vld.idx.msk [tilespmem:v6+s2+$0x0], $0xffff  }
0x1c7: {  	v25 =	vld.idx.msk [tilespmem:v25+s12+$0x0], $0xffff  }
0x1c8: {  	v31 =	vld.idx.msk [tilespmem:v31+s12+$0x0], $0xffff  }
0x1c9: {  	[tilespmem:$0x1F920] =	vst v7;
	v7 =	vld [tilespmem:$0x1FE10]  }
0x1ca: {  	v39 =	vadd.s32 s31, v2;
	v2 =	vld [tilespmem:$0x1FBA0];
	_ =	sdelay $0x1  }
0x1cb: {  	v0 =	vld.idx.msk [tilespmem:v0+s2+$0x0], $0xffff  }
0x1cc: {  	v1 =	vld.idx.msk [tilespmem:v1+s2+$0x0], $0xffff;
	v3 =	vadd.s32 $0x8000, v3;
	v5 =	vadd.s32 $0x8000, v5;
	v6 =	vadd.s32 $0x8000, v6  }
0x1cd: {  	v3 =	vand.u32 $0xFFFF0000, v3;
	v5 =	vand.u32 $0xFFFF0000, v5;
	[tilespmem:$0x1F940] =	vst v21;
	v21 =	vld [tilespmem:$0x1FD40];
	v7 =	vadd.s32 s31, v7  }
0x1ce: {  	[tilespmem:$0x1F910] =	vst v17;
	v17 =	vld.idx.msk [tilespmem:v47+s2+$0x0], $0xffff;
	v47 =	vmul.f32 v3, v25;
	v3 =	vadd.s32 s31, v2;
	v2 =	vmul.f32 v5, v31  }
0x1cf: {  	v4 =	vld.idx.msk [tilespmem:v4+s2+$0x0], $0xffff;
	v6 =	vand.u32 $0xFFFF0000, v6  }
0x1d0: {  	v10 =	vld.idx.msk [tilespmem:v10+s2+$0x0], $0xffff;
	[tilespmem:$0x1F9D0] =	vst v2;
	v2 =	vmul.f32 v6, v31  }
0x1d1: {  	v28 =	vld.idx.msk [tilespmem:v28+s12+$0x0], $0xffff  }
0x1d2: {  	v29 =	vld.idx.msk [tilespmem:v7+s2+$0x0], $0xffff;
	[tilespmem:$0x1F9E0] =	vst v2;
	v2 =	vmul.f32 v63, v31  }
0x1d3: {  	v21 =	vadd.s32 s31, v21;
	v58 =	vld [tilespmem:$0x1FAE0]  }
0x1d4: {  	v0 =	vadd.s32 $0x8000, v0;
	v1 =	vadd.s32 $0x8000, v1;
	[tilespmem:$0x1F9F0] =	vst v2;
	v2 =	vld [tilespmem:$0x1FBB0]  }
0x1d5: {  	v4 =	vadd.s32 $0x8000, v4;
	v10 =	vadd.s32 $0x8000, v10;
	v0 =	vand.u32 $0xFFFF0000, v0  }
0x1d6: {  	v1 =	vand.u32 $0xFFFF0000, v1;
	v4 =	vand.u32 $0xFFFF0000, v4;
	v0 =	vmul.f32 v0, v25  }
0x1d7: {  	v10 =	vand.u32 $0xFFFF0000, v10;
	[tilespmem:$0x1F950] =	vst v22;
	v22 =	vadd.s32 s31, v60;
	v60 =	vmul.f32 v4, v31  }
0x1d8: {  	[tilespmem:$0x1F9B0] =	vst v0;
	v0 =	vmul.f32 v1, v25;
	v1 =	vld.idx.msk [tilespmem:v21+s2+$0x0], $0xffff;
	v21 =	vadd.s32 $0x8000, v29;
	v20 =	vadd.s32 s31, v58  }
0x1d9: {  	v11 =	vld.idx.msk [tilespmem:v11+s2+$0x0], $0xffff;
	v4 =	vand.u32 $0xFFFF0000, v21;
	v21 =	vadd.s32 s31, v2;
	v2 =	vmul.f32 v10, v28  }
0x1da: {  	v26 =	vor.u32 s31, v56  }
0x1db: {  	[tilespmem:$0x1FA00] =	vst v2;
	v2 =	vld [tilespmem:$0x1FBC0];
	_ =	sdelay $0x1  }
0x1dc: {  	v20 =	vld.idx.msk [tilespmem:v20+s2+$0x0], $0xffff  }
0x1dd: {  	v11 =	vadd.s32 $0x8000, v11  }
0x1de: {  	v11 =	vand.u32 $0xFFFF0000, v11;
	v7 =	vld.idx.msk [tilespmem:v26+s12+$0x0], $0xffff  }
0x1df: {  	v10 =	vadd.s32 s31, v2;
	v2 =	vmul.f32 v11, v28  }
0x1e0: {  	v36 =	vadd.s32 $0x8000, v36  }
0x1e1: {  	v36 =	vand.u32 $0xFFFF0000, v36;
	v4 =	vmul.f32 v4, v8;
	v6 =	vadd.s32 $0x8000, v20;
	[tilespmem:$0x1FA10] =	vst v2;
	v2 =	vld [tilespmem:$0x1FB10]  }
0x1e2: {  	v49 =	vmul.f32 v40, v25;
	v25 =	vimm.f32 $0.0e+00;
	v6 =	vand.u32 $0xFFFF0000, v6  }
0x1e3: {  	v36 =	vmul.f32 v36, v35;
	v4 =	vadd.f32 v4, v25;
	v6 =	vmul.f32 v6, v7  }
0x1e4: {  	v29 =	vld.idx.msk [tilespmem:v12+s2+$0x0], $0xffff  }
0x1e5: {  	v12 =	vadd.f32 v6, v4;
	v6 =	vadd.f32 v36, v25;
	v25 =	vld [tilespmem:$0x1FAB0]  }
0x1e6: {  	v63 =	vmul.f32 v62, v28;
	v62 =	vmul.f32 v51, v28;
	v28 =	vadd.s32 s31, v2;
	v2 =	vld [tilespmem:$0x1FAA0];
	_ =	sdelay $0x4  }
0x1e7: {  	v31 =	vcombine.low v2, v25;
	v2 =	vld [tilespmem:$0x1FB40]  }
0x1e8: {  	v25 =	vld [tilespmem:$0x1FB50];
	_ =	sdelay $0x4  }
0x1e9: {  	v45 =	vadd.s32 s31, v45;
	v40 =	vcombine.low v2, v25;
	v2 =	vld [tilespmem:$0x1FBF0]  }
0x1ea: {  	v25 =	vld [tilespmem:$0x1FC00];
	_ =	sdelay $0x1  }
0x1eb: {  	[tilespmem:$0x1F9C0] =	vst v0;
	v0 =	vld [tilespmem:$0x1FB90]  }
0x1ec: {  	v37 =	vadd.s32 $0x8000, v37  }
0x1ed: {  	v37 =	vand.u32 $0xFFFF0000, v37;
	[tilespmem:$0x1F8E0] =	vst v14;
	v14 =	vld.idx.msk [tilespmem:v45+s2+$0x0], $0xffff  }
0x1ee: {  	v45 =	vmul.f32 v37, v35;
	v35 =	vcombine.low v2, v25;
	v2 =	vld [tilespmem:$0x1FB20]  }
0x1ef: {  	v18 =	vld [tilespmem:$0x1FD30]  }
0x1f0: {  	v34 =	vld.idx.msk [tilespmem:v34+s2+$0x0], $0xffff;
	v0 =	vadd.s32 s31, v0  }
0x1f1: {  	[tilespmem:$0x1F900] =	vst v15;
	v15 =	vld [tilespmem:$0x1FD80]  }
0x1f2: {  	v51 =	vld [tilespmem:$0x1FAF0]  }
0x1f3: {  	v36 =	vadd.s32 s31, v2;
	v2 =	vld [tilespmem:$0x1FDF0]  }
0x1f4: {  	v41 =	vld.idx.msk [tilespmem:v41+s2+$0x0], $0xffff  }
0x1f5: {  	v0 =	vld.idx.msk [tilespmem:v0+s2+$0x0], $0xffff  }
0x1f6: {  	v16 =	vld.idx.msk [tilespmem:v33+s2+$0x0], $0xffff  }
0x1f7: {  	v4 =	vadd.s32 s31, v51;
	v25 =	vadd.f32 v24, v6;
	v6 =	vld.idx.msk [tilespmem:v21+s2+$0x0], $0xffff  }
0x1f8: {  	v21 =	vadd.s32 s31, v2;
	v2 =	vld [tilespmem:$0x1FE00]  }
0x1f9: {  	v26 =	vld.idx.msk [tilespmem:v42+s2+$0x0], $0xffff  }
0x1fa: {  	v20 =	vld.idx.msk [tilespmem:v32+s2+$0x0], $0xffff  }
0x1fb: {  	v3 =	vld.idx.msk [tilespmem:v3+s2+$0x0], $0xffff  }
0x1fc: {  	v4 =	vld.idx.msk [tilespmem:v4+s2+$0x0], $0xffff  }
0x1fd: {  	v24 =	vadd.s32 s31, v2;
	v2 =	vld [tilespmem:$0x1FE20]  }
0x1fe: {  	v28 =	vld.idx.msk [tilespmem:v28+s2+$0x0], $0xffff  }
0x1ff: {  	v5 =	vld.idx.msk [tilespmem:v43+s2+$0x0], $0xffff  }
0x200: {  	v18 =	vadd.s32 s31, v18;
	v17 =	vadd.s32 $0x8000, v17;
	v11 =	vld.idx.msk [tilespmem:v39+s2+$0x0], $0xffff  }
0x201: {  	v42 =	vand.u32 $0xF, v40;
	v40 =	vadd.s32 $0x8000, v0;
	v0 =	vadd.s32 $0x8000, v4;
	v4 =	vld [tilespmem:$0x1FB80]  }
0x202: {  	v32 =	vadd.s32 $0x8000, v41;
	v3 =	vadd.s32 $0x8000, v3;
	v10 =	vld.idx.msk [tilespmem:v10+s2+$0x0], $0xffff;
	v41 =	vadd.s32 s31, v2  }
0x203: {  	v37 =	vadd.s32 $0x8000, v20;
	[tilespmem:$0x1FA30] =	vst v0;
	v0 =	vadd.s32 $0x8000, v28;
	v28 =	vand.u32 $0xFFFF0000, v3;
	v3 =	vld [tilespmem:$0x1FC30]  }
0x204: {  	v33 =	vand.u32 $0xF, v31;
	v43 =	vand.u32 $0xF, v35;
	v35 =	vadd.s32 $0x8000, v14;
	v14 =	vld.idx.msk [tilespmem:v36+s2+$0x0], $0xffff  }
0x205: {  	v20 =	vand.u32 $0xFFFF0000, v17;
	v17 =	vor.u32 s31, v33;
	v36 =	vadd.s32 $0x8000, v19;
	v19 =	vld.idx.msk [tilespmem:v21+s2+$0x0], $0xffff  }
0x206: {  	v15 =	vadd.s32 s31, v15;
	[tilespmem:$0x1FA90] =	vst v17;
	v17 =	vld [tilespmem:$0x1FA30];
	v4 =	vor.u32 s31, v4  }
0x207: {  	v9 =	vadd.s32 $0x8000, v9;
	v21 =	vadd.s32 $0x8000, v27;
	v27 =	vadd.s32 $0x8000, v1;
	v1 =	vld.idx.msk [tilespmem:v41+s2+$0x0], $0xffff  }
0x208: {  	v38 =	vadd.s32 $0x8000, v34;
	v29 =	vadd.s32 $0x8000, v29;
	v11 =	vadd.s32 $0x8000, v11  }
0x209: {  	v10 =	vadd.s32 $0x8000, v10;
	[tilespmem:$0x1FA40] =	vst v0;
	v0 =	vadd.s32 $0x8000, v14;
	v2 =	vadd.s32 $0x8000, v6  }
0x20a: {  	v18 =	vld.idx.msk [tilespmem:v18+s2+$0x0], $0xffff;
	v31 =	vadd.s32 $0x8000, v19;
	v6 =	vand.u32 $0xFFFF0000, v9;
	v9 =	vor.u32 s31, v3  }
0x20b: {  	v3 =	vld.idx.msk [tilespmem:v4+s12+$0x0], $0xffff;
	v4 =	vand.u32 $0xFFFF0000, v10;
	v10 =	vand.u32 $0xFFFF0000, v31;
	v31 =	vand.u32 $0xFFFF0000, v17  }
0x20c: {  	[tilespmem:$0x1FA50] =	vst v0;
	v17 =	vld [tilespmem:$0x1FA40];
	v41 =	vand.u32 $0xFFFF0000, v27;
	v0 =	vadd.s32 $0x8000, v1;
	v1 =	vand.u32 $0xFFFF0000, v38  }
0x20d: {  	v38 =	vand.u32 $0xFFFF0000, v36;
	v36 =	vand.u32 $0xFFFF0000, v29;
	v29 =	vmul.f32 v10, v8;
	v10 =	vld [tilespmem:$0x1FA50]  }
0x20e: {  	v27 =	vand.u32 $0xFFFF0000, v37;
	v37 =	vand.u32 $0xFFFF0000, v11;
	v11 =	vand.u32 $0xFFFF0000, v2;
	v2 =	vld [tilespmem:$0x1FB30];
	_ =	sdelay $0x1  }
0x20f: {  	v22 =	vld.idx.msk [tilespmem:v22+s2+$0x0], $0xffff;
	v16 =	vadd.s32 $0x8000, v16  }
0x210: {  	v15 =	vld.idx.msk [tilespmem:v15+s2+$0x0], $0xffff;
	v18 =	vadd.s32 $0x8000, v18;
	v19 =	vand.u32 $0xFFFF0000, v16;
	v16 =	vand.u32 $0xFFFF0000, v21;
	[tilespmem:$0x1FA60] =	vst v0  }
0x211: {  	v21 =	vand.u32 $0xFFFF0000, v18;
	v18 =	vand.u32 $0xFFFF0000, v17;
	v17 =	vand.u32 $0xFFFF0000, v10;
	v10 =	vld [tilespmem:$0x1FA60]  }
0x212: {  	v2 =	vor.u32 s31, v2;
	_ =	sdelay $0x2  }
0x213: {  	v15 =	vadd.s32 $0x8000, v15;
	v34 =	vadd.s32 $0x8000, v22;
	v24 =	vld.idx.msk [tilespmem:v24+s2+$0x0], $0xffff  }
0x214: {  	v22 =	vand.u32 $0xFFFF0000, v15;
	v15 =	vand.u32 $0xFFFF0000, v40;
	v40 =	vand.u32 $0xFFFF0000, v10;
	v10 =	vld.idx.msk [tilespmem:v9+s12+$0x0], $0xffff  }
0x215: {  	v9 =	vld.idx.msk [tilespmem:v2+s12+$0x0], $0xffff  }
0x216: {  	v23 =	vadd.s32 $0x8000, v23;
	v2 =	vld [tilespmem:$0x1FA90]  }
0x217: {  	v13 =	vadd.s32 $0x8000, v13;
	v23 =	vand.u32 $0xFFFF0000, v23;
	v26 =	vadd.s32 $0x8000, v26  }
0x218: {  	v30 =	vadd.s32 $0x8000, v30;
	v26 =	vand.u32 $0xFFFF0000, v26;
	[tilespmem:$0x1FA20] =	vst v33;
	v33 =	vimm.f32 $0.0e+00  }
0x219: {  	v39 =	vadd.s32 $0x8000, v5;
	v5 =	vand.u32 $0xFFFF0000, v30;
	v30 =	vadd.f32 v45, v33  }
0x21a: {  	v45 =	vimm.f32 $0.0e+00;
	v14 =	vand.u32 $0xFFFF0000, v13;
	v13 =	vand.u32 $0xFFFF0000, v35  }
0x21b: {  	v35 =	vand.u32 $0xFFFF0000, v34;
	v34 =	vand.u32 $0xFFFF0000, v39;
	v24 =	vadd.s32 $0x8000, v24  }
0x21c: {  	[tilespmem:$0x1FA70] =	vst v42;
	v39 =	vor.u32 s31, v42;
	v42 =	vimm.f32 $0.0e+00;
	v24 =	vand.u32 $0xFFFF0000, v24  }
0x21d: {  	v0 =	vand.u32 $0xFFFF0000, v32;
	v32 =	vmul.f32 v31, v7;
	v31 =	vmul.f32 v15, v3  }
0x21e: {  	s24 =	simm.s32 $0x10;
	[tilespmem:$0x1FA80] =	vst v43;
	v15 =	vor.u32 s31, v43;
	v43 =	vimm.f32 $0.0e+00;
	v29 =	vadd.f32 v29, v33;
	v2 =	vld.idx.msk [tilespmem:v2+s12+$0x0], $0xffff  }
.LBB2_3:
0x21f: {  	v12 =	vadd.f32 v31, v12;
	v31 =	vld [tilespmem:$0x1F930];
	v27 =	vmul.f32 v27, v10  }
0x220: {  	v28 =	vmul.f32 v28, v3  }
0x221: {  	v21 =	vmul.f32 v21, v9;
	v29 =	vadd.f32 v32, v29;
	v12 =	vadd.f32 v27, v12;
	v27 =	vld [tilespmem:$0x1F8F0];
	_ =	sdelay $0x1  }
0x222: {  	v28 =	vadd.f32 v28, v29;
	v26 =	vmul.f32 v26, v10;
	v12 =	vadd.f32 v21, v12;
	v21 =	vld [tilespmem:$0x1F8C0]  }
0x223: {  	v25 =	vadd.f32 v31, v25;
	v31 =	vld.idx.msk [tilespmem:v39+s12+$0x0], $0xffff  }
0x224: {  	v29 =	vld [tilespmem:$0x1F940];
	v26 =	vadd.f32 v26, v28;
	v28 =	vmul.f32 v41, v9  }
0x225: {  	v15 =	vld.idx.msk [tilespmem:v15+s12+$0x0], $0xffff;
	v25 =	vadd.f32 v27, v25  }
0x226: {  	v16 =	vmul.f32 v16, v2;
	v26 =	vadd.f32 v28, v26;
	v27 =	vld [tilespmem:$0x1F900]  }
0x227: {  	v30 =	vadd.f32 v61, v30;
	v21 =	vadd.f32 v21, v25;
	v25 =	vmul.f32 v38, v2  }
0x228: {  	v28 =	vld [tilespmem:$0x1F8D0];
	v16 =	vadd.f32 v16, v26;
	v13 =	vmul.f32 v13, v31  }
0x229: {  	v29 =	vadd.f32 v29, v30;
	v14 =	vmul.f32 v14, v31;
	v12 =	vadd.f32 v25, v12  }
0x22a: {  	v0 =	vmul.f32 v0, v15;
	v13 =	vadd.f32 v13, v16  }
0x22b: {  	v1 =	vmul.f32 v1, v15;
	v27 =	vadd.f32 v27, v29;
	v12 =	vadd.f32 v14, v12  }
0x22c: {  	v16 =	vld [tilespmem:$0x1F9D0];
	v0 =	vadd.f32 v0, v13  }
0x22d: {  	v27 =	vadd.f32 v28, v27;
	v1 =	vadd.f32 v1, v12  }
0x22e: {  	[tilespmem:$0x1F800] =	vst v0;
	v0 =	vld [tilespmem:$0x1F9C0]  }
0x22f: {  	v25 =	vadd.f32 v62, v27;
	[tilespmem:$0x1F7E0] =	vst v1;
	v1 =	vld [tilespmem:$0x1F9B0]  }
0x230: {  	v21 =	vadd.f32 v63, v21  }
0x231: {  	v16 =	vadd.f32 v16, v25  }
0x232: {  	v14 =	vadd.f32 v60, v21  }
0x233: {  	v0 =	vadd.f32 v0, v16  }
0x234: {  	v21 =	vmul.f32 v24, v8;
	v1 =	vadd.f32 v1, v14  }
0x235: {  	[tilespmem:$0x1F810] =	vst v0  }
0x236: {  	v12 =	vmul.f32 v18, v7;
	v0 =	vadd.f32 v21, v33;
	[tilespmem:$0x1F7F0] =	vst v1;
	v1 =	vmul.f32 v40, v8;
	v8 =	vld [tilespmem:$0x1F990];
	_ =	sdelay $0x1  }
0x237: {  	v0 =	vadd.f32 v12, v0;
	v12 =	vld [tilespmem:$0x1F970]  }
0x238: {  	v11 =	vmul.f32 v11, v3;
	v13 =	vld [tilespmem:$0x1F9A0]  }
0x239: {  	v3 =	vmul.f32 v4, v3;
	v4 =	vld [tilespmem:$0x1F950];
	v7 =	vmul.f32 v17, v7;
	v1 =	vadd.f32 v1, v42  }
0x23a: {  	v30 =	vld [tilespmem:$0x1FC50];
	v8 =	vadd.f32 v8, v45  }
0x23b: {  	v1 =	vadd.f32 v7, v1;
	v7 =	vld [tilespmem:$0x1F980]  }
0x23c: {  	v8 =	vadd.f32 v12, v8  }
0x23d: {  	v13 =	vadd.f32 v13, v43;
	v1 =	vadd.f32 v3, v1;
	v3 =	vld [tilespmem:$0x1F960]  }
0x23e: {  	v0 =	vadd.f32 v11, v0;
	v4 =	vadd.f32 v4, v8;
	v8 =	vmul.f32 v36, v10;
	_ =	sdelay $0x1  }
0x23f: {  	v30 =	vadd.s32 s24, v30;
	v7 =	vadd.f32 v7, v13;
	v0 =	vadd.f32 v8, v0;
	v8 =	vld [tilespmem:$0x1F910];
	_ =	sdelay $0x1  }
0x240: {  	v26 =	vld [tilespmem:$0x1FF10];
	v3 =	vadd.f32 v3, v7;
	v7 =	vmul.f32 v37, v10  }
0x241: {  	v28 =	vld [tilespmem:$0x1FF20]  }
0x242: {  	v1 =	vadd.f32 v7, v1;
	v7 =	vld [tilespmem:$0x1F920]  }
0x243: {  	v24 =	vadd.s32 s24, v46;
	v30 =	vld.idx.msk [tilespmem:v30+s2+$0x0], $0xffff;
	v4 =	vadd.f32 v8, v4;
	v8 =	vmul.f32 v35, v9  }
0x244: {  	v17 =	vld [tilespmem:$0x1FF40]  }
0x245: {  	v27 =	vadd.s32 s24, v50;
	v0 =	vadd.f32 v8, v0;
	v8 =	vld [tilespmem:$0x1F8E0]  }
0x246: {  	v50 =	vadd.s32 s24, v54;
	v54 =	vld [tilespmem:$0x1F8A0]  }
0x247: {  	v18 =	vld [tilespmem:$0x1FF50];
	v3 =	vadd.f32 v7, v3;
	v7 =	vmul.f32 v34, v9  }
0x248: {  	v24 =	vld.idx.msk [tilespmem:v24+s2+$0x0], $0xffff  }
0x249: {  	v25 =	vadd.s32 s24, v59;
	v16 =	vld [tilespmem:$0x1FF30];
	v1 =	vadd.f32 v7, v1  }
0x24a: {  	v27 =	vld.idx.msk [tilespmem:v27+s2+$0x0], $0xffff;
	v4 =	vadd.f32 v8, v4;
	v8 =	vmul.f32 v23, v2;
	v2 =	vmul.f32 v22, v2  }
0x24b: {  	v38 =	vor.u32 s24, v54;
	v54 =	vld [tilespmem:$0x1FFE0]  }
0x24c: {  	v17 =	vadd.s32 s24, v17;
	v1 =	vadd.f32 v2, v1;
	v2 =	vld [tilespmem:$0x1FA10]  }
0x24d: {  	v18 =	vadd.s32 s24, v18;
	v14 =	vld [tilespmem:$0x1FF00]  }
0x24e: {  	v21 =	vld [tilespmem:$0x1FF90]  }
0x24f: {  	v25 =	vld.idx.msk [tilespmem:v25+s2+$0x0], $0xffff;
	v3 =	vadd.f32 v44, v3  }
0x250: {  	v7 =	vld [tilespmem:$0x1FA00]  }
0x251: {  	v17 =	vld.idx.msk [tilespmem:v17+s2+$0x0], $0xffff;
	v2 =	vadd.f32 v2, v3;
	v3 =	vmul.f32 v20, v31  }
0x252: {  	v18 =	vld.idx.msk [tilespmem:v18+s2+$0x0], $0xffff  }
0x253: {  	v16 =	vadd.s32 s24, v16;
	v1 =	vadd.f32 v3, v1;
	v3 =	vld [tilespmem:$0x1F9F0]  }
0x254: {  	v11 =	vld [tilespmem:$0x1FEB0];
	v14 =	vadd.s32 s24, v14  }
0x255: {  	v38 =	vld.idx.msk [tilespmem:v38+s12+$0x0], $0xffff;
	v0 =	vadd.f32 v8, v0;
	v4 =	vadd.f32 v7, v4;
	v7 =	vmul.f32 v19, v31  }
0x256: {  	v21 =	vadd.s32 s24, v21;
	v45 =	vld [tilespmem:$0x1FDD0]  }
0x257: {  	v0 =	vadd.f32 v7, v0;
	v7 =	vld [tilespmem:$0x1F9E0]  }
0x258: {  	v16 =	vld.idx.msk [tilespmem:v16+s2+$0x0], $0xffff;
	v2 =	vadd.f32 v3, v2;
	v3 =	vmul.f32 v5, v15  }
0x259: {  	v6 =	vmul.f32 v6, v15;
	v12 =	vld [tilespmem:$0x1FF70]  }
0x25a: {  	v11 =	vadd.s32 s24, v11;
	v14 =	vld.idx.msk [tilespmem:v14+s2+$0x0], $0xffff;
	v1 =	vadd.f32 v3, v1  }
0x25b: {  	v21 =	vld.idx.msk [tilespmem:v21+s2+$0x0], $0xffff;
	v0 =	vadd.f32 v6, v0  }
0x25c: {  	v42 =	vadd.s32 s24, v45;
	v4 =	vadd.f32 v7, v4;
	[tilespmem:$0x1F860] =	vst v1;
	v1 =	vadd.f32 v47, v2;
	v2 =	vld [tilespmem:$0x1FE50]  }
0x25d: {  	v13 =	vld [tilespmem:$0x1FF80]  }
0x25e: {  	v10 =	vld [tilespmem:$0x1FEC0];
	[tilespmem:$0x1F870] =	vst v0;
	v0 =	vadd.f32 v49, v4  }
0x25f: {  	v11 =	vld.idx.msk [tilespmem:v11+s2+$0x0], $0xffff  }
0x260: {  	v12 =	vadd.s32 s24, v12;
	[tilespmem:$0x1F7D0] =	vst v0;
	v0 =	vld [tilespmem:$0x1FE40]  }
0x261: {  	v42 =	vld.idx.msk [tilespmem:v42+s2+$0x0], $0xffff;
	v2 =	vadd.s32 s24, v2  }
0x262: {  	v35 =	vld.idx.msk [tilespmem:v50+s2+$0x0], $0xffff  }
0x263: {  	v13 =	vadd.s32 s24, v13;
	v15 =	vld [tilespmem:$0x1FEF0]  }
0x264: {  	v10 =	vadd.s32 s24, v10;
	v50 =	vld [tilespmem:$0x1FD90]  }
0x265: {  	v12 =	vld.idx.msk [tilespmem:v12+s2+$0x0], $0xffff;
	v0 =	vadd.s32 s24, v0  }
0x266: {  	v2 =	vld.idx.msk [tilespmem:v2+s2+$0x0], $0xffff  }
0x267: {  	v26 =	vor.u32 s24, v26;
	v9 =	vld [tilespmem:$0x1FED0]  }
0x268: {  	v13 =	vld.idx.msk [tilespmem:v13+s2+$0x0], $0xffff;
	v15 =	vadd.s32 s24, v15  }
0x269: {  	v10 =	vld.idx.msk [tilespmem:v10+s2+$0x0], $0xffff  }
0x26a: {  	v0 =	vld.idx.msk [tilespmem:v0+s2+$0x0], $0xffff  }
0x26b: {  	v44 =	vld [tilespmem:$0x1FDC0];
	v2 =	vadd.s32 $0x8000, v2  }
0x26c: {  	v59 =	vand.u32 $0xFFFF0000, v2;
	v2 =	vld.idx.msk [tilespmem:v26+s12+$0x0], $0xffff  }
0x26d: {  	v9 =	vadd.s32 s24, v9;
	v15 =	vld.idx.msk [tilespmem:v15+s2+$0x0], $0xffff  }
0x26e: {  	v29 =	vor.u32 s24, v57;
	v28 =	vor.u32 s24, v28;
	v22 =	vld [tilespmem:$0x1FFB0]  }
0x26f: {  	v12 =	vadd.s32 $0x8000, v12;
	v23 =	vld [tilespmem:$0x1FFC0];
	v10 =	vadd.s32 $0x8000, v10;
	v0 =	vadd.s32 $0x8000, v0  }
0x270: {  	v8 =	vld [tilespmem:$0x1FEE0];
	v57 =	vand.u32 $0xFFFF0000, v0;
	v0 =	vand.u32 $0xFFFF0000, v10;
	v10 =	vand.u32 $0xFFFF0000, v12  }
0x271: {  	v14 =	vadd.s32 $0x8000, v14;
	v13 =	vadd.s32 $0x8000, v13;
	v19 =	vld [tilespmem:$0x1FF60];
	v10 =	vmul.f32 v10, v2  }
0x272: {  	v14 =	vand.u32 $0xFFFF0000, v14;
	v9 =	vld.idx.msk [tilespmem:v9+s2+$0x0], $0xffff;
	v15 =	vadd.s32 $0x8000, v15;
	v12 =	vand.u32 $0xFFFF0000, v13  }
0x273: {  	v32 =	vadd.s32 s24, v44;
	v6 =	vld [tilespmem:$0x1FE80];
	v15 =	vand.u32 $0xFFFF0000, v15;
	[tilespmem:$0x1F8C0] =	vst v10;
	v10 =	vmul.f32 v12, v2  }
0x274: {  	v20 =	vld [tilespmem:$0x1FBD0];
	v12 =	vmul.f32 v14, v2;
	v2 =	vmul.f32 v15, v2  }
0x275: {  	v22 =	vadd.s32 s24, v22;
	v26 =	vld.idx.msk [tilespmem:v28+s12+$0x0], $0xffff  }
0x276: {  	v23 =	vadd.s32 s24, v23;
	[tilespmem:$0x1F850] =	vst v2;
	v2 =	vld [tilespmem:$0x1FD70]  }
0x277: {  	v31 =	vld [tilespmem:$0x1FC40]  }
0x278: {  	v32 =	vld.idx.msk [tilespmem:v32+s2+$0x0], $0xffff  }
0x279: {  	v16 =	vadd.s32 $0x8000, v16;
	v19 =	vadd.s32 s24, v19;
	v7 =	vld [tilespmem:$0x1FE70]  }
0x27a: {  	v17 =	vadd.s32 $0x8000, v17;
	v16 =	vand.u32 $0xFFFF0000, v16;
	v22 =	vld.idx.msk [tilespmem:v22+s2+$0x0], $0xffff  }
0x27b: {  	v8 =	vadd.s32 s24, v8;
	v23 =	vld.idx.msk [tilespmem:v23+s2+$0x0], $0xffff;
	[tilespmem:$0x1F8E0] =	vst v12;
	v12 =	vadd.s32 s24, v2;
	v2 =	vmul.f32 v16, v26  }
0x27c: {  	v17 =	vand.u32 $0xFFFF0000, v17;
	v4 =	vld [tilespmem:$0x1FE90]  }
0x27d: {  	v49 =	vadd.s32 s24, v53;
	v53 =	vld [tilespmem:$0x1F890];
	[tilespmem:$0x1F8F0] =	vst v2;
	v2 =	vmul.f32 v17, v26  }
0x27e: {  	v6 =	vadd.s32 s24, v6;
	v19 =	vld.idx.msk [tilespmem:v19+s2+$0x0], $0xffff  }
0x27f: {  	[tilespmem:$0x1F900] =	vst v2;
	v2 =	vld [tilespmem:$0x1FD80]  }
0x280: {  	v8 =	vld.idx.msk [tilespmem:v8+s2+$0x0], $0xffff  }
0x281: {  	v20 =	vadd.s32 s24, v20;
	v5 =	vld [tilespmem:$0x1FE60]  }
0x282: {  	v18 =	vadd.s32 $0x8000, v18;
	v31 =	vor.u32 s24, v31;
	v3 =	vld [tilespmem:$0x1FEA0]  }
0x283: {  	v18 =	vand.u32 $0xFFFF0000, v18;
	v6 =	vld.idx.msk [tilespmem:v6+s2+$0x0], $0xffff  }
0x284: {  	v34 =	vld.idx.msk [tilespmem:v49+s2+$0x0], $0xffff;
	v19 =	vadd.s32 $0x8000, v19;
	v15 =	vadd.s32 s24, v2;
	v2 =	vmul.f32 v18, v26  }
0x285: {  	v49 =	vld [tilespmem:$0x1FFD0];
	v19 =	vand.u32 $0xFFFF0000, v19  }
0x286: {  	v9 =	vadd.s32 $0x8000, v9;
	v7 =	vadd.s32 s24, v7;
	v20 =	vld.idx.msk [tilespmem:v20+s2+$0x0], $0xffff;
	[tilespmem:$0x1F910] =	vst v2;
	v2 =	vmul.f32 v19, v26  }
0x287: {  	v28 =	vand.u32 $0xFFFF0000, v9;
	v9 =	vld.idx.msk [tilespmem:v31+s12+$0x0], $0xffff  }
0x288: {  	v4 =	vadd.s32 s24, v4;
	[tilespmem:$0x1F920] =	vst v2;
	v2 =	vld [tilespmem:$0x1FD30]  }
0x289: {  	v37 =	vor.u32 s24, v53;
	v53 =	vld [tilespmem:$0x1FDA0]  }
0x28a: {  	v47 =	vor.u32 s24, v48;
	v48 =	vadd.s32 s24, v52;
	v52 =	vadd.s32 s24, v55;
	v55 =	vld [tilespmem:$0x1F8B0]  }
0x28b: {  	v7 =	vld.idx.msk [tilespmem:v7+s2+$0x0], $0xffff;
	v20 =	vadd.s32 $0x8000, v20  }
0x28c: {  	v21 =	vadd.s32 $0x8000, v21;
	[tilespmem:$0x1F830] =	vst v1;
	v1 =	vld [tilespmem:$0x1FE30];
	v20 =	vand.u32 $0xFFFF0000, v20  }
0x28d: {  	v8 =	vadd.s32 $0x8000, v8;
	v4 =	vld.idx.msk [tilespmem:v4+s2+$0x0], $0xffff;
	v17 =	vadd.s32 s24, v2;
	v2 =	vmul.f32 v20, v9  }
0x28e: {  	v21 =	vand.u32 $0xFFFF0000, v21;
	v8 =	vand.u32 $0xFFFF0000, v8;
	v5 =	vadd.s32 s24, v5;
	v37 =	vld.idx.msk [tilespmem:v37+s12+$0x0], $0xffff  }
0x28f: {  	v63 =	vmul.f32 v8, v38;
	v8 =	vadd.s32 s24, v58;
	v33 =	vld.idx.msk [tilespmem:v48+s2+$0x0], $0xffff;
	[tilespmem:$0x1F930] =	vst v2;
	v2 =	vmul.f32 v21, v9  }
0x290: {  	v3 =	vadd.s32 s24, v3;
	v36 =	vld.idx.msk [tilespmem:v52+s2+$0x0], $0xffff  }
0x291: {  	v39 =	vor.u32 s24, v55;
	[tilespmem:$0x1F940] =	vst v2;
	v2 =	vld [tilespmem:$0x1FD40]  }
0x292: {  	v48 =	vld [tilespmem:$0x1FFA0]  }
0x293: {  	v5 =	vld.idx.msk [tilespmem:v5+s2+$0x0], $0xffff  }
0x294: {  	v22 =	vadd.s32 $0x8000, v22;
	v8 =	vld.idx.msk [tilespmem:v8+s2+$0x0], $0xffff;
	v1 =	vadd.s32 s24, v1  }
0x295: {  	v22 =	vand.u32 $0xFFFF0000, v22;
	v3 =	vld.idx.msk [tilespmem:v3+s2+$0x0], $0xffff  }
0x296: {  	v23 =	vadd.s32 $0x8000, v23;
	v39 =	vld.idx.msk [tilespmem:v39+s12+$0x0], $0xffff;
	v19 =	vadd.s32 s24, v2;
	v2 =	vmul.f32 v22, v9  }
0x297: {  	v23 =	vand.u32 $0xFFFF0000, v23;
	v44 =	vadd.s32 s24, v48;
	v13 =	vld.idx.msk [tilespmem:v29+s12+$0x0], $0xffff  }
0x298: {  	v29 =	vld [tilespmem:$0x1FDB0];
	[tilespmem:$0x1F950] =	vst v2;
	v2 =	vmul.f32 v23, v9  }
0x299: {  	v24 =	vadd.s32 $0x8000, v24;
	v11 =	vadd.s32 $0x8000, v11;
	v1 =	vld.idx.msk [tilespmem:v1+s2+$0x0], $0xffff;
	v0 =	vmul.f32 v0, v38  }
0x29a: {  	v24 =	vand.u32 $0xFFFF0000, v24;
	v11 =	vand.u32 $0xFFFF0000, v11;
	[tilespmem:$0x1F960] =	vst v2;
	v2 =	vld [tilespmem:$0x1FFF0]  }
0x29b: {  	v25 =	vadd.s32 $0x8000, v25;
	v6 =	vadd.s32 $0x8000, v6;
	[tilespmem:$0x1FA00] =	vst v0;
	v0 =	vmul.f32 v11, v38;
	v11 =	vld [tilespmem:$0x1FB10]  }
0x29c: {  	v25 =	vand.u32 $0xFFFF0000, v25;
	v6 =	vand.u32 $0xFFFF0000, v6;
	v7 =	vadd.s32 $0x8000, v7;
	v44 =	vld.idx.msk [tilespmem:v44+s2+$0x0], $0xffff  }
0x29d: {  	v7 =	vand.u32 $0xFFFF0000, v7;
	v4 =	vadd.s32 $0x8000, v4;
	v3 =	vadd.s32 $0x8000, v3;
	v31 =	vld.idx.msk [tilespmem:v47+s12+$0x0], $0xffff  }
0x29e: {  	v4 =	vand.u32 $0xFFFF0000, v4;
	v3 =	vand.u32 $0xFFFF0000, v3;
	v6 =	vmul.f32 v6, v39;
	v47 =	vld [tilespmem:$0x1FDE0]  }
0x29f: {  	v29 =	vadd.s32 s24, v29;
	v21 =	vadd.s32 s24, v2;
	v2 =	vmul.f32 v24, v13;
	v24 =	vld.idx.msk [tilespmem:v15+s2+$0x0], $0xffff  }
0x2a0: {  	v60 =	vmul.f32 v3, v39;
	v3 =	vmul.f32 v4, v39;
	[tilespmem:$0x1FA10] =	vst v0;
	v0 =	vadd.s32 s24, v51;
	v15 =	vld [tilespmem:$0x1FC90]  }
0x2a1: {  	v45 =	vadd.s32 s24, v49;
	v61 =	vmul.f32 v25, v13;
	v25 =	vld [tilespmem:$0x1FCC0];
	[tilespmem:$0x1F9E0] =	vst v6;
	v6 =	vmul.f32 v7, v39  }
0x2a2: {  	[tilespmem:$0x1F9D0] =	vst v3;
	v3 =	vld [tilespmem:$0x1FBB0];
	v11 =	vadd.s32 s24, v11  }
0x2a3: {  	[tilespmem:$0x1F9F0] =	vst v6;
	v6 =	vld [tilespmem:$0x1FBC0]  }
0x2a4: {  	v29 =	vld.idx.msk [tilespmem:v29+s2+$0x0], $0xffff  }
0x2a5: {  	v0 =	vld.idx.msk [tilespmem:v0+s2+$0x0], $0xffff;
	v15 =	vadd.s32 s24, v15  }
0x2a6: {  	v14 =	vld.idx.msk [tilespmem:v45+s2+$0x0], $0xffff  }
0x2a7: {  	v43 =	vadd.s32 s24, v47;
	v11 =	vld.idx.msk [tilespmem:v11+s2+$0x0], $0xffff  }
0x2a8: {  	v3 =	vadd.s32 s24, v3;
	[tilespmem:$0x1F8D0] =	vst v10;
	v10 =	vld [tilespmem:$0x1FD60]  }
0x2a9: {  	v25 =	vadd.s32 s24, v25;
	v26 =	vld [tilespmem:$0x1FCE0]  }
0x2aa: {  	v6 =	vadd.s32 s24, v6;
	v4 =	vld.idx.msk [tilespmem:v15+s2+$0x0], $0xffff  }
0x2ab: {  	v15 =	vld [tilespmem:$0x1FB30]  }
0x2ac: {  	v27 =	vadd.s32 $0x8000, v27;
	v47 =	vadd.s32 s24, v50;
	v43 =	vld.idx.msk [tilespmem:v43+s2+$0x0], $0xffff  }
0x2ad: {  	v27 =	vand.u32 $0xFFFF0000, v27;
	v3 =	vld.idx.msk [tilespmem:v3+s2+$0x0], $0xffff  }
0x2ae: {  	v30 =	vadd.s32 $0x8000, v30;
	v7 =	vld.idx.msk [tilespmem:v25+s2+$0x0], $0xffff;
	[tilespmem:$0x1F840] =	vst v2;
	v2 =	vmul.f32 v27, v13  }
0x2af: {  	v30 =	vand.u32 $0xFFFF0000, v30;
	v6 =	vld.idx.msk [tilespmem:v6+s2+$0x0], $0xffff;
	v26 =	vadd.s32 s24, v26  }
0x2b0: {  	v33 =	vadd.s32 $0x8000, v33;
	[tilespmem:$0x1F970] =	vst v2;
	v2 =	vmul.f32 v30, v13;
	v30 =	vor.u32 s24, v15;
	v15 =	vld [tilespmem:$0x1FB20]  }
0x2b1: {  	v52 =	vand.u32 $0xFFFF0000, v33;
	v33 =	vadd.s32 s24, v53;
	v16 =	vld.idx.msk [tilespmem:v47+s2+$0x0], $0xffff  }
0x2b2: {  	v50 =	vadd.s32 $0x8000, v3;
	v9 =	vld [tilespmem:$0x1FD50]  }
0x2b3: {  	v55 =	vadd.s32 s24, v54;
	v53 =	vadd.s32 $0x8000, v11;
	v11 =	vand.u32 $0xFFFF0000, v50;
	v50 =	vld [tilespmem:$0x1FC80]  }
0x2b4: {  	v34 =	vadd.s32 $0x8000, v34;
	v25 =	vld.idx.msk [tilespmem:v26+s2+$0x0], $0xffff  }
0x2b5: {  	v34 =	vand.u32 $0xFFFF0000, v34;
	v26 =	vadd.s32 s24, v15;
	v15 =	vld [tilespmem:$0x1FB80]  }
0x2b6: {  	v35 =	vadd.s32 $0x8000, v35;
	v10 =	vadd.s32 s24, v10;
	v18 =	vld.idx.msk [tilespmem:v33+s2+$0x0], $0xffff;
	[tilespmem:$0x1F980] =	vst v2;
	v2 =	vmul.f32 v34, v31  }
0x2b7: {  	v35 =	vand.u32 $0xFFFF0000, v35;
	v22 =	vadd.s32 s24, v9;
	v9 =	vld [tilespmem:$0x1FC70]  }
0x2b8: {  	v36 =	vadd.s32 $0x8000, v36;
	v5 =	vadd.s32 $0x8000, v5;
	v20 =	vld.idx.msk [tilespmem:v55+s2+$0x0], $0xffff;
	[tilespmem:$0x1F820] =	vst v2;
	v2 =	vmul.f32 v35, v31  }
0x2b9: {  	v36 =	vand.u32 $0xFFFF0000, v36;
	v5 =	vand.u32 $0xFFFF0000, v5;
	v1 =	vadd.s32 $0x8000, v1;
	v23 =	vld.idx.msk [tilespmem:v12+s2+$0x0], $0xffff  }
0x2ba: {  	v12 =	vmul.f32 v52, v31;
	[tilespmem:$0x1F990] =	vst v2;
	v2 =	vmul.f32 v36, v31;
	v31 =	vor.u32 s24, v15;
	v15 =	vld [tilespmem:$0x1FC30]  }
0x2bb: {  	v62 =	vmul.f32 v28, v38;
	v38 =	vadd.s32 $0x8000, v42;
	v1 =	vand.u32 $0xFFFF0000, v1;
	v10 =	vld.idx.msk [tilespmem:v10+s2+$0x0], $0xffff  }
0x2bc: {  	v51 =	vadd.s32 $0x8000, v6;
	v13 =	vadd.s32 s24, v9;
	v9 =	vmul.f32 v1, v37;
	v1 =	vld [tilespmem:$0x1FBA0]  }
0x2bd: {  	v18 =	vadd.s32 $0x8000, v18;
	v20 =	vadd.s32 $0x8000, v20;
	[tilespmem:$0x1F9A0] =	vst v2;
	v2 =	vmul.f32 v5, v37;
	v5 =	vld [tilespmem:$0x1FB90]  }
0x2be: {  	v6 =	vand.u32 $0xFFFF0000, v38;
	v17 =	vld.idx.msk [tilespmem:v17+s2+$0x0], $0xffff;
	v38 =	vand.u32 $0xFFFF0000, v20;
	v20 =	vand.u32 $0xFFFF0000, v18  }
0x2bf: {  	v18 =	vand.u32 $0xFFFF0000, v53;
	v53 =	vld [tilespmem:$0x1FCB0];
	v40 =	vor.u32 s24, v15;
	v15 =	vlaneseq.u32  }
0x2c0: {  	v27 =	vor.u32 s24, v15;
	v15 =	vld [tilespmem:$0x1FE10]  }
0x2c1: {  	v19 =	vld.idx.msk [tilespmem:v19+s2+$0x0], $0xffff;
	v1 =	vadd.s32 s24, v1  }
0x2c2: {  	v22 =	vld.idx.msk [tilespmem:v22+s2+$0x0], $0xffff;
	v5 =	vadd.s32 s24, v5  }
0x2c3: {  	v21 =	vld.idx.msk [tilespmem:v21+s2+$0x0], $0xffff;
	v36 =	vor.u32 s24, v56  }
0x2c4: {  	v13 =	vld.idx.msk [tilespmem:v13+s2+$0x0], $0xffff  }
0x2c5: {  	v28 =	vadd.s32 s24, v15;
	v15 =	vld [tilespmem:$0x1FDF0]  }
0x2c6: {  	v1 =	vld.idx.msk [tilespmem:v1+s2+$0x0], $0xffff  }
0x2c7: {  	v41 =	vadd.s32 $0x8000, v44;
	v5 =	vld.idx.msk [tilespmem:v5+s2+$0x0], $0xffff  }
0x2c8: {  	v29 =	vadd.s32 $0x8000, v29;
	v42 =	vadd.s32 $0x8000, v14;
	v48 =	vadd.s32 $0x8000, v7;
	v7 =	vld.idx.msk [tilespmem:v36+s12+$0x0], $0xffff  }
0x2c9: {  	v14 =	vadd.s32 $0x8000, v43;
	v3 =	vadd.s32 $0x8000, v8;
	v16 =	vadd.s32 $0x8000, v16;
	v26 =	vld.idx.msk [tilespmem:v26+s2+$0x0], $0xffff  }
0x2ca: {  	v10 =	vadd.s32 $0x8000, v10;
	[tilespmem:$0x1F9B0] =	vst v2;
	v2 =	vmul.f32 v57, v37;
	v57 =	vadd.s32 s24, v15;
	v15 =	vld [tilespmem:$0x1FE00]  }
0x2cb: {  	v17 =	vadd.s32 $0x8000, v17;
	v43 =	vadd.s32 $0x8000, v19;
	v19 =	vand.u32 $0xFFFF0000, v16;
	v28 =	vld.idx.msk [tilespmem:v28+s2+$0x0], $0xffff  }
0x2cc: {  	v44 =	vadd.s32 $0x8000, v21;
	v36 =	vand.u32 $0xFFFF0000, v48;
	v48 =	vld [tilespmem:$0x1FC60];
	v47 =	vadd.s32 $0x8000, v5  }
0x2cd: {  	v21 =	vand.u32 $0xFFFF0000, v17;
	v4 =	vadd.s32 $0x8000, v4;
	[tilespmem:$0x1F9C0] =	vst v2;
	v2 =	vmul.f32 v59, v37;
	v8 =	vld.idx.msk [tilespmem:v27+s12+$0x0], $0xffff  }
0x2ce: {  	v56 =	vadd.s32 $0x8000, v26;
	v26 =	vand.u32 $0xFFFF0000, v4;
	v4 =	vand.u32 $0xFFFF0000, v51;
	v51 =	vld [tilespmem:$0x1FAF0]  }
0x2cf: {  	v45 =	vadd.s32 $0x8000, v13;
	v13 =	vand.u32 $0xFFFF0000, v42;
	v42 =	vand.u32 $0xFFFF0000, v47;
	v47 =	vmovc v2;
	v2 =	vld [tilespmem:$0x1F7E0]  }
0x2d0: {  	v17 =	vand.u32 $0xFFFF0000, v56;
	v56 =	vld [tilespmem:$0x1FD00];
	v58 =	vadd.s32 s24, v15;
	v54 =	vadd.s32 $0x8000, v28  }
0x2d1: {  	v16 =	vand.u32 $0xFFFF0000, v10;
	v49 =	vadd.s32 $0x8000, v1;
	v15 =	vld [tilespmem:$0x1FE20];
	v10 =	vand.u32 $0xFFFF0000, v54  }
0x2d2: {  	v1 =	vand.u32 $0xFFFF0000, v29;
	v27 =	vand.u32 $0xFFFF0000, v45;
	v45 =	vld [tilespmem:$0x1F7D0];
	v29 =	vmul.f32 v10, v8  }
0x2d3: {  	v5 =	vand.u32 $0xFFFF0000, v14;
	v34 =	vld.idx.msk [tilespmem:v57+s2+$0x0], $0xffff  }
0x2d4: {  	v14 =	vand.u32 $0xFFFF0000, v41;
	v41 =	vand.u32 $0xFFFF0000, v43;
	v43 =	vadd.f32 v29, v2;
	v2 =	vld [tilespmem:$0x1F7F0]  }
0x2d5: {  	v35 =	vld.idx.msk [tilespmem:v58+s2+$0x0], $0xffff  }
0x2d6: {  	v59 =	vadd.s32 s24, v15;
	v15 =	vld [tilespmem:$0x1FA20]  }
0x2d7: {  	v28 =	vand.u32 $0xFFFF0000, v49;
	v49 =	vmov v9;
	v9 =	vld.idx.msk [tilespmem:v30+s12+$0x0], $0xffff  }
0x2d8: {  	v54 =	vld [tilespmem:$0x1FCD0]  }
0x2d9: {  	v32 =	vadd.s32 $0x8000, v32;
	v10 =	vld.idx.msk [tilespmem:v40+s12+$0x0], $0xffff  }
0x2da: {  	v57 =	vadd.s32 $0x8000, v35;
	v35 =	vand.u32 $0xFFFF0000, v44;
	v44 =	vadd.f32 v12, v2;
	v2 =	vld [tilespmem:$0x1F800]  }
0x2db: {  	v24 =	vadd.s32 $0x8000, v24;
	v55 =	vadd.s32 $0x8000, v34;
	v33 =	vor.u32 s24, v15;
	v15 =	vld [tilespmem:$0x1FA70]  }
0x2dc: {  	v37 =	vld.idx.msk [tilespmem:v59+s2+$0x0], $0xffff;
	v59 =	vmovc v46;
	v46 =	vadd.s32 $0x8000, v22;
	v22 =	vand.u32 $0xFFFF0000, v24;
	v24 =	vand.u32 $0xFFFF0000, v55  }
0x2dd: {  	v52 =	vadd.s32 $0x8000, v0;
	v0 =	vand.u32 $0xFFFF0000, v32;
	v55 =	vld [tilespmem:$0x1FCF0];
	v32 =	vmul.f32 v24, v8  }
0x2de: {  	v12 =	vld [tilespmem:$0x1F820]  }
0x2df: {  	v29 =	vadd.f32 v32, v2;
	v2 =	vld [tilespmem:$0x1F810]  }
0x2e0: {  	v24 =	vand.u32 $0xFFFF0000, v57;
	v57 =	vld [tilespmem:$0x1FD20]  }
0x2e1: {  	v34 =	vand.u32 $0xFFFF0000, v46;
	v46 =	vmov v59;
	v59 =	vld [tilespmem:$0x1FB00]  }
0x2e2: {  	v25 =	vadd.s32 $0x8000, v25;
	v39 =	vor.u32 s24, v15;
	v15 =	vld [tilespmem:$0x1FA80]  }
0x2e3: {  	v58 =	vadd.s32 $0x8000, v37;
	v37 =	vand.u32 $0xFFFF0000, v25;
	v25 =	vand.u32 $0xFFFF0000, v3;
	v3 =	vld.idx.msk [tilespmem:v31+s12+$0x0], $0xffff  }
0x2e4: {  	v30 =	vadd.f32 v12, v2;
	v2 =	vld [tilespmem:$0x1F840]  }
0x2e5: {  	v31 =	vand.u32 $0xFFFF0000, v52;
	v52 =	vld [tilespmem:$0x1FCA0];
	v25 =	vmul.f32 v25, v7  }
0x2e6: {  	p0 =	sne.s32 s24, $0x2F0;
	v40 =	vand.u32 $0xFFFF0000, v58;
	v58 =	vld [tilespmem:$0x1FAE0]  }
.Ltmp0:
0x2e7: {  	v12 =	vadd.f32 v25, v43;
	v43 =	vld [tilespmem:$0x1F830];
	(pc) =	sbr.rel @p0 .LBB2_3-.Ltmp0, $4  }
0x2e8: {  	v32 =	vmul.f32 v31, v7;
	v31 =	vmul.f32 v42, v3;
	v42 =	vld [tilespmem:$0x1F860]  }
0x2e9: {  	v25 =	vadd.f32 v2, v44;
	v44 =	vld [tilespmem:$0x1F850]  }
0x2ea: {  	v23 =	vadd.s32 $0x8000, v23;
	v2 =	vld.idx.msk [tilespmem:v33+s12+$0x0], $0xffff  }
0x2eb: {  	v23 =	vand.u32 $0xFFFF0000, v23;
	v15 =	vor.u32 s24, v15;
	s24 =	sadd.s32 $0x10, s24;
	v33 =	vld [tilespmem:$0x1F870]  }
0x2ec: {  	v29 =	vadd.f32 v32, v29;
	v28 =	vmul.f32 v28, v3  }
0x2ed: {  	v12 =	vadd.f32 v31, v12;
	v31 =	vld [tilespmem:$0x1F930];
	v27 =	vmul.f32 v27, v10  }
0x2ee: {  	v28 =	vadd.f32 v28, v29;
	v29 =	vld [tilespmem:$0x1F940]  }
0x2ef: {  	v21 =	vmul.f32 v21, v9;
	v12 =	vadd.f32 v27, v12;
	v27 =	vld [tilespmem:$0x1F8F0];
	_ =	sdelay $0x1  }
0x2f0: {  	v30 =	vadd.f32 v61, v30;
	v12 =	vadd.f32 v21, v12;
	v21 =	vld [tilespmem:$0x1F8C0]  }
0x2f1: {  	v25 =	vadd.f32 v31, v25  }
0x2f2: {  	v26 =	vmul.f32 v26, v10;
	v29 =	vadd.f32 v29, v30;
	v30 =	vld.idx.msk [tilespmem:v39+s12+$0x0], $0xffff  }
0x2f3: {  	v25 =	vadd.f32 v27, v25  }
0x2f4: {  	v15 =	vld.idx.msk [tilespmem:v15+s12+$0x0], $0xffff;
	v26 =	vadd.f32 v26, v28  }
0x2f5: {  	v28 =	vmul.f32 v41, v9;
	v27 =	vld [tilespmem:$0x1F900];
	v21 =	vadd.f32 v21, v25;
	v25 =	vmul.f32 v38, v2;
	_ =	sdelay $0x1  }
0x2f6: {  	v26 =	vadd.f32 v28, v26;
	v28 =	vld [tilespmem:$0x1F8D0];
	v12 =	vadd.f32 v25, v12;
	v14 =	vmul.f32 v14, v30;
	_ =	sdelay $0x1  }
0x2f7: {  	v16 =	vmul.f32 v16, v2;
	v1 =	vmul.f32 v1, v15;
	v12 =	vadd.f32 v14, v12  }
0x2f8: {  	v21 =	vadd.f32 v63, v21;
	v27 =	vadd.f32 v27, v29  }
0x2f9: {  	v16 =	vadd.f32 v16, v26;
	v13 =	vmul.f32 v13, v30;
	v1 =	vadd.f32 v1, v12;
	v12 =	vld [tilespmem:$0x1F9B0]  }
0x2fa: {  	v0 =	vmul.f32 v0, v15;
	v27 =	vadd.f32 v28, v27;
	v14 =	vadd.f32 v60, v21  }
0x2fb: {  	v13 =	vadd.f32 v13, v16;
	v16 =	vld [tilespmem:$0x1F9D0];
	v21 =	vmul.f32 v24, v8;
	v8 =	vmul.f32 v40, v8  }
0x2fc: {  	v18 =	vmul.f32 v18, v7;
	v25 =	vadd.f32 v62, v27  }
0x2fd: {  	v7 =	vmul.f32 v17, v7;
	v0 =	vadd.f32 v0, v13;
	v13 =	vld [tilespmem:$0x1F9C0];
	v8 =	vadd.f32 v8, v42  }
0x2fe: {  	v12 =	vadd.f32 v12, v14;
	v14 =	vadd.f32 v21, v33;
	v21 =	vld [tilespmem:$0x1F9A0]  }
0x2ff: {  	v11 =	vmul.f32 v11, v3;
	v3 =	vmul.f32 v4, v3;
	v7 =	vadd.f32 v7, v8  }
0x300: {  	v8 =	vld [tilespmem:$0x1F980];
	v16 =	vadd.f32 v16, v25  }
0x301: {  	v3 =	vadd.f32 v3, v7;
	v7 =	vld [tilespmem:$0x1F960]  }
0x302: {  	v13 =	vadd.f32 v13, v16;
	v16 =	vld [tilespmem:$0x1F990]  }
0x303: {  	v21 =	vadd.f32 v21, v43  }
0x304: {  	v17 =	vld [tilespmem:$0x1F970];
	v14 =	vadd.f32 v18, v14  }
0x305: {  	v8 =	vadd.f32 v8, v21  }
0x306: {  	v4 =	vadd.f32 v11, v14;
	v11 =	vld [tilespmem:$0x1F950]  }
0x307: {  	v16 =	vadd.f32 v16, v45;
	v7 =	vadd.f32 v7, v8;
	v8 =	vmul.f32 v37, v10  }
0x308: {  	v14 =	vmul.f32 v36, v10;
	v10 =	vld [tilespmem:$0x1F910]  }
0x309: {  	v16 =	vadd.f32 v17, v16;
	v3 =	vadd.f32 v8, v3;
	v8 =	vld [tilespmem:$0x1F920];
	_ =	sdelay $0x1  }
0x30a: {  	v11 =	vadd.f32 v11, v16;
	_ =	sdelay $0x1  }
0x30b: {  	v10 =	vadd.f32 v10, v11  }
0x30c: {  	v11 =	vmul.f32 v35, v9;
	v7 =	vadd.f32 v8, v7;
	v8 =	vmul.f32 v34, v9;
	v9 =	vld [tilespmem:$0x1F8E0];
	_ =	sdelay $0x3  }
0x30d: {  	v4 =	vadd.f32 v14, v4;
	v3 =	vadd.f32 v8, v3;
	v8 =	vld [tilespmem:$0x1FA00]  }
0x30e: {  	v9 =	vadd.f32 v9, v10;
	v10 =	vmul.f32 v23, v2;
	v2 =	vmul.f32 v22, v2;
	_ =	sdelay $0x1  }
0x30f: {  	v4 =	vadd.f32 v11, v4;
	v2 =	vadd.f32 v2, v3;
	v3 =	vld [tilespmem:$0x1FA10];
	_ =	sdelay $0x1  }
0x310: {  	v4 =	vadd.f32 v10, v4;
	v8 =	vadd.f32 v8, v9;
	v9 =	vmul.f32 v19, v30  }
0x311: {  	v7 =	vadd.f32 v44, v7  }
0x312: {  	v4 =	vadd.f32 v9, v4;
	v9 =	vld [tilespmem:$0x1F9E0]  }
0x313: {  	v3 =	vadd.f32 v3, v7;
	v7 =	vmul.f32 v20, v30;
	_ =	sdelay $0x1  }
0x314: {  	v2 =	vadd.f32 v7, v2;
	v7 =	vld [tilespmem:$0x1F9F0];
	_ =	sdelay $0x1  }
0x315: {  	v6 =	vmul.f32 v6, v15;
	v8 =	vadd.f32 v9, v8;
	v9 =	vld [tilespmem:s22+$0x18300];
	_ =	sdelay $0x1  }
0x316: {  	v5 =	vmul.f32 v5, v15;
	v4 =	vadd.f32 v6, v4;
	v6 =	vadd.f32 v49, v8;
	v8 =	vld [tilespmem:s22+$0x18320]  }
0x317: {  	v1 =	vadd.f32 v12, v1;
	v3 =	vadd.f32 v7, v3;
	v7 =	vld [tilespmem:s22+$0x18310]  }
0x318: {  	v2 =	vadd.f32 v5, v2  }
0x319: {  	v5 =	vld [tilespmem:s22+$0x18330];
	v4 =	vadd.f32 v6, v4;
	v1 =	vadd.f32 v9, v1  }
0x31a: {  	v0 =	vadd.f32 v13, v0;
	v3 =	vadd.f32 v47, v3  }
0x31b: {  	vm0 =	vge.f32 v1, $0.0e+00;
	v1 =	vadd.f32 v8, v4  }
0x31c: {  	v4 =	vimm.f32 $0.0e+00;
	v2 =	vadd.f32 v3, v2;
	v0 =	vadd.f32 v7, v0  }
0x31d: {  	v3 =	vsel vm0, $0x3F800000, v4  }
0x31e: {  	p0 =	seq.s32 s21, $0x7;
	vm14 =	vge.f32 v1, $0.0e+00;
	vm13 =	vge.f32 v0, $0.0e+00;
	v0 =	vadd.f32 v5, v2  }
0x31f: {  	s24 =	sadd.s32 @!p0 s22, s8;
	[tilespmem:s22+$0x18700] =	vst v3;
	v1 =	vsel vm14, $0x3F800000, v4  }
0x320: {  	s25 =	smul.u32 @!p0 $0x60, s24;
	[tilespmem:s22+$0x18720] =	vst v1;
	v2 =	vsel vm13, $0x3F800000, v4;
	vm15 =	vge.f32 v0, $0.0e+00  }
0x321: {  	[tilespmem:s22+$0x18710] =	vst v2;
	v0 =	vsel vm15, $0x3F800000, v4  }
0x322: {  	s26 =	simm.s32 @!p0 $0x0;
	s25 =	sadd.s32 @!p0 s3, s25;
	[tilespmem:s22+$0x18730] =	vst v0  }
0x323: {  	v5 =	vld [tilespmem:$0x1FE40];
	[tilespmem:s26], [sflag:$0x1] =	stream.linear.gather @!p0 [hbm4b:s25+s26], $0xC000, $0x38  }
0x324: {  	v4 =	vld [tilespmem:$0x1FE60];
	_ =	swait.ge [sflag:s17], $0xC000  }
0x325: {  	v6 =	vld [tilespmem:$0x1FE30]  }
0x326: {  	v7 =	vld [tilespmem:$0x1FE50]  }
0x327: {  	v8 =	vld [tilespmem:$0x1FEA0]  }
0x328: {  	v9 =	vld [tilespmem:$0x1FE90]  }
0x329: {  	v10 =	vld [tilespmem:$0x1FE80]  }
0x32a: {  	v12 =	vld [tilespmem:$0x1FEE0]  }
0x32b: {  	v13 =	vld [tilespmem:$0x1FED0]  }
0x32c: {  	v14 =	vld [tilespmem:$0x1FEC0]  }
0x32d: {  	v15 =	vld [tilespmem:$0x1FEB0]  }
0x32e: {  	v16 =	vld [tilespmem:$0x1FF70]  }
0x32f: {  	v17 =	vld [tilespmem:$0x1FF80]  }
0x330: {  	v18 =	vld [tilespmem:$0x1FF00]  }
0x331: {  	v19 =	vld [tilespmem:$0x1FEF0]  }
0x332: {  	v20 =	vld [tilespmem:$0x1FF30]  }
0x333: {  	v21 =	vld [tilespmem:$0x1FF40]  }
0x334: {  	v22 =	vld [tilespmem:$0x1FF50]  }
0x335: {  	v23 =	vld [tilespmem:$0x1F880]  }
0x336: {  	v24 =	vld [tilespmem:$0x1FBD0]  }
0x337: {  	v25 =	vld [tilespmem:$0x1FFB0]  }
0x338: {  	v27 =	vld [tilespmem:$0x1FC50]  }
0x339: {  	v28 =	vld [tilespmem:$0x1F890]  }
0x33a: {  	v30 =	vld [tilespmem:$0x1F8A0]  }
0x33b: {  	v31 =	vld [tilespmem:$0x1F8B0]  }
0x33c: {  	s31 =	simm.s32 $0x0;
	v42 =	vld [tilespmem:$0x1FF20]  }
0x33d: {  	v63 =	vadd.s32 s31, v53;
	v43 =	vld [tilespmem:$0x1FF10]  }
0x33e: {  	v26 =	vadd.s32 s31, v46;
	v44 =	vadd.s32 s31, v54;
	v46 =	vld [tilespmem:$0x1FC40]  }
0x33f: {  	v49 =	vadd.s32 s31, v55;
	v60 =	vld [tilespmem:$0x1FDD0]  }
0x340: {  	v45 =	vor.u32 s31, v57;
	[sflag:s17] =	ssyncset.done $0x0;
	v61 =	vld [tilespmem:$0x1FDE0]  }
0x341: {  	v47 =	vor.u32 s31, v48;
	v62 =	vld [tilespmem:$0x1FFA0];
	[sflag:s17] =	ssyncadd.s32 $0xFFFF4000;
	v3 =	vadd.f32 v3, v23  }
0x342: {  	v5 =	vadd.s32 s31, v5;
	v32 =	vld.idx.msk [tilespmem:v63+s15+$0x0], $0xffff  }
0x343: {  	v35 =	vld.idx.msk [tilespmem:v44+s15+$0x0], $0xffff;
	v2 =	vadd.f32 v2, v3  }
0x344: {  	v39 =	vld.idx.msk [tilespmem:v49+s15+$0x0], $0xffff  }
0x345: {  	v36 =	vld.idx.msk [tilespmem:v45+s12+$0x0], $0xffff;
	v1 =	vadd.f32 v1, v2  }
0x346: {  	v4 =	vadd.s32 s31, v4;
	v38 =	vld.idx.msk [tilespmem:v47+s12+$0x0], $0xffff  }
0x347: {  	v5 =	vld.idx.msk [tilespmem:v5+s15+$0x0], $0xffff;
	v6 =	vadd.s32 s31, v6;
	v0 =	vadd.f32 v0, v1  }
0x348: {  	v7 =	vadd.s32 s31, v7;
	v37 =	vor.u32 s31, v46;
	v46 =	vld [tilespmem:$0x1FD90]  }
0x349: {  	v9 =	vadd.s32 s31, v9;
	[tilespmem:$0x1F600] =	vst v0;
	v0 =	vadd.s32 s31, v59;
	v59 =	vld [tilespmem:$0x1FDC0]  }
0x34a: {  	v10 =	vadd.s32 s31, v10;
	v34 =	vor.u32 s31, v43;
	v43 =	vadd.s32 s31, v61;
	v61 =	vld [tilespmem:$0x1FD60]  }
0x34b: {  	v12 =	vadd.s32 s31, v12;
	v4 =	vld.idx.msk [tilespmem:v4+s15+$0x0], $0xffff  }
0x34c: {  	v13 =	vadd.s32 s31, v13;
	v6 =	vld.idx.msk [tilespmem:v6+s15+$0x0], $0xffff  }
0x34d: {  	v31 =	vor.u32 s31, v31;
	v7 =	vld.idx.msk [tilespmem:v7+s15+$0x0], $0xffff  }
0x34e: {  	v9 =	vld.idx.msk [tilespmem:v9+s15+$0x0], $0xffff;
	v41 =	vadd.s32 s31, v59  }
0x34f: {  	v15 =	vadd.s32 s31, v15;
	v10 =	vld.idx.msk [tilespmem:v10+s15+$0x0], $0xffff  }
0x350: {  	v16 =	vadd.s32 s31, v16;
	v12 =	vld.idx.msk [tilespmem:v12+s15+$0x0], $0xffff  }
0x351: {  	v30 =	vor.u32 s31, v30;
	v13 =	vld.idx.msk [tilespmem:v13+s15+$0x0], $0xffff  }
0x352: {  	v31 =	vld.idx.msk [tilespmem:v31+s12+$0x0], $0xffff;
	v46 =	vadd.s32 s31, v46  }
0x353: {  	v47 =	vld.idx.msk [tilespmem:v41+s15+$0x0], $0xffff  }
0x354: {  	v28 =	vor.u32 s31, v28;
	v15 =	vld.idx.msk [tilespmem:v15+s15+$0x0], $0xffff  }
0x355: {  	v24 =	vadd.s32 s31, v24;
	v16 =	vld.idx.msk [tilespmem:v16+s15+$0x0], $0xffff  }
0x356: {  	v30 =	vld.idx.msk [tilespmem:v30+s12+$0x0], $0xffff;
	v9 =	vadd.s32 $0x8000, v9  }
0x357: {  	v46 =	vld.idx.msk [tilespmem:v46+s15+$0x0], $0xffff;
	v9 =	vand.u32 $0xFFFF0000, v9  }
0x358: {  	v18 =	vadd.s32 s31, v18;
	[tilespmem:$0x1F740] =	vst v47;
	v47 =	vadd.s32 s31, v61;
	v61 =	vmul.f32 v9, v31;
	v9 =	vld [tilespmem:$0x1FC70]  }
0x359: {  	v19 =	vadd.s32 s31, v19;
	v28 =	vld.idx.msk [tilespmem:v28+s12+$0x0], $0xffff  }
0x35a: {  	v33 =	vor.u32 s31, v42;
	v42 =	vadd.s32 s31, v60;
	v44 =	vadd.s32 s31, v62;
	v1 =	vld.idx.msk [tilespmem:v24+s15+$0x0], $0xffff  }
0x35b: {  	v24 =	vadd.s32 s31, v50;
	v50 =	vld [tilespmem:$0x1FDB0];
	v10 =	vadd.s32 $0x8000, v10;
	v12 =	vadd.s32 $0x8000, v12  }
0x35c: {  	v13 =	vadd.s32 $0x8000, v13;
	v10 =	vand.u32 $0xFFFF0000, v10;
	v12 =	vand.u32 $0xFFFF0000, v12;
	v59 =	vld [tilespmem:$0x1FFE0]  }
0x35d: {  	v18 =	vld.idx.msk [tilespmem:v18+s15+$0x0], $0xffff;
	[tilespmem:$0x1F790] =	vst v46;
	v46 =	vmul.f32 v10, v31;
	v10 =	vadd.s32 s31, v9;
	v9 =	vmul.f32 v12, v30  }
0x35e: {  	v19 =	vld.idx.msk [tilespmem:v19+s15+$0x0], $0xffff;
	v4 =	vadd.s32 $0x8000, v4;
	v13 =	vand.u32 $0xFFFF0000, v13  }
0x35f: {  	v62 =	vld.idx.msk [tilespmem:v44+s15+$0x0], $0xffff;
	v4 =	vand.u32 $0xFFFF0000, v4;
	[tilespmem:$0x1F640] =	vst v9;
	v9 =	vmul.f32 v13, v30  }
0x360: {  	v5 =	vadd.s32 $0x8000, v5;
	v4 =	vmul.f32 v4, v28;
	v40 =	vadd.s32 s31, v50;
	v50 =	vld.idx.msk [tilespmem:v42+s15+$0x0], $0xffff  }
0x361: {  	v5 =	vand.u32 $0xFFFF0000, v5;
	v42 =	vadd.s32 s31, v59;
	[tilespmem:$0x1F650] =	vst v9;
	v9 =	vld [tilespmem:$0x1FC90]  }
0x362: {  	[tilespmem:$0x1F610] =	vst v4;
	v4 =	vmul.f32 v5, v28;
	v5 =	vld [tilespmem:$0x1FFF0]  }
0x363: {  	v34 =	vld.idx.msk [tilespmem:v34+s12+$0x0], $0xffff  }
0x364: {  	v60 =	vld.idx.msk [tilespmem:v43+s15+$0x0], $0xffff;
	v6 =	vadd.s32 $0x8000, v6;
	v7 =	vadd.s32 $0x8000, v7  }
0x365: {  	v6 =	vand.u32 $0xFFFF0000, v6;
	v7 =	vand.u32 $0xFFFF0000, v7;
	[tilespmem:$0x1F750] =	vst v50;
	v50 =	vld [tilespmem:$0x1FD30]  }
0x366: {  	[tilespmem:$0x1F760] =	vst v62;
	v43 =	vmul.f32 v6, v28;
	v62 =	vld.idx.msk [tilespmem:v42+s15+$0x0], $0xffff;
	v12 =	vadd.s32 s31, v9;
	v9 =	vlaneseq.u32  }
0x367: {  	v5 =	vadd.s32 s31, v5;
	v42 =	vmul.f32 v7, v28;
	v28 =	vor.u32 s31, v9;
	v9 =	vld [tilespmem:$0x1FCC0]  }
0x368: {  	v63 =	vld [tilespmem:$0x1FFD0];
	v20 =	vadd.s32 s31, v20;
	v21 =	vadd.s32 s31, v21  }
0x369: {  	v49 =	vld [tilespmem:$0x1FDA0];
	v16 =	vadd.s32 $0x8000, v16;
	v15 =	vadd.s32 $0x8000, v15;
	v18 =	vadd.s32 $0x8000, v18  }
0x36a: {  	v23 =	vld [tilespmem:$0x1FF60];
	v19 =	vadd.s32 $0x8000, v19;
	v15 =	vand.u32 $0xFFFF0000, v15;
	v16 =	vand.u32 $0xFFFF0000, v16  }
0x36b: {  	v2 =	vld [tilespmem:$0x1FFC0];
	v18 =	vand.u32 $0xFFFF0000, v18;
	v59 =	vadd.s32 s31, v50;
	v50 =	vmul.f32 v15, v30  }
0x36c: {  	v15 =	vadd.s32 s31, v9;
	v9 =	vmul.f32 v16, v34;
	v16 =	vld.idx.msk [tilespmem:v5+s15+$0x0], $0xffff;
	v5 =	vmul.f32 v18, v34  }
0x36d: {  	v20 =	vld.idx.msk [tilespmem:v20+s15+$0x0], $0xffff;
	v19 =	vand.u32 $0xFFFF0000, v19  }
0x36e: {  	v8 =	vadd.s32 s31, v8;
	v21 =	vld.idx.msk [tilespmem:v21+s15+$0x0], $0xffff;
	[tilespmem:$0x1F680] =	vst v5;
	v5 =	vmul.f32 v19, v34  }
0x36f: {  	v14 =	vadd.s32 s31, v14;
	v33 =	vld.idx.msk [tilespmem:v33+s12+$0x0], $0xffff  }
0x370: {  	v17 =	vadd.s32 s31, v17;
	[tilespmem:$0x1F690] =	vst v5;
	v5 =	vld [tilespmem:$0x1FCE0]  }
0x371: {  	v22 =	vadd.s32 s31, v22;
	v3 =	vld [tilespmem:$0x1FF90]  }
0x372: {  	v25 =	vadd.s32 s31, v25;
	v45 =	vadd.s32 s31, v63;
	v63 =	vld [tilespmem:$0x1FD70]  }
0x373: {  	v8 =	vld.idx.msk [tilespmem:v8+s15+$0x0], $0xffff;
	v2 =	vadd.s32 s31, v2;
	v20 =	vadd.s32 $0x8000, v20  }
0x374: {  	v14 =	vld.idx.msk [tilespmem:v14+s15+$0x0], $0xffff;
	v20 =	vand.u32 $0xFFFF0000, v20  }
0x375: {  	v17 =	vld.idx.msk [tilespmem:v17+s15+$0x0], $0xffff;
	v21 =	vadd.s32 $0x8000, v21;
	v18 =	vadd.s32 s31, v5;
	v5 =	vmul.f32 v20, v33  }
0x376: {  	v27 =	vadd.s32 s31, v27;
	v22 =	vld.idx.msk [tilespmem:v22+s15+$0x0], $0xffff;
	v21 =	vand.u32 $0xFFFF0000, v21  }
0x377: {  	v25 =	vld.idx.msk [tilespmem:v25+s15+$0x0], $0xffff;
	[tilespmem:$0x1F6A0] =	vst v5;
	v5 =	vmul.f32 v21, v33  }
0x378: {  	v3 =	vadd.s32 s31, v3;
	v8 =	vadd.s32 $0x8000, v8;
	v2 =	vld.idx.msk [tilespmem:v2+s15+$0x0], $0xffff  }
0x379: {  	v8 =	vand.u32 $0xFFFF0000, v8;
	[tilespmem:$0x1F6B0] =	vst v5;
	v5 =	vld [tilespmem:$0x1FB90]  }
0x37a: {  	v23 =	vadd.s32 s31, v23;
	v7 =	vmul.f32 v8, v31;
	v8 =	vld [tilespmem:$0x1FE10]  }
0x37b: {  	v27 =	vld.idx.msk [tilespmem:v27+s15+$0x0], $0xffff  }
0x37c: {  	v37 =	vld.idx.msk [tilespmem:v37+s12+$0x0], $0xffff;
	v22 =	vadd.s32 $0x8000, v22  }
0x37d: {  	v22 =	vand.u32 $0xFFFF0000, v22;
	v3 =	vld.idx.msk [tilespmem:v3+s15+$0x0], $0xffff  }
0x37e: {  	[tilespmem:$0x1F630] =	vst v7;
	v7 =	vld [tilespmem:$0x1FD50];
	v21 =	vadd.s32 s31, v5;
	v5 =	vmul.f32 v22, v33  }
0x37f: {  	v23 =	vld.idx.msk [tilespmem:v23+s15+$0x0], $0xffff;
	v2 =	vadd.s32 $0x8000, v2;
	v8 =	vadd.s32 s31, v8  }
0x380: {  	v14 =	vadd.s32 $0x8000, v14;
	v17 =	vadd.s32 $0x8000, v17;
	v2 =	vand.u32 $0xFFFF0000, v2;
	[tilespmem:$0x1F6C0] =	vst v5;
	v5 =	vld [tilespmem:$0x1FBA0]  }
0x381: {  	v24 =	vld.idx.msk [tilespmem:v24+s15+$0x0], $0xffff;
	v1 =	vadd.s32 $0x8000, v1;
	v14 =	vand.u32 $0xFFFF0000, v14;
	v2 =	vmul.f32 v2, v37  }
0x382: {  	[tilespmem:$0x1F780] =	vst v60;
	v17 =	vand.u32 $0xFFFF0000, v17;
	v60 =	vmul.f32 v14, v30;
	v14 =	vadd.s32 s31, v58;
	v0 =	vld.idx.msk [tilespmem:v0+s15+$0x0], $0xffff  }
0x383: {  	v1 =	vand.u32 $0xFFFF0000, v1;
	v3 =	vadd.s32 $0x8000, v3;
	[tilespmem:$0x1F6F0] =	vst v2;
	v2 =	vld [tilespmem:$0x1FBC0];
	v7 =	vadd.s32 s31, v7  }
0x384: {  	v3 =	vand.u32 $0xFFFF0000, v3;
	v8 =	vld.idx.msk [tilespmem:v8+s15+$0x0], $0xffff;
	[tilespmem:$0x1F660] =	vst v9;
	v9 =	vmul.f32 v17, v34;
	v17 =	vor.u32 s31, v56  }
0x385: {  	v13 =	vld.idx.msk [tilespmem:v59+s15+$0x0], $0xffff;
	v22 =	vadd.s32 s31, v5;
	v5 =	vmul.f32 v1, v37;
	v1 =	vmul.f32 v3, v37  }
0x386: {  	v23 =	vadd.s32 $0x8000, v23;
	v24 =	vadd.s32 $0x8000, v24;
	v19 =	vld.idx.msk [tilespmem:v28+s12+$0x0], $0xffff  }
0x387: {  	v23 =	vand.u32 $0xFFFF0000, v23;
	v24 =	vand.u32 $0xFFFF0000, v24;
	v0 =	vadd.s32 $0x8000, v0;
	[tilespmem:$0x1F6D0] =	vst v1;
	v1 =	vld.idx.msk [tilespmem:v14+s15+$0x0], $0xffff  }
0x388: {  	v41 =	vadd.s32 s31, v49;
	v0 =	vand.u32 $0xFFFF0000, v0;
	v59 =	vmul.f32 v23, v33;
	[tilespmem:$0x1F670] =	vst v9;
	v9 =	vld.idx.msk [tilespmem:v7+s15+$0x0], $0xffff  }
0x389: {  	v23 =	vadd.s32 $0x8000, v8;
	v8 =	vmul.f32 v0, v36;
	v0 =	vmul.f32 v24, v36;
	v20 =	vld.idx.msk [tilespmem:v17+s12+$0x0], $0xffff  }
0x38a: {  	v29 =	vadd.s32 s31, v52;
	v7 =	vld [tilespmem:$0x1FBB0]  }
0x38b: {  	v25 =	vadd.s32 $0x8000, v25;
	v2 =	vadd.s32 s31, v2;
	[tilespmem:$0x1F700] =	vst v0;
	v0 =	vand.u32 $0xFFFF0000, v23  }
0x38c: {  	v11 =	vld [tilespmem:$0x1FE70];
	v0 =	vmul.f32 v0, v19;
	v17 =	vadd.s32 s31, v51;
	v1 =	vadd.s32 $0x8000, v1  }
0x38d: {  	v49 =	vadd.s32 s31, v63;
	v63 =	vld.idx.msk [tilespmem:v41+s15+$0x0], $0xffff;
	v41 =	vimm.f32 $0.0e+00;
	v1 =	vand.u32 $0xFFFF0000, v1  }
0x38e: {  	v26 =	vld.idx.msk [tilespmem:v26+s15+$0x0], $0xffff;
	v25 =	vand.u32 $0xFFFF0000, v25;
	v0 =	vadd.f32 v0, v41;
	v1 =	vmul.f32 v1, v20  }
0x38f: {  	v27 =	vadd.s32 $0x8000, v27;
	v3 =	vld.idx.msk [tilespmem:v10+s15+$0x0], $0xffff;
	v10 =	vadd.s32 s31, v7;
	v7 =	vmul.f32 v25, v37  }
0x390: {  	v27 =	vand.u32 $0xFFFF0000, v27;
	v25 =	vadd.f32 v1, v0;
	v0 =	vld.idx.msk [tilespmem:v2+s15+$0x0], $0xffff  }
0x391: {  	[tilespmem:$0x1F6E0] =	vst v7;
	v7 =	vmul.f32 v27, v36;
	v2 =	vld.idx.msk [tilespmem:v17+s15+$0x0], $0xffff  }
0x392: {  	v17 =	vld [tilespmem:$0x1FE20]  }
0x393: {  	[tilespmem:$0x1F710] =	vst v7;
	v7 =	vld [tilespmem:$0x1FB10]  }
0x394: {  	v29 =	vld.idx.msk [tilespmem:v29+s15+$0x0], $0xffff;
	v11 =	vadd.s32 s31, v11  }
0x395: {  	v44 =	vld.idx.msk [tilespmem:v45+s15+$0x0], $0xffff  }
0x396: {  	v26 =	vadd.s32 $0x8000, v26;
	v45 =	vld [tilespmem:$0x1FD80]  }
0x397: {  	v26 =	vand.u32 $0xFFFF0000, v26;
	v28 =	vadd.s32 s31, v17;
	v17 =	vld [tilespmem:$0x1F750]  }
0x398: {  	v14 =	vmul.f32 v26, v36;
	v26 =	vadd.s32 s31, v7;
	v7 =	vld [tilespmem:$0x1FB20]  }
0x399: {  	v29 =	vadd.s32 $0x8000, v29;
	v11 =	vld.idx.msk [tilespmem:v11+s15+$0x0], $0xffff  }
0x39a: {  	v29 =	vand.u32 $0xFFFF0000, v29;
	[tilespmem:$0x1F620] =	vst v4;
	v4 =	vld [tilespmem:$0x1FD40]  }
0x39b: {  	v35 =	vadd.s32 $0x8000, v35;
	v45 =	vadd.s32 s31, v45;
	v23 =	vmul.f32 v29, v38;
	v24 =	vld.idx.msk [tilespmem:v21+s15+$0x0], $0xffff  }
0x39c: {  	v35 =	vand.u32 $0xFFFF0000, v35;
	v30 =	vadd.s32 $0x8000, v17;
	v17 =	vld [tilespmem:$0x1F760]  }
0x39d: {  	v21 =	vadd.f32 v23, v41;
	v1 =	vld [tilespmem:$0x1FE00];
	v23 =	vadd.s32 s31, v7;
	v7 =	vmul.f32 v35, v38  }
0x39e: {  	v11 =	vadd.s32 $0x8000, v11;
	v40 =	vld.idx.msk [tilespmem:v40+s15+$0x0], $0xffff  }
0x39f: {  	v11 =	vand.u32 $0xFFFF0000, v11;
	[tilespmem:$0x1F720] =	vst v7;
	v7 =	vld [tilespmem:$0x1FDF0]  }
0x3a0: {  	[tilespmem:$0x1F770] =	vst v44;
	v44 =	vmul.f32 v11, v31;
	v11 =	vld.idx.msk [tilespmem:v45+s15+$0x0], $0xffff  }
0x3a1: {  	v31 =	vadd.s32 $0x8000, v17;
	v17 =	vld [tilespmem:$0x1F770]  }
0x3a2: {  	v22 =	vld.idx.msk [tilespmem:v22+s15+$0x0], $0xffff;
	v1 =	vadd.s32 s31, v1  }
0x3a3: {  	[tilespmem:$0x1F730] =	vst v40;
	v10 =	vld.idx.msk [tilespmem:v10+s15+$0x0], $0xffff  }
0x3a4: {  	v32 =	vadd.s32 $0x8000, v32;
	v27 =	vadd.s32 s31, v7;
	v7 =	vld [tilespmem:$0x1F730]  }
0x3a5: {  	v32 =	vand.u32 $0xFFFF0000, v32;
	v23 =	vld.idx.msk [tilespmem:v23+s15+$0x0], $0xffff  }
0x3a6: {  	v45 =	vmul.f32 v32, v38;
	v32 =	vadd.s32 $0x8000, v17;
	v17 =	vld [tilespmem:$0x1F780]  }
0x3a7: {  	v1 =	vld.idx.msk [tilespmem:v1+s15+$0x0], $0xffff  }
0x3a8: {  	v37 =	vadd.s32 $0x8000, v13;
	v13 =	vld.idx.msk [tilespmem:v28+s15+$0x0], $0xffff  }
0x3a9: {  	v21 =	vadd.f32 v14, v21;
	v14 =	vadd.s32 $0x8000, v7;
	v7 =	vld [tilespmem:$0x1F740]  }
0x3aa: {  	v27 =	vld.idx.msk [tilespmem:v27+s15+$0x0], $0xffff  }
0x3ab: {  	v39 =	vadd.s32 $0x8000, v39;
	v4 =	vadd.s32 s31, v4;
	v33 =	vadd.s32 $0x8000, v17;
	v17 =	vld [tilespmem:$0x1F790]  }
0x3ac: {  	v39 =	vand.u32 $0xFFFF0000, v39;
	v29 =	vadd.s32 $0x8000, v0;
	v0 =	vadd.s32 $0x8000, v23  }
0x3ad: {  	v58 =	vmul.f32 v39, v38;
	v3 =	vadd.s32 $0x8000, v3;
	[tilespmem:$0x1F7A0] =	vst v0;
	v0 =	vadd.s32 $0x8000, v1  }
0x3ae: {  	v38 =	vadd.s32 $0x8000, v9;
	[tilespmem:$0x1F7B0] =	vst v0;
	v0 =	vadd.s32 $0x8000, v13;
	v7 =	vadd.s32 $0x8000, v7  }
0x3af: {  	v40 =	vld.idx.msk [tilespmem:v49+s15+$0x0], $0xffff;
	v9 =	vadd.s32 $0x8000, v22;
	v28 =	vadd.s32 $0x8000, v16;
	[tilespmem:$0x1F7C0] =	vst v0;
	v0 =	vand.u32 $0xFFFF0000, v7  }
0x3b0: {  	v4 =	vld.idx.msk [tilespmem:v4+s15+$0x0], $0xffff;
	v35 =	vadd.s32 $0x8000, v17;
	v17 =	vadd.s32 $0x8000, v10;
	v10 =	vadd.s32 $0x8000, v27  }
0x3b1: {  	v6 =	vld.idx.msk [tilespmem:v47+s15+$0x0], $0xffff;
	v7 =	vand.u32 $0xFFFF0000, v35;
	v35 =	vand.u32 $0xFFFF0000, v28;
	v10 =	vand.u32 $0xFFFF0000, v10  }
0x3b2: {  	v28 =	vand.u32 $0xFFFF0000, v9;
	v9 =	vand.u32 $0xFFFF0000, v29;
	v29 =	vmul.f32 v10, v19;
	v10 =	vld [tilespmem:$0x1F7A0]  }
0x3b3: {  	v27 =	vand.u32 $0xFFFF0000, v3;
	v3 =	vld [tilespmem:$0x1FC30]  }
0x3b4: {  	v12 =	vld.idx.msk [tilespmem:v12+s15+$0x0], $0xffff  }
0x3b5: {  	v47 =	vadd.s32 $0x8000, v2;
	v2 =	vld [tilespmem:$0x1FB80]  }
0x3b6: {  	v11 =	vadd.s32 $0x8000, v11;
	v40 =	vadd.s32 $0x8000, v40;
	v4 =	vadd.s32 $0x8000, v4;
	v26 =	vld.idx.msk [tilespmem:v26+s15+$0x0], $0xffff  }
0x3b7: {  	v22 =	vand.u32 $0xFFFF0000, v11;
	v11 =	vand.u32 $0xFFFF0000, v17;
	v17 =	vand.u32 $0xFFFF0000, v10;
	v10 =	vld [tilespmem:$0x1F7B0]  }
0x3b8: {  	v23 =	vand.u32 $0xFFFF0000, v40;
	v40 =	vand.u32 $0xFFFF0000, v4;
	v4 =	vor.u32 s31, v3;
	v3 =	vld [tilespmem:$0x1FB30];
	_ =	sdelay $0x1  }
0x3b9: {  	v2 =	vor.u32 s31, v2  }
0x3ba: {  	v34 =	vadd.s32 $0x8000, v62;
	v12 =	vadd.s32 $0x8000, v12;
	v15 =	vld.idx.msk [tilespmem:v15+s15+$0x0], $0xffff;
	v62 =	vand.u32 $0xFFFF0000, v33  }
0x3bb: {  	v33 =	vand.u32 $0xFFFF0000, v34;
	v34 =	vand.u32 $0xFFFF0000, v38;
	v38 =	vand.u32 $0xFFFF0000, v10;
	v10 =	vld [tilespmem:$0x1F7C0]  }
0x3bc: {  	v49 =	vadd.s32 $0x8000, v26;
	v26 =	vand.u32 $0xFFFF0000, v12;
	v12 =	vor.u32 s31, v3;
	_ =	sdelay $0x1  }
0x3bd: {  	v2 =	vld.idx.msk [tilespmem:v2+s12+$0x0], $0xffff  }
0x3be: {  	v15 =	vadd.s32 $0x8000, v15;
	v39 =	vadd.s32 $0x8000, v24;
	v24 =	vand.u32 $0xFFFF0000, v37;
	v3 =	vld [tilespmem:$0x1FA20]  }
0x3bf: {  	v37 =	vand.u32 $0xFFFF0000, v15;
	v15 =	vand.u32 $0xFFFF0000, v39;
	v39 =	vand.u32 $0xFFFF0000, v10;
	v10 =	vld.idx.msk [tilespmem:v4+s12+$0x0], $0xffff  }
0x3c0: {  	v4 =	vld.idx.msk [tilespmem:v12+s12+$0x0], $0xffff  }
0x3c1: {  	v12 =	vld [tilespmem:$0x1FA70];
	_ =	sdelay $0x1  }
0x3c2: {  	v18 =	vld.idx.msk [tilespmem:v18+s15+$0x0], $0xffff  }
0x3c3: {  	v1 =	vand.u32 $0xFFFF0000, v14;
	v14 =	vand.u32 $0xFFFF0000, v31;
	v31 =	vand.u32 $0xFFFF0000, v47  }
0x3c4: {  	v13 =	vand.u32 $0xFFFF0000, v32;
	v32 =	vmul.f32 v31, v20  }
0x3c5: {  	v31 =	vmul.f32 v15, v2;
	v3 =	vor.u32 s31, v3;
	v15 =	vor.u32 s31, v12;
	v12 =	vld [tilespmem:$0x1FA80]  }
0x3c6: {  	v6 =	vadd.s32 $0x8000, v6;
	v36 =	vadd.s32 $0x8000, v63  }
0x3c7: {  	v18 =	vadd.s32 $0x8000, v18;
	v16 =	vand.u32 $0xFFFF0000, v6;
	v6 =	vand.u32 $0xFFFF0000, v36  }
0x3c8: {  	v36 =	vand.u32 $0xFFFF0000, v18;
	v18 =	vand.u32 $0xFFFF0000, v49;
	v49 =	vimm.f32 $0.0e+00  }
0x3c9: {  	v63 =	vand.u32 $0xFFFF0000, v30;
	v47 =	vimm.f32 $0.0e+00;
	v30 =	vadd.f32 v29, v41  }
0x3ca: {  	s24 =	simm.s32 $0x10;
	v29 =	vadd.f32 v45, v41;
	v45 =	vimm.f32 $0.0e+00;
	v3 =	vld.idx.msk [tilespmem:v3+s12+$0x0], $0xffff;
	v12 =	vor.u32 s31, v12  }
.LBB2_5:
0x3cb: {  	_ =	sdelay $0x2  }
0x3cc: {  	v15 =	vld.idx.msk [tilespmem:v15+s12+$0x0], $0xffff  }
0x3cd: {  	v12 =	vld.idx.msk [tilespmem:v12+s12+$0x0], $0xffff  }
0x3ce: {  	v51 =	vld [tilespmem:$0x1FFD0];
	v25 =	vadd.f32 v31, v25;
	v5 =	vadd.f32 v5, v21;
	v21 =	vmul.f32 v27, v10  }
0x3cf: {  	v28 =	vmul.f32 v28, v2;
	v30 =	vadd.f32 v32, v30;
	v31 =	vld [tilespmem:$0x1F8B0]  }
0x3d0: {  	v21 =	vadd.f32 v21, v25;
	v25 =	vld [tilespmem:$0x1F6A0]  }
0x3d1: {  	v24 =	vmul.f32 v24, v4;
	v27 =	vadd.f32 v28, v30;
	v30 =	vld [tilespmem:$0x1F8A0]  }
0x3d2: {  	v26 =	vmul.f32 v26, v10;
	v28 =	vld [tilespmem:$0x1F6D0]  }
0x3d3: {  	v8 =	vadd.f32 v8, v29;
	v29 =	vadd.s32 s24, v52;
	v21 =	vadd.f32 v24, v21;
	v24 =	vld [tilespmem:$0x1F660]  }
0x3d4: {  	v52 =	vld [tilespmem:$0x1FD90];
	v31 =	vor.u32 s24, v31  }
0x3d5: {  	v5 =	vadd.f32 v25, v5;
	v25 =	vadd.f32 v26, v27;
	v26 =	vld [tilespmem:$0x1F6B0]  }
0x3d6: {  	v27 =	vld [tilespmem:$0x1FC50];
	v30 =	vor.u32 s24, v30  }
0x3d7: {  	v8 =	vadd.f32 v28, v8;
	v28 =	vld [tilespmem:$0x1F890]  }
0x3d8: {  	v29 =	vld.idx.msk [tilespmem:v29+s15+$0x0], $0xffff;
	v5 =	vadd.f32 v24, v5;
	v24 =	vmul.f32 v33, v3  }
0x3d9: {  	v31 =	vld.idx.msk [tilespmem:v31+s12+$0x0], $0xffff  }
0x3da: {  	v14 =	vmul.f32 v14, v15;
	v21 =	vadd.f32 v24, v21;
	v24 =	vld [tilespmem:$0x1F640]  }
0x3db: {  	v8 =	vadd.f32 v26, v8;
	v26 =	vmul.f32 v40, v4;
	v30 =	vld.idx.msk [tilespmem:v30+s12+$0x0], $0xffff  }
0x3dc: {  	v1 =	vmul.f32 v1, v12;
	v14 =	vadd.f32 v14, v21;
	v21 =	vld [tilespmem:$0x1F630]  }
0x3dd: {  	v16 =	vmul.f32 v16, v3;
	v27 =	vadd.s32 s24, v27;
	v25 =	vadd.f32 v26, v25;
	v26 =	vld [tilespmem:$0x1F670]  }
0x3de: {  	v28 =	vor.u32 s24, v28;
	v1 =	vadd.f32 v1, v14;
	v14 =	vmul.f32 v17, v20;
	v17 =	vld [tilespmem:$0x1FF40]  }
0x3df: {  	v5 =	vadd.f32 v24, v5;
	v24 =	vld [tilespmem:$0x1F650]  }
0x3e0: {  	v16 =	vadd.f32 v16, v25;
	v25 =	vld [tilespmem:$0x1FB00]  }
0x3e1: {  	[tilespmem:$0x1F590] =	vst v1;
	v1 =	vld [tilespmem:$0x1F610]  }
0x3e2: {  	v13 =	vmul.f32 v13, v15;
	v27 =	vld.idx.msk [tilespmem:v27+s15+$0x0], $0xffff  }
0x3e3: {  	v28 =	vld.idx.msk [tilespmem:v28+s12+$0x0], $0xffff  }
0x3e4: {  	v0 =	vmul.f32 v0, v12;
	v5 =	vadd.f32 v21, v5;
	v13 =	vadd.f32 v13, v16;
	v21 =	vld [tilespmem:$0x1FF90]  }
0x3e5: {  	v8 =	vadd.f32 v26, v8;
	v26 =	vld [tilespmem:$0x1FC80]  }
0x3e6: {  	v0 =	vadd.f32 v0, v13;
	v13 =	vadd.f32 v58, v45;
	v45 =	vld [tilespmem:$0x1FC40]  }
0x3e7: {  	v58 =	vld [tilespmem:$0x1FD70]  }
0x3e8: {  	v17 =	vadd.s32 s24, v17;
	v8 =	vadd.f32 v24, v8;
	v24 =	vld [tilespmem:$0x1FBE0]  }
0x3e9: {  	v25 =	vadd.s32 s24, v25;
	[tilespmem:$0x1F5B0] =	vst v0;
	v0 =	vld [tilespmem:$0x1F620]  }
0x3ea: {  	v1 =	vadd.f32 v1, v5;
	v5 =	vld [tilespmem:$0x1F720]  }
0x3eb: {  	v8 =	vadd.f32 v61, v8;
	v61 =	vld [tilespmem:$0x1FF10]  }
0x3ec: {  	v16 =	vmul.f32 v38, v19;
	[tilespmem:$0x1F5A0] =	vst v1;
	v1 =	vmul.f32 v39, v19;
	v19 =	vld [tilespmem:$0x1FF60]  }
0x3ed: {  	v17 =	vld.idx.msk [tilespmem:v17+s15+$0x0], $0xffff  }
0x3ee: {  	v25 =	vld.idx.msk [tilespmem:v25+s15+$0x0], $0xffff  }
0x3ef: {  	v21 =	vadd.s32 s24, v21;
	v1 =	vadd.f32 v1, v49;
	v49 =	vld [tilespmem:$0x1FDE0]  }
0x3f0: {  	v0 =	vadd.f32 v0, v8;
	v8 =	vmul.f32 v18, v20;
	v18 =	vld [tilespmem:$0x1FF50]  }
0x3f1: {  	v20 =	vld [tilespmem:$0x1FBD0]  }
0x3f2: {  	v26 =	vadd.s32 s24, v26;
	v5 =	vadd.f32 v5, v47;
	v47 =	vadd.s32 s24, v55;
	v55 =	vld [tilespmem:$0x1FD60]  }
0x3f3: {  	v24 =	vadd.s32 s24, v24;
	v1 =	vadd.f32 v14, v1;
	v14 =	vld [tilespmem:$0x1FF00];
	[tilespmem:$0x1F5C0] =	vst v0;
	v0 =	vadd.f32 v16, v41  }
0x3f4: {  	v21 =	vld.idx.msk [tilespmem:v21+s15+$0x0], $0xffff  }
0x3f5: {  	v19 =	vadd.s32 s24, v19;
	v0 =	vadd.f32 v8, v0;
	v8 =	vld [tilespmem:$0x1F700]  }
0x3f6: {  	v16 =	vld [tilespmem:$0x1FF30]  }
0x3f7: {  	v26 =	vld.idx.msk [tilespmem:v26+s15+$0x0], $0xffff  }
0x3f8: {  	v24 =	vld.idx.msk [tilespmem:v24+s15+$0x0], $0xffff;
	v18 =	vadd.s32 s24, v18  }
0x3f9: {  	v20 =	vadd.s32 s24, v20;
	v39 =	vld.idx.msk [tilespmem:v47+s15+$0x0], $0xffff  }
0x3fa: {  	v19 =	vld.idx.msk [tilespmem:v19+s15+$0x0], $0xffff;
	v5 =	vadd.f32 v8, v5;
	v8 =	vmul.f32 v11, v2  }
0x3fb: {  	v11 =	vld [tilespmem:$0x1F710];
	v2 =	vmul.f32 v9, v2  }
0x3fc: {  	v14 =	vadd.s32 s24, v14;
	v0 =	vadd.f32 v8, v0;
	v8 =	vld [tilespmem:$0x1F6E0]  }
0x3fd: {  	v16 =	vadd.s32 s24, v16;
	v9 =	vmul.f32 v36, v10;
	v18 =	vld.idx.msk [tilespmem:v18+s15+$0x0], $0xffff;
	v1 =	vadd.f32 v2, v1  }
0x3fe: {  	v20 =	vld.idx.msk [tilespmem:v20+s15+$0x0], $0xffff  }
0x3ff: {  	v1 =	vadd.f32 v9, v1;
	v9 =	vld [tilespmem:$0x1FED0]  }
0x400: {  	v2 =	vld [tilespmem:$0x1F6F0]  }
0x401: {  	v14 =	vld.idx.msk [tilespmem:v14+s15+$0x0], $0xffff;
	v5 =	vadd.f32 v8, v5;
	v8 =	vmul.f32 v37, v10  }
0x402: {  	v16 =	vld.idx.msk [tilespmem:v16+s15+$0x0], $0xffff  }
0x403: {  	v11 =	vadd.f32 v11, v13;
	v37 =	vor.u32 s24, v45;
	v0 =	vadd.f32 v8, v0;
	v8 =	vld [tilespmem:$0x1F6C0]  }
0x404: {  	v13 =	vld [tilespmem:$0x1FF80];
	v9 =	vadd.s32 s24, v9  }
0x405: {  	v2 =	vadd.f32 v2, v11;
	v10 =	vld [tilespmem:$0x1FEC0]  }
0x406: {  	v11 =	vld [tilespmem:$0x1FEB0]  }
0x407: {  	v2 =	vadd.f32 v59, v2;
	v59 =	vadd.s32 s24, v53;
	v53 =	vld [tilespmem:$0x1FDA0]  }
0x408: {  	v37 =	vld.idx.msk [tilespmem:v37+s12+$0x0], $0xffff;
	v5 =	vadd.f32 v8, v5;
	v8 =	vmul.f32 v35, v4  }
0x409: {  	v4 =	vmul.f32 v34, v4;
	v9 =	vld.idx.msk [tilespmem:v9+s15+$0x0], $0xffff  }
0x40a: {  	v13 =	vadd.s32 s24, v13;
	v0 =	vadd.f32 v8, v0;
	v8 =	vld [tilespmem:$0x1F680]  }
0x40b: {  	v10 =	vadd.s32 s24, v10;
	v1 =	vadd.f32 v4, v1;
	v4 =	vld [tilespmem:$0x1F690]  }
0x40c: {  	v11 =	vadd.s32 s24, v11;
	v32 =	vld.idx.msk [tilespmem:v59+s15+$0x0], $0xffff  }
0x40d: {  	v34 =	vor.u32 s24, v61;
	v61 =	vld [tilespmem:$0x1FD30]  }
0x40e: {  	v47 =	vadd.s32 s24, v53;
	v53 =	vld [tilespmem:$0x1FB80]  }
0x40f: {  	v13 =	vld.idx.msk [tilespmem:v13+s15+$0x0], $0xffff;
	v5 =	vadd.f32 v8, v5;
	v8 =	vmul.f32 v23, v3  }
0x410: {  	v10 =	vld.idx.msk [tilespmem:v10+s15+$0x0], $0xffff;
	v2 =	vadd.f32 v4, v2  }
0x411: {  	v11 =	vld.idx.msk [tilespmem:v11+s15+$0x0], $0xffff;
	v0 =	vadd.f32 v8, v0;
	v4 =	vadd.f32 v60, v5;
	v5 =	vmul.f32 v7, v15  }
0x412: {  	v34 =	vld.idx.msk [tilespmem:v34+s12+$0x0], $0xffff  }
0x413: {  	v47 =	vld.idx.msk [tilespmem:v47+s15+$0x0], $0xffff;
	v0 =	vadd.f32 v5, v0;
	v5 =	vmul.f32 v63, v12  }
0x414: {  	v3 =	vmul.f32 v22, v3;
	v22 =	vld [tilespmem:$0x1FFB0]  }
0x415: {  	v23 =	vld [tilespmem:$0x1FFC0];
	v4 =	vadd.f32 v46, v4;
	v0 =	vadd.f32 v5, v0  }
0x416: {  	v1 =	vadd.f32 v3, v1;
	v3 =	vmul.f32 v6, v15;
	v6 =	vld [tilespmem:$0x1FE60]  }
0x417: {  	v7 =	vld [tilespmem:$0x1FE70];
	[tilespmem:$0x1F5E0] =	vst v0;
	v0 =	vadd.f32 v43, v4  }
0x418: {  	v8 =	vld [tilespmem:$0x1FEE0]  }
0x419: {  	[tilespmem:$0x1F560] =	vst v0;
	v0 =	vld [tilespmem:$0x1FE40]  }
0x41a: {  	v15 =	vld [tilespmem:$0x1FEF0]  }
0x41b: {  	v60 =	vld [tilespmem:$0x1FF20]  }
0x41c: {  	v2 =	vadd.f32 v50, v2;
	v50 =	vld [tilespmem:$0x1FFA0];
	v6 =	vadd.s32 s24, v6  }
0x41d: {  	v1 =	vadd.f32 v3, v1;
	v3 =	vmul.f32 v62, v12;
	v12 =	vld [tilespmem:$0x1FF70]  }
0x41e: {  	v46 =	vor.u32 s24, v48;
	v48 =	vld [tilespmem:$0x1FDD0];
	v0 =	vadd.s32 s24, v0  }
0x41f: {  	v1 =	vadd.f32 v3, v1;
	v3 =	vld [tilespmem:$0x1FEA0]  }
0x420: {  	v4 =	vld [tilespmem:$0x1FE90]  }
0x421: {  	v62 =	vadd.s32 s24, v54;
	v5 =	vld.idx.msk [tilespmem:v6+s15+$0x0], $0xffff  }
0x422: {  	v63 =	vor.u32 s24, v57;
	v54 =	vld [tilespmem:$0x1FFE0]  }
0x423: {  	v2 =	vadd.f32 v44, v2;
	v0 =	vld.idx.msk [tilespmem:v0+s15+$0x0], $0xffff  }
0x424: {  	v33 =	vor.u32 s24, v60;
	v60 =	vld [tilespmem:$0x1FD80]  }
0x425: {  	[tilespmem:$0x1F580] =	vst v1;
	v1 =	vadd.f32 v42, v2;
	v2 =	vld [tilespmem:$0x1FE50];
	v3 =	vadd.s32 s24, v3  }
0x426: {  	v35 =	vld.idx.msk [tilespmem:v62+s15+$0x0], $0xffff;
	v4 =	vadd.s32 s24, v4;
	v5 =	vadd.s32 $0x8000, v5  }
0x427: {  	v36 =	vld.idx.msk [tilespmem:v63+s12+$0x0], $0xffff;
	v5 =	vand.u32 $0xFFFF0000, v5  }
0x428: {  	v12 =	vadd.s32 s24, v12;
	v38 =	vld.idx.msk [tilespmem:v46+s12+$0x0], $0xffff;
	v5 =	vmul.f32 v5, v28;
	v0 =	vadd.s32 $0x8000, v0  }
0x429: {  	v22 =	vadd.s32 s24, v22;
	[tilespmem:$0x1F5F0] =	vst v1;
	v1 =	vld [tilespmem:$0x1FE30];
	v40 =	vand.u32 $0xFFFF0000, v0  }
0x42a: {  	v23 =	vadd.s32 s24, v23;
	v3 =	vld.idx.msk [tilespmem:v3+s15+$0x0], $0xffff;
	[tilespmem:$0x1F610] =	vst v5;
	v5 =	vmul.f32 v40, v28  }
0x42b: {  	v43 =	vadd.s32 s24, v49;
	v4 =	vld.idx.msk [tilespmem:v4+s15+$0x0], $0xffff  }
0x42c: {  	v44 =	vadd.s32 s24, v50;
	[tilespmem:$0x1F620] =	vst v5;
	v5 =	vld [tilespmem:$0x1FD40]  }
0x42d: {  	v45 =	vadd.s32 s24, v51;
	v12 =	vld.idx.msk [tilespmem:v12+s15+$0x0], $0xffff  }
0x42e: {  	v13 =	vadd.s32 $0x8000, v13;
	v10 =	vadd.s32 $0x8000, v10;
	v11 =	vadd.s32 $0x8000, v11;
	v22 =	vld.idx.msk [tilespmem:v22+s15+$0x0], $0xffff  }
0x42f: {  	v10 =	vand.u32 $0xFFFF0000, v10;
	v7 =	vadd.s32 s24, v7;
	v23 =	vld.idx.msk [tilespmem:v23+s15+$0x0], $0xffff;
	v3 =	vadd.s32 $0x8000, v3  }
0x430: {  	v11 =	vand.u32 $0xFFFF0000, v11;
	v15 =	vadd.s32 s24, v15;
	v63 =	vld.idx.msk [tilespmem:v43+s15+$0x0], $0xffff;
	v3 =	vand.u32 $0xFFFF0000, v3  }
0x431: {  	v43 =	vld.idx.msk [tilespmem:v44+s15+$0x0], $0xffff;
	v4 =	vadd.s32 $0x8000, v4;
	v3 =	vmul.f32 v3, v31;
	v5 =	vadd.s32 s24, v5  }
0x432: {  	v44 =	vld.idx.msk [tilespmem:v45+s15+$0x0], $0xffff;
	v45 =	vadd.s32 s24, v60;
	v12 =	vadd.s32 $0x8000, v12;
	v4 =	vand.u32 $0xFFFF0000, v4  }
0x433: {  	v6 =	vld [tilespmem:$0x1FE80];
	v60 =	vmul.f32 v10, v30;
	v12 =	vand.u32 $0xFFFF0000, v12;
	[tilespmem:$0x1F630] =	vst v3;
	v3 =	vmul.f32 v4, v31  }
0x434: {  	v8 =	vadd.s32 s24, v8;
	v7 =	vld.idx.msk [tilespmem:v7+s15+$0x0], $0xffff;
	v10 =	vmul.f32 v11, v30;
	v11 =	vmul.f32 v12, v34  }
0x435: {  	v13 =	vand.u32 $0xFFFF0000, v13;
	[tilespmem:$0x1F540] =	vst v3;
	v3 =	vld [tilespmem:$0x1FD50]  }
0x436: {  	v42 =	vadd.s32 s24, v48;
	[tilespmem:$0x1F660] =	vst v11;
	v11 =	vld.idx.msk [tilespmem:v5+s15+$0x0], $0xffff;
	v5 =	vmul.f32 v13, v34  }
0x437: {  	v46 =	vadd.s32 s24, v52;
	v15 =	vld.idx.msk [tilespmem:v15+s15+$0x0], $0xffff  }
0x438: {  	[tilespmem:$0x1F670] =	vst v5;
	v5 =	vld [tilespmem:$0x1FCE0]  }
0x439: {  	v8 =	vld.idx.msk [tilespmem:v8+s15+$0x0], $0xffff  }
0x43a: {  	v33 =	vld.idx.msk [tilespmem:v33+s12+$0x0], $0xffff;
	v3 =	vadd.s32 s24, v3  }
0x43b: {  	v14 =	vadd.s32 $0x8000, v14;
	v62 =	vld.idx.msk [tilespmem:v42+s15+$0x0], $0xffff  }
0x43c: {  	v14 =	vand.u32 $0xFFFF0000, v14;
	v2 =	vadd.s32 s24, v2;
	v42 =	vadd.s32 s24, v54;
	v46 =	vld.idx.msk [tilespmem:v46+s15+$0x0], $0xffff  }
0x43d: {  	v54 =	vld [tilespmem:$0x1FC30];
	v15 =	vadd.s32 $0x8000, v15;
	v12 =	vadd.s32 s24, v5;
	v5 =	vmul.f32 v14, v34  }
0x43e: {  	[tilespmem:$0x1F570] =	vst v10;
	v10 =	vld [tilespmem:$0x1FCC0];
	v15 =	vand.u32 $0xFFFF0000, v15  }
0x43f: {  	v17 =	vadd.s32 $0x8000, v17;
	v21 =	vadd.s32 $0x8000, v21;
	v14 =	vld.idx.msk [tilespmem:v3+s15+$0x0], $0xffff;
	[tilespmem:$0x1F680] =	vst v5;
	v5 =	vmul.f32 v15, v34  }
0x440: {  	v21 =	vand.u32 $0xFFFF0000, v21;
	v18 =	vadd.s32 $0x8000, v18;
	v1 =	vadd.s32 s24, v1;
	v3 =	vld [tilespmem:$0x1FBA0]  }
0x441: {  	v18 =	vand.u32 $0xFFFF0000, v18;
	v16 =	vadd.s32 $0x8000, v16;
	v50 =	vadd.s32 s24, v61;
	[tilespmem:$0x1F690] =	vst v5;
	v5 =	vld [tilespmem:$0x1FB90]  }
0x442: {  	v6 =	vadd.s32 s24, v6;
	v8 =	vadd.s32 $0x8000, v8;
	v7 =	vadd.s32 $0x8000, v7;
	v2 =	vld.idx.msk [tilespmem:v2+s15+$0x0], $0xffff  }
0x443: {  	v16 =	vand.u32 $0xFFFF0000, v16;
	v7 =	vand.u32 $0xFFFF0000, v7;
	v8 =	vand.u32 $0xFFFF0000, v8;
	v52 =	vld.idx.msk [tilespmem:v42+s15+$0x0], $0xffff  }
0x444: {  	v9 =	vadd.s32 $0x8000, v9;
	v61 =	vmul.f32 v7, v31;
	v7 =	vmul.f32 v8, v30;
	v8 =	vld [tilespmem:$0x1FC90]  }
0x445: {  	v9 =	vand.u32 $0xFFFF0000, v9;
	v1 =	vld.idx.msk [tilespmem:v1+s15+$0x0], $0xffff;
	v15 =	vadd.s32 s24, v3;
	v3 =	vmul.f32 v18, v33  }
0x446: {  	[tilespmem:$0x1F640] =	vst v7;
	v7 =	vmul.f32 v9, v30;
	v9 =	vld.idx.msk [tilespmem:v50+s15+$0x0], $0xffff;
	v13 =	vadd.s32 s24, v5;
	v5 =	vmul.f32 v16, v33  }
0x447: {  	v17 =	vand.u32 $0xFFFF0000, v17;
	v6 =	vld.idx.msk [tilespmem:v6+s15+$0x0], $0xffff;
	[tilespmem:$0x1F6C0] =	vst v3;
	v3 =	vmul.f32 v21, v37  }
0x448: {  	v20 =	vadd.s32 $0x8000, v20;
	v59 =	vadd.s32 s24, v58;
	v30 =	vld [tilespmem:$0x1FB30];
	[tilespmem:$0x1F6A0] =	vst v5;
	v5 =	vmul.f32 v17, v33  }
0x449: {  	v20 =	vand.u32 $0xFFFF0000, v20;
	v10 =	vadd.s32 s24, v10;
	[tilespmem:$0x1F6D0] =	vst v3;
	v3 =	vld [tilespmem:$0x1FBB0]  }
0x44a: {  	[tilespmem:$0x1F6B0] =	vst v5;
	v5 =	vmul.f32 v20, v37;
	v20 =	vld.idx.msk [tilespmem:v12+s15+$0x0], $0xffff  }
0x44b: {  	v12 =	vld [tilespmem:$0x1FAF0]  }
0x44c: {  	v27 =	vadd.s32 $0x8000, v27;
	[tilespmem:$0x1F650] =	vst v7;
	v7 =	vld.idx.msk [tilespmem:v45+s15+$0x0], $0xffff;
	v6 =	vadd.s32 $0x8000, v6  }
0x44d: {  	v27 =	vand.u32 $0xFFFF0000, v27;
	v26 =	vadd.s32 $0x8000, v26;
	v4 =	vld.idx.msk [tilespmem:v59+s15+$0x0], $0xffff;
	v6 =	vand.u32 $0xFFFF0000, v6  }
0x44e: {  	v26 =	vand.u32 $0xFFFF0000, v26;
	v22 =	vadd.s32 $0x8000, v22;
	v10 =	vld.idx.msk [tilespmem:v10+s15+$0x0], $0xffff;
	v6 =	vmul.f32 v6, v31  }
0x44f: {  	v22 =	vand.u32 $0xFFFF0000, v22;
	v1 =	vadd.s32 $0x8000, v1;
	v0 =	vld [tilespmem:$0x1FDB0];
	v16 =	vadd.s32 s24, v3  }
0x450: {  	[tilespmem:$0x1F550] =	vst v6;
	v6 =	vld [tilespmem:$0x1FC70];
	v3 =	vmul.f32 v22, v37;
	v22 =	vadd.s32 s24, v12;
	v12 =	vmul.f32 v26, v36  }
0x451: {  	v57 =	vadd.s32 s24, v55;
	v2 =	vadd.s32 $0x8000, v2;
	v41 =	vand.u32 $0xFFFF0000, v1;
	v1 =	vld [tilespmem:$0x1FDC0]  }
0x452: {  	v2 =	vand.u32 $0xFFFF0000, v2;
	v31 =	vld [tilespmem:$0x1FA20];
	[tilespmem:$0x1F700] =	vst v12;
	v12 =	vmul.f32 v27, v36  }
0x453: {  	v2 =	vmul.f32 v2, v28;
	[tilespmem:$0x1F6E0] =	vst v3;
	v3 =	vld [tilespmem:$0x1FBC0]  }
0x454: {  	v0 =	vadd.s32 s24, v0;
	[tilespmem:$0x1F710] =	vst v12;
	v12 =	vld [tilespmem:$0x1FB10]  }
0x455: {  	[tilespmem:$0x1F5D0] =	vst v2;
	v2 =	vld [tilespmem:$0x1FFF0];
	v6 =	vadd.s32 s24, v6  }
0x456: {  	v35 =	vadd.s32 $0x8000, v35;
	v41 =	vmul.f32 v41, v28;
	v28 =	vld.idx.msk [tilespmem:v57+s15+$0x0], $0xffff  }
0x457: {  	v23 =	vadd.s32 $0x8000, v23;
	v35 =	vand.u32 $0xFFFF0000, v35;
	v8 =	vadd.s32 s24, v8;
	v57 =	vld [tilespmem:$0x1FE20]  }
0x458: {  	v23 =	vand.u32 $0xFFFF0000, v23;
	v45 =	vor.u32 s24, v31;
	v31 =	vld [tilespmem:$0x1FE00];
	v18 =	vadd.s32 s24, v3  }
0x459: {  	v0 =	vld.idx.msk [tilespmem:v0+s15+$0x0], $0xffff;
	v3 =	vmul.f32 v23, v37;
	v23 =	vadd.s32 s24, v12;
	v12 =	vmul.f32 v35, v38  }
0x45a: {  	v1 =	vadd.s32 s24, v1;
	v6 =	vld.idx.msk [tilespmem:v6+s15+$0x0], $0xffff  }
0x45b: {  	v29 =	vadd.s32 $0x8000, v29;
	[tilespmem:$0x1F720] =	vst v12;
	v12 =	vld [tilespmem:$0x1FB20]  }
0x45c: {  	v29 =	vand.u32 $0xFFFF0000, v29;
	v25 =	vadd.s32 $0x8000, v25;
	v2 =	vadd.s32 s24, v2;
	v17 =	vld.idx.msk [tilespmem:v8+s15+$0x0], $0xffff  }
0x45d: {  	v25 =	vand.u32 $0xFFFF0000, v25;
	v19 =	vadd.s32 $0x8000, v19;
	v31 =	vadd.s32 s24, v31;
	[tilespmem:$0x1F6F0] =	vst v3;
	v3 =	vld [tilespmem:$0x1FAE0]  }
0x45e: {  	v19 =	vand.u32 $0xFFFF0000, v19;
	v8 =	vmul.f32 v25, v36;
	v25 =	vmul.f32 v29, v38;
	v29 =	vld [tilespmem:$0x1FDF0]  }
0x45f: {  	v39 =	vadd.s32 $0x8000, v39;
	v59 =	vmul.f32 v19, v33;
	v1 =	vld.idx.msk [tilespmem:v1+s15+$0x0], $0xffff;
	v33 =	vadd.s32 s24, v57  }
0x460: {  	v39 =	vand.u32 $0xFFFF0000, v39;
	v26 =	vadd.s32 s24, v12;
	v12 =	vld [tilespmem:$0x1FE10]  }
0x461: {  	v58 =	vmul.f32 v39, v38;
	v39 =	vadd.s32 $0x8000, v44;
	v2 =	vld.idx.msk [tilespmem:v2+s15+$0x0], $0xffff  }
0x462: {  	v44 =	vadd.s32 $0x8000, v46;
	v46 =	vadd.s32 $0x8000, v47;
	v31 =	vld.idx.msk [tilespmem:v31+s15+$0x0], $0xffff;
	v19 =	vadd.s32 s24, v3  }
0x463: {  	[tilespmem:$0x1F530] =	vst v41;
	v41 =	vadd.s32 $0x8000, v6;
	v6 =	vand.u32 $0xFFFF0000, v46;
	v46 =	vld [tilespmem:$0x1F550];
	v29 =	vadd.s32 s24, v29  }
0x464: {  	v47 =	vadd.s32 $0x8000, v7;
	v7 =	vld.idx.msk [tilespmem:v33+s15+$0x0], $0xffff  }
0x465: {  	v13 =	vld.idx.msk [tilespmem:v13+s15+$0x0], $0xffff;
	v27 =	vadd.s32 s24, v12  }
0x466: {  	v55 =	vlaneseq.u32;
	v16 =	vld.idx.msk [tilespmem:v16+s15+$0x0], $0xffff  }
0x467: {  	v34 =	vor.u32 s24, v55;
	v19 =	vld.idx.msk [tilespmem:v19+s15+$0x0], $0xffff  }
0x468: {  	v24 =	vadd.s32 $0x8000, v24;
	v29 =	vld.idx.msk [tilespmem:v29+s15+$0x0], $0xffff  }
0x469: {  	v32 =	vadd.s32 $0x8000, v32;
	v57 =	vadd.s32 $0x8000, v7;
	v7 =	vand.u32 $0xFFFF0000, v44;
	v44 =	vmovc v61;
	v61 =	vld [tilespmem:$0x1F540]  }
0x46a: {  	v32 =	vand.u32 $0xFFFF0000, v32;
	v40 =	vadd.s32 $0x8000, v52;
	v35 =	vadd.s32 $0x8000, v1;
	v1 =	vld.idx.msk [tilespmem:v27+s15+$0x0], $0xffff  }
0x46b: {  	v48 =	vadd.s32 $0x8000, v13;
	v13 =	vand.u32 $0xFFFF0000, v39;
	v39 =	vand.u32 $0xFFFF0000, v57;
	v57 =	vld [tilespmem:$0x1FD20]  }
0x46c: {  	v21 =	vmul.f32 v32, v38;
	v38 =	vor.u32 s24, v54;
	v52 =	vadd.s32 $0x8000, v19;
	v19 =	vld.idx.msk [tilespmem:v34+s12+$0x0], $0xffff  }
0x46d: {  	v24 =	vand.u32 $0xFFFF0000, v24;
	v10 =	vadd.s32 $0x8000, v10;
	v22 =	vld.idx.msk [tilespmem:v22+s15+$0x0], $0xffff  }
0x46e: {  	v11 =	vadd.s32 $0x8000, v11;
	v31 =	vadd.s32 $0x8000, v31;
	v33 =	vand.u32 $0xFFFF0000, v40;
	v18 =	vld.idx.msk [tilespmem:v18+s15+$0x0], $0xffff  }
0x46f: {  	v3 =	vmul.f32 v24, v36;
	v24 =	vld.idx.msk [tilespmem:v15+s15+$0x0], $0xffff;
	v36 =	vor.u32 s24, v56;
	v55 =	vadd.s32 $0x8000, v1  }
0x470: {  	v37 =	vand.u32 $0xFFFF0000, v10;
	v51 =	vadd.s32 $0x8000, v16;
	v23 =	vld.idx.msk [tilespmem:v23+s15+$0x0], $0xffff;
	v10 =	vand.u32 $0xFFFF0000, v55  }
0x471: {  	v40 =	vand.u32 $0xFFFF0000, v11;
	v11 =	vand.u32 $0xFFFF0000, v51;
	v51 =	vmul.f32 v10, v19;
	v10 =	vld.idx.msk [tilespmem:v38+s12+$0x0], $0xffff  }
0x472: {  	v38 =	vand.u32 $0xFFFF0000, v31;
	v31 =	vld [tilespmem:$0x1F590]  }
0x473: {  	v32 =	vor.u32 s24, v53;
	v53 =	vadd.s32 $0x8000, v22;
	v22 =	vand.u32 $0xFFFF0000, v47;
	v47 =	vld [tilespmem:$0x1F560]  }
0x474: {  	v30 =	vor.u32 s24, v30;
	v49 =	vadd.s32 $0x8000, v20;
	v20 =	vld.idx.msk [tilespmem:v36+s12+$0x0], $0xffff  }
0x475: {  	v28 =	vadd.s32 $0x8000, v28;
	v50 =	vadd.s32 $0x8000, v24;
	v36 =	vand.u32 $0xFFFF0000, v49;
	v49 =	vld [tilespmem:$0x1F580]  }
0x476: {  	v9 =	vadd.s32 $0x8000, v9;
	v16 =	vand.u32 $0xFFFF0000, v28;
	v28 =	vand.u32 $0xFFFF0000, v50;
	v50 =	vld [tilespmem:$0x1F570]  }
0x477: {  	v18 =	vadd.s32 $0x8000, v18;
	v54 =	vadd.s32 $0x8000, v23;
	v31 =	vadd.f32 v51, v31;
	v51 =	vld [tilespmem:$0x1F5A0]  }
0x478: {  	v24 =	vand.u32 $0xFFFF0000, v9;
	v9 =	vand.u32 $0xFFFF0000, v18;
	v18 =	vand.u32 $0xFFFF0000, v54;
	v54 =	vld [tilespmem:$0x1FCD0]  }
0x479: {  	v12 =	vld [tilespmem:$0x1FA70]  }
0x47a: {  	v62 =	vadd.s32 $0x8000, v62;
	v4 =	vadd.s32 $0x8000, v4;
	v42 =	vadd.s32 $0x8000, v14;
	v26 =	vld.idx.msk [tilespmem:v26+s15+$0x0], $0xffff  }
0x47b: {  	v29 =	vadd.s32 $0x8000, v29;
	v23 =	vand.u32 $0xFFFF0000, v4;
	v4 =	vand.u32 $0xFFFF0000, v52;
	v52 =	vld [tilespmem:$0x1FCA0]  }
0x47c: {  	v34 =	vand.u32 $0xFFFF0000, v42;
	v42 =	vadd.f32 v25, v51;
	v25 =	vmul.f32 v4, v20;
	v4 =	vld.idx.msk [tilespmem:v30+s12+$0x0], $0xffff  }
0x47d: {  	v0 =	vadd.s32 $0x8000, v0;
	v2 =	vadd.s32 $0x8000, v2;
	v29 =	vand.u32 $0xFFFF0000, v29;
	v30 =	vld [tilespmem:$0x1F5B0]  }
0x47e: {  	v15 =	vor.u32 s24, v12;
	v12 =	vld [tilespmem:$0x1FA80];
	v27 =	vadd.s32 $0x8000, v43;
	v43 =	vadd.s32 $0x8000, v63  }
0x47f: {  	v29 =	vmul.f32 v29, v19;
	v63 =	vand.u32 $0xFFFF0000, v62;
	v62 =	vand.u32 $0xFFFF0000, v43;
	v43 =	vld [tilespmem:$0x1F530]  }
0x480: {  	v14 =	vand.u32 $0xFFFF0000, v27;
	v27 =	vand.u32 $0xFFFF0000, v41;
	v41 =	vand.u32 $0xFFFF0000, v48;
	v48 =	vld [tilespmem:$0x1FC60]  }
0x481: {  	v1 =	vand.u32 $0xFFFF0000, v0;
	v0 =	vand.u32 $0xFFFF0000, v35;
	v35 =	vand.u32 $0xFFFF0000, v2;
	v2 =	vld.idx.msk [tilespmem:v32+s12+$0x0], $0xffff  }
0x482: {  	v17 =	vadd.s32 $0x8000, v17;
	v56 =	vadd.s32 $0x8000, v26;
	v30 =	vadd.f32 v29, v30;
	v29 =	vld [tilespmem:$0x1F5C0]  }
0x483: {  	v26 =	vand.u32 $0xFFFF0000, v17;
	v17 =	vand.u32 $0xFFFF0000, v56;
	v56 =	vld [tilespmem:$0x1FD00]  }
0x484: {  	p0 =	sne.s32 s24, $0x2F0;
	v32 =	vand.u32 $0xFFFF0000, v53;
	v53 =	vld [tilespmem:$0x1FCB0]  }
.Ltmp1:
0x485: {  	v55 =	vld [tilespmem:$0x1FCF0];
	(pc) =	sbr.rel @p0 .LBB2_5-.Ltmp1, $4  }
0x486: {  	v25 =	vadd.f32 v25, v31;
	v31 =	vmul.f32 v41, v2;
	v41 =	vld [tilespmem:$0x1F5E0]  }
0x487: {  	v29 =	vadd.f32 v21, v29;
	v21 =	vadd.f32 v3, v42;
	v42 =	vld [tilespmem:$0x1F5D0]  }
0x488: {  	v3 =	vld.idx.msk [tilespmem:v45+s12+$0x0], $0xffff  }
0x489: {  	v12 =	vor.u32 s24, v12;
	s24 =	sadd.s32 $0x10, s24;
	v32 =	vmul.f32 v32, v20;
	v45 =	vld [tilespmem:$0x1F5F0]  }
0x48a: {  	_ =	sdelay $0x3  }
0x48b: {  	v15 =	vld.idx.msk [tilespmem:v15+s12+$0x0], $0xffff  }
0x48c: {  	v28 =	vmul.f32 v28, v2;
	v25 =	vadd.f32 v31, v25;
	v27 =	vmul.f32 v27, v10;
	v12 =	vld.idx.msk [tilespmem:v12+s12+$0x0], $0xffff  }
0x48d: {  	v11 =	vmul.f32 v11, v2;
	v2 =	vmul.f32 v9, v2;
	v9 =	vld [tilespmem:$0x1F710]  }
0x48e: {  	v25 =	vadd.f32 v27, v25;
	v27 =	vld [tilespmem:$0x1F6A0]  }
0x48f: {  	v8 =	vadd.f32 v8, v29;
	v29 =	vld [tilespmem:$0x1FF10];
	v30 =	vadd.f32 v32, v30  }
0x490: {  	v24 =	vmul.f32 v24, v4;
	v32 =	vld [tilespmem:$0x1FF20]  }
0x491: {  	v5 =	vadd.f32 v5, v21;
	v26 =	vmul.f32 v26, v10;
	v21 =	vadd.f32 v28, v30;
	v28 =	vld [tilespmem:$0x1F6D0]  }
0x492: {  	v24 =	vadd.f32 v24, v25;
	v25 =	vmul.f32 v33, v3;
	v33 =	vld [tilespmem:$0x1FF30]  }
0x493: {  	v21 =	vadd.f32 v26, v21;
	v26 =	vmul.f32 v40, v4;
	v5 =	vadd.f32 v27, v5;
	v27 =	vld [tilespmem:$0x1F6B0]  }
0x494: {  	v16 =	vmul.f32 v16, v3;
	v40 =	vld [tilespmem:$0x1FC40]  }
0x495: {  	v14 =	vmul.f32 v14, v15;
	v24 =	vadd.f32 v25, v24;
	v21 =	vadd.f32 v26, v21;
	v26 =	vld [tilespmem:$0x1F670]  }
0x496: {  	v13 =	vmul.f32 v13, v15;
	v25 =	vld [tilespmem:$0x1F640];
	v8 =	vadd.f32 v28, v8  }
0x497: {  	v1 =	vmul.f32 v1, v12;
	v14 =	vadd.f32 v14, v24;
	v16 =	vadd.f32 v16, v21;
	v21 =	vld [tilespmem:$0x1F650]  }
0x498: {  	v0 =	vmul.f32 v0, v12;
	v8 =	vadd.f32 v27, v8;
	v27 =	vld [tilespmem:$0x1F660]  }
0x499: {  	v1 =	vadd.f32 v1, v14;
	v14 =	vmul.f32 v38, v19;
	v38 =	vld [tilespmem:$0x1FF80];
	v13 =	vadd.f32 v13, v16  }
0x49a: {  	v16 =	vld [tilespmem:$0x1F610];
	v8 =	vadd.f32 v26, v8  }
0x49b: {  	v0 =	vadd.f32 v0, v13;
	v13 =	vld [tilespmem:$0x1F620]  }
0x49c: {  	v8 =	vadd.f32 v21, v8;
	v21 =	vld [tilespmem:$0x1F630]  }
0x49d: {  	v5 =	vadd.f32 v27, v5;
	v27 =	vld [tilespmem:$0x1FF00]  }
0x49e: {  	v8 =	vadd.f32 v61, v8;
	v61 =	vld [tilespmem:$0x1FFC0]  }
0x49f: {  	v5 =	vadd.f32 v25, v5;
	v25 =	vld [tilespmem:$0x1FEF0]  }
0x4a0: {  	v8 =	vadd.f32 v13, v8;
	v13 =	vadd.f32 v14, v41;
	v14 =	vmul.f32 v18, v20;
	v18 =	vld [tilespmem:$0x1F720]  }
0x4a1: {  	v5 =	vadd.f32 v21, v5;
	v21 =	vld [tilespmem:$0x1FED0]  }
0x4a2: {  	v13 =	vadd.f32 v14, v13;
	v14 =	vld [tilespmem:$0x1F700]  }
0x4a3: {  	v5 =	vadd.f32 v16, v5;
	v16 =	vmul.f32 v39, v19;
	v39 =	vld [tilespmem:$0x1FC50]  }
0x4a4: {  	v19 =	vadd.f32 v58, v45;
	v58 =	vld [tilespmem:$0x1FFE0]  }
0x4a5: {  	v45 =	vld [tilespmem:$0x1FFD0]  }
0x4a6: {  	v11 =	vadd.f32 v11, v13;
	v13 =	vmul.f32 v37, v10;
	v10 =	vmul.f32 v36, v10;
	v36 =	vld [tilespmem:$0x1FF60]  }
0x4a7: {  	v17 =	vmul.f32 v17, v20;
	v37 =	vld [tilespmem:$0x1FF70];
	v18 =	vadd.f32 v18, v47;
	v16 =	vadd.f32 v16, v49  }
0x4a8: {  	v11 =	vadd.f32 v13, v11;
	v13 =	vld [tilespmem:$0x1F6C0]  }
0x4a9: {  	v14 =	vadd.f32 v14, v18;
	v16 =	vadd.f32 v17, v16;
	v18 =	vld [tilespmem:$0x1F6E0]  }
0x4aa: {  	v17 =	vld [tilespmem:s23+$0x18300]  }
0x4ab: {  	v2 =	vadd.f32 v2, v16;
	v16 =	vld [tilespmem:$0x1F6F0]  }
0x4ac: {  	v1 =	vadd.f32 v5, v1;
	v5 =	vmul.f32 v35, v4;
	v4 =	vmul.f32 v34, v4;
	v34 =	vld [tilespmem:$0x1FF40]  }
0x4ad: {  	v9 =	vadd.f32 v9, v19;
	v2 =	vadd.f32 v10, v2;
	v10 =	vld [tilespmem:$0x1F680]  }
0x4ae: {  	v35 =	vld [tilespmem:$0x1FF50];
	v5 =	vadd.f32 v5, v11;
	v14 =	vadd.f32 v18, v14  }
0x4af: {  	v11 =	vld [tilespmem:$0x1F690];
	v1 =	vadd.f32 v17, v1;
	v2 =	vadd.f32 v4, v2;
	v4 =	vmul.f32 v23, v3  }
0x4b0: {  	v19 =	vld [tilespmem:$0x1FEC0];
	v9 =	vadd.f32 v16, v9;
	v13 =	vadd.f32 v13, v14  }
0x4b1: {  	v49 =	vld [tilespmem:$0x1FFA0];
	v3 =	vmul.f32 v22, v3;
	vm0 =	vge.f32 v1, $0.0e+00;
	v1 =	vadd.f32 v4, v5  }
0x4b2: {  	v17 =	vld [tilespmem:$0x1FEB0];
	v9 =	vadd.f32 v59, v9;
	v10 =	vadd.f32 v10, v13  }
0x4b3: {  	v23 =	vld [tilespmem:$0x1FEE0];
	v4 =	vmul.f32 v7, v15;
	v2 =	vadd.f32 v3, v2;
	v3 =	vmul.f32 v6, v15  }
0x4b4: {  	v15 =	vld [tilespmem:$0x1FEA0];
	v9 =	vadd.f32 v11, v9;
	v11 =	vimm.f32 $0.0e+00;
	v7 =	vadd.f32 v60, v10  }
0x4b5: {  	v13 =	vld [tilespmem:$0x1FE90];
	v5 =	vsel vm0, $0x3F800000, v11  }
0x4b6: {  	v1 =	vadd.f32 v4, v1;
	v4 =	vmul.f32 v63, v12;
	v63 =	vld [tilespmem:$0x1FF90];
	[tilespmem:s23+$0x18700] =	vst v5;
	v7 =	vadd.f32 v46, v7  }
0x4b7: {  	v6 =	vadd.f32 v50, v9;
	v9 =	vld [tilespmem:s22+$0x18350]  }
0x4b8: {  	v60 =	vld [tilespmem:$0x1FFF0];
	v1 =	vadd.f32 v4, v1;
	v7 =	vadd.f32 v43, v7  }
0x4b9: {  	v0 =	vadd.f32 v8, v0;
	v2 =	vadd.f32 v3, v2;
	v4 =	vld [tilespmem:s22+$0x18360]  }
0x4ba: {  	v3 =	vadd.f32 v44, v6;
	v6 =	vmul.f32 v62, v12;
	v1 =	vadd.f32 v7, v1;
	v7 =	vld [tilespmem:$0x1F600]  }
0x4bb: {  	v46 =	vld [tilespmem:$0x1FBE0]  }
0x4bc: {  	v2 =	vadd.f32 v6, v2;
	v6 =	vld [tilespmem:s22+$0x18370];
	v0 =	vadd.f32 v9, v0  }
0x4bd: {  	v50 =	vld [tilespmem:$0x1FC80];
	v3 =	vadd.f32 v42, v3  }
0x4be: {  	v62 =	vld [tilespmem:$0x1FFB0];
	vm13 =	vge.f32 v0, $0.0e+00;
	v0 =	vadd.f32 v4, v1  }
0x4bf: {  	s21 =	sadd.s32 $0x1, s21;
	v42 =	vld [tilespmem:$0x1FBD0];
	v1 =	vadd.f32 v3, v2;
	v5 =	vadd.f32 v5, v7  }
0x4c0: {  	p0 =	sne.s32 s21, $0x8;
	v9 =	vld [tilespmem:$0x1FE70];
	v2 =	vsel vm13, $0x3F800000, v11  }
.Ltmp2:
0x4c1: {  	v4 =	vld [tilespmem:$0x1FE30];
	vm14 =	vge.f32 v0, $0.0e+00;
	v1 =	vadd.f32 v6, v1;
	v0 =	vadd.f32 v2, v5;
	(pc) =	sbr.rel @p0 .LBB2_2-.Ltmp2, $4  }
0x4c2: {  	v7 =	vld [tilespmem:$0x1FE60];
	v3 =	vsel vm14, $0x3F800000, v11  }
0x4c3: {  	[tilespmem:s22+$0x18750] =	vst v2;
	v6 =	vld [tilespmem:$0x1FE50];
	vm15 =	vge.f32 v1, $0.0e+00;
	v0 =	vadd.f32 v3, v0  }
0x4c4: {  	v5 =	vld [tilespmem:$0x1FE40];
	[tilespmem:s22+$0x18760] =	vst v3;
	v1 =	vsel vm15, $0x3F800000, v11  }
0x4c5: {  	v11 =	vld [tilespmem:$0x1FE80];
	[tilespmem:s22+$0x18770] =	vst v1;
	v0 =	vadd.f32 v1, v0  }
0x4c6: {  	_ = 	snop  }
0x4c7: {  	[tilespmem:$0x18B00] =	vst v0  }
0x4c8: {  	[hbm4b:s9+s2] =	stream.linear.scatter [tilespmem:s18], [sflag:$0x3], $0x400, $0x38;
	[tilespmem:$0x18B80] =	vst v63  }
0x4c9: {  	s20 =	sadd.s32 $0x1, s20;
	_ =	swait.ge [sflag:s13], $0x400  }
0x4ca: {  	p0 =	sne.s32 s20, s11;
	[sflag:s13] =	ssyncset.done $0x0  }
.Ltmp3:
0x4cb: {  	[sflag:s13] =	ssyncadd.s32 $0xFFFFFC00;
	(pc) =	sbr.rel @p0 .LBB2_1-.Ltmp3, $4  }
0x4cc: {  	[hbm4b:s10+s2] =	stream.linear.scatter [tilespmem:s19], [sflag:$0x3], $0x80, $0x38;
	[tilespmem:$0x18B80] =	vst v63  }
0x4cd: {  	_ =	swait.ge [sflag:s13], $0x80  }
0x4ce: {  	[sflag:s13] =	ssyncset.done $0x0  }
0x4cf: {  	[sflag:s13] =	ssyncadd.s32 $0xFFFFFF80  }
0x4d0: {  	_ =	sfence.sel $0x180000  }
0x4d1: {  	[bflag:$0x0] =	sbarrier.arrive $0xFFFF  }
0x4d2: {  	p0 =	sne.s32 s1, $0x0;
	_ =	strace $0x90000047  }
0x4d3: {  	s0 =	sadd.s32 @!p0 $0x100000, s0;
	[bflag:$0x2] =	sbarrier.arrive $0xFFFF  }
0x4d4: {  	[sflag:s0] =	ssyncadd.tile.s32 @!p0 $0x1;
	_ =	shalt  }
.Lfunc_end2:
_tile_overlayer_lowered:
.L_overlay_start_2:
0x4d5: {  	(tag) =	ssettag $0x2  }
0x4d6: {  	s0 =	rddreg [dreg:$0x0];
	s2 =	stileid.u32  }
0x4d7: {  	s1 =	rddreg [dreg:$0x1];
	p0 =	sne.s32 s2, $0x0  }
0x4d8: {  	s3 =	rddreg [dreg:$0x2];
	[bflag:$0x3] =	sbarrier.arrive $0xFFFF;
	s2 =	simm.s32 @!p0 $0x1C03  }
0x4d9: {  	[timem:s3], [sflag:s2] =	dma.local @!p0 [hbm:s0], s1  }
0x4da: {  	s0 =	simm.s32 @!p0 $0x3  }
0x4db: {  	_ =	swait.ge @!p0 [sflag:s0], s1  }
0x4dc: {  	s1 =	ssub.s32 @!p0 $0x0, s1;
	[sflag:s0] =	ssyncset.done @!p0 $0x0  }
0x4dd: {  	[sflag:s0] =	ssyncadd.s32 @!p0 s1  }
0x4de: {  	[bflag:$0x3] =	sbarrier.arrive $0xFFFF  }
0x4df: {  	_ =	shalt  }

</sc_bundles>
